<compile_context>
chip_gen: v7x
topology: tpu7x:2x2x1
jax: 0.10.2.dev20260603
libtpu: 0.0.44.dev20260713+nightly
codegen_flags: <defaults>
</compile_context>

<pallas_src>
import dataclasses

import jax
import jax.numpy as jnp
from jax import lax
from jax.experimental import pallas as pl
from jax.experimental.pallas import tpu as pltpu
from jax.experimental.pallas import tpu_sc as plsc

N = 10000
E = 320000
H = 128
NUM_INV = 16

NC = 2
NS = 16
NW = NC * NS
CHUNK = 64
NPAD = 10240
EPAD = 327680
CHUNKS_PER_W = EPAD // (NW * CHUNK)
C0 = 204
C1 = 2 * CHUNKS_PER_W - C0
EDGES_PER_W = EPAD // NW
HALF = N // 2
HR = 5008
TRASH = HALF
RPS = 312
RTAIL = HALF - NS * RPS



def _proj_body(xs_ref, xr_ref, wa_ref, wb_ref, p_ref, q_ref):
    dn = (((1,), (0,)), ((), ()))
    p_ref[...] = lax.dot_general(xs_ref[...], wa_ref[...], dn,
                                 precision=lax.Precision.HIGHEST,
                                 preferred_element_type=jnp.float32)
    q_ref[...] = lax.dot_general(xr_ref[...], wb_ref[...], dn,
                                 precision=lax.Precision.HIGHEST,
                                 preferred_element_type=jnp.float32)


def _edge_bias_body(ea_ref, wc_ref, b1_ref, eb_ref):
    dn = (((1,), (0,)), ((), ()))
    eb_ref[...] = lax.dot_general(ea_ref[...], wc_ref[...], dn,
                                  preferred_element_type=jnp.float32) + b1_ref[...]


def _final_body(xr_ref, p0_ref, p1_ref, o_ref):
    o_ref[...] = xr_ref[...] + p0_ref[...] + p1_ref[...]


def _node_proj(xs_p, xr_p, w1a, w1b):
    blk = 1024
    return pl.pallas_call(
        _proj_body,
        grid=(NPAD // blk,),
        in_specs=[
            pl.BlockSpec((blk, H), lambda i: (i, 0)),
            pl.BlockSpec((blk, H), lambda i: (i, 0)),
            pl.BlockSpec((H, H), lambda i: (0, 0)),
            pl.BlockSpec((H, H), lambda i: (0, 0)),
        ],
        out_specs=[
            pl.BlockSpec((blk, H), lambda i: (i, 0)),
            pl.BlockSpec((blk, H), lambda i: (i, 0)),
        ],
        out_shape=[
            jax.ShapeDtypeStruct((NPAD, H), jnp.float32),
            jax.ShapeDtypeStruct((NPAD, H), jnp.float32),
        ],
    )(xs_p, xr_p, w1a, w1b)


def _edge_bias(ea_p, w1c, b1_row):
    blk = 4096
    return pl.pallas_call(
        _edge_bias_body,
        grid=(EPAD // blk,),
        in_specs=[
            pl.BlockSpec((blk, NUM_INV), lambda i: (i, 0)),
            pl.BlockSpec((NUM_INV, H), lambda i: (0, 0)),
            pl.BlockSpec((1, H), lambda i: (0, 0)),
        ],
        out_specs=pl.BlockSpec((blk, H), lambda i: (i, 0)),
        out_shape=jax.ShapeDtypeStruct((EPAD, H), jnp.float32),
    )(ea_p, w1c, b1_row)


def _final_add(x_rec, part0, part1):
    blk = 2000
    return pl.pallas_call(
        _final_body,
        grid=(N // blk,),
        in_specs=[pl.BlockSpec((blk, H), lambda i: (i, 0))] * 3,
        out_specs=pl.BlockSpec((blk, H), lambda i: (i, 0)),
        out_shape=jax.ShapeDtypeStruct((N, H), jnp.float32),
    )(x_rec, part0, part1)



def _sc_body(p_hbm, q_hbm, eb_hbm, is_hbm, ir_hbm, z_hbm, w2_hbm, b2_hbm,
             out_hbm,
             is_v0, ir_v0, ir_lo0, ir_hi0, p_v0, q_v0, e_v0,
             is_v1, ir_v1, ir_lo1, ir_hi1, p_v1, q_v1, e_v1,
             w2_v, b2_v,
             acc_lo, acc_hi,
             gsem0, gsem1, isem0, isem1,
             ssem_lo0, ssem_hi0, ssem_lo1, ssem_hi1):
    cid = lax.axis_index("c")
    sid = lax.axis_index("s")
    wid = cid * NS + sid
    bufs = [
        (is_v0, ir_v0, ir_lo0, ir_hi0, p_v0, q_v0, e_v0, gsem0, isem0,
         ssem_lo0, ssem_hi0),
        (is_v1, ir_v1, ir_lo1, ir_hi1, p_v1, q_v1, e_v1, gsem1, isem1,
         ssem_lo1, ssem_hi1),
    ]

    row0 = sid * RPS
    pltpu.sync_copy(z_hbm.at[pl.ds(row0, RPS)], acc_lo.at[pl.ds(row0, RPS)])
    pltpu.sync_copy(z_hbm.at[pl.ds(row0, RPS)], acc_hi.at[pl.ds(row0, RPS)])

    @pl.when(sid == 0)
    def _():
        pltpu.sync_copy(z_hbm.at[pl.ds(NS * RPS, RTAIL)],
                        acc_lo.at[pl.ds(NS * RPS, RTAIL)])
        pltpu.sync_copy(z_hbm.at[pl.ds(NS * RPS, RTAIL)],
                        acc_hi.at[pl.ds(NS * RPS, RTAIL)])

    pltpu.sync_copy(w2_hbm, w2_v)
    pltpu.sync_copy(b2_hbm, b2_v)
    plsc.subcore_barrier()

    w2s = [w2_v[pl.ds(16 * j, 16)] for j in range(8)]
    b2s = b2_v[...]
    half = jnp.full((16,), HALF, jnp.int32)
    twice = jnp.full((16,), 2 * HALF, jnp.int32)
    trash = jnp.full((16,), TRASH, jnp.int32)
    n_chunks = jnp.where(cid == 0, C0, C1)
    base_w = jnp.where(cid == 0, sid * C0, NS * C0 + sid * C1) * CHUNK

    def fetch_idx(c, buf):
        is_v, ir_v = buf[0], buf[1]
        isem = buf[8]
        base = base_w + c * CHUNK
        pltpu.async_copy(is_hbm.at[pl.ds(base, CHUNK)], is_v, isem)
        pltpu.async_copy(ir_hbm.at[pl.ds(base, CHUNK)], ir_v, isem)

    def fetch(c, buf):
        is_v, ir_v, ir_lo, ir_hi, p_v, q_v, e_v, gsem, isem, _, _ = buf
        base = base_w + c * CHUNK
        pltpu.make_async_copy(is_hbm.at[pl.ds(base, CHUNK)], is_v, isem).wait()
        pltpu.make_async_copy(ir_hbm.at[pl.ds(base, CHUNK)], ir_v, isem).wait()
        pltpu.async_copy(p_hbm.at[is_v], p_v, gsem)
        pltpu.async_copy(q_hbm.at[ir_v], q_v, gsem)
        pltpu.async_copy(eb_hbm.at[pl.ds(base, CHUNK)], e_v, gsem)
        for j in range(CHUNK // 16):
            sl = pl.ds(16 * j, 16)
            iv = ir_v[sl]
            in_lo = iv < half
            in_hi = jnp.logical_and(jnp.logical_not(in_lo), iv < twice)
            ir_lo[sl] = jnp.where(in_lo, iv, trash)
            ir_hi[sl] = jnp.where(in_hi, iv - half, trash)

    def wait_gathers(c, buf):
        is_v, ir_v, _, _, p_v, q_v, e_v, gsem, _, _, _ = buf
        base = base_w + c * CHUNK
        pltpu.make_async_copy(p_hbm.at[is_v], p_v, gsem).wait()
        pltpu.make_async_copy(q_hbm.at[ir_v], q_v, gsem).wait()
        pltpu.make_async_copy(eb_hbm.at[pl.ds(base, CHUNK)], e_v, gsem).wait()

    def compute(buf):
        _, _, _, _, p_v, q_v, e_v, _, _, _, _ = buf

        @plsc.parallel_loop(0, CHUNK, unroll=2)
        def _row(r):
            acc = jnp.zeros((16,), jnp.float32)
            ms = []
            for j in range(8):
                sl = pl.ds(16 * j, 16)
                g = p_v[r, sl] + q_v[r, sl] + e_v[r, sl]
                s = 1.0 / (1.0 + jnp.exp(-g))
                m = g * s
                acc = acc + m * w2s[j]
                ms.append(m)
            t = jnp.sum(acc) + b2s
            w = 1.0 / (1.0 + jnp.exp(-t))
            for j in range(8):
                p_v[r, pl.ds(16 * j, 16)] = ms[j] * w

    def issue_scatters(buf):
        _, _, ir_lo, ir_hi, p_v, _, _, _, _, slo, shi = buf
        pltpu.async_copy(p_v, acc_lo.at[ir_lo], slo, add=True)
        pltpu.async_copy(p_v, acc_hi.at[ir_hi], shi, add=True)

    def wait_scatters(buf):
        _, _, ir_lo, ir_hi, p_v, _, _, _, _, slo, shi = buf
        pltpu.make_async_copy(p_v, acc_lo.at[ir_lo], slo).wait()
        pltpu.make_async_copy(p_v, acc_hi.at[ir_hi], shi).wait()

    fetch_idx(0, bufs[0])
    fetch_idx(1, bufs[1])
    fetch(0, bufs[0])

    @pl.loop(0, n_chunks, step=2)
    def _chunk(c):
        for b in range(2):
            cc = c + b
            cur, nxt = bufs[b], bufs[1 - b]

            @pl.when(cc + 1 < n_chunks)
            def _():
                @pl.when(cc >= 1)
                def _():
                    wait_scatters(nxt)
                fetch(cc + 1, nxt)

            wait_gathers(cc, cur)

            @pl.when(cc + 2 < n_chunks)
            def _():
                fetch_idx(cc + 2, cur)

            compute(cur)
            issue_scatters(cur)

    wait_scatters(bufs[0])
    wait_scatters(bufs[1])

    plsc.subcore_barrier()
    pltpu.sync_copy(acc_lo.at[pl.ds(row0, RPS)],
                    out_hbm.at[cid, pl.ds(row0, RPS)])
    pltpu.sync_copy(acc_hi.at[pl.ds(row0, RPS)],
                    out_hbm.at[cid, pl.ds(HALF + row0, RPS)])

    @pl.when(sid == 0)
    def _():
        pltpu.sync_copy(acc_lo.at[pl.ds(NS * RPS, RTAIL)],
                        out_hbm.at[cid, pl.ds(NS * RPS, RTAIL)])
        pltpu.sync_copy(acc_hi.at[pl.ds(NS * RPS, RTAIL)],
                        out_hbm.at[cid, pl.ds(HALF + NS * RPS, RTAIL)])


def _sc_message_pass(p, q, eb, is_p, ir_p, zeros, w2_flat, b2_vec):
    mesh = plsc.VectorSubcoreMesh(core_axis_name="c", subcore_axis_name="s",
                                  num_cores=NC, num_subcores=NS)
    cp = pltpu.CompilerParams()
    if "needs_layout_passes" in pltpu.CompilerParams.__dataclass_fields__:
        cp = dataclasses.replace(cp, needs_layout_passes=False)
    fn = pl.kernel(
        _sc_body,
        out_type=jax.ShapeDtypeStruct((NC, N, H), jnp.float32),
        mesh=mesh,
        compiler_params=cp,
        scratch_types=(
            [pltpu.VMEM((CHUNK,), jnp.int32)] * 4
            + [pltpu.VMEM((CHUNK, H), jnp.float32)] * 3
            + [pltpu.VMEM((CHUNK,), jnp.int32)] * 4
            + [pltpu.VMEM((CHUNK, H), jnp.float32)] * 3
            + [
                pltpu.VMEM((H,), jnp.float32),
                pltpu.VMEM((16,), jnp.float32),
                pltpu.VMEM_SHARED((HR, H), jnp.float32),
                pltpu.VMEM_SHARED((HR, H), jnp.float32),
            ]
            + [pltpu.SemaphoreType.DMA] * 8
        ),
    )
    return fn(p, q, eb, is_p, ir_p, zeros, w2_flat, b2_vec)



def kernel(x_send, x_rec, edge_attr, W1, b1, W2, b2, index_send, index_rec):
    w1a, w1b, w1c = W1[:H], W1[H:2 * H], W1[2 * H:]
    xs_p = jnp.pad(x_send, ((0, NPAD - N), (0, 0)))
    xr_p = jnp.pad(x_rec, ((0, NPAD - N), (0, 0)))
    ea_p = jnp.pad(edge_attr, ((0, EPAD - E), (0, 0)))
    is_p = jnp.concatenate(
        [index_send, jnp.zeros((EPAD - E,), jnp.int32)])
    ir_p = jnp.concatenate(
        [index_rec, jnp.full((EPAD - E,), N, jnp.int32)])

    p, q = _node_proj(xs_p, xr_p, w1a, w1b)
    eb = _edge_bias(ea_p, w1c, b1.reshape(1, H))

    zeros = jnp.zeros((HALF, H), jnp.float32)
    b2_vec = jnp.broadcast_to(b2, (16,)).astype(jnp.float32)
    parts = _sc_message_pass(p, q, eb, is_p, ir_p, zeros, W2[:, 0], b2_vec)

    return _final_add(x_rec, parts[0], parts[1])

# --- scband reference (transcript-rebuilt; emitter-appended) ---
"""Pipeline reference for scband-base-message-passing-layer-61263413510717 (READ-ONLY COPY).

The authoritative reference and input builder live on the scoring server;
editing this copy changes nothing except your own understanding.
"""

import jax, jax.numpy as jnp
import numpy as np

N_NODES = 10000
N_EDGES = 320000
H = 128
NUM_INV = 16


def setup_inputs(seed: int = 0) -> dict:
    key = jax.random.key(seed)
    ks = jax.random.split(key, 8)
    x_send = jax.random.normal(ks[0], (N_NODES, H), dtype=jnp.float32)
    x_rec = jax.random.normal(ks[1], (N_NODES, H), dtype=jnp.float32)
    index_send = jax.random.randint(ks[2], (N_EDGES,), 0, N_NODES, dtype=jnp.int32)
    index_rec = jax.random.randint(ks[3], (N_EDGES,), 0, N_NODES, dtype=jnp.int32)
    edge_attr = jax.random.normal(ks[4], (N_EDGES, NUM_INV), dtype=jnp.float32)
    # message_mlp: Linear(2*H + num_inv -> H) + SiLU (lean=True, batch_norm=False)
    fan_in1 = 2 * H + NUM_INV
    W1 = jax.random.uniform(ks[5], (fan_in1, H), dtype=jnp.float32,
                            minval=-1.0, maxval=1.0) / np.sqrt(fan_in1)
    b1 = jnp.zeros((H,), dtype=jnp.float32)
    # edge_inf_mlp: Linear(H -> 1) + Sigmoid
    W2 = jax.random.uniform(ks[6], (H, 1), dtype=jnp.float32,
                            minval=-1.0, maxval=1.0) / np.sqrt(H)
    b2 = jnp.zeros((1,), dtype=jnp.float32)
    return {
        "x_send": x_send,
        "x_rec": x_rec,
        "edge_attr": edge_attr,
        "W1": W1,
        "b1": b1,
        "W2": W2,
        "b2": b2,
        "index_send": index_send,
        "index_rec": index_rec,
    }


def reference(x_send, x_rec, edge_attr, W1, b1, W2, b2, index_send, index_rec):
    # gather node states at the two endpoints of each edge
    h_send = jnp.take(x_send, index_send, axis=0)          # [E, H]
    h_rec = jnp.take(x_rec, index_rec, axis=0)             # [E, H]
    state = jnp.concatenate([h_send, h_rec, edge_attr], axis=-1)  # [E, 2H+I]
    # message MLP: Linear + SiLU
    messages = jax.nn.silu(state @ W1 + b1)                # [E, H]
    # edge inference MLP: Linear + Sigmoid -> soft edge weights
    edge_weights = jax.nn.sigmoid(messages @ W2 + b2)      # [E, 1]
    weighted = messages * edge_weights                     # [E, H]
    # scatter-add aggregation onto receiving nodes
    aggr = jax.ops.segment_sum(weighted, index_rec, num_segments=x_rec.shape[0])
    # residual node update
    return x_rec + aggr

if __name__ == "__main__":
    import jax
    _d = setup_inputs()
    print(jax.jit(kernel)(*tuple(_d.values())))

</pallas_src>

<mosaic_0001>
#map = affine_map<(d0, d1) -> (0, 0)>
#map1 = affine_map<(d0, d1) -> (0)>
#map2 = affine_map<(d0, d1) -> (0, 0, 0)>
module attributes {stable_mosaic.version = 14 : i64} {
  func.func @_sc_body(%arg0: i32, %arg1: i32, %arg2: memref<10240x128xf32, #tpu.memory_space<hbm>>, %arg3: memref<10240x128xf32, #tpu.memory_space<hbm>>, %arg4: memref<327680x128xf32, #tpu.memory_space<hbm>>, %arg5: memref<327680xi32, #tpu.memory_space<hbm>>, %arg6: memref<327680xi32, #tpu.memory_space<hbm>>, %arg7: memref<5000x128xf32, #tpu.memory_space<hbm>>, %arg8: memref<128xf32, #tpu.memory_space<hbm>>, %arg9: memref<16xf32, #tpu.memory_space<hbm>>, %arg10: memref<2x10000x128xf32, #tpu.memory_space<hbm>>, %arg11: memref<64xi32, #tpu.memory_space<vmem>>, %arg12: memref<64xi32, #tpu.memory_space<vmem>>, %arg13: memref<64xi32, #tpu.memory_space<vmem>>, %arg14: memref<64xi32, #tpu.memory_space<vmem>>, %arg15: memref<64x128xf32, #tpu.memory_space<vmem>>, %arg16: memref<64x128xf32, #tpu.memory_space<vmem>>, %arg17: memref<64x128xf32, #tpu.memory_space<vmem>>, %arg18: memref<64xi32, #tpu.memory_space<vmem>>, %arg19: memref<64xi32, #tpu.memory_space<vmem>>, %arg20: memref<64xi32, #tpu.memory_space<vmem>>, %arg21: memref<64xi32, #tpu.memory_space<vmem>>, %arg22: memref<64x128xf32, #tpu.memory_space<vmem>>, %arg23: memref<64x128xf32, #tpu.memory_space<vmem>>, %arg24: memref<64x128xf32, #tpu.memory_space<vmem>>, %arg25: memref<128xf32, #tpu.memory_space<vmem>>, %arg26: memref<16xf32, #tpu.memory_space<vmem>>, %arg27: memref<5008x128xf32, #tpu.memory_space<vmem_shared>>, %arg28: memref<5008x128xf32, #tpu.memory_space<vmem_shared>>, %arg29: memref<!tpu.dma_semaphore, #tpu.memory_space<semaphore_mem>>, %arg30: memref<!tpu.dma_semaphore, #tpu.memory_space<semaphore_mem>>, %arg31: memref<!tpu.dma_semaphore, #tpu.memory_space<semaphore_mem>>, %arg32: memref<!tpu.dma_semaphore, #tpu.memory_space<semaphore_mem>>, %arg33: memref<!tpu.dma_semaphore, #tpu.memory_space<semaphore_mem>>, %arg34: memref<!tpu.dma_semaphore, #tpu.memory_space<semaphore_mem>>, %arg35: memref<!tpu.dma_semaphore, #tpu.memory_space<semaphore_mem>>, %arg36: memref<!tpu.dma_semaphore, #tpu.memory_space<semaphore_mem>>) attributes {dimension_semantics = [#tpu.dimension_semantics<core_parallel>, #tpu.dimension_semantics<subcore_parallel>], iteration_bounds = array<i64: 2, 16>, scalar_prefetch = 0 : i64, scratch_operands = 26 : i64, tpu.core_type = #tpu.core_type<sc_vector_subcore>, window_params = [{transform_indices = #map}, {transform_indices = #map}, {transform_indices = #map}, {transform_indices = #map1}, {transform_indices = #map1}, {transform_indices = #map}, {transform_indices = #map1}, {transform_indices = #map1}, {transform_indices = #map2}]} {
    %mul3A = arith.constant 16 : i32
    %mul3A_0 = arith.muli %arg0, %mul3A : i32
    %add3A = arith.addi %mul3A_0, %arg1 : i32
    %mul3A_1 = arith.constant 312 : i32
    %mul3A_2 = arith.muli %arg1, %mul3A_1 : i32
    "tpu.region"() ({
      %run_scoped3A = tpu.sem_alloc : memref<!tpu.dma_semaphore, #tpu.memory_space<semaphore_mem>>
      %dma_start3A_155 = arith.constant 0 : i32
      %dma_start3A_156 = tpu.memref_slice %arg27[%mul3A_2, %dma_start3A_155] : memref<5008x128xf32, #tpu.memory_space<vmem_shared>> -> memref<312x128xf32, #tpu.memory_space<vmem_shared>>
      %dma_start3A_157 = arith.constant 0 : i32
      %dma_start3A_158 = tpu.memref_slice %arg7[%mul3A_2, %dma_start3A_157] : memref<5000x128xf32, #tpu.memory_space<hbm>> -> memref<312x128xf32, #tpu.memory_space<hbm>>
      tpu.enqueue_dma source(%dma_start3A_158 : memref<312x128xf32, #tpu.memory_space<hbm>>) target(%dma_start3A_156 : memref<312x128xf32, #tpu.memory_space<vmem_shared>>) target_semaphore(%run_scoped3A : memref<!tpu.dma_semaphore, #tpu.memory_space<semaphore_mem>>)
      %dma_wait3A_159 = arith.constant 0 : i32
      %dma_wait3A_160 = tpu.memref_slice %arg27[%mul3A_2, %dma_wait3A_159] : memref<5008x128xf32, #tpu.memory_space<vmem_shared>> -> memref<312x128xf32, #tpu.memory_space<vmem_shared>>
      %dma_wait3A_161 = arith.constant 0 : i32
      %dma_wait3A_162 = tpu.memref_slice %arg7[%mul3A_2, %dma_wait3A_161] : memref<5000x128xf32, #tpu.memory_space<hbm>> -> memref<312x128xf32, #tpu.memory_space<hbm>>
      tpu.wait_dma2 semaphore(%run_scoped3A : memref<!tpu.dma_semaphore, #tpu.memory_space<semaphore_mem>>) src(%dma_wait3A_162 : memref<312x128xf32, #tpu.memory_space<hbm>>) dst(%dma_wait3A_160 : memref<312x128xf32, #tpu.memory_space<vmem_shared>>)
      tpu.yield
    }) : () -> ()
    "tpu.region"() ({
      %run_scoped3A = tpu.sem_alloc : memref<!tpu.dma_semaphore, #tpu.memory_space<semaphore_mem>>
      %dma_start3A_155 = arith.constant 0 : i32
      %dma_start3A_156 = tpu.memref_slice %arg28[%mul3A_2, %dma_start3A_155] : memref<5008x128xf32, #tpu.memory_space<vmem_shared>> -> memref<312x128xf32, #tpu.memory_space<vmem_shared>>
      %dma_start3A_157 = arith.constant 0 : i32
      %dma_start3A_158 = tpu.memref_slice %arg7[%mul3A_2, %dma_start3A_157] : memref<5000x128xf32, #tpu.memory_space<hbm>> -> memref<312x128xf32, #tpu.memory_space<hbm>>
      tpu.enqueue_dma source(%dma_start3A_158 : memref<312x128xf32, #tpu.memory_space<hbm>>) target(%dma_start3A_156 : memref<312x128xf32, #tpu.memory_space<vmem_shared>>) target_semaphore(%run_scoped3A : memref<!tpu.dma_semaphore, #tpu.memory_space<semaphore_mem>>)
      %dma_wait3A_159 = arith.constant 0 : i32
      %dma_wait3A_160 = tpu.memref_slice %arg28[%mul3A_2, %dma_wait3A_159] : memref<5008x128xf32, #tpu.memory_space<vmem_shared>> -> memref<312x128xf32, #tpu.memory_space<vmem_shared>>
      %dma_wait3A_161 = arith.constant 0 : i32
      %dma_wait3A_162 = tpu.memref_slice %arg7[%mul3A_2, %dma_wait3A_161] : memref<5000x128xf32, #tpu.memory_space<hbm>> -> memref<312x128xf32, #tpu.memory_space<hbm>>
      tpu.wait_dma2 semaphore(%run_scoped3A : memref<!tpu.dma_semaphore, #tpu.memory_space<semaphore_mem>>) src(%dma_wait3A_162 : memref<312x128xf32, #tpu.memory_space<hbm>>) dst(%dma_wait3A_160 : memref<312x128xf32, #tpu.memory_space<vmem_shared>>)
      tpu.yield
    }) : () -> ()
    %eq3A = arith.constant 0 : i32
    %eq3A_3 = arith.cmpi eq, %arg1, %eq3A : i32
    %convert_element_type3A = arith.extui %eq3A_3 : i1 to i32
    %cond3A = arith.constant 0 : i32
    %cond3A_4 = arith.cmpi ne, %convert_element_type3A, %cond3A : i32
    scf.if %cond3A_4 {
      "tpu.region"() ({
        %run_scoped3A = tpu.sem_alloc : memref<!tpu.dma_semaphore, #tpu.memory_space<semaphore_mem>>
        %dma_start3A_155 = arith.constant 4992 : i32
        %dma_start3A_156 = arith.constant 0 : i32
        %dma_start3A_157 = tpu.memref_slice %arg27[%dma_start3A_155, %dma_start3A_156] : memref<5008x128xf32, #tpu.memory_space<vmem_shared>> -> memref<8x128xf32, #tpu.memory_space<vmem_shared>>
        %dma_start3A_158 = arith.constant 4992 : i32
        %dma_start3A_159 = arith.constant 0 : i32
        %dma_start3A_160 = tpu.memref_slice %arg7[%dma_start3A_158, %dma_start3A_159] : memref<5000x128xf32, #tpu.memory_space<hbm>> -> memref<8x128xf32, #tpu.memory_space<hbm>>
        tpu.enqueue_dma source(%dma_start3A_160 : memref<8x128xf32, #tpu.memory_space<hbm>>) target(%dma_start3A_157 : memref<8x128xf32, #tpu.memory_space<vmem_shared>>) target_semaphore(%run_scoped3A : memref<!tpu.dma_semaphore, #tpu.memory_space<semaphore_mem>>)
        %dma_wait3A_161 = arith.constant 4992 : i32
        %dma_wait3A_162 = arith.constant 0 : i32
        %dma_wait3A_163 = tpu.memref_slice %arg27[%dma_wait3A_161, %dma_wait3A_162] : memref<5008x128xf32, #tpu.memory_space<vmem_shared>> -> memref<8x128xf32, #tpu.memory_space<vmem_shared>>
        %dma_wait3A_164 = arith.constant 4992 : i32
        %dma_wait3A_165 = arith.constant 0 : i32
        %dma_wait3A_166 = tpu.memref_slice %arg7[%dma_wait3A_164, %dma_wait3A_165] : memref<5000x128xf32, #tpu.memory_space<hbm>> -> memref<8x128xf32, #tpu.memory_space<hbm>>
        tpu.wait_dma2 semaphore(%run_scoped3A : memref<!tpu.dma_semaphore, #tpu.memory_space<semaphore_mem>>) src(%dma_wait3A_166 : memref<8x128xf32, #tpu.memory_space<hbm>>) dst(%dma_wait3A_163 : memref<8x128xf32, #tpu.memory_space<vmem_shared>>)
        tpu.yield
      }) : () -> ()
      "tpu.region"() ({
        %run_scoped3A = tpu.sem_alloc : memref<!tpu.dma_semaphore, #tpu.memory_space<semaphore_mem>>
        %dma_start3A_155 = arith.constant 4992 : i32
        %dma_start3A_156 = arith.constant 0 : i32
        %dma_start3A_157 = tpu.memref_slice %arg28[%dma_start3A_155, %dma_start3A_156] : memref<5008x128xf32, #tpu.memory_space<vmem_shared>> -> memref<8x128xf32, #tpu.memory_space<vmem_shared>>
        %dma_start3A_158 = arith.constant 4992 : i32
        %dma_start3A_159 = arith.constant 0 : i32
        %dma_start3A_160 = tpu.memref_slice %arg7[%dma_start3A_158, %dma_start3A_159] : memref<5000x128xf32, #tpu.memory_space<hbm>> -> memref<8x128xf32, #tpu.memory_space<hbm>>
        tpu.enqueue_dma source(%dma_start3A_160 : memref<8x128xf32, #tpu.memory_space<hbm>>) target(%dma_start3A_157 : memref<8x128xf32, #tpu.memory_space<vmem_shared>>) target_semaphore(%run_scoped3A : memref<!tpu.dma_semaphore, #tpu.memory_space<semaphore_mem>>)
        %dma_wait3A_161 = arith.constant 4992 : i32
        %dma_wait3A_162 = arith.constant 0 : i32
        %dma_wait3A_163 = tpu.memref_slice %arg28[%dma_wait3A_161, %dma_wait3A_162] : memref<5008x128xf32, #tpu.memory_space<vmem_shared>> -> memref<8x128xf32, #tpu.memory_space<vmem_shared>>
        %dma_wait3A_164 = arith.constant 4992 : i32
        %dma_wait3A_165 = arith.constant 0 : i32
        %dma_wait3A_166 = tpu.memref_slice %arg7[%dma_wait3A_164, %dma_wait3A_165] : memref<5000x128xf32, #tpu.memory_space<hbm>> -> memref<8x128xf32, #tpu.memory_space<hbm>>
        tpu.wait_dma2 semaphore(%run_scoped3A : memref<!tpu.dma_semaphore, #tpu.memory_space<semaphore_mem>>) src(%dma_wait3A_166 : memref<8x128xf32, #tpu.memory_space<hbm>>) dst(%dma_wait3A_163 : memref<8x128xf32, #tpu.memory_space<vmem_shared>>)
        tpu.yield
      }) : () -> ()
    } else {
    }
    "tpu.region"() ({
      %run_scoped3A = tpu.sem_alloc : memref<!tpu.dma_semaphore, #tpu.memory_space<semaphore_mem>>
      tpu.enqueue_dma source(%arg8 : memref<128xf32, #tpu.memory_space<hbm>>) target(%arg25 : memref<128xf32, #tpu.memory_space<vmem>>) target_semaphore(%run_scoped3A : memref<!tpu.dma_semaphore, #tpu.memory_space<semaphore_mem>>)
      tpu.wait_dma2 semaphore(%run_scoped3A : memref<!tpu.dma_semaphore, #tpu.memory_space<semaphore_mem>>) src(%arg8 : memref<128xf32, #tpu.memory_space<hbm>>) dst(%arg25 : memref<128xf32, #tpu.memory_space<vmem>>)
      tpu.yield
    }) : () -> ()
    "tpu.region"() ({
      %run_scoped3A = tpu.sem_alloc : memref<!tpu.dma_semaphore, #tpu.memory_space<semaphore_mem>>
      tpu.enqueue_dma source(%arg9 : memref<16xf32, #tpu.memory_space<hbm>>) target(%arg26 : memref<16xf32, #tpu.memory_space<vmem>>) target_semaphore(%run_scoped3A : memref<!tpu.dma_semaphore, #tpu.memory_space<semaphore_mem>>)
      tpu.wait_dma2 semaphore(%run_scoped3A : memref<!tpu.dma_semaphore, #tpu.memory_space<semaphore_mem>>) src(%arg9 : memref<16xf32, #tpu.memory_space<hbm>>) dst(%arg26 : memref<16xf32, #tpu.memory_space<vmem>>)
      tpu.yield
    }) : () -> ()
    %barrier3A = arith.constant 0 : index
    tpu.barrier barrier_id(%barrier3A)
    %get3A = arith.constant 0 : index
    %get3A_5 = tpu.vector_load %arg25[%get3A] {strides = array<i32>} : memref<128xf32, #tpu.memory_space<vmem>>, vector<16xf32>,
    %get3A_6 = arith.constant 16 : index
    %get3A_7 = tpu.vector_load %arg25[%get3A_6] {strides = array<i32>} : memref<128xf32, #tpu.memory_space<vmem>>, vector<16xf32>,
    %get3A_8 = arith.constant 32 : index
    %get3A_9 = tpu.vector_load %arg25[%get3A_8] {strides = array<i32>} : memref<128xf32, #tpu.memory_space<vmem>>, vector<16xf32>,
    %get3A_10 = arith.constant 48 : index
    %get3A_11 = tpu.vector_load %arg25[%get3A_10] {strides = array<i32>} : memref<128xf32, #tpu.memory_space<vmem>>, vector<16xf32>,
    %get3A_12 = arith.constant 64 : index
    %get3A_13 = tpu.vector_load %arg25[%get3A_12] {strides = array<i32>} : memref<128xf32, #tpu.memory_space<vmem>>, vector<16xf32>,
    %get3A_14 = arith.constant 80 : index
    %get3A_15 = tpu.vector_load %arg25[%get3A_14] {strides = array<i32>} : memref<128xf32, #tpu.memory_space<vmem>>, vector<16xf32>,
    %get3A_16 = arith.constant 96 : index
    %get3A_17 = tpu.vector_load %arg25[%get3A_16] {strides = array<i32>} : memref<128xf32, #tpu.memory_space<vmem>>, vector<16xf32>,
    %get3A_18 = arith.constant 112 : index
    %get3A_19 = tpu.vector_load %arg25[%get3A_18] {strides = array<i32>} : memref<128xf32, #tpu.memory_space<vmem>>, vector<16xf32>,
    %get3A_20 = arith.constant 0 : index
    %get3A_21 = tpu.vector_load %arg26[%get3A_20] {strides = array<i32>} : memref<16xf32, #tpu.memory_space<vmem>>, vector<16xf32>,
    %broadcast_in_dim3A = arith.constant 5000 : i32
    %broadcast_in_dim3A_22 = vector.broadcast %broadcast_in_dim3A : i32 to vector<16xi32>
    %broadcast_in_dim3A_23 = arith.constant 10000 : i32
    %broadcast_in_dim3A_24 = vector.broadcast %broadcast_in_dim3A_23 : i32 to vector<16xi32>
    %broadcast_in_dim3A_25 = arith.constant 5000 : i32
    %broadcast_in_dim3A_26 = vector.broadcast %broadcast_in_dim3A_25 : i32 to vector<16xi32>
    %eq3A_27 = arith.constant 0 : i32
    %eq3A_28 = arith.cmpi eq, %arg0, %eq3A_27 : i32
    %jit3A = arith.constant 204 : i32
    %jit3A_29 = arith.constant 116 : i32
    %select_n3A = arith.select %eq3A_28, %jit3A, %jit3A_29 : i32
    %eq3A_30 = arith.constant 0 : i32
    %eq3A_31 = arith.cmpi eq, %arg0, %eq3A_30 : i32
    %mul3A_32 = arith.constant 204 : i32
    %mul3A_33 = arith.muli %arg1, %mul3A_32 : i32
    %mul3A_34 = arith.constant 116 : i32
    %mul3A_35 = arith.muli %arg1, %mul3A_34 : i32
    %add3A_36 = arith.constant 3264 : i32
    %add3A_37 = arith.addi %add3A_36, %mul3A_35 : i32
    %select_n3A_38 = arith.select %eq3A_31, %mul3A_33, %add3A_37 : i32
    %mul3A_39 = arith.constant 64 : i32
    %mul3A_40 = arith.muli %select_n3A_38, %mul3A_39 : i32
    %add3A_41 = arith.constant 0 : i32
    %add3A_42 = arith.addi %mul3A_40, %add3A_41 : i32
    %dma_start3A = tpu.memref_slice %arg5[%add3A_42] : memref<327680xi32, #tpu.memory_space<hbm>> -> memref<64xi32, #tpu.memory_space<hbm>>
    %dma_start3A_43 = tpu.memref_slice %arg5[%add3A_42] : memref<327680xi32, #tpu.memory_space<hbm>> -> memref<64xi32, #tpu.memory_space<hbm>>
    tpu.enqueue_dma source(%dma_start3A_43 : memref<64xi32, #tpu.memory_space<hbm>>) target(%arg11 : memref<64xi32, #tpu.memory_space<vmem>>) target_semaphore(%arg31 : memref<!tpu.dma_semaphore, #tpu.memory_space<semaphore_mem>>)
    %dma_start3A_44 = tpu.memref_slice %arg6[%add3A_42] : memref<327680xi32, #tpu.memory_space<hbm>> -> memref<64xi32, #tpu.memory_space<hbm>>
    %dma_start3A_45 = tpu.memref_slice %arg6[%add3A_42] : memref<327680xi32, #tpu.memory_space<hbm>> -> memref<64xi32, #tpu.memory_space<hbm>>
    tpu.enqueue_dma source(%dma_start3A_45 : memref<64xi32, #tpu.memory_space<hbm>>) target(%arg12 : memref<64xi32, #tpu.memory_space<vmem>>) target_semaphore(%arg31 : memref<!tpu.dma_semaphore, #tpu.memory_space<semaphore_mem>>)
    %add3A_46 = arith.constant 64 : i32
    %add3A_47 = arith.addi %mul3A_40, %add3A_46 : i32
    %dma_start3A_48 = tpu.memref_slice %arg5[%add3A_47] : memref<327680xi32, #tpu.memory_space<hbm>> -> memref<64xi32, #tpu.memory_space<hbm>>
    %dma_start3A_49 = tpu.memref_slice %arg5[%add3A_47] : memref<327680xi32, #tpu.memory_space<hbm>> -> memref<64xi32, #tpu.memory_space<hbm>>
    tpu.enqueue_dma source(%dma_start3A_49 : memref<64xi32, #tpu.memory_space<hbm>>) target(%arg18 : memref<64xi32, #tpu.memory_space<vmem>>) target_semaphore(%arg32 : memref<!tpu.dma_semaphore, #tpu.memory_space<semaphore_mem>>)
    %dma_start3A_50 = tpu.memref_slice %arg6[%add3A_47] : memref<327680xi32, #tpu.memory_space<hbm>> -> memref<64xi32, #tpu.memory_space<hbm>>
    %dma_start3A_51 = tpu.memref_slice %arg6[%add3A_47] : memref<327680xi32, #tpu.memory_space<hbm>> -> memref<64xi32, #tpu.memory_space<hbm>>
    tpu.enqueue_dma source(%dma_start3A_51 : memref<64xi32, #tpu.memory_space<hbm>>) target(%arg19 : memref<64xi32, #tpu.memory_space<vmem>>) target_semaphore(%arg32 : memref<!tpu.dma_semaphore, #tpu.memory_space<semaphore_mem>>)
    %add3A_52 = arith.constant 0 : i32
    %add3A_53 = arith.addi %mul3A_40, %add3A_52 : i32
    %dma_wait3A = tpu.memref_slice %arg5[%add3A_53] : memref<327680xi32, #tpu.memory_space<hbm>> -> memref<64xi32, #tpu.memory_space<hbm>>
    %dma_wait3A_54 = tpu.memref_slice %arg5[%add3A_53] : memref<327680xi32, #tpu.memory_space<hbm>> -> memref<64xi32, #tpu.memory_space<hbm>>
    tpu.wait_dma2 semaphore(%arg31 : memref<!tpu.dma_semaphore, #tpu.memory_space<semaphore_mem>>) src(%dma_wait3A_54 : memref<64xi32, #tpu.memory_space<hbm>>) dst(%arg11 : memref<64xi32, #tpu.memory_space<vmem>>)
    %dma_wait3A_55 = tpu.memref_slice %arg6[%add3A_53] : memref<327680xi32, #tpu.memory_space<hbm>> -> memref<64xi32, #tpu.memory_space<hbm>>
    %dma_wait3A_56 = tpu.memref_slice %arg6[%add3A_53] : memref<327680xi32, #tpu.memory_space<hbm>> -> memref<64xi32, #tpu.memory_space<hbm>>
    tpu.wait_dma2 semaphore(%arg31 : memref<!tpu.dma_semaphore, #tpu.memory_space<semaphore_mem>>) src(%dma_wait3A_56 : memref<64xi32, #tpu.memory_space<hbm>>) dst(%arg12 : memref<64xi32, #tpu.memory_space<vmem>>)
    %dma_start3A_57 = arith.constant 0 : i32
    %dma_start3A_58 = arith.constant 0 : i32
    %dma_start3A_59 = tpu.memref_slice %arg2[%dma_start3A_57, %dma_start3A_58] : memref<10240x128xf32, #tpu.memory_space<hbm>> -> memref<10240x128xf32, #tpu.memory_space<hbm>>
    tpu.enqueue_indirect_dma source(%dma_start3A_59 : memref<10240x128xf32, #tpu.memory_space<hbm>>) target(%arg15 : memref<64x128xf32, #tpu.memory_space<vmem>>) offsets(%arg11 : memref<64xi32, #tpu.memory_space<vmem>>) semaphore(%arg29 : memref<!tpu.dma_semaphore, #tpu.memory_space<semaphore_mem>>)
    %dma_start3A_60 = arith.constant 0 : i32
    %dma_start3A_61 = arith.constant 0 : i32
    %dma_start3A_62 = tpu.memref_slice %arg3[%dma_start3A_60, %dma_start3A_61] : memref<10240x128xf32, #tpu.memory_space<hbm>> -> memref<10240x128xf32, #tpu.memory_space<hbm>>
    tpu.enqueue_indirect_dma source(%dma_start3A_62 : memref<10240x128xf32, #tpu.memory_space<hbm>>) target(%arg16 : memref<64x128xf32, #tpu.memory_space<vmem>>) offsets(%arg12 : memref<64xi32, #tpu.memory_space<vmem>>) semaphore(%arg29 : memref<!tpu.dma_semaphore, #tpu.memory_space<semaphore_mem>>)
    %dma_start3A_63 = arith.constant 0 : i32
    %dma_start3A_64 = tpu.memref_slice %arg4[%add3A_53, %dma_start3A_63] : memref<327680x128xf32, #tpu.memory_space<hbm>> -> memref<64x128xf32, #tpu.memory_space<hbm>>
    %dma_start3A_65 = arith.constant 0 : i32
    %dma_start3A_66 = tpu.memref_slice %arg4[%add3A_53, %dma_start3A_65] : memref<327680x128xf32, #tpu.memory_space<hbm>> -> memref<64x128xf32, #tpu.memory_space<hbm>>
    tpu.enqueue_dma source(%dma_start3A_66 : memref<64x128xf32, #tpu.memory_space<hbm>>) target(%arg17 : memref<64x128xf32, #tpu.memory_space<vmem>>) target_semaphore(%arg29 : memref<!tpu.dma_semaphore, #tpu.memory_space<semaphore_mem>>)
    %get3A_67 = arith.constant 0 : index
    %get3A_68 = tpu.vector_load %arg12[%get3A_67] {strides = array<i32>} : memref<64xi32, #tpu.memory_space<vmem>>, vector<16xi32>,
    %lt3A = arith.cmpi slt, %get3A_68, %broadcast_in_dim3A_22 : vector<16xi32>
    %not3A = arith.constant dense<true> : vector<16xi1>
    %not3A_69 = arith.xori %lt3A, %not3A : vector<16xi1>
    %lt3A_70 = arith.cmpi slt, %get3A_68, %broadcast_in_dim3A_24 : vector<16xi32>
    %and3A = arith.andi %not3A_69, %lt3A_70 : vector<16xi1>
    %select_n3A_71 = arith.select %lt3A, %get3A_68, %broadcast_in_dim3A_26 : vector<16xi1>, vector<16xi32>
    %swap3A = arith.constant 0 : index
    %swap3A_72 = tpu.vector_load %arg13[%swap3A] {strides = array<i32>} : memref<64xi32, #tpu.memory_space<vmem>>, vector<16xi32>,
    tpu.vector_store %arg13[%swap3A], %select_n3A_71 {strides = array<i32>} : memref<64xi32, #tpu.memory_space<vmem>>, vector<16xi32>,
    %sub3A = arith.subi %get3A_68, %broadcast_in_dim3A_22 : vector<16xi32>
    %select_n3A_73 = arith.select %and3A, %sub3A, %broadcast_in_dim3A_26 : vector<16xi1>, vector<16xi32>
    %swap3A_74 = arith.constant 0 : index
    %swap3A_75 = tpu.vector_load %arg14[%swap3A_74] {strides = array<i32>} : memref<64xi32, #tpu.memory_space<vmem>>, vector<16xi32>,
    tpu.vector_store %arg14[%swap3A_74], %select_n3A_73 {strides = array<i32>} : memref<64xi32, #tpu.memory_space<vmem>>, vector<16xi32>,
    %get3A_76 = arith.constant 16 : index
    %get3A_77 = tpu.vector_load %arg12[%get3A_76] {strides = array<i32>} : memref<64xi32, #tpu.memory_space<vmem>>, vector<16xi32>,
    %lt3A_78 = arith.cmpi slt, %get3A_77, %broadcast_in_dim3A_22 : vector<16xi32>
    %not3A_79 = arith.constant dense<true> : vector<16xi1>
    %not3A_80 = arith.xori %lt3A_78, %not3A_79 : vector<16xi1>
    %lt3A_81 = arith.cmpi slt, %get3A_77, %broadcast_in_dim3A_24 : vector<16xi32>
    %and3A_82 = arith.andi %not3A_80, %lt3A_81 : vector<16xi1>
    %select_n3A_83 = arith.select %lt3A_78, %get3A_77, %broadcast_in_dim3A_26 : vector<16xi1>, vector<16xi32>
    %swap3A_84 = arith.constant 16 : index
    %swap3A_85 = tpu.vector_load %arg13[%swap3A_84] {strides = array<i32>} : memref<64xi32, #tpu.memory_space<vmem>>, vector<16xi32>,
    tpu.vector_store %arg13[%swap3A_84], %select_n3A_83 {strides = array<i32>} : memref<64xi32, #tpu.memory_space<vmem>>, vector<16xi32>,
    %sub3A_86 = arith.subi %get3A_77, %broadcast_in_dim3A_22 : vector<16xi32>
    %select_n3A_87 = arith.select %and3A_82, %sub3A_86, %broadcast_in_dim3A_26 : vector<16xi1>, vector<16xi32>
    %swap3A_88 = arith.constant 16 : index
    %swap3A_89 = tpu.vector_load %arg14[%swap3A_88] {strides = array<i32>} : memref<64xi32, #tpu.memory_space<vmem>>, vector<16xi32>,
    tpu.vector_store %arg14[%swap3A_88], %select_n3A_87 {strides = array<i32>} : memref<64xi32, #tpu.memory_space<vmem>>, vector<16xi32>,
    %get3A_90 = arith.constant 32 : index
    %get3A_91 = tpu.vector_load %arg12[%get3A_90] {strides = array<i32>} : memref<64xi32, #tpu.memory_space<vmem>>, vector<16xi32>,
    %lt3A_92 = arith.cmpi slt, %get3A_91, %broadcast_in_dim3A_22 : vector<16xi32>
    %not3A_93 = arith.constant dense<true> : vector<16xi1>
    %not3A_94 = arith.xori %lt3A_92, %not3A_93 : vector<16xi1>
    %lt3A_95 = arith.cmpi slt, %get3A_91, %broadcast_in_dim3A_24 : vector<16xi32>
    %and3A_96 = arith.andi %not3A_94, %lt3A_95 : vector<16xi1>
    %select_n3A_97 = arith.select %lt3A_92, %get3A_91, %broadcast_in_dim3A_26 : vector<16xi1>, vector<16xi32>
    %swap3A_98 = arith.constant 32 : index
    %swap3A_99 = tpu.vector_load %arg13[%swap3A_98] {strides = array<i32>} : memref<64xi32, #tpu.memory_space<vmem>>, vector<16xi32>,
    tpu.vector_store %arg13[%swap3A_98], %select_n3A_97 {strides = array<i32>} : memref<64xi32, #tpu.memory_space<vmem>>, vector<16xi32>,
    %sub3A_100 = arith.subi %get3A_91, %broadcast_in_dim3A_22 : vector<16xi32>
    %select_n3A_101 = arith.select %and3A_96, %sub3A_100, %broadcast_in_dim3A_26 : vector<16xi1>, vector<16xi32>
    %swap3A_102 = arith.constant 32 : index
    %swap3A_103 = tpu.vector_load %arg14[%swap3A_102] {strides = array<i32>} : memref<64xi32, #tpu.memory_space<vmem>>, vector<16xi32>,
    tpu.vector_store %arg14[%swap3A_102], %select_n3A_101 {strides = array<i32>} : memref<64xi32, #tpu.memory_space<vmem>>, vector<16xi32>,
    %get3A_104 = arith.constant 48 : index
    %get3A_105 = tpu.vector_load %arg12[%get3A_104] {strides = array<i32>} : memref<64xi32, #tpu.memory_space<vmem>>, vector<16xi32>,
    %lt3A_106 = arith.cmpi slt, %get3A_105, %broadcast_in_dim3A_22 : vector<16xi32>
    %not3A_107 = arith.constant dense<true> : vector<16xi1>
    %not3A_108 = arith.xori %lt3A_106, %not3A_107 : vector<16xi1>
    %lt3A_109 = arith.cmpi slt, %get3A_105, %broadcast_in_dim3A_24 : vector<16xi32>
    %and3A_110 = arith.andi %not3A_108, %lt3A_109 : vector<16xi1>
    %select_n3A_111 = arith.select %lt3A_106, %get3A_105, %broadcast_in_dim3A_26 : vector<16xi1>, vector<16xi32>
    %swap3A_112 = arith.constant 48 : index
    %swap3A_113 = tpu.vector_load %arg13[%swap3A_112] {strides = array<i32>} : memref<64xi32, #tpu.memory_space<vmem>>, vector<16xi32>,
    tpu.vector_store %arg13[%swap3A_112], %select_n3A_111 {strides = array<i32>} : memref<64xi32, #tpu.memory_space<vmem>>, vector<16xi32>,
    %sub3A_114 = arith.subi %get3A_105, %broadcast_in_dim3A_22 : vector<16xi32>
    %select_n3A_115 = arith.select %and3A_110, %sub3A_114, %broadcast_in_dim3A_26 : vector<16xi1>, vector<16xi32>
    %swap3A_116 = arith.constant 48 : index
    %swap3A_117 = tpu.vector_load %arg14[%swap3A_116] {strides = array<i32>} : memref<64xi32, #tpu.memory_space<vmem>>, vector<16xi32>,
    tpu.vector_store %arg14[%swap3A_116], %select_n3A_115 {strides = array<i32>} : memref<64xi32, #tpu.memory_space<vmem>>, vector<16xi32>,
    %sub3A_118 = arith.constant 0 : i32
    %sub3A_119 = arith.subi %select_n3A, %sub3A_118 : i32
    %sub3A_120 = arith.constant 2 : i32
    %sub3A_121 = arith.constant 1 : i32
    %sub3A_122 = arith.subi %sub3A_120, %sub3A_121 : i32
    %add3A_123 = arith.addi %sub3A_119, %sub3A_122 : i32
    %div3A = arith.constant 2 : i32
    %div3A_124 = arith.divsi %add3A_123, %div3A : i32
    %while3A = arith.constant 2 : i32
    %while3A_125 = arith.constant 0 : i32
    %while3A_126 = arith.constant 0 : i32
    %while3A_127 = arith.subi %div3A_124, %while3A_126 : i32
    %while3A_128 = arith.addi %while3A_126, %while3A_127 : i32
    %while3A_129 = arith.constant 1 : i32
    %while3A_130 = arith.divsi %while3A_127, %while3A_129 : i32
    %while3A_131 = arith.muli %while3A_130, %while3A_129 : i32
    %while3A_132 = arith.addi %while3A_126, %while3A_131 : i32
    %while3A_133 = arith.constant 1 : i32
    scf.for %while3A_155 = %while3A_126 to %while3A_132 step %while3A_133  : i32 {
      %mul3A_156 = arith.muli %while3A_155, %while3A : i32
      %add3A_157 = arith.addi %while3A_125, %mul3A_156 : i32
      %add3A_158 = arith.constant 0 : i32
      %add3A_159 = arith.addi %add3A_157, %add3A_158 : i32
      %add3A_160 = arith.constant 1 : i32
      %add3A_161 = arith.addi %add3A_159, %add3A_160 : i32
      %lt3A_162 = arith.cmpi slt, %add3A_161, %select_n3A : i32
      %convert_element_type3A_163 = arith.extui %lt3A_162 : i1 to i32
      %cond3A_164 = arith.constant 0 : i32
      %cond3A_165 = arith.cmpi ne, %convert_element_type3A_163, %cond3A_164 : i32
      scf.if %cond3A_165 {
        %ge3A = arith.constant 1 : i32
        %ge3A_229 = arith.cmpi sge, %add3A_159, %ge3A : i32
        %convert_element_type3A_230 = arith.extui %ge3A_229 : i1 to i32
        %cond3A_231 = arith.constant 0 : i32
        %cond3A_232 = arith.cmpi ne, %convert_element_type3A_230, %cond3A_231 : i32
        scf.if %cond3A_232 {
          %dma_wait3A_308 = arith.constant 0 : i32
          %dma_wait3A_309 = arith.constant 0 : i32
          %dma_wait3A_310 = tpu.memref_slice %arg27[%dma_wait3A_308, %dma_wait3A_309] : memref<5008x128xf32, #tpu.memory_space<vmem_shared>> -> memref<5008x128xf32, #tpu.memory_space<vmem_shared>>
          tpu.wait_indirect_dma semaphore(%arg35 : memref<!tpu.dma_semaphore, #tpu.memory_space<semaphore_mem>>) src(%arg22 : memref<64x128xf32, #tpu.memory_space<vmem>>) dst(%dma_wait3A_310 : memref<5008x128xf32, #tpu.memory_space<vmem_shared>>)
          %dma_wait3A_311 = arith.constant 0 : i32
          %dma_wait3A_312 = arith.constant 0 : i32
          %dma_wait3A_313 = tpu.memref_slice %arg28[%dma_wait3A_311, %dma_wait3A_312] : memref<5008x128xf32, #tpu.memory_space<vmem_shared>> -> memref<5008x128xf32, #tpu.memory_space<vmem_shared>>
          tpu.wait_indirect_dma semaphore(%arg36 : memref<!tpu.dma_semaphore, #tpu.memory_space<semaphore_mem>>) src(%arg22 : memref<64x128xf32, #tpu.memory_space<vmem>>) dst(%dma_wait3A_313 : memref<5008x128xf32, #tpu.memory_space<vmem_shared>>)
        } else {
        }
        %add3A_233 = arith.constant 1 : i32
        %add3A_234 = arith.addi %add3A_159, %add3A_233 : i32
        %mul3A_235 = arith.constant 64 : i32
        %mul3A_236 = arith.muli %add3A_234, %mul3A_235 : i32
        %add3A_237 = arith.addi %mul3A_40, %mul3A_236 : i32
        %dma_wait3A_238 = tpu.memref_slice %arg5[%add3A_237] : memref<327680xi32, #tpu.memory_space<hbm>> -> memref<64xi32, #tpu.memory_space<hbm>>
        %dma_wait3A_239 = tpu.memref_slice %arg5[%add3A_237] : memref<327680xi32, #tpu.memory_space<hbm>> -> memref<64xi32, #tpu.memory_space<hbm>>
        tpu.wait_dma2 semaphore(%arg32 : memref<!tpu.dma_semaphore, #tpu.memory_space<semaphore_mem>>) src(%dma_wait3A_239 : memref<64xi32, #tpu.memory_space<hbm>>) dst(%arg18 : memref<64xi32, #tpu.memory_space<vmem>>)
        %dma_wait3A_240 = tpu.memref_slice %arg6[%add3A_237] : memref<327680xi32, #tpu.memory_space<hbm>> -> memref<64xi32, #tpu.memory_space<hbm>>
        %dma_wait3A_241 = tpu.memref_slice %arg6[%add3A_237] : memref<327680xi32, #tpu.memory_space<hbm>> -> memref<64xi32, #tpu.memory_space<hbm>>
        tpu.wait_dma2 semaphore(%arg32 : memref<!tpu.dma_semaphore, #tpu.memory_space<semaphore_mem>>) src(%dma_wait3A_241 : memref<64xi32, #tpu.memory_space<hbm>>) dst(%arg19 : memref<64xi32, #tpu.memory_space<vmem>>)
        %dma_start3A_242 = arith.constant 0 : i32
        %dma_start3A_243 = arith.constant 0 : i32
        %dma_start3A_244 = tpu.memref_slice %arg2[%dma_start3A_242, %dma_start3A_243] : memref<10240x128xf32, #tpu.memory_space<hbm>> -> memref<10240x128xf32, #tpu.memory_space<hbm>>
        tpu.enqueue_indirect_dma source(%dma_start3A_244 : memref<10240x128xf32, #tpu.memory_space<hbm>>) target(%arg22 : memref<64x128xf32, #tpu.memory_space<vmem>>) offsets(%arg18 : memref<64xi32, #tpu.memory_space<vmem>>) semaphore(%arg30 : memref<!tpu.dma_semaphore, #tpu.memory_space<semaphore_mem>>)
        %dma_start3A_245 = arith.constant 0 : i32
        %dma_start3A_246 = arith.constant 0 : i32
        %dma_start3A_247 = tpu.memref_slice %arg3[%dma_start3A_245, %dma_start3A_246] : memref<10240x128xf32, #tpu.memory_space<hbm>> -> memref<10240x128xf32, #tpu.memory_space<hbm>>
        tpu.enqueue_indirect_dma source(%dma_start3A_247 : memref<10240x128xf32, #tpu.memory_space<hbm>>) target(%arg23 : memref<64x128xf32, #tpu.memory_space<vmem>>) offsets(%arg19 : memref<64xi32, #tpu.memory_space<vmem>>) semaphore(%arg30 : memref<!tpu.dma_semaphore, #tpu.memory_space<semaphore_mem>>)
        %dma_start3A_248 = arith.constant 0 : i32
        %dma_start3A_249 = tpu.memref_slice %arg4[%add3A_237, %dma_start3A_248] : memref<327680x128xf32, #tpu.memory_space<hbm>> -> memref<64x128xf32, #tpu.memory_space<hbm>>
        %dma_start3A_250 = arith.constant 0 : i32
        %dma_start3A_251 = tpu.memref_slice %arg4[%add3A_237, %dma_start3A_250] : memref<327680x128xf32, #tpu.memory_space<hbm>> -> memref<64x128xf32, #tpu.memory_space<hbm>>
        tpu.enqueue_dma source(%dma_start3A_251 : memref<64x128xf32, #tpu.memory_space<hbm>>) target(%arg24 : memref<64x128xf32, #tpu.memory_space<vmem>>) target_semaphore(%arg30 : memref<!tpu.dma_semaphore, #tpu.memory_space<semaphore_mem>>)
        %get3A_252 = arith.constant 0 : index
        %get3A_253 = tpu.vector_load %arg19[%get3A_252] {strides = array<i32>} : memref<64xi32, #tpu.memory_space<vmem>>, vector<16xi32>,
        %lt3A_254 = arith.cmpi slt, %get3A_253, %broadcast_in_dim3A_22 : vector<16xi32>
        %not3A_255 = arith.constant dense<true> : vector<16xi1>
        %not3A_256 = arith.xori %lt3A_254, %not3A_255 : vector<16xi1>
        %lt3A_257 = arith.cmpi slt, %get3A_253, %broadcast_in_dim3A_24 : vector<16xi32>
        %and3A_258 = arith.andi %not3A_256, %lt3A_257 : vector<16xi1>
        %select_n3A_259 = arith.select %lt3A_254, %get3A_253, %broadcast_in_dim3A_26 : vector<16xi1>, vector<16xi32>
        %swap3A_260 = arith.constant 0 : index
        %swap3A_261 = tpu.vector_load %arg20[%swap3A_260] {strides = array<i32>} : memref<64xi32, #tpu.memory_space<vmem>>, vector<16xi32>,
        tpu.vector_store %arg20[%swap3A_260], %select_n3A_259 {strides = array<i32>} : memref<64xi32, #tpu.memory_space<vmem>>, vector<16xi32>,
        %sub3A_262 = arith.subi %get3A_253, %broadcast_in_dim3A_22 : vector<16xi32>
        %select_n3A_263 = arith.select %and3A_258, %sub3A_262, %broadcast_in_dim3A_26 : vector<16xi1>, vector<16xi32>
        %swap3A_264 = arith.constant 0 : index
        %swap3A_265 = tpu.vector_load %arg21[%swap3A_264] {strides = array<i32>} : memref<64xi32, #tpu.memory_space<vmem>>, vector<16xi32>,
        tpu.vector_store %arg21[%swap3A_264], %select_n3A_263 {strides = array<i32>} : memref<64xi32, #tpu.memory_space<vmem>>, vector<16xi32>,
        %get3A_266 = arith.constant 16 : index
        %get3A_267 = tpu.vector_load %arg19[%get3A_266] {strides = array<i32>} : memref<64xi32, #tpu.memory_space<vmem>>, vector<16xi32>,
        %lt3A_268 = arith.cmpi slt, %get3A_267, %broadcast_in_dim3A_22 : vector<16xi32>
        %not3A_269 = arith.constant dense<true> : vector<16xi1>
        %not3A_270 = arith.xori %lt3A_268, %not3A_269 : vector<16xi1>
        %lt3A_271 = arith.cmpi slt, %get3A_267, %broadcast_in_dim3A_24 : vector<16xi32>
        %and3A_272 = arith.andi %not3A_270, %lt3A_271 : vector<16xi1>
        %select_n3A_273 = arith.select %lt3A_268, %get3A_267, %broadcast_in_dim3A_26 : vector<16xi1>, vector<16xi32>
        %swap3A_274 = arith.constant 16 : index
        %swap3A_275 = tpu.vector_load %arg20[%swap3A_274] {strides = array<i32>} : memref<64xi32, #tpu.memory_space<vmem>>, vector<16xi32>,
        tpu.vector_store %arg20[%swap3A_274], %select_n3A_273 {strides = array<i32>} : memref<64xi32, #tpu.memory_space<vmem>>, vector<16xi32>,
        %sub3A_276 = arith.subi %get3A_267, %broadcast_in_dim3A_22 : vector<16xi32>
        %select_n3A_277 = arith.select %and3A_272, %sub3A_276, %broadcast_in_dim3A_26 : vector<16xi1>, vector<16xi32>
        %swap3A_278 = arith.constant 16 : index
        %swap3A_279 = tpu.vector_load %arg21[%swap3A_278] {strides = array<i32>} : memref<64xi32, #tpu.memory_space<vmem>>, vector<16xi32>,
        tpu.vector_store %arg21[%swap3A_278], %select_n3A_277 {strides = array<i32>} : memref<64xi32, #tpu.memory_space<vmem>>, vector<16xi32>,
        %get3A_280 = arith.constant 32 : index
        %get3A_281 = tpu.vector_load %arg19[%get3A_280] {strides = array<i32>} : memref<64xi32, #tpu.memory_space<vmem>>, vector<16xi32>,
        %lt3A_282 = arith.cmpi slt, %get3A_281, %broadcast_in_dim3A_22 : vector<16xi32>
        %not3A_283 = arith.constant dense<true> : vector<16xi1>
        %not3A_284 = arith.xori %lt3A_282, %not3A_283 : vector<16xi1>
        %lt3A_285 = arith.cmpi slt, %get3A_281, %broadcast_in_dim3A_24 : vector<16xi32>
        %and3A_286 = arith.andi %not3A_284, %lt3A_285 : vector<16xi1>
        %select_n3A_287 = arith.select %lt3A_282, %get3A_281, %broadcast_in_dim3A_26 : vector<16xi1>, vector<16xi32>
        %swap3A_288 = arith.constant 32 : index
        %swap3A_289 = tpu.vector_load %arg20[%swap3A_288] {strides = array<i32>} : memref<64xi32, #tpu.memory_space<vmem>>, vector<16xi32>,
        tpu.vector_store %arg20[%swap3A_288], %select_n3A_287 {strides = array<i32>} : memref<64xi32, #tpu.memory_space<vmem>>, vector<16xi32>,
        %sub3A_290 = arith.subi %get3A_281, %broadcast_in_dim3A_22 : vector<16xi32>
        %select_n3A_291 = arith.select %and3A_286, %sub3A_290, %broadcast_in_dim3A_26 : vector<16xi1>, vector<16xi32>
        %swap3A_292 = arith.constant 32 : index
        %swap3A_293 = tpu.vector_load %arg21[%swap3A_292] {strides = array<i32>} : memref<64xi32, #tpu.memory_space<vmem>>, vector<16xi32>,
        tpu.vector_store %arg21[%swap3A_292], %select_n3A_291 {strides = array<i32>} : memref<64xi32, #tpu.memory_space<vmem>>, vector<16xi32>,
        %get3A_294 = arith.constant 48 : index
        %get3A_295 = tpu.vector_load %arg19[%get3A_294] {strides = array<i32>} : memref<64xi32, #tpu.memory_space<vmem>>, vector<16xi32>,
        %lt3A_296 = arith.cmpi slt, %get3A_295, %broadcast_in_dim3A_22 : vector<16xi32>
        %not3A_297 = arith.constant dense<true> : vector<16xi1>
        %not3A_298 = arith.xori %lt3A_296, %not3A_297 : vector<16xi1>
        %lt3A_299 = arith.cmpi slt, %get3A_295, %broadcast_in_dim3A_24 : vector<16xi32>
        %and3A_300 = arith.andi %not3A_298, %lt3A_299 : vector<16xi1>
        %select_n3A_301 = arith.select %lt3A_296, %get3A_295, %broadcast_in_dim3A_26 : vector<16xi1>, vector<16xi32>
        %swap3A_302 = arith.constant 48 : index
        %swap3A_303 = tpu.vector_load %arg20[%swap3A_302] {strides = array<i32>} : memref<64xi32, #tpu.memory_space<vmem>>, vector<16xi32>,
        tpu.vector_store %arg20[%swap3A_302], %select_n3A_301 {strides = array<i32>} : memref<64xi32, #tpu.memory_space<vmem>>, vector<16xi32>,
        %sub3A_304 = arith.subi %get3A_295, %broadcast_in_dim3A_22 : vector<16xi32>
        %select_n3A_305 = arith.select %and3A_300, %sub3A_304, %broadcast_in_dim3A_26 : vector<16xi1>, vector<16xi32>
        %swap3A_306 = arith.constant 48 : index
        %swap3A_307 = tpu.vector_load %arg21[%swap3A_306] {strides = array<i32>} : memref<64xi32, #tpu.memory_space<vmem>>, vector<16xi32>,
        tpu.vector_store %arg21[%swap3A_306], %select_n3A_305 {strides = array<i32>} : memref<64xi32, #tpu.memory_space<vmem>>, vector<16xi32>,
      } else {
      }
      %mul3A_166 = arith.constant 64 : i32
      %mul3A_167 = arith.muli %add3A_159, %mul3A_166 : i32
      %add3A_168 = arith.addi %mul3A_40, %mul3A_167 : i32
      %dma_wait3A_169 = arith.constant 0 : i32
      %dma_wait3A_170 = arith.constant 0 : i32
      %dma_wait3A_171 = tpu.memref_slice %arg2[%dma_wait3A_169, %dma_wait3A_170] : memref<10240x128xf32, #tpu.memory_space<hbm>> -> memref<10240x128xf32, #tpu.memory_space<hbm>>
      tpu.wait_indirect_dma semaphore(%arg29 : memref<!tpu.dma_semaphore, #tpu.memory_space<semaphore_mem>>) src(%dma_wait3A_171 : memref<10240x128xf32, #tpu.memory_space<hbm>>) dst(%arg15 : memref<64x128xf32, #tpu.memory_space<vmem>>)
      %dma_wait3A_172 = arith.constant 0 : i32
      %dma_wait3A_173 = arith.constant 0 : i32
      %dma_wait3A_174 = tpu.memref_slice %arg3[%dma_wait3A_172, %dma_wait3A_173] : memref<10240x128xf32, #tpu.memory_space<hbm>> -> memref<10240x128xf32, #tpu.memory_space<hbm>>
      tpu.wait_indirect_dma semaphore(%arg29 : memref<!tpu.dma_semaphore, #tpu.memory_space<semaphore_mem>>) src(%dma_wait3A_174 : memref<10240x128xf32, #tpu.memory_space<hbm>>) dst(%arg16 : memref<64x128xf32, #tpu.memory_space<vmem>>)
      %dma_wait3A_175 = arith.constant 0 : i32
      %dma_wait3A_176 = tpu.memref_slice %arg4[%add3A_168, %dma_wait3A_175] : memref<327680x128xf32, #tpu.memory_space<hbm>> -> memref<64x128xf32, #tpu.memory_space<hbm>>
      %dma_wait3A_177 = arith.constant 0 : i32
      %dma_wait3A_178 = tpu.memref_slice %arg4[%add3A_168, %dma_wait3A_177] : memref<327680x128xf32, #tpu.memory_space<hbm>> -> memref<64x128xf32, #tpu.memory_space<hbm>>
      tpu.wait_dma2 semaphore(%arg29 : memref<!tpu.dma_semaphore, #tpu.memory_space<semaphore_mem>>) src(%dma_wait3A_178 : memref<64x128xf32, #tpu.memory_space<hbm>>) dst(%arg17 : memref<64x128xf32, #tpu.memory_space<vmem>>)
      %add3A_179 = arith.constant 2 : i32
      %add3A_180 = arith.addi %add3A_159, %add3A_179 : i32
      %lt3A_181 = arith.cmpi slt, %add3A_180, %select_n3A : i32
      %convert_element_type3A_182 = arith.extui %lt3A_181 : i1 to i32
      %cond3A_183 = arith.constant 0 : i32
      %cond3A_184 = arith.cmpi ne, %convert_element_type3A_182, %cond3A_183 : i32
      scf.if %cond3A_184 {
        %add3A_229 = arith.constant 2 : i32
        %add3A_230 = arith.addi %add3A_159, %add3A_229 : i32
        %mul3A_231 = arith.constant 64 : i32
        %mul3A_232 = arith.muli %add3A_230, %mul3A_231 : i32
        %add3A_233 = arith.addi %mul3A_40, %mul3A_232 : i32
        %dma_start3A_234 = tpu.memref_slice %arg5[%add3A_233] : memref<327680xi32, #tpu.memory_space<hbm>> -> memref<64xi32, #tpu.memory_space<hbm>>
        %dma_start3A_235 = tpu.memref_slice %arg5[%add3A_233] : memref<327680xi32, #tpu.memory_space<hbm>> -> memref<64xi32, #tpu.memory_space<hbm>>
        tpu.enqueue_dma source(%dma_start3A_235 : memref<64xi32, #tpu.memory_space<hbm>>) target(%arg11 : memref<64xi32, #tpu.memory_space<vmem>>) target_semaphore(%arg31 : memref<!tpu.dma_semaphore, #tpu.memory_space<semaphore_mem>>)
        %dma_start3A_236 = tpu.memref_slice %arg6[%add3A_233] : memref<327680xi32, #tpu.memory_space<hbm>> -> memref<64xi32, #tpu.memory_space<hbm>>
        %dma_start3A_237 = tpu.memref_slice %arg6[%add3A_233] : memref<327680xi32, #tpu.memory_space<hbm>> -> memref<64xi32, #tpu.memory_space<hbm>>
        tpu.enqueue_dma source(%dma_start3A_237 : memref<64xi32, #tpu.memory_space<hbm>>) target(%arg12 : memref<64xi32, #tpu.memory_space<vmem>>) target_semaphore(%arg31 : memref<!tpu.dma_semaphore, #tpu.memory_space<semaphore_mem>>)
      } else {
      }
      %parallel_loop3A = arith.constant 0 : i32
      %parallel_loop3A_185 = arith.constant 64 : i32
      %parallel_loop3A_186 = arith.constant 1 : i32
      scf.for %parallel_loop3A_229 = %parallel_loop3A to %parallel_loop3A_185 step %parallel_loop3A_186  : i32 {
        %parallel_loop3A_230 = arith.constant 0.000000e+00 : f32
        %parallel_loop3A_231 = vector.broadcast %parallel_loop3A_230 : f32 to vector<16xf32>
        %parallel_loop3A_232 = arith.index_cast %parallel_loop3A_229 : i32 to index
        %parallel_loop3A_233 = arith.constant 0 : index
        %parallel_loop3A_234 = tpu.vector_load %arg15[%parallel_loop3A_232, %parallel_loop3A_233] {strides = array<i32>} : memref<64x128xf32, #tpu.memory_space<vmem>>, vector<16xf32>,
        %parallel_loop3A_235 = arith.index_cast %parallel_loop3A_229 : i32 to index
        %parallel_loop3A_236 = arith.constant 0 : index
        %parallel_loop3A_237 = tpu.vector_load %arg16[%parallel_loop3A_235, %parallel_loop3A_236] {strides = array<i32>} : memref<64x128xf32, #tpu.memory_space<vmem>>, vector<16xf32>,
        %parallel_loop3A_238 = arith.addf %parallel_loop3A_234, %parallel_loop3A_237 : vector<16xf32>
        %parallel_loop3A_239 = arith.index_cast %parallel_loop3A_229 : i32 to index
        %parallel_loop3A_240 = arith.constant 0 : index
        %parallel_loop3A_241 = tpu.vector_load %arg17[%parallel_loop3A_239, %parallel_loop3A_240] {strides = array<i32>} : memref<64x128xf32, #tpu.memory_space<vmem>>, vector<16xf32>,
        %parallel_loop3A_242 = arith.addf %parallel_loop3A_238, %parallel_loop3A_241 : vector<16xf32>
        %parallel_loop3A_243 = arith.constant 0.000000e+00 : f32
        %parallel_loop3A_244 = vector.broadcast %parallel_loop3A_243 : f32 to vector<16xf32>
        %parallel_loop3A_245 = arith.subf %parallel_loop3A_244, %parallel_loop3A_242 : vector<16xf32>
        %parallel_loop3A_246 = math.exp %parallel_loop3A_245 : vector<16xf32>
        %parallel_loop3A_247 = arith.constant 1.000000e+00 : f32
        %parallel_loop3A_248 = vector.broadcast %parallel_loop3A_247 : f32 to vector<16xf32>
        %parallel_loop3A_249 = arith.addf %parallel_loop3A_248, %parallel_loop3A_246 : vector<16xf32>
        %parallel_loop3A_250 = arith.constant 1.000000e+00 : f32
        %parallel_loop3A_251 = vector.broadcast %parallel_loop3A_250 : f32 to vector<16xf32>
        %parallel_loop3A_252 = arith.divf %parallel_loop3A_251, %parallel_loop3A_249 : vector<16xf32>
        %parallel_loop3A_253 = arith.mulf %parallel_loop3A_242, %parallel_loop3A_252 : vector<16xf32>
        %parallel_loop3A_254 = arith.mulf %parallel_loop3A_253, %get3A_5 : vector<16xf32>
        %parallel_loop3A_255 = arith.addf %parallel_loop3A_231, %parallel_loop3A_254 : vector<16xf32>
        %parallel_loop3A_256 = arith.index_cast %parallel_loop3A_229 : i32 to index
        %parallel_loop3A_257 = arith.constant 16 : index
        %parallel_loop3A_258 = tpu.vector_load %arg15[%parallel_loop3A_256, %parallel_loop3A_257] {strides = array<i32>} : memref<64x128xf32, #tpu.memory_space<vmem>>, vector<16xf32>,
        %parallel_loop3A_259 = arith.index_cast %parallel_loop3A_229 : i32 to index
        %parallel_loop3A_260 = arith.constant 16 : index
        %parallel_loop3A_261 = tpu.vector_load %arg16[%parallel_loop3A_259, %parallel_loop3A_260] {strides = array<i32>} : memref<64x128xf32, #tpu.memory_space<vmem>>, vector<16xf32>,
        %parallel_loop3A_262 = arith.addf %parallel_loop3A_258, %parallel_loop3A_261 : vector<16xf32>
        %parallel_loop3A_263 = arith.index_cast %parallel_loop3A_229 : i32 to index
        %parallel_loop3A_264 = arith.constant 16 : index
        %parallel_loop3A_265 = tpu.vector_load %arg17[%parallel_loop3A_263, %parallel_loop3A_264] {strides = array<i32>} : memref<64x128xf32, #tpu.memory_space<vmem>>, vector<16xf32>,
        %parallel_loop3A_266 = arith.addf %parallel_loop3A_262, %parallel_loop3A_265 : vector<16xf32>
        %parallel_loop3A_267 = arith.constant 0.000000e+00 : f32
        %parallel_loop3A_268 = vector.broadcast %parallel_loop3A_267 : f32 to vector<16xf32>
        %parallel_loop3A_269 = arith.subf %parallel_loop3A_268, %parallel_loop3A_266 : vector<16xf32>
        %parallel_loop3A_270 = math.exp %parallel_loop3A_269 : vector<16xf32>
        %parallel_loop3A_271 = arith.constant 1.000000e+00 : f32
        %parallel_loop3A_272 = vector.broadcast %parallel_loop3A_271 : f32 to vector<16xf32>
        %parallel_loop3A_273 = arith.addf %parallel_loop3A_272, %parallel_loop3A_270 : vector<16xf32>
        %parallel_loop3A_274 = arith.constant 1.000000e+00 : f32
        %parallel_loop3A_275 = vector.broadcast %parallel_loop3A_274 : f32 to vector<16xf32>
        %parallel_loop3A_276 = arith.divf %parallel_loop3A_275, %parallel_loop3A_273 : vector<16xf32>
        %parallel_loop3A_277 = arith.mulf %parallel_loop3A_266, %parallel_loop3A_276 : vector<16xf32>
        %parallel_loop3A_278 = arith.mulf %parallel_loop3A_277, %get3A_7 : vector<16xf32>
        %parallel_loop3A_279 = arith.addf %parallel_loop3A_255, %parallel_loop3A_278 : vector<16xf32>
        %parallel_loop3A_280 = arith.index_cast %parallel_loop3A_229 : i32 to index
        %parallel_loop3A_281 = arith.constant 32 : index
        %parallel_loop3A_282 = tpu.vector_load %arg15[%parallel_loop3A_280, %parallel_loop3A_281] {strides = array<i32>} : memref<64x128xf32, #tpu.memory_space<vmem>>, vector<16xf32>,
        %parallel_loop3A_283 = arith.index_cast %parallel_loop3A_229 : i32 to index
        %parallel_loop3A_284 = arith.constant 32 : index
        %parallel_loop3A_285 = tpu.vector_load %arg16[%parallel_loop3A_283, %parallel_loop3A_284] {strides = array<i32>} : memref<64x128xf32, #tpu.memory_space<vmem>>, vector<16xf32>,
        %parallel_loop3A_286 = arith.addf %parallel_loop3A_282, %parallel_loop3A_285 : vector<16xf32>
        %parallel_loop3A_287 = arith.index_cast %parallel_loop3A_229 : i32 to index
        %parallel_loop3A_288 = arith.constant 32 : index
        %parallel_loop3A_289 = tpu.vector_load %arg17[%parallel_loop3A_287, %parallel_loop3A_288] {strides = array<i32>} : memref<64x128xf32, #tpu.memory_space<vmem>>, vector<16xf32>,
        %parallel_loop3A_290 = arith.addf %parallel_loop3A_286, %parallel_loop3A_289 : vector<16xf32>
        %parallel_loop3A_291 = arith.constant 0.000000e+00 : f32
        %parallel_loop3A_292 = vector.broadcast %parallel_loop3A_291 : f32 to vector<16xf32>
        %parallel_loop3A_293 = arith.subf %parallel_loop3A_292, %parallel_loop3A_290 : vector<16xf32>
        %parallel_loop3A_294 = math.exp %parallel_loop3A_293 : vector<16xf32>
        %parallel_loop3A_295 = arith.constant 1.000000e+00 : f32
        %parallel_loop3A_296 = vector.broadcast %parallel_loop3A_295 : f32 to vector<16xf32>
        %parallel_loop3A_297 = arith.addf %parallel_loop3A_296, %parallel_loop3A_294 : vector<16xf32>
        %parallel_loop3A_298 = arith.constant 1.000000e+00 : f32
        %parallel_loop3A_299 = vector.broadcast %parallel_loop3A_298 : f32 to vector<16xf32>
        %parallel_loop3A_300 = arith.divf %parallel_loop3A_299, %parallel_loop3A_297 : vector<16xf32>
        %parallel_loop3A_301 = arith.mulf %parallel_loop3A_290, %parallel_loop3A_300 : vector<16xf32>
        %parallel_loop3A_302 = arith.mulf %parallel_loop3A_301, %get3A_9 : vector<16xf32>
        %parallel_loop3A_303 = arith.addf %parallel_loop3A_279, %parallel_loop3A_302 : vector<16xf32>
        %parallel_loop3A_304 = arith.index_cast %parallel_loop3A_229 : i32 to index
        %parallel_loop3A_305 = arith.constant 48 : index
        %parallel_loop3A_306 = tpu.vector_load %arg15[%parallel_loop3A_304, %parallel_loop3A_305] {strides = array<i32>} : memref<64x128xf32, #tpu.memory_space<vmem>>, vector<16xf32>,
        %parallel_loop3A_307 = arith.index_cast %parallel_loop3A_229 : i32 to index
        %parallel_loop3A_308 = arith.constant 48 : index
        %parallel_loop3A_309 = tpu.vector_load %arg16[%parallel_loop3A_307, %parallel_loop3A_308] {strides = array<i32>} : memref<64x128xf32, #tpu.memory_space<vmem>>, vector<16xf32>,
        %parallel_loop3A_310 = arith.addf %parallel_loop3A_306, %parallel_loop3A_309 : vector<16xf32>
        %parallel_loop3A_311 = arith.index_cast %parallel_loop3A_229 : i32 to index
        %parallel_loop3A_312 = arith.constant 48 : index
        %parallel_loop3A_313 = tpu.vector_load %arg17[%parallel_loop3A_311, %parallel_loop3A_312] {strides = array<i32>} : memref<64x128xf32, #tpu.memory_space<vmem>>, vector<16xf32>,
        %parallel_loop3A_314 = arith.addf %parallel_loop3A_310, %parallel_loop3A_313 : vector<16xf32>
        %parallel_loop3A_315 = arith.constant 0.000000e+00 : f32
        %parallel_loop3A_316 = vector.broadcast %parallel_loop3A_315 : f32 to vector<16xf32>
        %parallel_loop3A_317 = arith.subf %parallel_loop3A_316, %parallel_loop3A_314 : vector<16xf32>
        %parallel_loop3A_318 = math.exp %parallel_loop3A_317 : vector<16xf32>
        %parallel_loop3A_319 = arith.constant 1.000000e+00 : f32
        %parallel_loop3A_320 = vector.broadcast %parallel_loop3A_319 : f32 to vector<16xf32>
        %parallel_loop3A_321 = arith.addf %parallel_loop3A_320, %parallel_loop3A_318 : vector<16xf32>
        %parallel_loop3A_322 = arith.constant 1.000000e+00 : f32
        %parallel_loop3A_323 = vector.broadcast %parallel_loop3A_322 : f32 to vector<16xf32>
        %parallel_loop3A_324 = arith.divf %parallel_loop3A_323, %parallel_loop3A_321 : vector<16xf32>
        %parallel_loop3A_325 = arith.mulf %parallel_loop3A_314, %parallel_loop3A_324 : vector<16xf32>
        %parallel_loop3A_326 = arith.mulf %parallel_loop3A_325, %get3A_11 : vector<16xf32>
        %parallel_loop3A_327 = arith.addf %parallel_loop3A_303, %parallel_loop3A_326 : vector<16xf32>
        %parallel_loop3A_328 = arith.index_cast %parallel_loop3A_229 : i32 to index
        %parallel_loop3A_329 = arith.constant 64 : index
        %parallel_loop3A_330 = tpu.vector_load %arg15[%parallel_loop3A_328, %parallel_loop3A_329] {strides = array<i32>} : memref<64x128xf32, #tpu.memory_space<vmem>>, vector<16xf32>,
        %parallel_loop3A_331 = arith.index_cast %parallel_loop3A_229 : i32 to index
        %parallel_loop3A_332 = arith.constant 64 : index
        %parallel_loop3A_333 = tpu.vector_load %arg16[%parallel_loop3A_331, %parallel_loop3A_332] {strides = array<i32>} : memref<64x128xf32, #tpu.memory_space<vmem>>, vector<16xf32>,
        %parallel_loop3A_334 = arith.addf %parallel_loop3A_330, %parallel_loop3A_333 : vector<16xf32>
        %parallel_loop3A_335 = arith.index_cast %parallel_loop3A_229 : i32 to index
        %parallel_loop3A_336 = arith.constant 64 : index
        %parallel_loop3A_337 = tpu.vector_load %arg17[%parallel_loop3A_335, %parallel_loop3A_336] {strides = array<i32>} : memref<64x128xf32, #tpu.memory_space<vmem>>, vector<16xf32>,
        %parallel_loop3A_338 = arith.addf %parallel_loop3A_334, %parallel_loop3A_337 : vector<16xf32>
        %parallel_loop3A_339 = arith.constant 0.000000e+00 : f32
        %parallel_loop3A_340 = vector.broadcast %parallel_loop3A_339 : f32 to vector<16xf32>
        %parallel_loop3A_341 = arith.subf %parallel_loop3A_340, %parallel_loop3A_338 : vector<16xf32>
        %parallel_loop3A_342 = math.exp %parallel_loop3A_341 : vector<16xf32>
        %parallel_loop3A_343 = arith.constant 1.000000e+00 : f32
        %parallel_loop3A_344 = vector.broadcast %parallel_loop3A_343 : f32 to vector<16xf32>
        %parallel_loop3A_345 = arith.addf %parallel_loop3A_344, %parallel_loop3A_342 : vector<16xf32>
        %parallel_loop3A_346 = arith.constant 1.000000e+00 : f32
        %parallel_loop3A_347 = vector.broadcast %parallel_loop3A_346 : f32 to vector<16xf32>
        %parallel_loop3A_348 = arith.divf %parallel_loop3A_347, %parallel_loop3A_345 : vector<16xf32>
        %parallel_loop3A_349 = arith.mulf %parallel_loop3A_338, %parallel_loop3A_348 : vector<16xf32>
        %parallel_loop3A_350 = arith.mulf %parallel_loop3A_349, %get3A_13 : vector<16xf32>
        %parallel_loop3A_351 = arith.addf %parallel_loop3A_327, %parallel_loop3A_350 : vector<16xf32>
        %parallel_loop3A_352 = arith.index_cast %parallel_loop3A_229 : i32 to index
        %parallel_loop3A_353 = arith.constant 80 : index
        %parallel_loop3A_354 = tpu.vector_load %arg15[%parallel_loop3A_352, %parallel_loop3A_353] {strides = array<i32>} : memref<64x128xf32, #tpu.memory_space<vmem>>, vector<16xf32>,
        %parallel_loop3A_355 = arith.index_cast %parallel_loop3A_229 : i32 to index
        %parallel_loop3A_356 = arith.constant 80 : index
        %parallel_loop3A_357 = tpu.vector_load %arg16[%parallel_loop3A_355, %parallel_loop3A_356] {strides = array<i32>} : memref<64x128xf32, #tpu.memory_space<vmem>>, vector<16xf32>,
        %parallel_loop3A_358 = arith.addf %parallel_loop3A_354, %parallel_loop3A_357 : vector<16xf32>
        %parallel_loop3A_359 = arith.index_cast %parallel_loop3A_229 : i32 to index
        %parallel_loop3A_360 = arith.constant 80 : index
        %parallel_loop3A_361 = tpu.vector_load %arg17[%parallel_loop3A_359, %parallel_loop3A_360] {strides = array<i32>} : memref<64x128xf32, #tpu.memory_space<vmem>>, vector<16xf32>,
        %parallel_loop3A_362 = arith.addf %parallel_loop3A_358, %parallel_loop3A_361 : vector<16xf32>
        %parallel_loop3A_363 = arith.constant 0.000000e+00 : f32
        %parallel_loop3A_364 = vector.broadcast %parallel_loop3A_363 : f32 to vector<16xf32>
        %parallel_loop3A_365 = arith.subf %parallel_loop3A_364, %parallel_loop3A_362 : vector<16xf32>
        %parallel_loop3A_366 = math.exp %parallel_loop3A_365 : vector<16xf32>
        %parallel_loop3A_367 = arith.constant 1.000000e+00 : f32
        %parallel_loop3A_368 = vector.broadcast %parallel_loop3A_367 : f32 to vector<16xf32>
        %parallel_loop3A_369 = arith.addf %parallel_loop3A_368, %parallel_loop3A_366 : vector<16xf32>
        %parallel_loop3A_370 = arith.constant 1.000000e+00 : f32
        %parallel_loop3A_371 = vector.broadcast %parallel_loop3A_370 : f32 to vector<16xf32>
        %parallel_loop3A_372 = arith.divf %parallel_loop3A_371, %parallel_loop3A_369 : vector<16xf32>
        %parallel_loop3A_373 = arith.mulf %parallel_loop3A_362, %parallel_loop3A_372 : vector<16xf32>
        %parallel_loop3A_374 = arith.mulf %parallel_loop3A_373, %get3A_15 : vector<16xf32>
        %parallel_loop3A_375 = arith.addf %parallel_loop3A_351, %parallel_loop3A_374 : vector<16xf32>
        %parallel_loop3A_376 = arith.index_cast %parallel_loop3A_229 : i32 to index
        %parallel_loop3A_377 = arith.constant 96 : index
        %parallel_loop3A_378 = tpu.vector_load %arg15[%parallel_loop3A_376, %parallel_loop3A_377] {strides = array<i32>} : memref<64x128xf32, #tpu.memory_space<vmem>>, vector<16xf32>,
        %parallel_loop3A_379 = arith.index_cast %parallel_loop3A_229 : i32 to index
        %parallel_loop3A_380 = arith.constant 96 : index
        %parallel_loop3A_381 = tpu.vector_load %arg16[%parallel_loop3A_379, %parallel_loop3A_380] {strides = array<i32>} : memref<64x128xf32, #tpu.memory_space<vmem>>, vector<16xf32>,
        %parallel_loop3A_382 = arith.addf %parallel_loop3A_378, %parallel_loop3A_381 : vector<16xf32>
        %parallel_loop3A_383 = arith.index_cast %parallel_loop3A_229 : i32 to index
        %parallel_loop3A_384 = arith.constant 96 : index
        %parallel_loop3A_385 = tpu.vector_load %arg17[%parallel_loop3A_383, %parallel_loop3A_384] {strides = array<i32>} : memref<64x128xf32, #tpu.memory_space<vmem>>, vector<16xf32>,
        %parallel_loop3A_386 = arith.addf %parallel_loop3A_382, %parallel_loop3A_385 : vector<16xf32>
        %parallel_loop3A_387 = arith.constant 0.000000e+00 : f32
        %parallel_loop3A_388 = vector.broadcast %parallel_loop3A_387 : f32 to vector<16xf32>
        %parallel_loop3A_389 = arith.subf %parallel_loop3A_388, %parallel_loop3A_386 : vector<16xf32>
        %parallel_loop3A_390 = math.exp %parallel_loop3A_389 : vector<16xf32>
        %parallel_loop3A_391 = arith.constant 1.000000e+00 : f32
        %parallel_loop3A_392 = vector.broadcast %parallel_loop3A_391 : f32 to vector<16xf32>
        %parallel_loop3A_393 = arith.addf %parallel_loop3A_392, %parallel_loop3A_390 : vector<16xf32>
        %parallel_loop3A_394 = arith.constant 1.000000e+00 : f32
        %parallel_loop3A_395 = vector.broadcast %parallel_loop3A_394 : f32 to vector<16xf32>
        %parallel_loop3A_396 = arith.divf %parallel_loop3A_395, %parallel_loop3A_393 : vector<16xf32>
        %parallel_loop3A_397 = arith.mulf %parallel_loop3A_386, %parallel_loop3A_396 : vector<16xf32>
        %parallel_loop3A_398 = arith.mulf %parallel_loop3A_397, %get3A_17 : vector<16xf32>
        %parallel_loop3A_399 = arith.addf %parallel_loop3A_375, %parallel_loop3A_398 : vector<16xf32>
        %parallel_loop3A_400 = arith.index_cast %parallel_loop3A_229 : i32 to index
        %parallel_loop3A_401 = arith.constant 112 : index
        %parallel_loop3A_402 = tpu.vector_load %arg15[%parallel_loop3A_400, %parallel_loop3A_401] {strides = array<i32>} : memref<64x128xf32, #tpu.memory_space<vmem>>, vector<16xf32>,
        %parallel_loop3A_403 = arith.index_cast %parallel_loop3A_229 : i32 to index
        %parallel_loop3A_404 = arith.constant 112 : index
        %parallel_loop3A_405 = tpu.vector_load %arg16[%parallel_loop3A_403, %parallel_loop3A_404] {strides = array<i32>} : memref<64x128xf32, #tpu.memory_space<vmem>>, vector<16xf32>,
        %parallel_loop3A_406 = arith.addf %parallel_loop3A_402, %parallel_loop3A_405 : vector<16xf32>
        %parallel_loop3A_407 = arith.index_cast %parallel_loop3A_229 : i32 to index
        %parallel_loop3A_408 = arith.constant 112 : index
        %parallel_loop3A_409 = tpu.vector_load %arg17[%parallel_loop3A_407, %parallel_loop3A_408] {strides = array<i32>} : memref<64x128xf32, #tpu.memory_space<vmem>>, vector<16xf32>,
        %parallel_loop3A_410 = arith.addf %parallel_loop3A_406, %parallel_loop3A_409 : vector<16xf32>
        %parallel_loop3A_411 = arith.constant 0.000000e+00 : f32
        %parallel_loop3A_412 = vector.broadcast %parallel_loop3A_411 : f32 to vector<16xf32>
        %parallel_loop3A_413 = arith.subf %parallel_loop3A_412, %parallel_loop3A_410 : vector<16xf32>
        %parallel_loop3A_414 = math.exp %parallel_loop3A_413 : vector<16xf32>
        %parallel_loop3A_415 = arith.constant 1.000000e+00 : f32
        %parallel_loop3A_416 = vector.broadcast %parallel_loop3A_415 : f32 to vector<16xf32>
        %parallel_loop3A_417 = arith.addf %parallel_loop3A_416, %parallel_loop3A_414 : vector<16xf32>
        %parallel_loop3A_418 = arith.constant 1.000000e+00 : f32
        %parallel_loop3A_419 = vector.broadcast %parallel_loop3A_418 : f32 to vector<16xf32>
        %parallel_loop3A_420 = arith.divf %parallel_loop3A_419, %parallel_loop3A_417 : vector<16xf32>
        %parallel_loop3A_421 = arith.mulf %parallel_loop3A_410, %parallel_loop3A_420 : vector<16xf32>
        %parallel_loop3A_422 = arith.mulf %parallel_loop3A_421, %get3A_19 : vector<16xf32>
        %parallel_loop3A_423 = arith.addf %parallel_loop3A_399, %parallel_loop3A_422 : vector<16xf32>
        %parallel_loop3A_424 = arith.constant true
        %parallel_loop3A_425 = vector.broadcast %parallel_loop3A_424 : i1 to vector<16xi1>
        %parallel_loop3A_426 = tpu.scan <sum>, %parallel_loop3A_423 masked %parallel_loop3A_425 : vector<16xf32>, vector<16xi1> -> vector<16xf32>
        %parallel_loop3A_427 = vector.extract %parallel_loop3A_426[15] : f32 from vector<16xf32>
        %parallel_loop3A_428 = vector.broadcast %parallel_loop3A_427 : f32 to vector<16xf32>
        %parallel_loop3A_429 = arith.addf %parallel_loop3A_428, %get3A_21 : vector<16xf32>
        %parallel_loop3A_430 = arith.constant 0.000000e+00 : f32
        %parallel_loop3A_431 = vector.broadcast %parallel_loop3A_430 : f32 to vector<16xf32>
        %parallel_loop3A_432 = arith.subf %parallel_loop3A_431, %parallel_loop3A_429 : vector<16xf32>
        %parallel_loop3A_433 = math.exp %parallel_loop3A_432 : vector<16xf32>
        %parallel_loop3A_434 = arith.constant 1.000000e+00 : f32
        %parallel_loop3A_435 = vector.broadcast %parallel_loop3A_434 : f32 to vector<16xf32>
        %parallel_loop3A_436 = arith.addf %parallel_loop3A_435, %parallel_loop3A_433 : vector<16xf32>
        %parallel_loop3A_437 = arith.constant 1.000000e+00 : f32
        %parallel_loop3A_438 = vector.broadcast %parallel_loop3A_437 : f32 to vector<16xf32>
        %parallel_loop3A_439 = arith.divf %parallel_loop3A_438, %parallel_loop3A_436 : vector<16xf32>
        %parallel_loop3A_440 = arith.mulf %parallel_loop3A_253, %parallel_loop3A_439 : vector<16xf32>
        %parallel_loop3A_441 = arith.index_cast %parallel_loop3A_229 : i32 to index
        %parallel_loop3A_442 = arith.constant 0 : index
        %parallel_loop3A_443 = tpu.vector_load %arg15[%parallel_loop3A_441, %parallel_loop3A_442] {strides = array<i32>} : memref<64x128xf32, #tpu.memory_space<vmem>>, vector<16xf32>,
        tpu.vector_store %arg15[%parallel_loop3A_441, %parallel_loop3A_442], %parallel_loop3A_440 {strides = array<i32>} : memref<64x128xf32, #tpu.memory_space<vmem>>, vector<16xf32>,
        %parallel_loop3A_444 = arith.mulf %parallel_loop3A_277, %parallel_loop3A_439 : vector<16xf32>
        %parallel_loop3A_445 = arith.index_cast %parallel_loop3A_229 : i32 to index
        %parallel_loop3A_446 = arith.constant 16 : index
        %parallel_loop3A_447 = tpu.vector_load %arg15[%parallel_loop3A_445, %parallel_loop3A_446] {strides = array<i32>} : memref<64x128xf32, #tpu.memory_space<vmem>>, vector<16xf32>,
        tpu.vector_store %arg15[%parallel_loop3A_445, %parallel_loop3A_446], %parallel_loop3A_444 {strides = array<i32>} : memref<64x128xf32, #tpu.memory_space<vmem>>, vector<16xf32>,
        %parallel_loop3A_448 = arith.mulf %parallel_loop3A_301, %parallel_loop3A_439 : vector<16xf32>
        %parallel_loop3A_449 = arith.index_cast %parallel_loop3A_229 : i32 to index
        %parallel_loop3A_450 = arith.constant 32 : index
        %parallel_loop3A_451 = tpu.vector_load %arg15[%parallel_loop3A_449, %parallel_loop3A_450] {strides = array<i32>} : memref<64x128xf32, #tpu.memory_space<vmem>>, vector<16xf32>,
        tpu.vector_store %arg15[%parallel_loop3A_449, %parallel_loop3A_450], %parallel_loop3A_448 {strides = array<i32>} : memref<64x128xf32, #tpu.memory_space<vmem>>, vector<16xf32>,
        %parallel_loop3A_452 = arith.mulf %parallel_loop3A_325, %parallel_loop3A_439 : vector<16xf32>
        %parallel_loop3A_453 = arith.index_cast %parallel_loop3A_229 : i32 to index
        %parallel_loop3A_454 = arith.constant 48 : index
        %parallel_loop3A_455 = tpu.vector_load %arg15[%parallel_loop3A_453, %parallel_loop3A_454] {strides = array<i32>} : memref<64x128xf32, #tpu.memory_space<vmem>>, vector<16xf32>,
        tpu.vector_store %arg15[%parallel_loop3A_453, %parallel_loop3A_454], %parallel_loop3A_452 {strides = array<i32>} : memref<64x128xf32, #tpu.memory_space<vmem>>, vector<16xf32>,
        %parallel_loop3A_456 = arith.mulf %parallel_loop3A_349, %parallel_loop3A_439 : vector<16xf32>
        %parallel_loop3A_457 = arith.index_cast %parallel_loop3A_229 : i32 to index
        %parallel_loop3A_458 = arith.constant 64 : index
        %parallel_loop3A_459 = tpu.vector_load %arg15[%parallel_loop3A_457, %parallel_loop3A_458] {strides = array<i32>} : memref<64x128xf32, #tpu.memory_space<vmem>>, vector<16xf32>,
        tpu.vector_store %arg15[%parallel_loop3A_457, %parallel_loop3A_458], %parallel_loop3A_456 {strides = array<i32>} : memref<64x128xf32, #tpu.memory_space<vmem>>, vector<16xf32>,
        %parallel_loop3A_460 = arith.mulf %parallel_loop3A_373, %parallel_loop3A_439 : vector<16xf32>
        %parallel_loop3A_461 = arith.index_cast %parallel_loop3A_229 : i32 to index
        %parallel_loop3A_462 = arith.constant 80 : index
        %parallel_loop3A_463 = tpu.vector_load %arg15[%parallel_loop3A_461, %parallel_loop3A_462] {strides = array<i32>} : memref<64x128xf32, #tpu.memory_space<vmem>>, vector<16xf32>,
        tpu.vector_store %arg15[%parallel_loop3A_461, %parallel_loop3A_462], %parallel_loop3A_460 {strides = array<i32>} : memref<64x128xf32, #tpu.memory_space<vmem>>, vector<16xf32>,
        %parallel_loop3A_464 = arith.mulf %parallel_loop3A_397, %parallel_loop3A_439 : vector<16xf32>
        %parallel_loop3A_465 = arith.index_cast %parallel_loop3A_229 : i32 to index
        %parallel_loop3A_466 = arith.constant 96 : index
        %parallel_loop3A_467 = tpu.vector_load %arg15[%parallel_loop3A_465, %parallel_loop3A_466] {strides = array<i32>} : memref<64x128xf32, #tpu.memory_space<vmem>>, vector<16xf32>,
        tpu.vector_store %arg15[%parallel_loop3A_465, %parallel_loop3A_466], %parallel_loop3A_464 {strides = array<i32>} : memref<64x128xf32, #tpu.memory_space<vmem>>, vector<16xf32>,
        %parallel_loop3A_468 = arith.mulf %parallel_loop3A_421, %parallel_loop3A_439 : vector<16xf32>
        %parallel_loop3A_469 = arith.index_cast %parallel_loop3A_229 : i32 to index
        %parallel_loop3A_470 = arith.constant 112 : index
        %parallel_loop3A_471 = tpu.vector_load %arg15[%parallel_loop3A_469, %parallel_loop3A_470] {strides = array<i32>} : memref<64x128xf32, #tpu.memory_space<vmem>>, vector<16xf32>,
        tpu.vector_store %arg15[%parallel_loop3A_469, %parallel_loop3A_470], %parallel_loop3A_468 {strides = array<i32>} : memref<64x128xf32, #tpu.memory_space<vmem>>, vector<16xf32>,
      } {sc.loop_unroll_factor = 2 : i64, sc.parallel_access}
      %dma_start3A_187 = arith.constant 0 : i32
      %dma_start3A_188 = arith.constant 0 : i32
      %dma_start3A_189 = tpu.memref_slice %arg27[%dma_start3A_187, %dma_start3A_188] : memref<5008x128xf32, #tpu.memory_space<vmem_shared>> -> memref<5008x128xf32, #tpu.memory_space<vmem_shared>>
      tpu.enqueue_indirect_dma source(%arg15 : memref<64x128xf32, #tpu.memory_space<vmem>>) target(%dma_start3A_189 : memref<5008x128xf32, #tpu.memory_space<vmem_shared>>) offsets(%arg13 : memref<64xi32, #tpu.memory_space<vmem>>) semaphore(%arg33 : memref<!tpu.dma_semaphore, #tpu.memory_space<semaphore_mem>>) {add = true}
      %dma_start3A_190 = arith.constant 0 : i32
      %dma_start3A_191 = arith.constant 0 : i32
      %dma_start3A_192 = tpu.memref_slice %arg28[%dma_start3A_190, %dma_start3A_191] : memref<5008x128xf32, #tpu.memory_space<vmem_shared>> -> memref<5008x128xf32, #tpu.memory_space<vmem_shared>>
      tpu.enqueue_indirect_dma source(%arg15 : memref<64x128xf32, #tpu.memory_space<vmem>>) target(%dma_start3A_192 : memref<5008x128xf32, #tpu.memory_space<vmem_shared>>) offsets(%arg14 : memref<64xi32, #tpu.memory_space<vmem>>) semaphore(%arg34 : memref<!tpu.dma_semaphore, #tpu.memory_space<semaphore_mem>>) {add = true}
      %add3A_193 = arith.constant 1 : i32
      %add3A_194 = arith.addi %add3A_157, %add3A_193 : i32
      %add3A_195 = arith.constant 1 : i32
      %add3A_196 = arith.addi %add3A_194, %add3A_195 : i32
      %lt3A_197 = arith.cmpi slt, %add3A_196, %select_n3A : i32
      %convert_element_type3A_198 = arith.extui %lt3A_197 : i1 to i32
      %cond3A_199 = arith.constant 0 : i32
      %cond3A_200 = arith.cmpi ne, %convert_element_type3A_198, %cond3A_199 : i32
      scf.if %cond3A_200 {
        %ge3A = arith.constant 1 : i32
        %ge3A_229 = arith.cmpi sge, %add3A_194, %ge3A : i32
        %convert_element_type3A_230 = arith.extui %ge3A_229 : i1 to i32
        %cond3A_231 = arith.constant 0 : i32
        %cond3A_232 = arith.cmpi ne, %convert_element_type3A_230, %cond3A_231 : i32
        scf.if %cond3A_232 {
          %dma_wait3A_308 = arith.constant 0 : i32
          %dma_wait3A_309 = arith.constant 0 : i32
          %dma_wait3A_310 = tpu.memref_slice %arg27[%dma_wait3A_308, %dma_wait3A_309] : memref<5008x128xf32, #tpu.memory_space<vmem_shared>> -> memref<5008x128xf32, #tpu.memory_space<vmem_shared>>
          tpu.wait_indirect_dma semaphore(%arg33 : memref<!tpu.dma_semaphore, #tpu.memory_space<semaphore_mem>>) src(%arg15 : memref<64x128xf32, #tpu.memory_space<vmem>>) dst(%dma_wait3A_310 : memref<5008x128xf32, #tpu.memory_space<vmem_shared>>)
          %dma_wait3A_311 = arith.constant 0 : i32
          %dma_wait3A_312 = arith.constant 0 : i32
          %dma_wait3A_313 = tpu.memref_slice %arg28[%dma_wait3A_311, %dma_wait3A_312] : memref<5008x128xf32, #tpu.memory_space<vmem_shared>> -> memref<5008x128xf32, #tpu.memory_space<vmem_shared>>
          tpu.wait_indirect_dma semaphore(%arg34 : memref<!tpu.dma_semaphore, #tpu.memory_space<semaphore_mem>>) src(%arg15 : memref<64x128xf32, #tpu.memory_space<vmem>>) dst(%dma_wait3A_313 : memref<5008x128xf32, #tpu.memory_space<vmem_shared>>)
        } else {
        }
        %add3A_233 = arith.constant 1 : i32
        %add3A_234 = arith.addi %add3A_194, %add3A_233 : i32
        %mul3A_235 = arith.constant 64 : i32
        %mul3A_236 = arith.muli %add3A_234, %mul3A_235 : i32
        %add3A_237 = arith.addi %mul3A_40, %mul3A_236 : i32
        %dma_wait3A_238 = tpu.memref_slice %arg5[%add3A_237] : memref<327680xi32, #tpu.memory_space<hbm>> -> memref<64xi32, #tpu.memory_space<hbm>>
        %dma_wait3A_239 = tpu.memref_slice %arg5[%add3A_237] : memref<327680xi32, #tpu.memory_space<hbm>> -> memref<64xi32, #tpu.memory_space<hbm>>
        tpu.wait_dma2 semaphore(%arg31 : memref<!tpu.dma_semaphore, #tpu.memory_space<semaphore_mem>>) src(%dma_wait3A_239 : memref<64xi32, #tpu.memory_space<hbm>>) dst(%arg11 : memref<64xi32, #tpu.memory_space<vmem>>)
        %dma_wait3A_240 = tpu.memref_slice %arg6[%add3A_237] : memref<327680xi32, #tpu.memory_space<hbm>> -> memref<64xi32, #tpu.memory_space<hbm>>
        %dma_wait3A_241 = tpu.memref_slice %arg6[%add3A_237] : memref<327680xi32, #tpu.memory_space<hbm>> -> memref<64xi32, #tpu.memory_space<hbm>>
        tpu.wait_dma2 semaphore(%arg31 : memref<!tpu.dma_semaphore, #tpu.memory_space<semaphore_mem>>) src(%dma_wait3A_241 : memref<64xi32, #tpu.memory_space<hbm>>) dst(%arg12 : memref<64xi32, #tpu.memory_space<vmem>>)
        %dma_start3A_242 = arith.constant 0 : i32
        %dma_start3A_243 = arith.constant 0 : i32
        %dma_start3A_244 = tpu.memref_slice %arg2[%dma_start3A_242, %dma_start3A_243] : memref<10240x128xf32, #tpu.memory_space<hbm>> -> memref<10240x128xf32, #tpu.memory_space<hbm>>
        tpu.enqueue_indirect_dma source(%dma_start3A_244 : memref<10240x128xf32, #tpu.memory_space<hbm>>) target(%arg15 : memref<64x128xf32, #tpu.memory_space<vmem>>) offsets(%arg11 : memref<64xi32, #tpu.memory_space<vmem>>) semaphore(%arg29 : memref<!tpu.dma_semaphore, #tpu.memory_space<semaphore_mem>>)
        %dma_start3A_245 = arith.constant 0 : i32
        %dma_start3A_246 = arith.constant 0 : i32
        %dma_start3A_247 = tpu.memref_slice %arg3[%dma_start3A_245, %dma_start3A_246] : memref<10240x128xf32, #tpu.memory_space<hbm>> -> memref<10240x128xf32, #tpu.memory_space<hbm>>
        tpu.enqueue_indirect_dma source(%dma_start3A_247 : memref<10240x128xf32, #tpu.memory_space<hbm>>) target(%arg16 : memref<64x128xf32, #tpu.memory_space<vmem>>) offsets(%arg12 : memref<64xi32, #tpu.memory_space<vmem>>) semaphore(%arg29 : memref<!tpu.dma_semaphore, #tpu.memory_space<semaphore_mem>>)
        %dma_start3A_248 = arith.constant 0 : i32
        %dma_start3A_249 = tpu.memref_slice %arg4[%add3A_237, %dma_start3A_248] : memref<327680x128xf32, #tpu.memory_space<hbm>> -> memref<64x128xf32, #tpu.memory_space<hbm>>
        %dma_start3A_250 = arith.constant 0 : i32
        %dma_start3A_251 = tpu.memref_slice %arg4[%add3A_237, %dma_start3A_250] : memref<327680x128xf32, #tpu.memory_space<hbm>> -> memref<64x128xf32, #tpu.memory_space<hbm>>
        tpu.enqueue_dma source(%dma_start3A_251 : memref<64x128xf32, #tpu.memory_space<hbm>>) target(%arg17 : memref<64x128xf32, #tpu.memory_space<vmem>>) target_semaphore(%arg29 : memref<!tpu.dma_semaphore, #tpu.memory_space<semaphore_mem>>)
        %get3A_252 = arith.constant 0 : index
        %get3A_253 = tpu.vector_load %arg12[%get3A_252] {strides = array<i32>} : memref<64xi32, #tpu.memory_space<vmem>>, vector<16xi32>,
        %lt3A_254 = arith.cmpi slt, %get3A_253, %broadcast_in_dim3A_22 : vector<16xi32>
        %not3A_255 = arith.constant dense<true> : vector<16xi1>
        %not3A_256 = arith.xori %lt3A_254, %not3A_255 : vector<16xi1>
        %lt3A_257 = arith.cmpi slt, %get3A_253, %broadcast_in_dim3A_24 : vector<16xi32>
        %and3A_258 = arith.andi %not3A_256, %lt3A_257 : vector<16xi1>
        %select_n3A_259 = arith.select %lt3A_254, %get3A_253, %broadcast_in_dim3A_26 : vector<16xi1>, vector<16xi32>
        %swap3A_260 = arith.constant 0 : index
        %swap3A_261 = tpu.vector_load %arg13[%swap3A_260] {strides = array<i32>} : memref<64xi32, #tpu.memory_space<vmem>>, vector<16xi32>,
        tpu.vector_store %arg13[%swap3A_260], %select_n3A_259 {strides = array<i32>} : memref<64xi32, #tpu.memory_space<vmem>>, vector<16xi32>,
        %sub3A_262 = arith.subi %get3A_253, %broadcast_in_dim3A_22 : vector<16xi32>
        %select_n3A_263 = arith.select %and3A_258, %sub3A_262, %broadcast_in_dim3A_26 : vector<16xi1>, vector<16xi32>
        %swap3A_264 = arith.constant 0 : index
        %swap3A_265 = tpu.vector_load %arg14[%swap3A_264] {strides = array<i32>} : memref<64xi32, #tpu.memory_space<vmem>>, vector<16xi32>,
        tpu.vector_store %arg14[%swap3A_264], %select_n3A_263 {strides = array<i32>} : memref<64xi32, #tpu.memory_space<vmem>>, vector<16xi32>,
        %get3A_266 = arith.constant 16 : index
        %get3A_267 = tpu.vector_load %arg12[%get3A_266] {strides = array<i32>} : memref<64xi32, #tpu.memory_space<vmem>>, vector<16xi32>,
        %lt3A_268 = arith.cmpi slt, %get3A_267, %broadcast_in_dim3A_22 : vector<16xi32>
        %not3A_269 = arith.constant dense<true> : vector<16xi1>
        %not3A_270 = arith.xori %lt3A_268, %not3A_269 : vector<16xi1>
        %lt3A_271 = arith.cmpi slt, %get3A_267, %broadcast_in_dim3A_24 : vector<16xi32>
        %and3A_272 = arith.andi %not3A_270, %lt3A_271 : vector<16xi1>
        %select_n3A_273 = arith.select %lt3A_268, %get3A_267, %broadcast_in_dim3A_26 : vector<16xi1>, vector<16xi32>
        %swap3A_274 = arith.constant 16 : index
        %swap3A_275 = tpu.vector_load %arg13[%swap3A_274] {strides = array<i32>} : memref<64xi32, #tpu.memory_space<vmem>>, vector<16xi32>,
        tpu.vector_store %arg13[%swap3A_274], %select_n3A_273 {strides = array<i32>} : memref<64xi32, #tpu.memory_space<vmem>>, vector<16xi32>,
        %sub3A_276 = arith.subi %get3A_267, %broadcast_in_dim3A_22 : vector<16xi32>
        %select_n3A_277 = arith.select %and3A_272, %sub3A_276, %broadcast_in_dim3A_26 : vector<16xi1>, vector<16xi32>
        %swap3A_278 = arith.constant 16 : index
        %swap3A_279 = tpu.vector_load %arg14[%swap3A_278] {strides = array<i32>} : memref<64xi32, #tpu.memory_space<vmem>>, vector<16xi32>,
        tpu.vector_store %arg14[%swap3A_278], %select_n3A_277 {strides = array<i32>} : memref<64xi32, #tpu.memory_space<vmem>>, vector<16xi32>,
        %get3A_280 = arith.constant 32 : index
        %get3A_281 = tpu.vector_load %arg12[%get3A_280] {strides = array<i32>} : memref<64xi32, #tpu.memory_space<vmem>>, vector<16xi32>,
        %lt3A_282 = arith.cmpi slt, %get3A_281, %broadcast_in_dim3A_22 : vector<16xi32>
        %not3A_283 = arith.constant dense<true> : vector<16xi1>
        %not3A_284 = arith.xori %lt3A_282, %not3A_283 : vector<16xi1>
        %lt3A_285 = arith.cmpi slt, %get3A_281, %broadcast_in_dim3A_24 : vector<16xi32>
        %and3A_286 = arith.andi %not3A_284, %lt3A_285 : vector<16xi1>
        %select_n3A_287 = arith.select %lt3A_282, %get3A_281, %broadcast_in_dim3A_26 : vector<16xi1>, vector<16xi32>
        %swap3A_288 = arith.constant 32 : index
        %swap3A_289 = tpu.vector_load %arg13[%swap3A_288] {strides = array<i32>} : memref<64xi32, #tpu.memory_space<vmem>>, vector<16xi32>,
        tpu.vector_store %arg13[%swap3A_288], %select_n3A_287 {strides = array<i32>} : memref<64xi32, #tpu.memory_space<vmem>>, vector<16xi32>,
        %sub3A_290 = arith.subi %get3A_281, %broadcast_in_dim3A_22 : vector<16xi32>
        %select_n3A_291 = arith.select %and3A_286, %sub3A_290, %broadcast_in_dim3A_26 : vector<16xi1>, vector<16xi32>
        %swap3A_292 = arith.constant 32 : index
        %swap3A_293 = tpu.vector_load %arg14[%swap3A_292] {strides = array<i32>} : memref<64xi32, #tpu.memory_space<vmem>>, vector<16xi32>,
        tpu.vector_store %arg14[%swap3A_292], %select_n3A_291 {strides = array<i32>} : memref<64xi32, #tpu.memory_space<vmem>>, vector<16xi32>,
        %get3A_294 = arith.constant 48 : index
        %get3A_295 = tpu.vector_load %arg12[%get3A_294] {strides = array<i32>} : memref<64xi32, #tpu.memory_space<vmem>>, vector<16xi32>,
        %lt3A_296 = arith.cmpi slt, %get3A_295, %broadcast_in_dim3A_22 : vector<16xi32>
        %not3A_297 = arith.constant dense<true> : vector<16xi1>
        %not3A_298 = arith.xori %lt3A_296, %not3A_297 : vector<16xi1>
        %lt3A_299 = arith.cmpi slt, %get3A_295, %broadcast_in_dim3A_24 : vector<16xi32>
        %and3A_300 = arith.andi %not3A_298, %lt3A_299 : vector<16xi1>
        %select_n3A_301 = arith.select %lt3A_296, %get3A_295, %broadcast_in_dim3A_26 : vector<16xi1>, vector<16xi32>
        %swap3A_302 = arith.constant 48 : index
        %swap3A_303 = tpu.vector_load %arg13[%swap3A_302] {strides = array<i32>} : memref<64xi32, #tpu.memory_space<vmem>>, vector<16xi32>,
        tpu.vector_store %arg13[%swap3A_302], %select_n3A_301 {strides = array<i32>} : memref<64xi32, #tpu.memory_space<vmem>>, vector<16xi32>,
        %sub3A_304 = arith.subi %get3A_295, %broadcast_in_dim3A_22 : vector<16xi32>
        %select_n3A_305 = arith.select %and3A_300, %sub3A_304, %broadcast_in_dim3A_26 : vector<16xi1>, vector<16xi32>
        %swap3A_306 = arith.constant 48 : index
        %swap3A_307 = tpu.vector_load %arg14[%swap3A_306] {strides = array<i32>} : memref<64xi32, #tpu.memory_space<vmem>>, vector<16xi32>,
        tpu.vector_store %arg14[%swap3A_306], %select_n3A_305 {strides = array<i32>} : memref<64xi32, #tpu.memory_space<vmem>>, vector<16xi32>,
      } else {
      }
      %mul3A_201 = arith.constant 64 : i32
      %mul3A_202 = arith.muli %add3A_194, %mul3A_201 : i32
      %add3A_203 = arith.addi %mul3A_40, %mul3A_202 : i32
      %dma_wait3A_204 = arith.constant 0 : i32
      %dma_wait3A_205 = arith.constant 0 : i32
      %dma_wait3A_206 = tpu.memref_slice %arg2[%dma_wait3A_204, %dma_wait3A_205] : memref<10240x128xf32, #tpu.memory_space<hbm>> -> memref<10240x128xf32, #tpu.memory_space<hbm>>
      tpu.wait_indirect_dma semaphore(%arg30 : memref<!tpu.dma_semaphore, #tpu.memory_space<semaphore_mem>>) src(%dma_wait3A_206 : memref<10240x128xf32, #tpu.memory_space<hbm>>) dst(%arg22 : memref<64x128xf32, #tpu.memory_space<vmem>>)
      %dma_wait3A_207 = arith.constant 0 : i32
      %dma_wait3A_208 = arith.constant 0 : i32
      %dma_wait3A_209 = tpu.memref_slice %arg3[%dma_wait3A_207, %dma_wait3A_208] : memref<10240x128xf32, #tpu.memory_space<hbm>> -> memref<10240x128xf32, #tpu.memory_space<hbm>>
      tpu.wait_indirect_dma semaphore(%arg30 : memref<!tpu.dma_semaphore, #tpu.memory_space<semaphore_mem>>) src(%dma_wait3A_209 : memref<10240x128xf32, #tpu.memory_space<hbm>>) dst(%arg23 : memref<64x128xf32, #tpu.memory_space<vmem>>)
      %dma_wait3A_210 = arith.constant 0 : i32
      %dma_wait3A_211 = tpu.memref_slice %arg4[%add3A_203, %dma_wait3A_210] : memref<327680x128xf32, #tpu.memory_space<hbm>> -> memref<64x128xf32, #tpu.memory_space<hbm>>
      %dma_wait3A_212 = arith.constant 0 : i32
      %dma_wait3A_213 = tpu.memref_slice %arg4[%add3A_203, %dma_wait3A_212] : memref<327680x128xf32, #tpu.memory_space<hbm>> -> memref<64x128xf32, #tpu.memory_space<hbm>>
      tpu.wait_dma2 semaphore(%arg30 : memref<!tpu.dma_semaphore, #tpu.memory_space<semaphore_mem>>) src(%dma_wait3A_213 : memref<64x128xf32, #tpu.memory_space<hbm>>) dst(%arg24 : memref<64x128xf32, #tpu.memory_space<vmem>>)
      %add3A_214 = arith.constant 2 : i32
      %add3A_215 = arith.addi %add3A_194, %add3A_214 : i32
      %lt3A_216 = arith.cmpi slt, %add3A_215, %select_n3A : i32
      %convert_element_type3A_217 = arith.extui %lt3A_216 : i1 to i32
      %cond3A_218 = arith.constant 0 : i32
      %cond3A_219 = arith.cmpi ne, %convert_element_type3A_217, %cond3A_218 : i32
      scf.if %cond3A_219 {
        %add3A_229 = arith.constant 2 : i32
        %add3A_230 = arith.addi %add3A_194, %add3A_229 : i32
        %mul3A_231 = arith.constant 64 : i32
        %mul3A_232 = arith.muli %add3A_230, %mul3A_231 : i32
        %add3A_233 = arith.addi %mul3A_40, %mul3A_232 : i32
        %dma_start3A_234 = tpu.memref_slice %arg5[%add3A_233] : memref<327680xi32, #tpu.memory_space<hbm>> -> memref<64xi32, #tpu.memory_space<hbm>>
        %dma_start3A_235 = tpu.memref_slice %arg5[%add3A_233] : memref<327680xi32, #tpu.memory_space<hbm>> -> memref<64xi32, #tpu.memory_space<hbm>>
        tpu.enqueue_dma source(%dma_start3A_235 : memref<64xi32, #tpu.memory_space<hbm>>) target(%arg18 : memref<64xi32, #tpu.memory_space<vmem>>) target_semaphore(%arg32 : memref<!tpu.dma_semaphore, #tpu.memory_space<semaphore_mem>>)
        %dma_start3A_236 = tpu.memref_slice %arg6[%add3A_233] : memref<327680xi32, #tpu.memory_space<hbm>> -> memref<64xi32, #tpu.memory_space<hbm>>
        %dma_start3A_237 = tpu.memref_slice %arg6[%add3A_233] : memref<327680xi32, #tpu.memory_space<hbm>> -> memref<64xi32, #tpu.memory_space<hbm>>
        tpu.enqueue_dma source(%dma_start3A_237 : memref<64xi32, #tpu.memory_space<hbm>>) target(%arg19 : memref<64xi32, #tpu.memory_space<vmem>>) target_semaphore(%arg32 : memref<!tpu.dma_semaphore, #tpu.memory_space<semaphore_mem>>)
      } else {
      }
      %parallel_loop3A_220 = arith.constant 0 : i32
      %parallel_loop3A_221 = arith.constant 64 : i32
      %parallel_loop3A_222 = arith.constant 1 : i32
      scf.for %parallel_loop3A_229 = %parallel_loop3A_220 to %parallel_loop3A_221 step %parallel_loop3A_222  : i32 {
        %parallel_loop3A_230 = arith.constant 0.000000e+00 : f32
        %parallel_loop3A_231 = vector.broadcast %parallel_loop3A_230 : f32 to vector<16xf32>
        %parallel_loop3A_232 = arith.index_cast %parallel_loop3A_229 : i32 to index
        %parallel_loop3A_233 = arith.constant 0 : index
        %parallel_loop3A_234 = tpu.vector_load %arg22[%parallel_loop3A_232, %parallel_loop3A_233] {strides = array<i32>} : memref<64x128xf32, #tpu.memory_space<vmem>>, vector<16xf32>,
        %parallel_loop3A_235 = arith.index_cast %parallel_loop3A_229 : i32 to index
        %parallel_loop3A_236 = arith.constant 0 : index
        %parallel_loop3A_237 = tpu.vector_load %arg23[%parallel_loop3A_235, %parallel_loop3A_236] {strides = array<i32>} : memref<64x128xf32, #tpu.memory_space<vmem>>, vector<16xf32>,
        %parallel_loop3A_238 = arith.addf %parallel_loop3A_234, %parallel_loop3A_237 : vector<16xf32>
        %parallel_loop3A_239 = arith.index_cast %parallel_loop3A_229 : i32 to index
        %parallel_loop3A_240 = arith.constant 0 : index
        %parallel_loop3A_241 = tpu.vector_load %arg24[%parallel_loop3A_239, %parallel_loop3A_240] {strides = array<i32>} : memref<64x128xf32, #tpu.memory_space<vmem>>, vector<16xf32>,
        %parallel_loop3A_242 = arith.addf %parallel_loop3A_238, %parallel_loop3A_241 : vector<16xf32>
        %parallel_loop3A_243 = arith.constant 0.000000e+00 : f32
        %parallel_loop3A_244 = vector.broadcast %parallel_loop3A_243 : f32 to vector<16xf32>
        %parallel_loop3A_245 = arith.subf %parallel_loop3A_244, %parallel_loop3A_242 : vector<16xf32>
        %parallel_loop3A_246 = math.exp %parallel_loop3A_245 : vector<16xf32>
        %parallel_loop3A_247 = arith.constant 1.000000e+00 : f32
        %parallel_loop3A_248 = vector.broadcast %parallel_loop3A_247 : f32 to vector<16xf32>
        %parallel_loop3A_249 = arith.addf %parallel_loop3A_248, %parallel_loop3A_246 : vector<16xf32>
        %parallel_loop3A_250 = arith.constant 1.000000e+00 : f32
        %parallel_loop3A_251 = vector.broadcast %parallel_loop3A_250 : f32 to vector<16xf32>
        %parallel_loop3A_252 = arith.divf %parallel_loop3A_251, %parallel_loop3A_249 : vector<16xf32>
        %parallel_loop3A_253 = arith.mulf %parallel_loop3A_242, %parallel_loop3A_252 : vector<16xf32>
        %parallel_loop3A_254 = arith.mulf %parallel_loop3A_253, %get3A_5 : vector<16xf32>
        %parallel_loop3A_255 = arith.addf %parallel_loop3A_231, %parallel_loop3A_254 : vector<16xf32>
        %parallel_loop3A_256 = arith.index_cast %parallel_loop3A_229 : i32 to index
        %parallel_loop3A_257 = arith.constant 16 : index
        %parallel_loop3A_258 = tpu.vector_load %arg22[%parallel_loop3A_256, %parallel_loop3A_257] {strides = array<i32>} : memref<64x128xf32, #tpu.memory_space<vmem>>, vector<16xf32>,
        %parallel_loop3A_259 = arith.index_cast %parallel_loop3A_229 : i32 to index
        %parallel_loop3A_260 = arith.constant 16 : index
        %parallel_loop3A_261 = tpu.vector_load %arg23[%parallel_loop3A_259, %parallel_loop3A_260] {strides = array<i32>} : memref<64x128xf32, #tpu.memory_space<vmem>>, vector<16xf32>,
        %parallel_loop3A_262 = arith.addf %parallel_loop3A_258, %parallel_loop3A_261 : vector<16xf32>
        %parallel_loop3A_263 = arith.index_cast %parallel_loop3A_229 : i32 to index
        %parallel_loop3A_264 = arith.constant 16 : index
        %parallel_loop3A_265 = tpu.vector_load %arg24[%parallel_loop3A_263, %parallel_loop3A_264] {strides = array<i32>} : memref<64x128xf32, #tpu.memory_space<vmem>>, vector<16xf32>,
        %parallel_loop3A_266 = arith.addf %parallel_loop3A_262, %parallel_loop3A_265 : vector<16xf32>
        %parallel_loop3A_267 = arith.constant 0.000000e+00 : f32
        %parallel_loop3A_268 = vector.broadcast %parallel_loop3A_267 : f32 to vector<16xf32>
        %parallel_loop3A_269 = arith.subf %parallel_loop3A_268, %parallel_loop3A_266 : vector<16xf32>
        %parallel_loop3A_270 = math.exp %parallel_loop3A_269 : vector<16xf32>
        %parallel_loop3A_271 = arith.constant 1.000000e+00 : f32
        %parallel_loop3A_272 = vector.broadcast %parallel_loop3A_271 : f32 to vector<16xf32>
        %parallel_loop3A_273 = arith.addf %parallel_loop3A_272, %parallel_loop3A_270 : vector<16xf32>
        %parallel_loop3A_274 = arith.constant 1.000000e+00 : f32
        %parallel_loop3A_275 = vector.broadcast %parallel_loop3A_274 : f32 to vector<16xf32>
        %parallel_loop3A_276 = arith.divf %parallel_loop3A_275, %parallel_loop3A_273 : vector<16xf32>
        %parallel_loop3A_277 = arith.mulf %parallel_loop3A_266, %parallel_loop3A_276 : vector<16xf32>
        %parallel_loop3A_278 = arith.mulf %parallel_loop3A_277, %get3A_7 : vector<16xf32>
        %parallel_loop3A_279 = arith.addf %parallel_loop3A_255, %parallel_loop3A_278 : vector<16xf32>
        %parallel_loop3A_280 = arith.index_cast %parallel_loop3A_229 : i32 to index
        %parallel_loop3A_281 = arith.constant 32 : index
        %parallel_loop3A_282 = tpu.vector_load %arg22[%parallel_loop3A_280, %parallel_loop3A_281] {strides = array<i32>} : memref<64x128xf32, #tpu.memory_space<vmem>>, vector<16xf32>,
        %parallel_loop3A_283 = arith.index_cast %parallel_loop3A_229 : i32 to index
        %parallel_loop3A_284 = arith.constant 32 : index
        %parallel_loop3A_285 = tpu.vector_load %arg23[%parallel_loop3A_283, %parallel_loop3A_284] {strides = array<i32>} : memref<64x128xf32, #tpu.memory_space<vmem>>, vector<16xf32>,
        %parallel_loop3A_286 = arith.addf %parallel_loop3A_282, %parallel_loop3A_285 : vector<16xf32>
        %parallel_loop3A_287 = arith.index_cast %parallel_loop3A_229 : i32 to index
        %parallel_loop3A_288 = arith.constant 32 : index
        %parallel_loop3A_289 = tpu.vector_load %arg24[%parallel_loop3A_287, %parallel_loop3A_288] {strides = array<i32>} : memref<64x128xf32, #tpu.memory_space<vmem>>, vector<16xf32>,
        %parallel_loop3A_290 = arith.addf %parallel_loop3A_286, %parallel_loop3A_289 : vector<16xf32>
        %parallel_loop3A_291 = arith.constant 0.000000e+00 : f32
        %parallel_loop3A_292 = vector.broadcast %parallel_loop3A_291 : f32 to vector<16xf32>
        %parallel_loop3A_293 = arith.subf %parallel_loop3A_292, %parallel_loop3A_290 : vector<16xf32>
        %parallel_loop3A_294 = math.exp %parallel_loop3A_293 : vector<16xf32>
        %parallel_loop3A_295 = arith.constant 1.000000e+00 : f32
        %parallel_loop3A_296 = vector.broadcast %parallel_loop3A_295 : f32 to vector<16xf32>
        %parallel_loop3A_297 = arith.addf %parallel_loop3A_296, %parallel_loop3A_294 : vector<16xf32>
        %parallel_loop3A_298 = arith.constant 1.000000e+00 : f32
        %parallel_loop3A_299 = vector.broadcast %parallel_loop3A_298 : f32 to vector<16xf32>
        %parallel_loop3A_300 = arith.divf %parallel_loop3A_299, %parallel_loop3A_297 : vector<16xf32>
        %parallel_loop3A_301 = arith.mulf %parallel_loop3A_290, %parallel_loop3A_300 : vector<16xf32>
        %parallel_loop3A_302 = arith.mulf %parallel_loop3A_301, %get3A_9 : vector<16xf32>
        %parallel_loop3A_303 = arith.addf %parallel_loop3A_279, %parallel_loop3A_302 : vector<16xf32>
        %parallel_loop3A_304 = arith.index_cast %parallel_loop3A_229 : i32 to index
        %parallel_loop3A_305 = arith.constant 48 : index
        %parallel_loop3A_306 = tpu.vector_load %arg22[%parallel_loop3A_304, %parallel_loop3A_305] {strides = array<i32>} : memref<64x128xf32, #tpu.memory_space<vmem>>, vector<16xf32>,
        %parallel_loop3A_307 = arith.index_cast %parallel_loop3A_229 : i32 to index
        %parallel_loop3A_308 = arith.constant 48 : index
        %parallel_loop3A_309 = tpu.vector_load %arg23[%parallel_loop3A_307, %parallel_loop3A_308] {strides = array<i32>} : memref<64x128xf32, #tpu.memory_space<vmem>>, vector<16xf32>,
        %parallel_loop3A_310 = arith.addf %parallel_loop3A_306, %parallel_loop3A_309 : vector<16xf32>
        %parallel_loop3A_311 = arith.index_cast %parallel_loop3A_229 : i32 to index
        %parallel_loop3A_312 = arith.constant 48 : index
        %parallel_loop3A_313 = tpu.vector_load %arg24[%parallel_loop3A_311, %parallel_loop3A_312] {strides = array<i32>} : memref<64x128xf32, #tpu.memory_space<vmem>>, vector<16xf32>,
        %parallel_loop3A_314 = arith.addf %parallel_loop3A_310, %parallel_loop3A_313 : vector<16xf32>
        %parallel_loop3A_315 = arith.constant 0.000000e+00 : f32
        %parallel_loop3A_316 = vector.broadcast %parallel_loop3A_315 : f32 to vector<16xf32>
        %parallel_loop3A_317 = arith.subf %parallel_loop3A_316, %parallel_loop3A_314 : vector<16xf32>
        %parallel_loop3A_318 = math.exp %parallel_loop3A_317 : vector<16xf32>
        %parallel_loop3A_319 = arith.constant 1.000000e+00 : f32
        %parallel_loop3A_320 = vector.broadcast %parallel_loop3A_319 : f32 to vector<16xf32>
        %parallel_loop3A_321 = arith.addf %parallel_loop3A_320, %parallel_loop3A_318 : vector<16xf32>
        %parallel_loop3A_322 = arith.constant 1.000000e+00 : f32
        %parallel_loop3A_323 = vector.broadcast %parallel_loop3A_322 : f32 to vector<16xf32>
        %parallel_loop3A_324 = arith.divf %parallel_loop3A_323, %parallel_loop3A_321 : vector<16xf32>
        %parallel_loop3A_325 = arith.mulf %parallel_loop3A_314, %parallel_loop3A_324 : vector<16xf32>
        %parallel_loop3A_326 = arith.mulf %parallel_loop3A_325, %get3A_11 : vector<16xf32>
        %parallel_loop3A_327 = arith.addf %parallel_loop3A_303, %parallel_loop3A_326 : vector<16xf32>
        %parallel_loop3A_328 = arith.index_cast %parallel_loop3A_229 : i32 to index
        %parallel_loop3A_329 = arith.constant 64 : index
        %parallel_loop3A_330 = tpu.vector_load %arg22[%parallel_loop3A_328, %parallel_loop3A_329] {strides = array<i32>} : memref<64x128xf32, #tpu.memory_space<vmem>>, vector<16xf32>,
        %parallel_loop3A_331 = arith.index_cast %parallel_loop3A_229 : i32 to index
        %parallel_loop3A_332 = arith.constant 64 : index
        %parallel_loop3A_333 = tpu.vector_load %arg23[%parallel_loop3A_331, %parallel_loop3A_332] {strides = array<i32>} : memref<64x128xf32, #tpu.memory_space<vmem>>, vector<16xf32>,
        %parallel_loop3A_334 = arith.addf %parallel_loop3A_330, %parallel_loop3A_333 : vector<16xf32>
        %parallel_loop3A_335 = arith.index_cast %parallel_loop3A_229 : i32 to index
        %parallel_loop3A_336 = arith.constant 64 : index
        %parallel_loop3A_337 = tpu.vector_load %arg24[%parallel_loop3A_335, %parallel_loop3A_336] {strides = array<i32>} : memref<64x128xf32, #tpu.memory_space<vmem>>, vector<16xf32>,
        %parallel_loop3A_338 = arith.addf %parallel_loop3A_334, %parallel_loop3A_337 : vector<16xf32>
        %parallel_loop3A_339 = arith.constant 0.000000e+00 : f32
        %parallel_loop3A_340 = vector.broadcast %parallel_loop3A_339 : f32 to vector<16xf32>
        %parallel_loop3A_341 = arith.subf %parallel_loop3A_340, %parallel_loop3A_338 : vector<16xf32>
        %parallel_loop3A_342 = math.exp %parallel_loop3A_341 : vector<16xf32>
        %parallel_loop3A_343 = arith.constant 1.000000e+00 : f32
        %parallel_loop3A_344 = vector.broadcast %parallel_loop3A_343 : f32 to vector<16xf32>
        %parallel_loop3A_345 = arith.addf %parallel_loop3A_344, %parallel_loop3A_342 : vector<16xf32>
        %parallel_loop3A_346 = arith.constant 1.000000e+00 : f32
        %parallel_loop3A_347 = vector.broadcast %parallel_loop3A_346 : f32 to vector<16xf32>
        %parallel_loop3A_348 = arith.divf %parallel_loop3A_347, %parallel_loop3A_345 : vector<16xf32>
        %parallel_loop3A_349 = arith.mulf %parallel_loop3A_338, %parallel_loop3A_348 : vector<16xf32>
        %parallel_loop3A_350 = arith.mulf %parallel_loop3A_349, %get3A_13 : vector<16xf32>
        %parallel_loop3A_351 = arith.addf %parallel_loop3A_327, %parallel_loop3A_350 : vector<16xf32>
        %parallel_loop3A_352 = arith.index_cast %parallel_loop3A_229 : i32 to index
        %parallel_loop3A_353 = arith.constant 80 : index
        %parallel_loop3A_354 = tpu.vector_load %arg22[%parallel_loop3A_352, %parallel_loop3A_353] {strides = array<i32>} : memref<64x128xf32, #tpu.memory_space<vmem>>, vector<16xf32>,
        %parallel_loop3A_355 = arith.index_cast %parallel_loop3A_229 : i32 to index
        %parallel_loop3A_356 = arith.constant 80 : index
        %parallel_loop3A_357 = tpu.vector_load %arg23[%parallel_loop3A_355, %parallel_loop3A_356] {strides = array<i32>} : memref<64x128xf32, #tpu.memory_space<vmem>>, vector<16xf32>,
        %parallel_loop3A_358 = arith.addf %parallel_loop3A_354, %parallel_loop3A_357 : vector<16xf32>
        %parallel_loop3A_359 = arith.index_cast %parallel_loop3A_229 : i32 to index
        %parallel_loop3A_360 = arith.constant 80 : index
        %parallel_loop3A_361 = tpu.vector_load %arg24[%parallel_loop3A_359, %parallel_loop3A_360] {strides = array<i32>} : memref<64x128xf32, #tpu.memory_space<vmem>>, vector<16xf32>,
        %parallel_loop3A_362 = arith.addf %parallel_loop3A_358, %parallel_loop3A_361 : vector<16xf32>
        %parallel_loop3A_363 = arith.constant 0.000000e+00 : f32
        %parallel_loop3A_364 = vector.broadcast %parallel_loop3A_363 : f32 to vector<16xf32>
        %parallel_loop3A_365 = arith.subf %parallel_loop3A_364, %parallel_loop3A_362 : vector<16xf32>
        %parallel_loop3A_366 = math.exp %parallel_loop3A_365 : vector<16xf32>
        %parallel_loop3A_367 = arith.constant 1.000000e+00 : f32
        %parallel_loop3A_368 = vector.broadcast %parallel_loop3A_367 : f32 to vector<16xf32>
        %parallel_loop3A_369 = arith.addf %parallel_loop3A_368, %parallel_loop3A_366 : vector<16xf32>
        %parallel_loop3A_370 = arith.constant 1.000000e+00 : f32
        %parallel_loop3A_371 = vector.broadcast %parallel_loop3A_370 : f32 to vector<16xf32>
        %parallel_loop3A_372 = arith.divf %parallel_loop3A_371, %parallel_loop3A_369 : vector<16xf32>
        %parallel_loop3A_373 = arith.mulf %parallel_loop3A_362, %parallel_loop3A_372 : vector<16xf32>
        %parallel_loop3A_374 = arith.mulf %parallel_loop3A_373, %get3A_15 : vector<16xf32>
        %parallel_loop3A_375 = arith.addf %parallel_loop3A_351, %parallel_loop3A_374 : vector<16xf32>
        %parallel_loop3A_376 = arith.index_cast %parallel_loop3A_229 : i32 to index
        %parallel_loop3A_377 = arith.constant 96 : index
        %parallel_loop3A_378 = tpu.vector_load %arg22[%parallel_loop3A_376, %parallel_loop3A_377] {strides = array<i32>} : memref<64x128xf32, #tpu.memory_space<vmem>>, vector<16xf32>,
        %parallel_loop3A_379 = arith.index_cast %parallel_loop3A_229 : i32 to index
        %parallel_loop3A_380 = arith.constant 96 : index
        %parallel_loop3A_381 = tpu.vector_load %arg23[%parallel_loop3A_379, %parallel_loop3A_380] {strides = array<i32>} : memref<64x128xf32, #tpu.memory_space<vmem>>, vector<16xf32>,
        %parallel_loop3A_382 = arith.addf %parallel_loop3A_378, %parallel_loop3A_381 : vector<16xf32>
        %parallel_loop3A_383 = arith.index_cast %parallel_loop3A_229 : i32 to index
        %parallel_loop3A_384 = arith.constant 96 : index
        %parallel_loop3A_385 = tpu.vector_load %arg24[%parallel_loop3A_383, %parallel_loop3A_384] {strides = array<i32>} : memref<64x128xf32, #tpu.memory_space<vmem>>, vector<16xf32>,
        %parallel_loop3A_386 = arith.addf %parallel_loop3A_382, %parallel_loop3A_385 : vector<16xf32>
        %parallel_loop3A_387 = arith.constant 0.000000e+00 : f32
        %parallel_loop3A_388 = vector.broadcast %parallel_loop3A_387 : f32 to vector<16xf32>
        %parallel_loop3A_389 = arith.subf %parallel_loop3A_388, %parallel_loop3A_386 : vector<16xf32>
        %parallel_loop3A_390 = math.exp %parallel_loop3A_389 : vector<16xf32>
        %parallel_loop3A_391 = arith.constant 1.000000e+00 : f32
        %parallel_loop3A_392 = vector.broadcast %parallel_loop3A_391 : f32 to vector<16xf32>
        %parallel_loop3A_393 = arith.addf %parallel_loop3A_392, %parallel_loop3A_390 : vector<16xf32>
        %parallel_loop3A_394 = arith.constant 1.000000e+00 : f32
        %parallel_loop3A_395 = vector.broadcast %parallel_loop3A_394 : f32 to vector<16xf32>
        %parallel_loop3A_396 = arith.divf %parallel_loop3A_395, %parallel_loop3A_393 : vector<16xf32>
        %parallel_loop3A_397 = arith.mulf %parallel_loop3A_386, %parallel_loop3A_396 : vector<16xf32>
        %parallel_loop3A_398 = arith.mulf %parallel_loop3A_397, %get3A_17 : vector<16xf32>
        %parallel_loop3A_399 = arith.addf %parallel_loop3A_375, %parallel_loop3A_398 : vector<16xf32>
        %parallel_loop3A_400 = arith.index_cast %parallel_loop3A_229 : i32 to index
        %parallel_loop3A_401 = arith.constant 112 : index
        %parallel_loop3A_402 = tpu.vector_load %arg22[%parallel_loop3A_400, %parallel_loop3A_401] {strides = array<i32>} : memref<64x128xf32, #tpu.memory_space<vmem>>, vector<16xf32>,
        %parallel_loop3A_403 = arith.index_cast %parallel_loop3A_229 : i32 to index
        %parallel_loop3A_404 = arith.constant 112 : index
        %parallel_loop3A_405 = tpu.vector_load %arg23[%parallel_loop3A_403, %parallel_loop3A_404] {strides = array<i32>} : memref<64x128xf32, #tpu.memory_space<vmem>>, vector<16xf32>,
        %parallel_loop3A_406 = arith.addf %parallel_loop3A_402, %parallel_loop3A_405 : vector<16xf32>
        %parallel_loop3A_407 = arith.index_cast %parallel_loop3A_229 : i32 to index
        %parallel_loop3A_408 = arith.constant 112 : index
        %parallel_loop3A_409 = tpu.vector_load %arg24[%parallel_loop3A_407, %parallel_loop3A_408] {strides = array<i32>} : memref<64x128xf32, #tpu.memory_space<vmem>>, vector<16xf32>,
        %parallel_loop3A_410 = arith.addf %parallel_loop3A_406, %parallel_loop3A_409 : vector<16xf32>
        %parallel_loop3A_411 = arith.constant 0.000000e+00 : f32
        %parallel_loop3A_412 = vector.broadcast %parallel_loop3A_411 : f32 to vector<16xf32>
        %parallel_loop3A_413 = arith.subf %parallel_loop3A_412, %parallel_loop3A_410 : vector<16xf32>
        %parallel_loop3A_414 = math.exp %parallel_loop3A_413 : vector<16xf32>
        %parallel_loop3A_415 = arith.constant 1.000000e+00 : f32
        %parallel_loop3A_416 = vector.broadcast %parallel_loop3A_415 : f32 to vector<16xf32>
        %parallel_loop3A_417 = arith.addf %parallel_loop3A_416, %parallel_loop3A_414 : vector<16xf32>
        %parallel_loop3A_418 = arith.constant 1.000000e+00 : f32
        %parallel_loop3A_419 = vector.broadcast %parallel_loop3A_418 : f32 to vector<16xf32>
        %parallel_loop3A_420 = arith.divf %parallel_loop3A_419, %parallel_loop3A_417 : vector<16xf32>
        %parallel_loop3A_421 = arith.mulf %parallel_loop3A_410, %parallel_loop3A_420 : vector<16xf32>
        %parallel_loop3A_422 = arith.mulf %parallel_loop3A_421, %get3A_19 : vector<16xf32>
        %parallel_loop3A_423 = arith.addf %parallel_loop3A_399, %parallel_loop3A_422 : vector<16xf32>
        %parallel_loop3A_424 = arith.constant true
        %parallel_loop3A_425 = vector.broadcast %parallel_loop3A_424 : i1 to vector<16xi1>
        %parallel_loop3A_426 = tpu.scan <sum>, %parallel_loop3A_423 masked %parallel_loop3A_425 : vector<16xf32>, vector<16xi1> -> vector<16xf32>
        %parallel_loop3A_427 = vector.extract %parallel_loop3A_426[15] : f32 from vector<16xf32>
        %parallel_loop3A_428 = vector.broadcast %parallel_loop3A_427 : f32 to vector<16xf32>
        %parallel_loop3A_429 = arith.addf %parallel_loop3A_428, %get3A_21 : vector<16xf32>
        %parallel_loop3A_430 = arith.constant 0.000000e+00 : f32
        %parallel_loop3A_431 = vector.broadcast %parallel_loop3A_430 : f32 to vector<16xf32>
        %parallel_loop3A_432 = arith.subf %parallel_loop3A_431, %parallel_loop3A_429 : vector<16xf32>
        %parallel_loop3A_433 = math.exp %parallel_loop3A_432 : vector<16xf32>
        %parallel_loop3A_434 = arith.constant 1.000000e+00 : f32
        %parallel_loop3A_435 = vector.broadcast %parallel_loop3A_434 : f32 to vector<16xf32>
        %parallel_loop3A_436 = arith.addf %parallel_loop3A_435, %parallel_loop3A_433 : vector<16xf32>
        %parallel_loop3A_437 = arith.constant 1.000000e+00 : f32
        %parallel_loop3A_438 = vector.broadcast %parallel_loop3A_437 : f32 to vector<16xf32>
        %parallel_loop3A_439 = arith.divf %parallel_loop3A_438, %parallel_loop3A_436 : vector<16xf32>
        %parallel_loop3A_440 = arith.mulf %parallel_loop3A_253, %parallel_loop3A_439 : vector<16xf32>
        %parallel_loop3A_441 = arith.index_cast %parallel_loop3A_229 : i32 to index
        %parallel_loop3A_442 = arith.constant 0 : index
        %parallel_loop3A_443 = tpu.vector_load %arg22[%parallel_loop3A_441, %parallel_loop3A_442] {strides = array<i32>} : memref<64x128xf32, #tpu.memory_space<vmem>>, vector<16xf32>,
        tpu.vector_store %arg22[%parallel_loop3A_441, %parallel_loop3A_442], %parallel_loop3A_440 {strides = array<i32>} : memref<64x128xf32, #tpu.memory_space<vmem>>, vector<16xf32>,
        %parallel_loop3A_444 = arith.mulf %parallel_loop3A_277, %parallel_loop3A_439 : vector<16xf32>
        %parallel_loop3A_445 = arith.index_cast %parallel_loop3A_229 : i32 to index
        %parallel_loop3A_446 = arith.constant 16 : index
        %parallel_loop3A_447 = tpu.vector_load %arg22[%parallel_loop3A_445, %parallel_loop3A_446] {strides = array<i32>} : memref<64x128xf32, #tpu.memory_space<vmem>>, vector<16xf32>,
        tpu.vector_store %arg22[%parallel_loop3A_445, %parallel_loop3A_446], %parallel_loop3A_444 {strides = array<i32>} : memref<64x128xf32, #tpu.memory_space<vmem>>, vector<16xf32>,
        %parallel_loop3A_448 = arith.mulf %parallel_loop3A_301, %parallel_loop3A_439 : vector<16xf32>
        %parallel_loop3A_449 = arith.index_cast %parallel_loop3A_229 : i32 to index
        %parallel_loop3A_450 = arith.constant 32 : index
        %parallel_loop3A_451 = tpu.vector_load %arg22[%parallel_loop3A_449, %parallel_loop3A_450] {strides = array<i32>} : memref<64x128xf32, #tpu.memory_space<vmem>>, vector<16xf32>,
        tpu.vector_store %arg22[%parallel_loop3A_449, %parallel_loop3A_450], %parallel_loop3A_448 {strides = array<i32>} : memref<64x128xf32, #tpu.memory_space<vmem>>, vector<16xf32>,
        %parallel_loop3A_452 = arith.mulf %parallel_loop3A_325, %parallel_loop3A_439 : vector<16xf32>
        %parallel_loop3A_453 = arith.index_cast %parallel_loop3A_229 : i32 to index
        %parallel_loop3A_454 = arith.constant 48 : index
        %parallel_loop3A_455 = tpu.vector_load %arg22[%parallel_loop3A_453, %parallel_loop3A_454] {strides = array<i32>} : memref<64x128xf32, #tpu.memory_space<vmem>>, vector<16xf32>,
        tpu.vector_store %arg22[%parallel_loop3A_453, %parallel_loop3A_454], %parallel_loop3A_452 {strides = array<i32>} : memref<64x128xf32, #tpu.memory_space<vmem>>, vector<16xf32>,
        %parallel_loop3A_456 = arith.mulf %parallel_loop3A_349, %parallel_loop3A_439 : vector<16xf32>
        %parallel_loop3A_457 = arith.index_cast %parallel_loop3A_229 : i32 to index
        %parallel_loop3A_458 = arith.constant 64 : index
        %parallel_loop3A_459 = tpu.vector_load %arg22[%parallel_loop3A_457, %parallel_loop3A_458] {strides = array<i32>} : memref<64x128xf32, #tpu.memory_space<vmem>>, vector<16xf32>,
        tpu.vector_store %arg22[%parallel_loop3A_457, %parallel_loop3A_458], %parallel_loop3A_456 {strides = array<i32>} : memref<64x128xf32, #tpu.memory_space<vmem>>, vector<16xf32>,
        %parallel_loop3A_460 = arith.mulf %parallel_loop3A_373, %parallel_loop3A_439 : vector<16xf32>
        %parallel_loop3A_461 = arith.index_cast %parallel_loop3A_229 : i32 to index
        %parallel_loop3A_462 = arith.constant 80 : index
        %parallel_loop3A_463 = tpu.vector_load %arg22[%parallel_loop3A_461, %parallel_loop3A_462] {strides = array<i32>} : memref<64x128xf32, #tpu.memory_space<vmem>>, vector<16xf32>,
        tpu.vector_store %arg22[%parallel_loop3A_461, %parallel_loop3A_462], %parallel_loop3A_460 {strides = array<i32>} : memref<64x128xf32, #tpu.memory_space<vmem>>, vector<16xf32>,
        %parallel_loop3A_464 = arith.mulf %parallel_loop3A_397, %parallel_loop3A_439 : vector<16xf32>
        %parallel_loop3A_465 = arith.index_cast %parallel_loop3A_229 : i32 to index
        %parallel_loop3A_466 = arith.constant 96 : index
        %parallel_loop3A_467 = tpu.vector_load %arg22[%parallel_loop3A_465, %parallel_loop3A_466] {strides = array<i32>} : memref<64x128xf32, #tpu.memory_space<vmem>>, vector<16xf32>,
        tpu.vector_store %arg22[%parallel_loop3A_465, %parallel_loop3A_466], %parallel_loop3A_464 {strides = array<i32>} : memref<64x128xf32, #tpu.memory_space<vmem>>, vector<16xf32>,
        %parallel_loop3A_468 = arith.mulf %parallel_loop3A_421, %parallel_loop3A_439 : vector<16xf32>
        %parallel_loop3A_469 = arith.index_cast %parallel_loop3A_229 : i32 to index
        %parallel_loop3A_470 = arith.constant 112 : index
        %parallel_loop3A_471 = tpu.vector_load %arg22[%parallel_loop3A_469, %parallel_loop3A_470] {strides = array<i32>} : memref<64x128xf32, #tpu.memory_space<vmem>>, vector<16xf32>,
        tpu.vector_store %arg22[%parallel_loop3A_469, %parallel_loop3A_470], %parallel_loop3A_468 {strides = array<i32>} : memref<64x128xf32, #tpu.memory_space<vmem>>, vector<16xf32>,
      } {sc.loop_unroll_factor = 2 : i64, sc.parallel_access}
      %dma_start3A_223 = arith.constant 0 : i32
      %dma_start3A_224 = arith.constant 0 : i32
      %dma_start3A_225 = tpu.memref_slice %arg27[%dma_start3A_223, %dma_start3A_224] : memref<5008x128xf32, #tpu.memory_space<vmem_shared>> -> memref<5008x128xf32, #tpu.memory_space<vmem_shared>>
      tpu.enqueue_indirect_dma source(%arg22 : memref<64x128xf32, #tpu.memory_space<vmem>>) target(%dma_start3A_225 : memref<5008x128xf32, #tpu.memory_space<vmem_shared>>) offsets(%arg20 : memref<64xi32, #tpu.memory_space<vmem>>) semaphore(%arg35 : memref<!tpu.dma_semaphore, #tpu.memory_space<semaphore_mem>>) {add = true}
      %dma_start3A_226 = arith.constant 0 : i32
      %dma_start3A_227 = arith.constant 0 : i32
      %dma_start3A_228 = tpu.memref_slice %arg28[%dma_start3A_226, %dma_start3A_227] : memref<5008x128xf32, #tpu.memory_space<vmem_shared>> -> memref<5008x128xf32, #tpu.memory_space<vmem_shared>>
      tpu.enqueue_indirect_dma source(%arg22 : memref<64x128xf32, #tpu.memory_space<vmem>>) target(%dma_start3A_228 : memref<5008x128xf32, #tpu.memory_space<vmem_shared>>) offsets(%arg21 : memref<64xi32, #tpu.memory_space<vmem>>) semaphore(%arg36 : memref<!tpu.dma_semaphore, #tpu.memory_space<semaphore_mem>>) {add = true}
    }
    %while3A_134 = arith.constant 1 : i32
    scf.for %while3A_155 = %while3A_132 to %while3A_128 step %while3A_134  : i32 {
      %mul3A_156 = arith.muli %while3A_155, %while3A : i32
      %add3A_157 = arith.addi %while3A_125, %mul3A_156 : i32
      %add3A_158 = arith.constant 0 : i32
      %add3A_159 = arith.addi %add3A_157, %add3A_158 : i32
      %add3A_160 = arith.constant 1 : i32
      %add3A_161 = arith.addi %add3A_159, %add3A_160 : i32
      %lt3A_162 = arith.cmpi slt, %add3A_161, %select_n3A : i32
      %convert_element_type3A_163 = arith.extui %lt3A_162 : i1 to i32
      %cond3A_164 = arith.constant 0 : i32
      %cond3A_165 = arith.cmpi ne, %convert_element_type3A_163, %cond3A_164 : i32
      scf.if %cond3A_165 {
        %ge3A = arith.constant 1 : i32
        %ge3A_229 = arith.cmpi sge, %add3A_159, %ge3A : i32
        %convert_element_type3A_230 = arith.extui %ge3A_229 : i1 to i32
        %cond3A_231 = arith.constant 0 : i32
        %cond3A_232 = arith.cmpi ne, %convert_element_type3A_230, %cond3A_231 : i32
        scf.if %cond3A_232 {
          %dma_wait3A_308 = arith.constant 0 : i32
          %dma_wait3A_309 = arith.constant 0 : i32
          %dma_wait3A_310 = tpu.memref_slice %arg27[%dma_wait3A_308, %dma_wait3A_309] : memref<5008x128xf32, #tpu.memory_space<vmem_shared>> -> memref<5008x128xf32, #tpu.memory_space<vmem_shared>>
          tpu.wait_indirect_dma semaphore(%arg35 : memref<!tpu.dma_semaphore, #tpu.memory_space<semaphore_mem>>) src(%arg22 : memref<64x128xf32, #tpu.memory_space<vmem>>) dst(%dma_wait3A_310 : memref<5008x128xf32, #tpu.memory_space<vmem_shared>>)
          %dma_wait3A_311 = arith.constant 0 : i32
          %dma_wait3A_312 = arith.constant 0 : i32
          %dma_wait3A_313 = tpu.memref_slice %arg28[%dma_wait3A_311, %dma_wait3A_312] : memref<5008x128xf32, #tpu.memory_space<vmem_shared>> -> memref<5008x128xf32, #tpu.memory_space<vmem_shared>>
          tpu.wait_indirect_dma semaphore(%arg36 : memref<!tpu.dma_semaphore, #tpu.memory_space<semaphore_mem>>) src(%arg22 : memref<64x128xf32, #tpu.memory_space<vmem>>) dst(%dma_wait3A_313 : memref<5008x128xf32, #tpu.memory_space<vmem_shared>>)
        } else {
        }
        %add3A_233 = arith.constant 1 : i32
        %add3A_234 = arith.addi %add3A_159, %add3A_233 : i32
        %mul3A_235 = arith.constant 64 : i32
        %mul3A_236 = arith.muli %add3A_234, %mul3A_235 : i32
        %add3A_237 = arith.addi %mul3A_40, %mul3A_236 : i32
        %dma_wait3A_238 = tpu.memref_slice %arg5[%add3A_237] : memref<327680xi32, #tpu.memory_space<hbm>> -> memref<64xi32, #tpu.memory_space<hbm>>
        %dma_wait3A_239 = tpu.memref_slice %arg5[%add3A_237] : memref<327680xi32, #tpu.memory_space<hbm>> -> memref<64xi32, #tpu.memory_space<hbm>>
        tpu.wait_dma2 semaphore(%arg32 : memref<!tpu.dma_semaphore, #tpu.memory_space<semaphore_mem>>) src(%dma_wait3A_239 : memref<64xi32, #tpu.memory_space<hbm>>) dst(%arg18 : memref<64xi32, #tpu.memory_space<vmem>>)
        %dma_wait3A_240 = tpu.memref_slice %arg6[%add3A_237] : memref<327680xi32, #tpu.memory_space<hbm>> -> memref<64xi32, #tpu.memory_space<hbm>>
        %dma_wait3A_241 = tpu.memref_slice %arg6[%add3A_237] : memref<327680xi32, #tpu.memory_space<hbm>> -> memref<64xi32, #tpu.memory_space<hbm>>
        tpu.wait_dma2 semaphore(%arg32 : memref<!tpu.dma_semaphore, #tpu.memory_space<semaphore_mem>>) src(%dma_wait3A_241 : memref<64xi32, #tpu.memory_space<hbm>>) dst(%arg19 : memref<64xi32, #tpu.memory_space<vmem>>)
        %dma_start3A_242 = arith.constant 0 : i32
        %dma_start3A_243 = arith.constant 0 : i32
        %dma_start3A_244 = tpu.memref_slice %arg2[%dma_start3A_242, %dma_start3A_243] : memref<10240x128xf32, #tpu.memory_space<hbm>> -> memref<10240x128xf32, #tpu.memory_space<hbm>>
        tpu.enqueue_indirect_dma source(%dma_start3A_244 : memref<10240x128xf32, #tpu.memory_space<hbm>>) target(%arg22 : memref<64x128xf32, #tpu.memory_space<vmem>>) offsets(%arg18 : memref<64xi32, #tpu.memory_space<vmem>>) semaphore(%arg30 : memref<!tpu.dma_semaphore, #tpu.memory_space<semaphore_mem>>)
        %dma_start3A_245 = arith.constant 0 : i32
        %dma_start3A_246 = arith.constant 0 : i32
        %dma_start3A_247 = tpu.memref_slice %arg3[%dma_start3A_245, %dma_start3A_246] : memref<10240x128xf32, #tpu.memory_space<hbm>> -> memref<10240x128xf32, #tpu.memory_space<hbm>>
        tpu.enqueue_indirect_dma source(%dma_start3A_247 : memref<10240x128xf32, #tpu.memory_space<hbm>>) target(%arg23 : memref<64x128xf32, #tpu.memory_space<vmem>>) offsets(%arg19 : memref<64xi32, #tpu.memory_space<vmem>>) semaphore(%arg30 : memref<!tpu.dma_semaphore, #tpu.memory_space<semaphore_mem>>)
        %dma_start3A_248 = arith.constant 0 : i32
        %dma_start3A_249 = tpu.memref_slice %arg4[%add3A_237, %dma_start3A_248] : memref<327680x128xf32, #tpu.memory_space<hbm>> -> memref<64x128xf32, #tpu.memory_space<hbm>>
        %dma_start3A_250 = arith.constant 0 : i32
        %dma_start3A_251 = tpu.memref_slice %arg4[%add3A_237, %dma_start3A_250] : memref<327680x128xf32, #tpu.memory_space<hbm>> -> memref<64x128xf32, #tpu.memory_space<hbm>>
        tpu.enqueue_dma source(%dma_start3A_251 : memref<64x128xf32, #tpu.memory_space<hbm>>) target(%arg24 : memref<64x128xf32, #tpu.memory_space<vmem>>) target_semaphore(%arg30 : memref<!tpu.dma_semaphore, #tpu.memory_space<semaphore_mem>>)
        %get3A_252 = arith.constant 0 : index
        %get3A_253 = tpu.vector_load %arg19[%get3A_252] {strides = array<i32>} : memref<64xi32, #tpu.memory_space<vmem>>, vector<16xi32>,
        %lt3A_254 = arith.cmpi slt, %get3A_253, %broadcast_in_dim3A_22 : vector<16xi32>
        %not3A_255 = arith.constant dense<true> : vector<16xi1>
        %not3A_256 = arith.xori %lt3A_254, %not3A_255 : vector<16xi1>
        %lt3A_257 = arith.cmpi slt, %get3A_253, %broadcast_in_dim3A_24 : vector<16xi32>
        %and3A_258 = arith.andi %not3A_256, %lt3A_257 : vector<16xi1>
        %select_n3A_259 = arith.select %lt3A_254, %get3A_253, %broadcast_in_dim3A_26 : vector<16xi1>, vector<16xi32>
        %swap3A_260 = arith.constant 0 : index
        %swap3A_261 = tpu.vector_load %arg20[%swap3A_260] {strides = array<i32>} : memref<64xi32, #tpu.memory_space<vmem>>, vector<16xi32>,
        tpu.vector_store %arg20[%swap3A_260], %select_n3A_259 {strides = array<i32>} : memref<64xi32, #tpu.memory_space<vmem>>, vector<16xi32>,
        %sub3A_262 = arith.subi %get3A_253, %broadcast_in_dim3A_22 : vector<16xi32>
        %select_n3A_263 = arith.select %and3A_258, %sub3A_262, %broadcast_in_dim3A_26 : vector<16xi1>, vector<16xi32>
        %swap3A_264 = arith.constant 0 : index
        %swap3A_265 = tpu.vector_load %arg21[%swap3A_264] {strides = array<i32>} : memref<64xi32, #tpu.memory_space<vmem>>, vector<16xi32>,
        tpu.vector_store %arg21[%swap3A_264], %select_n3A_263 {strides = array<i32>} : memref<64xi32, #tpu.memory_space<vmem>>, vector<16xi32>,
        %get3A_266 = arith.constant 16 : index
        %get3A_267 = tpu.vector_load %arg19[%get3A_266] {strides = array<i32>} : memref<64xi32, #tpu.memory_space<vmem>>, vector<16xi32>,
        %lt3A_268 = arith.cmpi slt, %get3A_267, %broadcast_in_dim3A_22 : vector<16xi32>
        %not3A_269 = arith.constant dense<true> : vector<16xi1>
        %not3A_270 = arith.xori %lt3A_268, %not3A_269 : vector<16xi1>
        %lt3A_271 = arith.cmpi slt, %get3A_267, %broadcast_in_dim3A_24 : vector<16xi32>
        %and3A_272 = arith.andi %not3A_270, %lt3A_271 : vector<16xi1>
        %select_n3A_273 = arith.select %lt3A_268, %get3A_267, %broadcast_in_dim3A_26 : vector<16xi1>, vector<16xi32>
        %swap3A_274 = arith.constant 16 : index
        %swap3A_275 = tpu.vector_load %arg20[%swap3A_274] {strides = array<i32>} : memref<64xi32, #tpu.memory_space<vmem>>, vector<16xi32>,
        tpu.vector_store %arg20[%swap3A_274], %select_n3A_273 {strides = array<i32>} : memref<64xi32, #tpu.memory_space<vmem>>, vector<16xi32>,
        %sub3A_276 = arith.subi %get3A_267, %broadcast_in_dim3A_22 : vector<16xi32>
        %select_n3A_277 = arith.select %and3A_272, %sub3A_276, %broadcast_in_dim3A_26 : vector<16xi1>, vector<16xi32>
        %swap3A_278 = arith.constant 16 : index
        %swap3A_279 = tpu.vector_load %arg21[%swap3A_278] {strides = array<i32>} : memref<64xi32, #tpu.memory_space<vmem>>, vector<16xi32>,
        tpu.vector_store %arg21[%swap3A_278], %select_n3A_277 {strides = array<i32>} : memref<64xi32, #tpu.memory_space<vmem>>, vector<16xi32>,
        %get3A_280 = arith.constant 32 : index
        %get3A_281 = tpu.vector_load %arg19[%get3A_280] {strides = array<i32>} : memref<64xi32, #tpu.memory_space<vmem>>, vector<16xi32>,
        %lt3A_282 = arith.cmpi slt, %get3A_281, %broadcast_in_dim3A_22 : vector<16xi32>
        %not3A_283 = arith.constant dense<true> : vector<16xi1>
        %not3A_284 = arith.xori %lt3A_282, %not3A_283 : vector<16xi1>
        %lt3A_285 = arith.cmpi slt, %get3A_281, %broadcast_in_dim3A_24 : vector<16xi32>
        %and3A_286 = arith.andi %not3A_284, %lt3A_285 : vector<16xi1>
        %select_n3A_287 = arith.select %lt3A_282, %get3A_281, %broadcast_in_dim3A_26 : vector<16xi1>, vector<16xi32>
        %swap3A_288 = arith.constant 32 : index
        %swap3A_289 = tpu.vector_load %arg20[%swap3A_288] {strides = array<i32>} : memref<64xi32, #tpu.memory_space<vmem>>, vector<16xi32>,
        tpu.vector_store %arg20[%swap3A_288], %select_n3A_287 {strides = array<i32>} : memref<64xi32, #tpu.memory_space<vmem>>, vector<16xi32>,
        %sub3A_290 = arith.subi %get3A_281, %broadcast_in_dim3A_22 : vector<16xi32>
        %select_n3A_291 = arith.select %and3A_286, %sub3A_290, %broadcast_in_dim3A_26 : vector<16xi1>, vector<16xi32>
        %swap3A_292 = arith.constant 32 : index
        %swap3A_293 = tpu.vector_load %arg21[%swap3A_292] {strides = array<i32>} : memref<64xi32, #tpu.memory_space<vmem>>, vector<16xi32>,
        tpu.vector_store %arg21[%swap3A_292], %select_n3A_291 {strides = array<i32>} : memref<64xi32, #tpu.memory_space<vmem>>, vector<16xi32>,
        %get3A_294 = arith.constant 48 : index
        %get3A_295 = tpu.vector_load %arg19[%get3A_294] {strides = array<i32>} : memref<64xi32, #tpu.memory_space<vmem>>, vector<16xi32>,
        %lt3A_296 = arith.cmpi slt, %get3A_295, %broadcast_in_dim3A_22 : vector<16xi32>
        %not3A_297 = arith.constant dense<true> : vector<16xi1>
        %not3A_298 = arith.xori %lt3A_296, %not3A_297 : vector<16xi1>
        %lt3A_299 = arith.cmpi slt, %get3A_295, %broadcast_in_dim3A_24 : vector<16xi32>
        %and3A_300 = arith.andi %not3A_298, %lt3A_299 : vector<16xi1>
        %select_n3A_301 = arith.select %lt3A_296, %get3A_295, %broadcast_in_dim3A_26 : vector<16xi1>, vector<16xi32>
        %swap3A_302 = arith.constant 48 : index
        %swap3A_303 = tpu.vector_load %arg20[%swap3A_302] {strides = array<i32>} : memref<64xi32, #tpu.memory_space<vmem>>, vector<16xi32>,
        tpu.vector_store %arg20[%swap3A_302], %select_n3A_301 {strides = array<i32>} : memref<64xi32, #tpu.memory_space<vmem>>, vector<16xi32>,
        %sub3A_304 = arith.subi %get3A_295, %broadcast_in_dim3A_22 : vector<16xi32>
        %select_n3A_305 = arith.select %and3A_300, %sub3A_304, %broadcast_in_dim3A_26 : vector<16xi1>, vector<16xi32>
        %swap3A_306 = arith.constant 48 : index
        %swap3A_307 = tpu.vector_load %arg21[%swap3A_306] {strides = array<i32>} : memref<64xi32, #tpu.memory_space<vmem>>, vector<16xi32>,
        tpu.vector_store %arg21[%swap3A_306], %select_n3A_305 {strides = array<i32>} : memref<64xi32, #tpu.memory_space<vmem>>, vector<16xi32>,
      } else {
      }
      %mul3A_166 = arith.constant 64 : i32
      %mul3A_167 = arith.muli %add3A_159, %mul3A_166 : i32
      %add3A_168 = arith.addi %mul3A_40, %mul3A_167 : i32
      %dma_wait3A_169 = arith.constant 0 : i32
      %dma_wait3A_170 = arith.constant 0 : i32
      %dma_wait3A_171 = tpu.memref_slice %arg2[%dma_wait3A_169, %dma_wait3A_170] : memref<10240x128xf32, #tpu.memory_space<hbm>> -> memref<10240x128xf32, #tpu.memory_space<hbm>>
      tpu.wait_indirect_dma semaphore(%arg29 : memref<!tpu.dma_semaphore, #tpu.memory_space<semaphore_mem>>) src(%dma_wait3A_171 : memref<10240x128xf32, #tpu.memory_space<hbm>>) dst(%arg15 : memref<64x128xf32, #tpu.memory_space<vmem>>)
      %dma_wait3A_172 = arith.constant 0 : i32
      %dma_wait3A_173 = arith.constant 0 : i32
      %dma_wait3A_174 = tpu.memref_slice %arg3[%dma_wait3A_172, %dma_wait3A_173] : memref<10240x128xf32, #tpu.memory_space<hbm>> -> memref<10240x128xf32, #tpu.memory_space<hbm>>
      tpu.wait_indirect_dma semaphore(%arg29 : memref<!tpu.dma_semaphore, #tpu.memory_space<semaphore_mem>>) src(%dma_wait3A_174 : memref<10240x128xf32, #tpu.memory_space<hbm>>) dst(%arg16 : memref<64x128xf32, #tpu.memory_space<vmem>>)
      %dma_wait3A_175 = arith.constant 0 : i32
      %dma_wait3A_176 = tpu.memref_slice %arg4[%add3A_168, %dma_wait3A_175] : memref<327680x128xf32, #tpu.memory_space<hbm>> -> memref<64x128xf32, #tpu.memory_space<hbm>>
      %dma_wait3A_177 = arith.constant 0 : i32
      %dma_wait3A_178 = tpu.memref_slice %arg4[%add3A_168, %dma_wait3A_177] : memref<327680x128xf32, #tpu.memory_space<hbm>> -> memref<64x128xf32, #tpu.memory_space<hbm>>
      tpu.wait_dma2 semaphore(%arg29 : memref<!tpu.dma_semaphore, #tpu.memory_space<semaphore_mem>>) src(%dma_wait3A_178 : memref<64x128xf32, #tpu.memory_space<hbm>>) dst(%arg17 : memref<64x128xf32, #tpu.memory_space<vmem>>)
      %add3A_179 = arith.constant 2 : i32
      %add3A_180 = arith.addi %add3A_159, %add3A_179 : i32
      %lt3A_181 = arith.cmpi slt, %add3A_180, %select_n3A : i32
      %convert_element_type3A_182 = arith.extui %lt3A_181 : i1 to i32
      %cond3A_183 = arith.constant 0 : i32
      %cond3A_184 = arith.cmpi ne, %convert_element_type3A_182, %cond3A_183 : i32
      scf.if %cond3A_184 {
        %add3A_229 = arith.constant 2 : i32
        %add3A_230 = arith.addi %add3A_159, %add3A_229 : i32
        %mul3A_231 = arith.constant 64 : i32
        %mul3A_232 = arith.muli %add3A_230, %mul3A_231 : i32
        %add3A_233 = arith.addi %mul3A_40, %mul3A_232 : i32
        %dma_start3A_234 = tpu.memref_slice %arg5[%add3A_233] : memref<327680xi32, #tpu.memory_space<hbm>> -> memref<64xi32, #tpu.memory_space<hbm>>
        %dma_start3A_235 = tpu.memref_slice %arg5[%add3A_233] : memref<327680xi32, #tpu.memory_space<hbm>> -> memref<64xi32, #tpu.memory_space<hbm>>
        tpu.enqueue_dma source(%dma_start3A_235 : memref<64xi32, #tpu.memory_space<hbm>>) target(%arg11 : memref<64xi32, #tpu.memory_space<vmem>>) target_semaphore(%arg31 : memref<!tpu.dma_semaphore, #tpu.memory_space<semaphore_mem>>)
        %dma_start3A_236 = tpu.memref_slice %arg6[%add3A_233] : memref<327680xi32, #tpu.memory_space<hbm>> -> memref<64xi32, #tpu.memory_space<hbm>>
        %dma_start3A_237 = tpu.memref_slice %arg6[%add3A_233] : memref<327680xi32, #tpu.memory_space<hbm>> -> memref<64xi32, #tpu.memory_space<hbm>>
        tpu.enqueue_dma source(%dma_start3A_237 : memref<64xi32, #tpu.memory_space<hbm>>) target(%arg12 : memref<64xi32, #tpu.memory_space<vmem>>) target_semaphore(%arg31 : memref<!tpu.dma_semaphore, #tpu.memory_space<semaphore_mem>>)
      } else {
      }
      %parallel_loop3A = arith.constant 0 : i32
      %parallel_loop3A_185 = arith.constant 64 : i32
      %parallel_loop3A_186 = arith.constant 1 : i32
      scf.for %parallel_loop3A_229 = %parallel_loop3A to %parallel_loop3A_185 step %parallel_loop3A_186  : i32 {
        %parallel_loop3A_230 = arith.constant 0.000000e+00 : f32
        %parallel_loop3A_231 = vector.broadcast %parallel_loop3A_230 : f32 to vector<16xf32>
        %parallel_loop3A_232 = arith.index_cast %parallel_loop3A_229 : i32 to index
        %parallel_loop3A_233 = arith.constant 0 : index
        %parallel_loop3A_234 = tpu.vector_load %arg15[%parallel_loop3A_232, %parallel_loop3A_233] {strides = array<i32>} : memref<64x128xf32, #tpu.memory_space<vmem>>, vector<16xf32>,
        %parallel_loop3A_235 = arith.index_cast %parallel_loop3A_229 : i32 to index
        %parallel_loop3A_236 = arith.constant 0 : index
        %parallel_loop3A_237 = tpu.vector_load %arg16[%parallel_loop3A_235, %parallel_loop3A_236] {strides = array<i32>} : memref<64x128xf32, #tpu.memory_space<vmem>>, vector<16xf32>,
        %parallel_loop3A_238 = arith.addf %parallel_loop3A_234, %parallel_loop3A_237 : vector<16xf32>
        %parallel_loop3A_239 = arith.index_cast %parallel_loop3A_229 : i32 to index
        %parallel_loop3A_240 = arith.constant 0 : index
        %parallel_loop3A_241 = tpu.vector_load %arg17[%parallel_loop3A_239, %parallel_loop3A_240] {strides = array<i32>} : memref<64x128xf32, #tpu.memory_space<vmem>>, vector<16xf32>,
        %parallel_loop3A_242 = arith.addf %parallel_loop3A_238, %parallel_loop3A_241 : vector<16xf32>
        %parallel_loop3A_243 = arith.constant 0.000000e+00 : f32
        %parallel_loop3A_244 = vector.broadcast %parallel_loop3A_243 : f32 to vector<16xf32>
        %parallel_loop3A_245 = arith.subf %parallel_loop3A_244, %parallel_loop3A_242 : vector<16xf32>
        %parallel_loop3A_246 = math.exp %parallel_loop3A_245 : vector<16xf32>
        %parallel_loop3A_247 = arith.constant 1.000000e+00 : f32
        %parallel_loop3A_248 = vector.broadcast %parallel_loop3A_247 : f32 to vector<16xf32>
        %parallel_loop3A_249 = arith.addf %parallel_loop3A_248, %parallel_loop3A_246 : vector<16xf32>
        %parallel_loop3A_250 = arith.constant 1.000000e+00 : f32
        %parallel_loop3A_251 = vector.broadcast %parallel_loop3A_250 : f32 to vector<16xf32>
        %parallel_loop3A_252 = arith.divf %parallel_loop3A_251, %parallel_loop3A_249 : vector<16xf32>
        %parallel_loop3A_253 = arith.mulf %parallel_loop3A_242, %parallel_loop3A_252 : vector<16xf32>
        %parallel_loop3A_254 = arith.mulf %parallel_loop3A_253, %get3A_5 : vector<16xf32>
        %parallel_loop3A_255 = arith.addf %parallel_loop3A_231, %parallel_loop3A_254 : vector<16xf32>
        %parallel_loop3A_256 = arith.index_cast %parallel_loop3A_229 : i32 to index
        %parallel_loop3A_257 = arith.constant 16 : index
        %parallel_loop3A_258 = tpu.vector_load %arg15[%parallel_loop3A_256, %parallel_loop3A_257] {strides = array<i32>} : memref<64x128xf32, #tpu.memory_space<vmem>>, vector<16xf32>,
        %parallel_loop3A_259 = arith.index_cast %parallel_loop3A_229 : i32 to index
        %parallel_loop3A_260 = arith.constant 16 : index
        %parallel_loop3A_261 = tpu.vector_load %arg16[%parallel_loop3A_259, %parallel_loop3A_260] {strides = array<i32>} : memref<64x128xf32, #tpu.memory_space<vmem>>, vector<16xf32>,
        %parallel_loop3A_262 = arith.addf %parallel_loop3A_258, %parallel_loop3A_261 : vector<16xf32>
        %parallel_loop3A_263 = arith.index_cast %parallel_loop3A_229 : i32 to index
        %parallel_loop3A_264 = arith.constant 16 : index
        %parallel_loop3A_265 = tpu.vector_load %arg17[%parallel_loop3A_263, %parallel_loop3A_264] {strides = array<i32>} : memref<64x128xf32, #tpu.memory_space<vmem>>, vector<16xf32>,
        %parallel_loop3A_266 = arith.addf %parallel_loop3A_262, %parallel_loop3A_265 : vector<16xf32>
        %parallel_loop3A_267 = arith.constant 0.000000e+00 : f32
        %parallel_loop3A_268 = vector.broadcast %parallel_loop3A_267 : f32 to vector<16xf32>
        %parallel_loop3A_269 = arith.subf %parallel_loop3A_268, %parallel_loop3A_266 : vector<16xf32>
        %parallel_loop3A_270 = math.exp %parallel_loop3A_269 : vector<16xf32>
        %parallel_loop3A_271 = arith.constant 1.000000e+00 : f32
        %parallel_loop3A_272 = vector.broadcast %parallel_loop3A_271 : f32 to vector<16xf32>
        %parallel_loop3A_273 = arith.addf %parallel_loop3A_272, %parallel_loop3A_270 : vector<16xf32>
        %parallel_loop3A_274 = arith.constant 1.000000e+00 : f32
        %parallel_loop3A_275 = vector.broadcast %parallel_loop3A_274 : f32 to vector<16xf32>
        %parallel_loop3A_276 = arith.divf %parallel_loop3A_275, %parallel_loop3A_273 : vector<16xf32>
        %parallel_loop3A_277 = arith.mulf %parallel_loop3A_266, %parallel_loop3A_276 : vector<16xf32>
        %parallel_loop3A_278 = arith.mulf %parallel_loop3A_277, %get3A_7 : vector<16xf32>
        %parallel_loop3A_279 = arith.addf %parallel_loop3A_255, %parallel_loop3A_278 : vector<16xf32>
        %parallel_loop3A_280 = arith.index_cast %parallel_loop3A_229 : i32 to index
        %parallel_loop3A_281 = arith.constant 32 : index
        %parallel_loop3A_282 = tpu.vector_load %arg15[%parallel_loop3A_280, %parallel_loop3A_281] {strides = array<i32>} : memref<64x128xf32, #tpu.memory_space<vmem>>, vector<16xf32>,
        %parallel_loop3A_283 = arith.index_cast %parallel_loop3A_229 : i32 to index
        %parallel_loop3A_284 = arith.constant 32 : index
        %parallel_loop3A_285 = tpu.vector_load %arg16[%parallel_loop3A_283, %parallel_loop3A_284] {strides = array<i32>} : memref<64x128xf32, #tpu.memory_space<vmem>>, vector<16xf32>,
        %parallel_loop3A_286 = arith.addf %parallel_loop3A_282, %parallel_loop3A_285 : vector<16xf32>
        %parallel_loop3A_287 = arith.index_cast %parallel_loop3A_229 : i32 to index
        %parallel_loop3A_288 = arith.constant 32 : index
        %parallel_loop3A_289 = tpu.vector_load %arg17[%parallel_loop3A_287, %parallel_loop3A_288] {strides = array<i32>} : memref<64x128xf32, #tpu.memory_space<vmem>>, vector<16xf32>,
        %parallel_loop3A_290 = arith.addf %parallel_loop3A_286, %parallel_loop3A_289 : vector<16xf32>
        %parallel_loop3A_291 = arith.constant 0.000000e+00 : f32
        %parallel_loop3A_292 = vector.broadcast %parallel_loop3A_291 : f32 to vector<16xf32>
        %parallel_loop3A_293 = arith.subf %parallel_loop3A_292, %parallel_loop3A_290 : vector<16xf32>
        %parallel_loop3A_294 = math.exp %parallel_loop3A_293 : vector<16xf32>
        %parallel_loop3A_295 = arith.constant 1.000000e+00 : f32
        %parallel_loop3A_296 = vector.broadcast %parallel_loop3A_295 : f32 to vector<16xf32>
        %parallel_loop3A_297 = arith.addf %parallel_loop3A_296, %parallel_loop3A_294 : vector<16xf32>
        %parallel_loop3A_298 = arith.constant 1.000000e+00 : f32
        %parallel_loop3A_299 = vector.broadcast %parallel_loop3A_298 : f32 to vector<16xf32>
        %parallel_loop3A_300 = arith.divf %parallel_loop3A_299, %parallel_loop3A_297 : vector<16xf32>
        %parallel_loop3A_301 = arith.mulf %parallel_loop3A_290, %parallel_loop3A_300 : vector<16xf32>
        %parallel_loop3A_302 = arith.mulf %parallel_loop3A_301, %get3A_9 : vector<16xf32>
        %parallel_loop3A_303 = arith.addf %parallel_loop3A_279, %parallel_loop3A_302 : vector<16xf32>
        %parallel_loop3A_304 = arith.index_cast %parallel_loop3A_229 : i32 to index
        %parallel_loop3A_305 = arith.constant 48 : index
        %parallel_loop3A_306 = tpu.vector_load %arg15[%parallel_loop3A_304, %parallel_loop3A_305] {strides = array<i32>} : memref<64x128xf32, #tpu.memory_space<vmem>>, vector<16xf32>,
        %parallel_loop3A_307 = arith.index_cast %parallel_loop3A_229 : i32 to index
        %parallel_loop3A_308 = arith.constant 48 : index
        %parallel_loop3A_309 = tpu.vector_load %arg16[%parallel_loop3A_307, %parallel_loop3A_308] {strides = array<i32>} : memref<64x128xf32, #tpu.memory_space<vmem>>, vector<16xf32>,
        %parallel_loop3A_310 = arith.addf %parallel_loop3A_306, %parallel_loop3A_309 : vector<16xf32>
        %parallel_loop3A_311 = arith.index_cast %parallel_loop3A_229 : i32 to index
        %parallel_loop3A_312 = arith.constant 48 : index
        %parallel_loop3A_313 = tpu.vector_load %arg17[%parallel_loop3A_311, %parallel_loop3A_312] {strides = array<i32>} : memref<64x128xf32, #tpu.memory_space<vmem>>, vector<16xf32>,
        %parallel_loop3A_314 = arith.addf %parallel_loop3A_310, %parallel_loop3A_313 : vector<16xf32>
        %parallel_loop3A_315 = arith.constant 0.000000e+00 : f32
        %parallel_loop3A_316 = vector.broadcast %parallel_loop3A_315 : f32 to vector<16xf32>
        %parallel_loop3A_317 = arith.subf %parallel_loop3A_316, %parallel_loop3A_314 : vector<16xf32>
        %parallel_loop3A_318 = math.exp %parallel_loop3A_317 : vector<16xf32>
        %parallel_loop3A_319 = arith.constant 1.000000e+00 : f32
        %parallel_loop3A_320 = vector.broadcast %parallel_loop3A_319 : f32 to vector<16xf32>
        %parallel_loop3A_321 = arith.addf %parallel_loop3A_320, %parallel_loop3A_318 : vector<16xf32>
        %parallel_loop3A_322 = arith.constant 1.000000e+00 : f32
        %parallel_loop3A_323 = vector.broadcast %parallel_loop3A_322 : f32 to vector<16xf32>
        %parallel_loop3A_324 = arith.divf %parallel_loop3A_323, %parallel_loop3A_321 : vector<16xf32>
        %parallel_loop3A_325 = arith.mulf %parallel_loop3A_314, %parallel_loop3A_324 : vector<16xf32>
        %parallel_loop3A_326 = arith.mulf %parallel_loop3A_325, %get3A_11 : vector<16xf32>
        %parallel_loop3A_327 = arith.addf %parallel_loop3A_303, %parallel_loop3A_326 : vector<16xf32>
        %parallel_loop3A_328 = arith.index_cast %parallel_loop3A_229 : i32 to index
        %parallel_loop3A_329 = arith.constant 64 : index
        %parallel_loop3A_330 = tpu.vector_load %arg15[%parallel_loop3A_328, %parallel_loop3A_329] {strides = array<i32>} : memref<64x128xf32, #tpu.memory_space<vmem>>, vector<16xf32>,
        %parallel_loop3A_331 = arith.index_cast %parallel_loop3A_229 : i32 to index
        %parallel_loop3A_332 = arith.constant 64 : index
        %parallel_loop3A_333 = tpu.vector_load %arg16[%parallel_loop3A_331, %parallel_loop3A_332] {strides = array<i32>} : memref<64x128xf32, #tpu.memory_space<vmem>>, vector<16xf32>,
        %parallel_loop3A_334 = arith.addf %parallel_loop3A_330, %parallel_loop3A_333 : vector<16xf32>
        %parallel_loop3A_335 = arith.index_cast %parallel_loop3A_229 : i32 to index
        %parallel_loop3A_336 = arith.constant 64 : index
        %parallel_loop3A_337 = tpu.vector_load %arg17[%parallel_loop3A_335, %parallel_loop3A_336] {strides = array<i32>} : memref<64x128xf32, #tpu.memory_space<vmem>>, vector<16xf32>,
        %parallel_loop3A_338 = arith.addf %parallel_loop3A_334, %parallel_loop3A_337 : vector<16xf32>
        %parallel_loop3A_339 = arith.constant 0.000000e+00 : f32
        %parallel_loop3A_340 = vector.broadcast %parallel_loop3A_339 : f32 to vector<16xf32>
        %parallel_loop3A_341 = arith.subf %parallel_loop3A_340, %parallel_loop3A_338 : vector<16xf32>
        %parallel_loop3A_342 = math.exp %parallel_loop3A_341 : vector<16xf32>
        %parallel_loop3A_343 = arith.constant 1.000000e+00 : f32
        %parallel_loop3A_344 = vector.broadcast %parallel_loop3A_343 : f32 to vector<16xf32>
        %parallel_loop3A_345 = arith.addf %parallel_loop3A_344, %parallel_loop3A_342 : vector<16xf32>
        %parallel_loop3A_346 = arith.constant 1.000000e+00 : f32
        %parallel_loop3A_347 = vector.broadcast %parallel_loop3A_346 : f32 to vector<16xf32>
        %parallel_loop3A_348 = arith.divf %parallel_loop3A_347, %parallel_loop3A_345 : vector<16xf32>
        %parallel_loop3A_349 = arith.mulf %parallel_loop3A_338, %parallel_loop3A_348 : vector<16xf32>
        %parallel_loop3A_350 = arith.mulf %parallel_loop3A_349, %get3A_13 : vector<16xf32>
        %parallel_loop3A_351 = arith.addf %parallel_loop3A_327, %parallel_loop3A_350 : vector<16xf32>
        %parallel_loop3A_352 = arith.index_cast %parallel_loop3A_229 : i32 to index
        %parallel_loop3A_353 = arith.constant 80 : index
        %parallel_loop3A_354 = tpu.vector_load %arg15[%parallel_loop3A_352, %parallel_loop3A_353] {strides = array<i32>} : memref<64x128xf32, #tpu.memory_space<vmem>>, vector<16xf32>,
        %parallel_loop3A_355 = arith.index_cast %parallel_loop3A_229 : i32 to index
        %parallel_loop3A_356 = arith.constant 80 : index
        %parallel_loop3A_357 = tpu.vector_load %arg16[%parallel_loop3A_355, %parallel_loop3A_356] {strides = array<i32>} : memref<64x128xf32, #tpu.memory_space<vmem>>, vector<16xf32>,
        %parallel_loop3A_358 = arith.addf %parallel_loop3A_354, %parallel_loop3A_357 : vector<16xf32>
        %parallel_loop3A_359 = arith.index_cast %parallel_loop3A_229 : i32 to index
        %parallel_loop3A_360 = arith.constant 80 : index
        %parallel_loop3A_361 = tpu.vector_load %arg17[%parallel_loop3A_359, %parallel_loop3A_360] {strides = array<i32>} : memref<64x128xf32, #tpu.memory_space<vmem>>, vector<16xf32>,
        %parallel_loop3A_362 = arith.addf %parallel_loop3A_358, %parallel_loop3A_361 : vector<16xf32>
        %parallel_loop3A_363 = arith.constant 0.000000e+00 : f32
        %parallel_loop3A_364 = vector.broadcast %parallel_loop3A_363 : f32 to vector<16xf32>
        %parallel_loop3A_365 = arith.subf %parallel_loop3A_364, %parallel_loop3A_362 : vector<16xf32>
        %parallel_loop3A_366 = math.exp %parallel_loop3A_365 : vector<16xf32>
        %parallel_loop3A_367 = arith.constant 1.000000e+00 : f32
        %parallel_loop3A_368 = vector.broadcast %parallel_loop3A_367 : f32 to vector<16xf32>
        %parallel_loop3A_369 = arith.addf %parallel_loop3A_368, %parallel_loop3A_366 : vector<16xf32>
        %parallel_loop3A_370 = arith.constant 1.000000e+00 : f32
        %parallel_loop3A_371 = vector.broadcast %parallel_loop3A_370 : f32 to vector<16xf32>
        %parallel_loop3A_372 = arith.divf %parallel_loop3A_371, %parallel_loop3A_369 : vector<16xf32>
        %parallel_loop3A_373 = arith.mulf %parallel_loop3A_362, %parallel_loop3A_372 : vector<16xf32>
        %parallel_loop3A_374 = arith.mulf %parallel_loop3A_373, %get3A_15 : vector<16xf32>
        %parallel_loop3A_375 = arith.addf %parallel_loop3A_351, %parallel_loop3A_374 : vector<16xf32>
        %parallel_loop3A_376 = arith.index_cast %parallel_loop3A_229 : i32 to index
        %parallel_loop3A_377 = arith.constant 96 : index
        %parallel_loop3A_378 = tpu.vector_load %arg15[%parallel_loop3A_376, %parallel_loop3A_377] {strides = array<i32>} : memref<64x128xf32, #tpu.memory_space<vmem>>, vector<16xf32>,
        %parallel_loop3A_379 = arith.index_cast %parallel_loop3A_229 : i32 to index
        %parallel_loop3A_380 = arith.constant 96 : index
        %parallel_loop3A_381 = tpu.vector_load %arg16[%parallel_loop3A_379, %parallel_loop3A_380] {strides = array<i32>} : memref<64x128xf32, #tpu.memory_space<vmem>>, vector<16xf32>,
        %parallel_loop3A_382 = arith.addf %parallel_loop3A_378, %parallel_loop3A_381 : vector<16xf32>
        %parallel_loop3A_383 = arith.index_cast %parallel_loop3A_229 : i32 to index
        %parallel_loop3A_384 = arith.constant 96 : index
        %parallel_loop3A_385 = tpu.vector_load %arg17[%parallel_loop3A_383, %parallel_loop3A_384] {strides = array<i32>} : memref<64x128xf32, #tpu.memory_space<vmem>>, vector<16xf32>,
        %parallel_loop3A_386 = arith.addf %parallel_loop3A_382, %parallel_loop3A_385 : vector<16xf32>
        %parallel_loop3A_387 = arith.constant 0.000000e+00 : f32
        %parallel_loop3A_388 = vector.broadcast %parallel_loop3A_387 : f32 to vector<16xf32>
        %parallel_loop3A_389 = arith.subf %parallel_loop3A_388, %parallel_loop3A_386 : vector<16xf32>
        %parallel_loop3A_390 = math.exp %parallel_loop3A_389 : vector<16xf32>
        %parallel_loop3A_391 = arith.constant 1.000000e+00 : f32
        %parallel_loop3A_392 = vector.broadcast %parallel_loop3A_391 : f32 to vector<16xf32>
        %parallel_loop3A_393 = arith.addf %parallel_loop3A_392, %parallel_loop3A_390 : vector<16xf32>
        %parallel_loop3A_394 = arith.constant 1.000000e+00 : f32
        %parallel_loop3A_395 = vector.broadcast %parallel_loop3A_394 : f32 to vector<16xf32>
        %parallel_loop3A_396 = arith.divf %parallel_loop3A_395, %parallel_loop3A_393 : vector<16xf32>
        %parallel_loop3A_397 = arith.mulf %parallel_loop3A_386, %parallel_loop3A_396 : vector<16xf32>
        %parallel_loop3A_398 = arith.mulf %parallel_loop3A_397, %get3A_17 : vector<16xf32>
        %parallel_loop3A_399 = arith.addf %parallel_loop3A_375, %parallel_loop3A_398 : vector<16xf32>
        %parallel_loop3A_400 = arith.index_cast %parallel_loop3A_229 : i32 to index
        %parallel_loop3A_401 = arith.constant 112 : index
        %parallel_loop3A_402 = tpu.vector_load %arg15[%parallel_loop3A_400, %parallel_loop3A_401] {strides = array<i32>} : memref<64x128xf32, #tpu.memory_space<vmem>>, vector<16xf32>,
        %parallel_loop3A_403 = arith.index_cast %parallel_loop3A_229 : i32 to index
        %parallel_loop3A_404 = arith.constant 112 : index
        %parallel_loop3A_405 = tpu.vector_load %arg16[%parallel_loop3A_403, %parallel_loop3A_404] {strides = array<i32>} : memref<64x128xf32, #tpu.memory_space<vmem>>, vector<16xf32>,
        %parallel_loop3A_406 = arith.addf %parallel_loop3A_402, %parallel_loop3A_405 : vector<16xf32>
        %parallel_loop3A_407 = arith.index_cast %parallel_loop3A_229 : i32 to index
        %parallel_loop3A_408 = arith.constant 112 : index
        %parallel_loop3A_409 = tpu.vector_load %arg17[%parallel_loop3A_407, %parallel_loop3A_408] {strides = array<i32>} : memref<64x128xf32, #tpu.memory_space<vmem>>, vector<16xf32>,
        %parallel_loop3A_410 = arith.addf %parallel_loop3A_406, %parallel_loop3A_409 : vector<16xf32>
        %parallel_loop3A_411 = arith.constant 0.000000e+00 : f32
        %parallel_loop3A_412 = vector.broadcast %parallel_loop3A_411 : f32 to vector<16xf32>
        %parallel_loop3A_413 = arith.subf %parallel_loop3A_412, %parallel_loop3A_410 : vector<16xf32>
        %parallel_loop3A_414 = math.exp %parallel_loop3A_413 : vector<16xf32>
        %parallel_loop3A_415 = arith.constant 1.000000e+00 : f32
        %parallel_loop3A_416 = vector.broadcast %parallel_loop3A_415 : f32 to vector<16xf32>
        %parallel_loop3A_417 = arith.addf %parallel_loop3A_416, %parallel_loop3A_414 : vector<16xf32>
        %parallel_loop3A_418 = arith.constant 1.000000e+00 : f32
        %parallel_loop3A_419 = vector.broadcast %parallel_loop3A_418 : f32 to vector<16xf32>
        %parallel_loop3A_420 = arith.divf %parallel_loop3A_419, %parallel_loop3A_417 : vector<16xf32>
        %parallel_loop3A_421 = arith.mulf %parallel_loop3A_410, %parallel_loop3A_420 : vector<16xf32>
        %parallel_loop3A_422 = arith.mulf %parallel_loop3A_421, %get3A_19 : vector<16xf32>
        %parallel_loop3A_423 = arith.addf %parallel_loop3A_399, %parallel_loop3A_422 : vector<16xf32>
        %parallel_loop3A_424 = arith.constant true
        %parallel_loop3A_425 = vector.broadcast %parallel_loop3A_424 : i1 to vector<16xi1>
        %parallel_loop3A_426 = tpu.scan <sum>, %parallel_loop3A_423 masked %parallel_loop3A_425 : vector<16xf32>, vector<16xi1> -> vector<16xf32>
        %parallel_loop3A_427 = vector.extract %parallel_loop3A_426[15] : f32 from vector<16xf32>
        %parallel_loop3A_428 = vector.broadcast %parallel_loop3A_427 : f32 to vector<16xf32>
        %parallel_loop3A_429 = arith.addf %parallel_loop3A_428, %get3A_21 : vector<16xf32>
        %parallel_loop3A_430 = arith.constant 0.000000e+00 : f32
        %parallel_loop3A_431 = vector.broadcast %parallel_loop3A_430 : f32 to vector<16xf32>
        %parallel_loop3A_432 = arith.subf %parallel_loop3A_431, %parallel_loop3A_429 : vector<16xf32>
        %parallel_loop3A_433 = math.exp %parallel_loop3A_432 : vector<16xf32>
        %parallel_loop3A_434 = arith.constant 1.000000e+00 : f32
        %parallel_loop3A_435 = vector.broadcast %parallel_loop3A_434 : f32 to vector<16xf32>
        %parallel_loop3A_436 = arith.addf %parallel_loop3A_435, %parallel_loop3A_433 : vector<16xf32>
        %parallel_loop3A_437 = arith.constant 1.000000e+00 : f32
        %parallel_loop3A_438 = vector.broadcast %parallel_loop3A_437 : f32 to vector<16xf32>
        %parallel_loop3A_439 = arith.divf %parallel_loop3A_438, %parallel_loop3A_436 : vector<16xf32>
        %parallel_loop3A_440 = arith.mulf %parallel_loop3A_253, %parallel_loop3A_439 : vector<16xf32>
        %parallel_loop3A_441 = arith.index_cast %parallel_loop3A_229 : i32 to index
        %parallel_loop3A_442 = arith.constant 0 : index
        %parallel_loop3A_443 = tpu.vector_load %arg15[%parallel_loop3A_441, %parallel_loop3A_442] {strides = array<i32>} : memref<64x128xf32, #tpu.memory_space<vmem>>, vector<16xf32>,
        tpu.vector_store %arg15[%parallel_loop3A_441, %parallel_loop3A_442], %parallel_loop3A_440 {strides = array<i32>} : memref<64x128xf32, #tpu.memory_space<vmem>>, vector<16xf32>,
        %parallel_loop3A_444 = arith.mulf %parallel_loop3A_277, %parallel_loop3A_439 : vector<16xf32>
        %parallel_loop3A_445 = arith.index_cast %parallel_loop3A_229 : i32 to index
        %parallel_loop3A_446 = arith.constant 16 : index
        %parallel_loop3A_447 = tpu.vector_load %arg15[%parallel_loop3A_445, %parallel_loop3A_446] {strides = array<i32>} : memref<64x128xf32, #tpu.memory_space<vmem>>, vector<16xf32>,
        tpu.vector_store %arg15[%parallel_loop3A_445, %parallel_loop3A_446], %parallel_loop3A_444 {strides = array<i32>} : memref<64x128xf32, #tpu.memory_space<vmem>>, vector<16xf32>,
        %parallel_loop3A_448 = arith.mulf %parallel_loop3A_301, %parallel_loop3A_439 : vector<16xf32>
        %parallel_loop3A_449 = arith.index_cast %parallel_loop3A_229 : i32 to index
        %parallel_loop3A_450 = arith.constant 32 : index
        %parallel_loop3A_451 = tpu.vector_load %arg15[%parallel_loop3A_449, %parallel_loop3A_450] {strides = array<i32>} : memref<64x128xf32, #tpu.memory_space<vmem>>, vector<16xf32>,
        tpu.vector_store %arg15[%parallel_loop3A_449, %parallel_loop3A_450], %parallel_loop3A_448 {strides = array<i32>} : memref<64x128xf32, #tpu.memory_space<vmem>>, vector<16xf32>,
        %parallel_loop3A_452 = arith.mulf %parallel_loop3A_325, %parallel_loop3A_439 : vector<16xf32>
        %parallel_loop3A_453 = arith.index_cast %parallel_loop3A_229 : i32 to index
        %parallel_loop3A_454 = arith.constant 48 : index
        %parallel_loop3A_455 = tpu.vector_load %arg15[%parallel_loop3A_453, %parallel_loop3A_454] {strides = array<i32>} : memref<64x128xf32, #tpu.memory_space<vmem>>, vector<16xf32>,
        tpu.vector_store %arg15[%parallel_loop3A_453, %parallel_loop3A_454], %parallel_loop3A_452 {strides = array<i32>} : memref<64x128xf32, #tpu.memory_space<vmem>>, vector<16xf32>,
        %parallel_loop3A_456 = arith.mulf %parallel_loop3A_349, %parallel_loop3A_439 : vector<16xf32>
        %parallel_loop3A_457 = arith.index_cast %parallel_loop3A_229 : i32 to index
        %parallel_loop3A_458 = arith.constant 64 : index
        %parallel_loop3A_459 = tpu.vector_load %arg15[%parallel_loop3A_457, %parallel_loop3A_458] {strides = array<i32>} : memref<64x128xf32, #tpu.memory_space<vmem>>, vector<16xf32>,
        tpu.vector_store %arg15[%parallel_loop3A_457, %parallel_loop3A_458], %parallel_loop3A_456 {strides = array<i32>} : memref<64x128xf32, #tpu.memory_space<vmem>>, vector<16xf32>,
        %parallel_loop3A_460 = arith.mulf %parallel_loop3A_373, %parallel_loop3A_439 : vector<16xf32>
        %parallel_loop3A_461 = arith.index_cast %parallel_loop3A_229 : i32 to index
        %parallel_loop3A_462 = arith.constant 80 : index
        %parallel_loop3A_463 = tpu.vector_load %arg15[%parallel_loop3A_461, %parallel_loop3A_462] {strides = array<i32>} : memref<64x128xf32, #tpu.memory_space<vmem>>, vector<16xf32>,
        tpu.vector_store %arg15[%parallel_loop3A_461, %parallel_loop3A_462], %parallel_loop3A_460 {strides = array<i32>} : memref<64x128xf32, #tpu.memory_space<vmem>>, vector<16xf32>,
        %parallel_loop3A_464 = arith.mulf %parallel_loop3A_397, %parallel_loop3A_439 : vector<16xf32>
        %parallel_loop3A_465 = arith.index_cast %parallel_loop3A_229 : i32 to index
        %parallel_loop3A_466 = arith.constant 96 : index
        %parallel_loop3A_467 = tpu.vector_load %arg15[%parallel_loop3A_465, %parallel_loop3A_466] {strides = array<i32>} : memref<64x128xf32, #tpu.memory_space<vmem>>, vector<16xf32>,
        tpu.vector_store %arg15[%parallel_loop3A_465, %parallel_loop3A_466], %parallel_loop3A_464 {strides = array<i32>} : memref<64x128xf32, #tpu.memory_space<vmem>>, vector<16xf32>,
        %parallel_loop3A_468 = arith.mulf %parallel_loop3A_421, %parallel_loop3A_439 : vector<16xf32>
        %parallel_loop3A_469 = arith.index_cast %parallel_loop3A_229 : i32 to index
        %parallel_loop3A_470 = arith.constant 112 : index
        %parallel_loop3A_471 = tpu.vector_load %arg15[%parallel_loop3A_469, %parallel_loop3A_470] {strides = array<i32>} : memref<64x128xf32, #tpu.memory_space<vmem>>, vector<16xf32>,
        tpu.vector_store %arg15[%parallel_loop3A_469, %parallel_loop3A_470], %parallel_loop3A_468 {strides = array<i32>} : memref<64x128xf32, #tpu.memory_space<vmem>>, vector<16xf32>,
      } {sc.loop_unroll_factor = 2 : i64, sc.parallel_access}
      %dma_start3A_187 = arith.constant 0 : i32
      %dma_start3A_188 = arith.constant 0 : i32
      %dma_start3A_189 = tpu.memref_slice %arg27[%dma_start3A_187, %dma_start3A_188] : memref<5008x128xf32, #tpu.memory_space<vmem_shared>> -> memref<5008x128xf32, #tpu.memory_space<vmem_shared>>
      tpu.enqueue_indirect_dma source(%arg15 : memref<64x128xf32, #tpu.memory_space<vmem>>) target(%dma_start3A_189 : memref<5008x128xf32, #tpu.memory_space<vmem_shared>>) offsets(%arg13 : memref<64xi32, #tpu.memory_space<vmem>>) semaphore(%arg33 : memref<!tpu.dma_semaphore, #tpu.memory_space<semaphore_mem>>) {add = true}
      %dma_start3A_190 = arith.constant 0 : i32
      %dma_start3A_191 = arith.constant 0 : i32
      %dma_start3A_192 = tpu.memref_slice %arg28[%dma_start3A_190, %dma_start3A_191] : memref<5008x128xf32, #tpu.memory_space<vmem_shared>> -> memref<5008x128xf32, #tpu.memory_space<vmem_shared>>
      tpu.enqueue_indirect_dma source(%arg15 : memref<64x128xf32, #tpu.memory_space<vmem>>) target(%dma_start3A_192 : memref<5008x128xf32, #tpu.memory_space<vmem_shared>>) offsets(%arg14 : memref<64xi32, #tpu.memory_space<vmem>>) semaphore(%arg34 : memref<!tpu.dma_semaphore, #tpu.memory_space<semaphore_mem>>) {add = true}
      %add3A_193 = arith.constant 1 : i32
      %add3A_194 = arith.addi %add3A_157, %add3A_193 : i32
      %add3A_195 = arith.constant 1 : i32
      %add3A_196 = arith.addi %add3A_194, %add3A_195 : i32
      %lt3A_197 = arith.cmpi slt, %add3A_196, %select_n3A : i32
      %convert_element_type3A_198 = arith.extui %lt3A_197 : i1 to i32
      %cond3A_199 = arith.constant 0 : i32
      %cond3A_200 = arith.cmpi ne, %convert_element_type3A_198, %cond3A_199 : i32
      scf.if %cond3A_200 {
        %ge3A = arith.constant 1 : i32
        %ge3A_229 = arith.cmpi sge, %add3A_194, %ge3A : i32
        %convert_element_type3A_230 = arith.extui %ge3A_229 : i1 to i32
        %cond3A_231 = arith.constant 0 : i32
        %cond3A_232 = arith.cmpi ne, %convert_element_type3A_230, %cond3A_231 : i32
        scf.if %cond3A_232 {
          %dma_wait3A_308 = arith.constant 0 : i32
          %dma_wait3A_309 = arith.constant 0 : i32
          %dma_wait3A_310 = tpu.memref_slice %arg27[%dma_wait3A_308, %dma_wait3A_309] : memref<5008x128xf32, #tpu.memory_space<vmem_shared>> -> memref<5008x128xf32, #tpu.memory_space<vmem_shared>>
          tpu.wait_indirect_dma semaphore(%arg33 : memref<!tpu.dma_semaphore, #tpu.memory_space<semaphore_mem>>) src(%arg15 : memref<64x128xf32, #tpu.memory_space<vmem>>) dst(%dma_wait3A_310 : memref<5008x128xf32, #tpu.memory_space<vmem_shared>>)
          %dma_wait3A_311 = arith.constant 0 : i32
          %dma_wait3A_312 = arith.constant 0 : i32
          %dma_wait3A_313 = tpu.memref_slice %arg28[%dma_wait3A_311, %dma_wait3A_312] : memref<5008x128xf32, #tpu.memory_space<vmem_shared>> -> memref<5008x128xf32, #tpu.memory_space<vmem_shared>>
          tpu.wait_indirect_dma semaphore(%arg34 : memref<!tpu.dma_semaphore, #tpu.memory_space<semaphore_mem>>) src(%arg15 : memref<64x128xf32, #tpu.memory_space<vmem>>) dst(%dma_wait3A_313 : memref<5008x128xf32, #tpu.memory_space<vmem_shared>>)
        } else {
        }
        %add3A_233 = arith.constant 1 : i32
        %add3A_234 = arith.addi %add3A_194, %add3A_233 : i32
        %mul3A_235 = arith.constant 64 : i32
        %mul3A_236 = arith.muli %add3A_234, %mul3A_235 : i32
        %add3A_237 = arith.addi %mul3A_40, %mul3A_236 : i32
        %dma_wait3A_238 = tpu.memref_slice %arg5[%add3A_237] : memref<327680xi32, #tpu.memory_space<hbm>> -> memref<64xi32, #tpu.memory_space<hbm>>
        %dma_wait3A_239 = tpu.memref_slice %arg5[%add3A_237] : memref<327680xi32, #tpu.memory_space<hbm>> -> memref<64xi32, #tpu.memory_space<hbm>>
        tpu.wait_dma2 semaphore(%arg31 : memref<!tpu.dma_semaphore, #tpu.memory_space<semaphore_mem>>) src(%dma_wait3A_239 : memref<64xi32, #tpu.memory_space<hbm>>) dst(%arg11 : memref<64xi32, #tpu.memory_space<vmem>>)
        %dma_wait3A_240 = tpu.memref_slice %arg6[%add3A_237] : memref<327680xi32, #tpu.memory_space<hbm>> -> memref<64xi32, #tpu.memory_space<hbm>>
        %dma_wait3A_241 = tpu.memref_slice %arg6[%add3A_237] : memref<327680xi32, #tpu.memory_space<hbm>> -> memref<64xi32, #tpu.memory_space<hbm>>
        tpu.wait_dma2 semaphore(%arg31 : memref<!tpu.dma_semaphore, #tpu.memory_space<semaphore_mem>>) src(%dma_wait3A_241 : memref<64xi32, #tpu.memory_space<hbm>>) dst(%arg12 : memref<64xi32, #tpu.memory_space<vmem>>)
        %dma_start3A_242 = arith.constant 0 : i32
        %dma_start3A_243 = arith.constant 0 : i32
        %dma_start3A_244 = tpu.memref_slice %arg2[%dma_start3A_242, %dma_start3A_243] : memref<10240x128xf32, #tpu.memory_space<hbm>> -> memref<10240x128xf32, #tpu.memory_space<hbm>>
        tpu.enqueue_indirect_dma source(%dma_start3A_244 : memref<10240x128xf32, #tpu.memory_space<hbm>>) target(%arg15 : memref<64x128xf32, #tpu.memory_space<vmem>>) offsets(%arg11 : memref<64xi32, #tpu.memory_space<vmem>>) semaphore(%arg29 : memref<!tpu.dma_semaphore, #tpu.memory_space<semaphore_mem>>)
        %dma_start3A_245 = arith.constant 0 : i32
        %dma_start3A_246 = arith.constant 0 : i32
        %dma_start3A_247 = tpu.memref_slice %arg3[%dma_start3A_245, %dma_start3A_246] : memref<10240x128xf32, #tpu.memory_space<hbm>> -> memref<10240x128xf32, #tpu.memory_space<hbm>>
        tpu.enqueue_indirect_dma source(%dma_start3A_247 : memref<10240x128xf32, #tpu.memory_space<hbm>>) target(%arg16 : memref<64x128xf32, #tpu.memory_space<vmem>>) offsets(%arg12 : memref<64xi32, #tpu.memory_space<vmem>>) semaphore(%arg29 : memref<!tpu.dma_semaphore, #tpu.memory_space<semaphore_mem>>)
        %dma_start3A_248 = arith.constant 0 : i32
        %dma_start3A_249 = tpu.memref_slice %arg4[%add3A_237, %dma_start3A_248] : memref<327680x128xf32, #tpu.memory_space<hbm>> -> memref<64x128xf32, #tpu.memory_space<hbm>>
        %dma_start3A_250 = arith.constant 0 : i32
        %dma_start3A_251 = tpu.memref_slice %arg4[%add3A_237, %dma_start3A_250] : memref<327680x128xf32, #tpu.memory_space<hbm>> -> memref<64x128xf32, #tpu.memory_space<hbm>>
        tpu.enqueue_dma source(%dma_start3A_251 : memref<64x128xf32, #tpu.memory_space<hbm>>) target(%arg17 : memref<64x128xf32, #tpu.memory_space<vmem>>) target_semaphore(%arg29 : memref<!tpu.dma_semaphore, #tpu.memory_space<semaphore_mem>>)
        %get3A_252 = arith.constant 0 : index
        %get3A_253 = tpu.vector_load %arg12[%get3A_252] {strides = array<i32>} : memref<64xi32, #tpu.memory_space<vmem>>, vector<16xi32>,
        %lt3A_254 = arith.cmpi slt, %get3A_253, %broadcast_in_dim3A_22 : vector<16xi32>
        %not3A_255 = arith.constant dense<true> : vector<16xi1>
        %not3A_256 = arith.xori %lt3A_254, %not3A_255 : vector<16xi1>
        %lt3A_257 = arith.cmpi slt, %get3A_253, %broadcast_in_dim3A_24 : vector<16xi32>
        %and3A_258 = arith.andi %not3A_256, %lt3A_257 : vector<16xi1>
        %select_n3A_259 = arith.select %lt3A_254, %get3A_253, %broadcast_in_dim3A_26 : vector<16xi1>, vector<16xi32>
        %swap3A_260 = arith.constant 0 : index
        %swap3A_261 = tpu.vector_load %arg13[%swap3A_260] {strides = array<i32>} : memref<64xi32, #tpu.memory_space<vmem>>, vector<16xi32>,
        tpu.vector_store %arg13[%swap3A_260], %select_n3A_259 {strides = array<i32>} : memref<64xi32, #tpu.memory_space<vmem>>, vector<16xi32>,
        %sub3A_262 = arith.subi %get3A_253, %broadcast_in_dim3A_22 : vector<16xi32>
        %select_n3A_263 = arith.select %and3A_258, %sub3A_262, %broadcast_in_dim3A_26 : vector<16xi1>, vector<16xi32>
        %swap3A_264 = arith.constant 0 : index
        %swap3A_265 = tpu.vector_load %arg14[%swap3A_264] {strides = array<i32>} : memref<64xi32, #tpu.memory_space<vmem>>, vector<16xi32>,
        tpu.vector_store %arg14[%swap3A_264], %select_n3A_263 {strides = array<i32>} : memref<64xi32, #tpu.memory_space<vmem>>, vector<16xi32>,
        %get3A_266 = arith.constant 16 : index
        %get3A_267 = tpu.vector_load %arg12[%get3A_266] {strides = array<i32>} : memref<64xi32, #tpu.memory_space<vmem>>, vector<16xi32>,
        %lt3A_268 = arith.cmpi slt, %get3A_267, %broadcast_in_dim3A_22 : vector<16xi32>
        %not3A_269 = arith.constant dense<true> : vector<16xi1>
        %not3A_270 = arith.xori %lt3A_268, %not3A_269 : vector<16xi1>
        %lt3A_271 = arith.cmpi slt, %get3A_267, %broadcast_in_dim3A_24 : vector<16xi32>
        %and3A_272 = arith.andi %not3A_270, %lt3A_271 : vector<16xi1>
        %select_n3A_273 = arith.select %lt3A_268, %get3A_267, %broadcast_in_dim3A_26 : vector<16xi1>, vector<16xi32>
        %swap3A_274 = arith.constant 16 : index
        %swap3A_275 = tpu.vector_load %arg13[%swap3A_274] {strides = array<i32>} : memref<64xi32, #tpu.memory_space<vmem>>, vector<16xi32>,
        tpu.vector_store %arg13[%swap3A_274], %select_n3A_273 {strides = array<i32>} : memref<64xi32, #tpu.memory_space<vmem>>, vector<16xi32>,
        %sub3A_276 = arith.subi %get3A_267, %broadcast_in_dim3A_22 : vector<16xi32>
        %select_n3A_277 = arith.select %and3A_272, %sub3A_276, %broadcast_in_dim3A_26 : vector<16xi1>, vector<16xi32>
        %swap3A_278 = arith.constant 16 : index
        %swap3A_279 = tpu.vector_load %arg14[%swap3A_278] {strides = array<i32>} : memref<64xi32, #tpu.memory_space<vmem>>, vector<16xi32>,
        tpu.vector_store %arg14[%swap3A_278], %select_n3A_277 {strides = array<i32>} : memref<64xi32, #tpu.memory_space<vmem>>, vector<16xi32>,
        %get3A_280 = arith.constant 32 : index
        %get3A_281 = tpu.vector_load %arg12[%get3A_280] {strides = array<i32>} : memref<64xi32, #tpu.memory_space<vmem>>, vector<16xi32>,
        %lt3A_282 = arith.cmpi slt, %get3A_281, %broadcast_in_dim3A_22 : vector<16xi32>
        %not3A_283 = arith.constant dense<true> : vector<16xi1>
        %not3A_284 = arith.xori %lt3A_282, %not3A_283 : vector<16xi1>
        %lt3A_285 = arith.cmpi slt, %get3A_281, %broadcast_in_dim3A_24 : vector<16xi32>
        %and3A_286 = arith.andi %not3A_284, %lt3A_285 : vector<16xi1>
        %select_n3A_287 = arith.select %lt3A_282, %get3A_281, %broadcast_in_dim3A_26 : vector<16xi1>, vector<16xi32>
        %swap3A_288 = arith.constant 32 : index
        %swap3A_289 = tpu.vector_load %arg13[%swap3A_288] {strides = array<i32>} : memref<64xi32, #tpu.memory_space<vmem>>, vector<16xi32>,
        tpu.vector_store %arg13[%swap3A_288], %select_n3A_287 {strides = array<i32>} : memref<64xi32, #tpu.memory_space<vmem>>, vector<16xi32>,
        %sub3A_290 = arith.subi %get3A_281, %broadcast_in_dim3A_22 : vector<16xi32>
        %select_n3A_291 = arith.select %and3A_286, %sub3A_290, %broadcast_in_dim3A_26 : vector<16xi1>, vector<16xi32>
        %swap3A_292 = arith.constant 32 : index
        %swap3A_293 = tpu.vector_load %arg14[%swap3A_292] {strides = array<i32>} : memref<64xi32, #tpu.memory_space<vmem>>, vector<16xi32>,
        tpu.vector_store %arg14[%swap3A_292], %select_n3A_291 {strides = array<i32>} : memref<64xi32, #tpu.memory_space<vmem>>, vector<16xi32>,
        %get3A_294 = arith.constant 48 : index
        %get3A_295 = tpu.vector_load %arg12[%get3A_294] {strides = array<i32>} : memref<64xi32, #tpu.memory_space<vmem>>, vector<16xi32>,
        %lt3A_296 = arith.cmpi slt, %get3A_295, %broadcast_in_dim3A_22 : vector<16xi32>
        %not3A_297 = arith.constant dense<true> : vector<16xi1>
        %not3A_298 = arith.xori %lt3A_296, %not3A_297 : vector<16xi1>
        %lt3A_299 = arith.cmpi slt, %get3A_295, %broadcast_in_dim3A_24 : vector<16xi32>
        %and3A_300 = arith.andi %not3A_298, %lt3A_299 : vector<16xi1>
        %select_n3A_301 = arith.select %lt3A_296, %get3A_295, %broadcast_in_dim3A_26 : vector<16xi1>, vector<16xi32>
        %swap3A_302 = arith.constant 48 : index
        %swap3A_303 = tpu.vector_load %arg13[%swap3A_302] {strides = array<i32>} : memref<64xi32, #tpu.memory_space<vmem>>, vector<16xi32>,
        tpu.vector_store %arg13[%swap3A_302], %select_n3A_301 {strides = array<i32>} : memref<64xi32, #tpu.memory_space<vmem>>, vector<16xi32>,
        %sub3A_304 = arith.subi %get3A_295, %broadcast_in_dim3A_22 : vector<16xi32>
        %select_n3A_305 = arith.select %and3A_300, %sub3A_304, %broadcast_in_dim3A_26 : vector<16xi1>, vector<16xi32>
        %swap3A_306 = arith.constant 48 : index
        %swap3A_307 = tpu.vector_load %arg14[%swap3A_306] {strides = array<i32>} : memref<64xi32, #tpu.memory_space<vmem>>, vector<16xi32>,
        tpu.vector_store %arg14[%swap3A_306], %select_n3A_305 {strides = array<i32>} : memref<64xi32, #tpu.memory_space<vmem>>, vector<16xi32>,
      } else {
      }
      %mul3A_201 = arith.constant 64 : i32
      %mul3A_202 = arith.muli %add3A_194, %mul3A_201 : i32
      %add3A_203 = arith.addi %mul3A_40, %mul3A_202 : i32
      %dma_wait3A_204 = arith.constant 0 : i32
      %dma_wait3A_205 = arith.constant 0 : i32
      %dma_wait3A_206 = tpu.memref_slice %arg2[%dma_wait3A_204, %dma_wait3A_205] : memref<10240x128xf32, #tpu.memory_space<hbm>> -> memref<10240x128xf32, #tpu.memory_space<hbm>>
      tpu.wait_indirect_dma semaphore(%arg30 : memref<!tpu.dma_semaphore, #tpu.memory_space<semaphore_mem>>) src(%dma_wait3A_206 : memref<10240x128xf32, #tpu.memory_space<hbm>>) dst(%arg22 : memref<64x128xf32, #tpu.memory_space<vmem>>)
      %dma_wait3A_207 = arith.constant 0 : i32
      %dma_wait3A_208 = arith.constant 0 : i32
      %dma_wait3A_209 = tpu.memref_slice %arg3[%dma_wait3A_207, %dma_wait3A_208] : memref<10240x128xf32, #tpu.memory_space<hbm>> -> memref<10240x128xf32, #tpu.memory_space<hbm>>
      tpu.wait_indirect_dma semaphore(%arg30 : memref<!tpu.dma_semaphore, #tpu.memory_space<semaphore_mem>>) src(%dma_wait3A_209 : memref<10240x128xf32, #tpu.memory_space<hbm>>) dst(%arg23 : memref<64x128xf32, #tpu.memory_space<vmem>>)
      %dma_wait3A_210 = arith.constant 0 : i32
      %dma_wait3A_211 = tpu.memref_slice %arg4[%add3A_203, %dma_wait3A_210] : memref<327680x128xf32, #tpu.memory_space<hbm>> -> memref<64x128xf32, #tpu.memory_space<hbm>>
      %dma_wait3A_212 = arith.constant 0 : i32
      %dma_wait3A_213 = tpu.memref_slice %arg4[%add3A_203, %dma_wait3A_212] : memref<327680x128xf32, #tpu.memory_space<hbm>> -> memref<64x128xf32, #tpu.memory_space<hbm>>
      tpu.wait_dma2 semaphore(%arg30 : memref<!tpu.dma_semaphore, #tpu.memory_space<semaphore_mem>>) src(%dma_wait3A_213 : memref<64x128xf32, #tpu.memory_space<hbm>>) dst(%arg24 : memref<64x128xf32, #tpu.memory_space<vmem>>)
      %add3A_214 = arith.constant 2 : i32
      %add3A_215 = arith.addi %add3A_194, %add3A_214 : i32
      %lt3A_216 = arith.cmpi slt, %add3A_215, %select_n3A : i32
      %convert_element_type3A_217 = arith.extui %lt3A_216 : i1 to i32
      %cond3A_218 = arith.constant 0 : i32
      %cond3A_219 = arith.cmpi ne, %convert_element_type3A_217, %cond3A_218 : i32
      scf.if %cond3A_219 {
        %add3A_229 = arith.constant 2 : i32
        %add3A_230 = arith.addi %add3A_194, %add3A_229 : i32
        %mul3A_231 = arith.constant 64 : i32
        %mul3A_232 = arith.muli %add3A_230, %mul3A_231 : i32
        %add3A_233 = arith.addi %mul3A_40, %mul3A_232 : i32
        %dma_start3A_234 = tpu.memref_slice %arg5[%add3A_233] : memref<327680xi32, #tpu.memory_space<hbm>> -> memref<64xi32, #tpu.memory_space<hbm>>
        %dma_start3A_235 = tpu.memref_slice %arg5[%add3A_233] : memref<327680xi32, #tpu.memory_space<hbm>> -> memref<64xi32, #tpu.memory_space<hbm>>
        tpu.enqueue_dma source(%dma_start3A_235 : memref<64xi32, #tpu.memory_space<hbm>>) target(%arg18 : memref<64xi32, #tpu.memory_space<vmem>>) target_semaphore(%arg32 : memref<!tpu.dma_semaphore, #tpu.memory_space<semaphore_mem>>)
        %dma_start3A_236 = tpu.memref_slice %arg6[%add3A_233] : memref<327680xi32, #tpu.memory_space<hbm>> -> memref<64xi32, #tpu.memory_space<hbm>>
        %dma_start3A_237 = tpu.memref_slice %arg6[%add3A_233] : memref<327680xi32, #tpu.memory_space<hbm>> -> memref<64xi32, #tpu.memory_space<hbm>>
        tpu.enqueue_dma source(%dma_start3A_237 : memref<64xi32, #tpu.memory_space<hbm>>) target(%arg19 : memref<64xi32, #tpu.memory_space<vmem>>) target_semaphore(%arg32 : memref<!tpu.dma_semaphore, #tpu.memory_space<semaphore_mem>>)
      } else {
      }
      %parallel_loop3A_220 = arith.constant 0 : i32
      %parallel_loop3A_221 = arith.constant 64 : i32
      %parallel_loop3A_222 = arith.constant 1 : i32
      scf.for %parallel_loop3A_229 = %parallel_loop3A_220 to %parallel_loop3A_221 step %parallel_loop3A_222  : i32 {
        %parallel_loop3A_230 = arith.constant 0.000000e+00 : f32
        %parallel_loop3A_231 = vector.broadcast %parallel_loop3A_230 : f32 to vector<16xf32>
        %parallel_loop3A_232 = arith.index_cast %parallel_loop3A_229 : i32 to index
        %parallel_loop3A_233 = arith.constant 0 : index
        %parallel_loop3A_234 = tpu.vector_load %arg22[%parallel_loop3A_232, %parallel_loop3A_233] {strides = array<i32>} : memref<64x128xf32, #tpu.memory_space<vmem>>, vector<16xf32>,
        %parallel_loop3A_235 = arith.index_cast %parallel_loop3A_229 : i32 to index
        %parallel_loop3A_236 = arith.constant 0 : index
        %parallel_loop3A_237 = tpu.vector_load %arg23[%parallel_loop3A_235, %parallel_loop3A_236] {strides = array<i32>} : memref<64x128xf32, #tpu.memory_space<vmem>>, vector<16xf32>,
        %parallel_loop3A_238 = arith.addf %parallel_loop3A_234, %parallel_loop3A_237 : vector<16xf32>
        %parallel_loop3A_239 = arith.index_cast %parallel_loop3A_229 : i32 to index
        %parallel_loop3A_240 = arith.constant 0 : index
        %parallel_loop3A_241 = tpu.vector_load %arg24[%parallel_loop3A_239, %parallel_loop3A_240] {strides = array<i32>} : memref<64x128xf32, #tpu.memory_space<vmem>>, vector<16xf32>,
        %parallel_loop3A_242 = arith.addf %parallel_loop3A_238, %parallel_loop3A_241 : vector<16xf32>
        %parallel_loop3A_243 = arith.constant 0.000000e+00 : f32
        %parallel_loop3A_244 = vector.broadcast %parallel_loop3A_243 : f32 to vector<16xf32>
        %parallel_loop3A_245 = arith.subf %parallel_loop3A_244, %parallel_loop3A_242 : vector<16xf32>
        %parallel_loop3A_246 = math.exp %parallel_loop3A_245 : vector<16xf32>
        %parallel_loop3A_247 = arith.constant 1.000000e+00 : f32
        %parallel_loop3A_248 = vector.broadcast %parallel_loop3A_247 : f32 to vector<16xf32>
        %parallel_loop3A_249 = arith.addf %parallel_loop3A_248, %parallel_loop3A_246 : vector<16xf32>
        %parallel_loop3A_250 = arith.constant 1.000000e+00 : f32
        %parallel_loop3A_251 = vector.broadcast %parallel_loop3A_250 : f32 to vector<16xf32>
        %parallel_loop3A_252 = arith.divf %parallel_loop3A_251, %parallel_loop3A_249 : vector<16xf32>
        %parallel_loop3A_253 = arith.mulf %parallel_loop3A_242, %parallel_loop3A_252 : vector<16xf32>
        %parallel_loop3A_254 = arith.mulf %parallel_loop3A_253, %get3A_5 : vector<16xf32>
        %parallel_loop3A_255 = arith.addf %parallel_loop3A_231, %parallel_loop3A_254 : vector<16xf32>
        %parallel_loop3A_256 = arith.index_cast %parallel_loop3A_229 : i32 to index
        %parallel_loop3A_257 = arith.constant 16 : index
        %parallel_loop3A_258 = tpu.vector_load %arg22[%parallel_loop3A_256, %parallel_loop3A_257] {strides = array<i32>} : memref<64x128xf32, #tpu.memory_space<vmem>>, vector<16xf32>,
        %parallel_loop3A_259 = arith.index_cast %parallel_loop3A_229 : i32 to index
        %parallel_loop3A_260 = arith.constant 16 : index
        %parallel_loop3A_261 = tpu.vector_load %arg23[%parallel_loop3A_259, %parallel_loop3A_260] {strides = array<i32>} : memref<64x128xf32, #tpu.memory_space<vmem>>, vector<16xf32>,
        %parallel_loop3A_262 = arith.addf %parallel_loop3A_258, %parallel_loop3A_261 : vector<16xf32>
        %parallel_loop3A_263 = arith.index_cast %parallel_loop3A_229 : i32 to index
        %parallel_loop3A_264 = arith.constant 16 : index
        %parallel_loop3A_265 = tpu.vector_load %arg24[%parallel_loop3A_263, %parallel_loop3A_264] {strides = array<i32>} : memref<64x128xf32, #tpu.memory_space<vmem>>, vector<16xf32>,
        %parallel_loop3A_266 = arith.addf %parallel_loop3A_262, %parallel_loop3A_265 : vector<16xf32>
        %parallel_loop3A_267 = arith.constant 0.000000e+00 : f32
        %parallel_loop3A_268 = vector.broadcast %parallel_loop3A_267 : f32 to vector<16xf32>
        %parallel_loop3A_269 = arith.subf %parallel_loop3A_268, %parallel_loop3A_266 : vector<16xf32>
        %parallel_loop3A_270 = math.exp %parallel_loop3A_269 : vector<16xf32>
        %parallel_loop3A_271 = arith.constant 1.000000e+00 : f32
        %parallel_loop3A_272 = vector.broadcast %parallel_loop3A_271 : f32 to vector<16xf32>
        %parallel_loop3A_273 = arith.addf %parallel_loop3A_272, %parallel_loop3A_270 : vector<16xf32>
        %parallel_loop3A_274 = arith.constant 1.000000e+00 : f32
        %parallel_loop3A_275 = vector.broadcast %parallel_loop3A_274 : f32 to vector<16xf32>
        %parallel_loop3A_276 = arith.divf %parallel_loop3A_275, %parallel_loop3A_273 : vector<16xf32>
        %parallel_loop3A_277 = arith.mulf %parallel_loop3A_266, %parallel_loop3A_276 : vector<16xf32>
        %parallel_loop3A_278 = arith.mulf %parallel_loop3A_277, %get3A_7 : vector<16xf32>
        %parallel_loop3A_279 = arith.addf %parallel_loop3A_255, %parallel_loop3A_278 : vector<16xf32>
        %parallel_loop3A_280 = arith.index_cast %parallel_loop3A_229 : i32 to index
        %parallel_loop3A_281 = arith.constant 32 : index
        %parallel_loop3A_282 = tpu.vector_load %arg22[%parallel_loop3A_280, %parallel_loop3A_281] {strides = array<i32>} : memref<64x128xf32, #tpu.memory_space<vmem>>, vector<16xf32>,
        %parallel_loop3A_283 = arith.index_cast %parallel_loop3A_229 : i32 to index
        %parallel_loop3A_284 = arith.constant 32 : index
        %parallel_loop3A_285 = tpu.vector_load %arg23[%parallel_loop3A_283, %parallel_loop3A_284] {strides = array<i32>} : memref<64x128xf32, #tpu.memory_space<vmem>>, vector<16xf32>,
        %parallel_loop3A_286 = arith.addf %parallel_loop3A_282, %parallel_loop3A_285 : vector<16xf32>
        %parallel_loop3A_287 = arith.index_cast %parallel_loop3A_229 : i32 to index
        %parallel_loop3A_288 = arith.constant 32 : index
        %parallel_loop3A_289 = tpu.vector_load %arg24[%parallel_loop3A_287, %parallel_loop3A_288] {strides = array<i32>} : memref<64x128xf32, #tpu.memory_space<vmem>>, vector<16xf32>,
        %parallel_loop3A_290 = arith.addf %parallel_loop3A_286, %parallel_loop3A_289 : vector<16xf32>
        %parallel_loop3A_291 = arith.constant 0.000000e+00 : f32
        %parallel_loop3A_292 = vector.broadcast %parallel_loop3A_291 : f32 to vector<16xf32>
        %parallel_loop3A_293 = arith.subf %parallel_loop3A_292, %parallel_loop3A_290 : vector<16xf32>
        %parallel_loop3A_294 = math.exp %parallel_loop3A_293 : vector<16xf32>
        %parallel_loop3A_295 = arith.constant 1.000000e+00 : f32
        %parallel_loop3A_296 = vector.broadcast %parallel_loop3A_295 : f32 to vector<16xf32>
        %parallel_loop3A_297 = arith.addf %parallel_loop3A_296, %parallel_loop3A_294 : vector<16xf32>
        %parallel_loop3A_298 = arith.constant 1.000000e+00 : f32
        %parallel_loop3A_299 = vector.broadcast %parallel_loop3A_298 : f32 to vector<16xf32>
        %parallel_loop3A_300 = arith.divf %parallel_loop3A_299, %parallel_loop3A_297 : vector<16xf32>
        %parallel_loop3A_301 = arith.mulf %parallel_loop3A_290, %parallel_loop3A_300 : vector<16xf32>
        %parallel_loop3A_302 = arith.mulf %parallel_loop3A_301, %get3A_9 : vector<16xf32>
        %parallel_loop3A_303 = arith.addf %parallel_loop3A_279, %parallel_loop3A_302 : vector<16xf32>
        %parallel_loop3A_304 = arith.index_cast %parallel_loop3A_229 : i32 to index
        %parallel_loop3A_305 = arith.constant 48 : index
        %parallel_loop3A_306 = tpu.vector_load %arg22[%parallel_loop3A_304, %parallel_loop3A_305] {strides = array<i32>} : memref<64x128xf32, #tpu.memory_space<vmem>>, vector<16xf32>,
        %parallel_loop3A_307 = arith.index_cast %parallel_loop3A_229 : i32 to index
        %parallel_loop3A_308 = arith.constant 48 : index
        %parallel_loop3A_309 = tpu.vector_load %arg23[%parallel_loop3A_307, %parallel_loop3A_308] {strides = array<i32>} : memref<64x128xf32, #tpu.memory_space<vmem>>, vector<16xf32>,
        %parallel_loop3A_310 = arith.addf %parallel_loop3A_306, %parallel_loop3A_309 : vector<16xf32>
        %parallel_loop3A_311 = arith.index_cast %parallel_loop3A_229 : i32 to index
        %parallel_loop3A_312 = arith.constant 48 : index
        %parallel_loop3A_313 = tpu.vector_load %arg24[%parallel_loop3A_311, %parallel_loop3A_312] {strides = array<i32>} : memref<64x128xf32, #tpu.memory_space<vmem>>, vector<16xf32>,
        %parallel_loop3A_314 = arith.addf %parallel_loop3A_310, %parallel_loop3A_313 : vector<16xf32>
        %parallel_loop3A_315 = arith.constant 0.000000e+00 : f32
        %parallel_loop3A_316 = vector.broadcast %parallel_loop3A_315 : f32 to vector<16xf32>
        %parallel_loop3A_317 = arith.subf %parallel_loop3A_316, %parallel_loop3A_314 : vector<16xf32>
        %parallel_loop3A_318 = math.exp %parallel_loop3A_317 : vector<16xf32>
        %parallel_loop3A_319 = arith.constant 1.000000e+00 : f32
        %parallel_loop3A_320 = vector.broadcast %parallel_loop3A_319 : f32 to vector<16xf32>
        %parallel_loop3A_321 = arith.addf %parallel_loop3A_320, %parallel_loop3A_318 : vector<16xf32>
        %parallel_loop3A_322 = arith.constant 1.000000e+00 : f32
        %parallel_loop3A_323 = vector.broadcast %parallel_loop3A_322 : f32 to vector<16xf32>
        %parallel_loop3A_324 = arith.divf %parallel_loop3A_323, %parallel_loop3A_321 : vector<16xf32>
        %parallel_loop3A_325 = arith.mulf %parallel_loop3A_314, %parallel_loop3A_324 : vector<16xf32>
        %parallel_loop3A_326 = arith.mulf %parallel_loop3A_325, %get3A_11 : vector<16xf32>
        %parallel_loop3A_327 = arith.addf %parallel_loop3A_303, %parallel_loop3A_326 : vector<16xf32>
        %parallel_loop3A_328 = arith.index_cast %parallel_loop3A_229 : i32 to index
        %parallel_loop3A_329 = arith.constant 64 : index
        %parallel_loop3A_330 = tpu.vector_load %arg22[%parallel_loop3A_328, %parallel_loop3A_329] {strides = array<i32>} : memref<64x128xf32, #tpu.memory_space<vmem>>, vector<16xf32>,
        %parallel_loop3A_331 = arith.index_cast %parallel_loop3A_229 : i32 to index
        %parallel_loop3A_332 = arith.constant 64 : index
        %parallel_loop3A_333 = tpu.vector_load %arg23[%parallel_loop3A_331, %parallel_loop3A_332] {strides = array<i32>} : memref<64x128xf32, #tpu.memory_space<vmem>>, vector<16xf32>,
        %parallel_loop3A_334 = arith.addf %parallel_loop3A_330, %parallel_loop3A_333 : vector<16xf32>
        %parallel_loop3A_335 = arith.index_cast %parallel_loop3A_229 : i32 to index
        %parallel_loop3A_336 = arith.constant 64 : index
        %parallel_loop3A_337 = tpu.vector_load %arg24[%parallel_loop3A_335, %parallel_loop3A_336] {strides = array<i32>} : memref<64x128xf32, #tpu.memory_space<vmem>>, vector<16xf32>,
        %parallel_loop3A_338 = arith.addf %parallel_loop3A_334, %parallel_loop3A_337 : vector<16xf32>
        %parallel_loop3A_339 = arith.constant 0.000000e+00 : f32
        %parallel_loop3A_340 = vector.broadcast %parallel_loop3A_339 : f32 to vector<16xf32>
        %parallel_loop3A_341 = arith.subf %parallel_loop3A_340, %parallel_loop3A_338 : vector<16xf32>
        %parallel_loop3A_342 = math.exp %parallel_loop3A_341 : vector<16xf32>
        %parallel_loop3A_343 = arith.constant 1.000000e+00 : f32
        %parallel_loop3A_344 = vector.broadcast %parallel_loop3A_343 : f32 to vector<16xf32>
        %parallel_loop3A_345 = arith.addf %parallel_loop3A_344, %parallel_loop3A_342 : vector<16xf32>
        %parallel_loop3A_346 = arith.constant 1.000000e+00 : f32
        %parallel_loop3A_347 = vector.broadcast %parallel_loop3A_346 : f32 to vector<16xf32>
        %parallel_loop3A_348 = arith.divf %parallel_loop3A_347, %parallel_loop3A_345 : vector<16xf32>
        %parallel_loop3A_349 = arith.mulf %parallel_loop3A_338, %parallel_loop3A_348 : vector<16xf32>
        %parallel_loop3A_350 = arith.mulf %parallel_loop3A_349, %get3A_13 : vector<16xf32>
        %parallel_loop3A_351 = arith.addf %parallel_loop3A_327, %parallel_loop3A_350 : vector<16xf32>
        %parallel_loop3A_352 = arith.index_cast %parallel_loop3A_229 : i32 to index
        %parallel_loop3A_353 = arith.constant 80 : index
        %parallel_loop3A_354 = tpu.vector_load %arg22[%parallel_loop3A_352, %parallel_loop3A_353] {strides = array<i32>} : memref<64x128xf32, #tpu.memory_space<vmem>>, vector<16xf32>,
        %parallel_loop3A_355 = arith.index_cast %parallel_loop3A_229 : i32 to index
        %parallel_loop3A_356 = arith.constant 80 : index
        %parallel_loop3A_357 = tpu.vector_load %arg23[%parallel_loop3A_355, %parallel_loop3A_356] {strides = array<i32>} : memref<64x128xf32, #tpu.memory_space<vmem>>, vector<16xf32>,
        %parallel_loop3A_358 = arith.addf %parallel_loop3A_354, %parallel_loop3A_357 : vector<16xf32>
        %parallel_loop3A_359 = arith.index_cast %parallel_loop3A_229 : i32 to index
        %parallel_loop3A_360 = arith.constant 80 : index
        %parallel_loop3A_361 = tpu.vector_load %arg24[%parallel_loop3A_359, %parallel_loop3A_360] {strides = array<i32>} : memref<64x128xf32, #tpu.memory_space<vmem>>, vector<16xf32>,
        %parallel_loop3A_362 = arith.addf %parallel_loop3A_358, %parallel_loop3A_361 : vector<16xf32>
        %parallel_loop3A_363 = arith.constant 0.000000e+00 : f32
        %parallel_loop3A_364 = vector.broadcast %parallel_loop3A_363 : f32 to vector<16xf32>
        %parallel_loop3A_365 = arith.subf %parallel_loop3A_364, %parallel_loop3A_362 : vector<16xf32>
        %parallel_loop3A_366 = math.exp %parallel_loop3A_365 : vector<16xf32>
        %parallel_loop3A_367 = arith.constant 1.000000e+00 : f32
        %parallel_loop3A_368 = vector.broadcast %parallel_loop3A_367 : f32 to vector<16xf32>
        %parallel_loop3A_369 = arith.addf %parallel_loop3A_368, %parallel_loop3A_366 : vector<16xf32>
        %parallel_loop3A_370 = arith.constant 1.000000e+00 : f32
        %parallel_loop3A_371 = vector.broadcast %parallel_loop3A_370 : f32 to vector<16xf32>
        %parallel_loop3A_372 = arith.divf %parallel_loop3A_371, %parallel_loop3A_369 : vector<16xf32>
        %parallel_loop3A_373 = arith.mulf %parallel_loop3A_362, %parallel_loop3A_372 : vector<16xf32>
        %parallel_loop3A_374 = arith.mulf %parallel_loop3A_373, %get3A_15 : vector<16xf32>
        %parallel_loop3A_375 = arith.addf %parallel_loop3A_351, %parallel_loop3A_374 : vector<16xf32>
        %parallel_loop3A_376 = arith.index_cast %parallel_loop3A_229 : i32 to index
        %parallel_loop3A_377 = arith.constant 96 : index
        %parallel_loop3A_378 = tpu.vector_load %arg22[%parallel_loop3A_376, %parallel_loop3A_377] {strides = array<i32>} : memref<64x128xf32, #tpu.memory_space<vmem>>, vector<16xf32>,
        %parallel_loop3A_379 = arith.index_cast %parallel_loop3A_229 : i32 to index
        %parallel_loop3A_380 = arith.constant 96 : index
        %parallel_loop3A_381 = tpu.vector_load %arg23[%parallel_loop3A_379, %parallel_loop3A_380] {strides = array<i32>} : memref<64x128xf32, #tpu.memory_space<vmem>>, vector<16xf32>,
        %parallel_loop3A_382 = arith.addf %parallel_loop3A_378, %parallel_loop3A_381 : vector<16xf32>
        %parallel_loop3A_383 = arith.index_cast %parallel_loop3A_229 : i32 to index
        %parallel_loop3A_384 = arith.constant 96 : index
        %parallel_loop3A_385 = tpu.vector_load %arg24[%parallel_loop3A_383, %parallel_loop3A_384] {strides = array<i32>} : memref<64x128xf32, #tpu.memory_space<vmem>>, vector<16xf32>,
        %parallel_loop3A_386 = arith.addf %parallel_loop3A_382, %parallel_loop3A_385 : vector<16xf32>
        %parallel_loop3A_387 = arith.constant 0.000000e+00 : f32
        %parallel_loop3A_388 = vector.broadcast %parallel_loop3A_387 : f32 to vector<16xf32>
        %parallel_loop3A_389 = arith.subf %parallel_loop3A_388, %parallel_loop3A_386 : vector<16xf32>
        %parallel_loop3A_390 = math.exp %parallel_loop3A_389 : vector<16xf32>
        %parallel_loop3A_391 = arith.constant 1.000000e+00 : f32
        %parallel_loop3A_392 = vector.broadcast %parallel_loop3A_391 : f32 to vector<16xf32>
        %parallel_loop3A_393 = arith.addf %parallel_loop3A_392, %parallel_loop3A_390 : vector<16xf32>
        %parallel_loop3A_394 = arith.constant 1.000000e+00 : f32
        %parallel_loop3A_395 = vector.broadcast %parallel_loop3A_394 : f32 to vector<16xf32>
        %parallel_loop3A_396 = arith.divf %parallel_loop3A_395, %parallel_loop3A_393 : vector<16xf32>
        %parallel_loop3A_397 = arith.mulf %parallel_loop3A_386, %parallel_loop3A_396 : vector<16xf32>
        %parallel_loop3A_398 = arith.mulf %parallel_loop3A_397, %get3A_17 : vector<16xf32>
        %parallel_loop3A_399 = arith.addf %parallel_loop3A_375, %parallel_loop3A_398 : vector<16xf32>
        %parallel_loop3A_400 = arith.index_cast %parallel_loop3A_229 : i32 to index
        %parallel_loop3A_401 = arith.constant 112 : index
        %parallel_loop3A_402 = tpu.vector_load %arg22[%parallel_loop3A_400, %parallel_loop3A_401] {strides = array<i32>} : memref<64x128xf32, #tpu.memory_space<vmem>>, vector<16xf32>,
        %parallel_loop3A_403 = arith.index_cast %parallel_loop3A_229 : i32 to index
        %parallel_loop3A_404 = arith.constant 112 : index
        %parallel_loop3A_405 = tpu.vector_load %arg23[%parallel_loop3A_403, %parallel_loop3A_404] {strides = array<i32>} : memref<64x128xf32, #tpu.memory_space<vmem>>, vector<16xf32>,
        %parallel_loop3A_406 = arith.addf %parallel_loop3A_402, %parallel_loop3A_405 : vector<16xf32>
        %parallel_loop3A_407 = arith.index_cast %parallel_loop3A_229 : i32 to index
        %parallel_loop3A_408 = arith.constant 112 : index
        %parallel_loop3A_409 = tpu.vector_load %arg24[%parallel_loop3A_407, %parallel_loop3A_408] {strides = array<i32>} : memref<64x128xf32, #tpu.memory_space<vmem>>, vector<16xf32>,
        %parallel_loop3A_410 = arith.addf %parallel_loop3A_406, %parallel_loop3A_409 : vector<16xf32>
        %parallel_loop3A_411 = arith.constant 0.000000e+00 : f32
        %parallel_loop3A_412 = vector.broadcast %parallel_loop3A_411 : f32 to vector<16xf32>
        %parallel_loop3A_413 = arith.subf %parallel_loop3A_412, %parallel_loop3A_410 : vector<16xf32>
        %parallel_loop3A_414 = math.exp %parallel_loop3A_413 : vector<16xf32>
        %parallel_loop3A_415 = arith.constant 1.000000e+00 : f32
        %parallel_loop3A_416 = vector.broadcast %parallel_loop3A_415 : f32 to vector<16xf32>
        %parallel_loop3A_417 = arith.addf %parallel_loop3A_416, %parallel_loop3A_414 : vector<16xf32>
        %parallel_loop3A_418 = arith.constant 1.000000e+00 : f32
        %parallel_loop3A_419 = vector.broadcast %parallel_loop3A_418 : f32 to vector<16xf32>
        %parallel_loop3A_420 = arith.divf %parallel_loop3A_419, %parallel_loop3A_417 : vector<16xf32>
        %parallel_loop3A_421 = arith.mulf %parallel_loop3A_410, %parallel_loop3A_420 : vector<16xf32>
        %parallel_loop3A_422 = arith.mulf %parallel_loop3A_421, %get3A_19 : vector<16xf32>
        %parallel_loop3A_423 = arith.addf %parallel_loop3A_399, %parallel_loop3A_422 : vector<16xf32>
        %parallel_loop3A_424 = arith.constant true
        %parallel_loop3A_425 = vector.broadcast %parallel_loop3A_424 : i1 to vector<16xi1>
        %parallel_loop3A_426 = tpu.scan <sum>, %parallel_loop3A_423 masked %parallel_loop3A_425 : vector<16xf32>, vector<16xi1> -> vector<16xf32>
        %parallel_loop3A_427 = vector.extract %parallel_loop3A_426[15] : f32 from vector<16xf32>
        %parallel_loop3A_428 = vector.broadcast %parallel_loop3A_427 : f32 to vector<16xf32>
        %parallel_loop3A_429 = arith.addf %parallel_loop3A_428, %get3A_21 : vector<16xf32>
        %parallel_loop3A_430 = arith.constant 0.000000e+00 : f32
        %parallel_loop3A_431 = vector.broadcast %parallel_loop3A_430 : f32 to vector<16xf32>
        %parallel_loop3A_432 = arith.subf %parallel_loop3A_431, %parallel_loop3A_429 : vector<16xf32>
        %parallel_loop3A_433 = math.exp %parallel_loop3A_432 : vector<16xf32>
        %parallel_loop3A_434 = arith.constant 1.000000e+00 : f32
        %parallel_loop3A_435 = vector.broadcast %parallel_loop3A_434 : f32 to vector<16xf32>
        %parallel_loop3A_436 = arith.addf %parallel_loop3A_435, %parallel_loop3A_433 : vector<16xf32>
        %parallel_loop3A_437 = arith.constant 1.000000e+00 : f32
        %parallel_loop3A_438 = vector.broadcast %parallel_loop3A_437 : f32 to vector<16xf32>
        %parallel_loop3A_439 = arith.divf %parallel_loop3A_438, %parallel_loop3A_436 : vector<16xf32>
        %parallel_loop3A_440 = arith.mulf %parallel_loop3A_253, %parallel_loop3A_439 : vector<16xf32>
        %parallel_loop3A_441 = arith.index_cast %parallel_loop3A_229 : i32 to index
        %parallel_loop3A_442 = arith.constant 0 : index
        %parallel_loop3A_443 = tpu.vector_load %arg22[%parallel_loop3A_441, %parallel_loop3A_442] {strides = array<i32>} : memref<64x128xf32, #tpu.memory_space<vmem>>, vector<16xf32>,
        tpu.vector_store %arg22[%parallel_loop3A_441, %parallel_loop3A_442], %parallel_loop3A_440 {strides = array<i32>} : memref<64x128xf32, #tpu.memory_space<vmem>>, vector<16xf32>,
        %parallel_loop3A_444 = arith.mulf %parallel_loop3A_277, %parallel_loop3A_439 : vector<16xf32>
        %parallel_loop3A_445 = arith.index_cast %parallel_loop3A_229 : i32 to index
        %parallel_loop3A_446 = arith.constant 16 : index
        %parallel_loop3A_447 = tpu.vector_load %arg22[%parallel_loop3A_445, %parallel_loop3A_446] {strides = array<i32>} : memref<64x128xf32, #tpu.memory_space<vmem>>, vector<16xf32>,
        tpu.vector_store %arg22[%parallel_loop3A_445, %parallel_loop3A_446], %parallel_loop3A_444 {strides = array<i32>} : memref<64x128xf32, #tpu.memory_space<vmem>>, vector<16xf32>,
        %parallel_loop3A_448 = arith.mulf %parallel_loop3A_301, %parallel_loop3A_439 : vector<16xf32>
        %parallel_loop3A_449 = arith.index_cast %parallel_loop3A_229 : i32 to index
        %parallel_loop3A_450 = arith.constant 32 : index
        %parallel_loop3A_451 = tpu.vector_load %arg22[%parallel_loop3A_449, %parallel_loop3A_450] {strides = array<i32>} : memref<64x128xf32, #tpu.memory_space<vmem>>, vector<16xf32>,
        tpu.vector_store %arg22[%parallel_loop3A_449, %parallel_loop3A_450], %parallel_loop3A_448 {strides = array<i32>} : memref<64x128xf32, #tpu.memory_space<vmem>>, vector<16xf32>,
        %parallel_loop3A_452 = arith.mulf %parallel_loop3A_325, %parallel_loop3A_439 : vector<16xf32>
        %parallel_loop3A_453 = arith.index_cast %parallel_loop3A_229 : i32 to index
        %parallel_loop3A_454 = arith.constant 48 : index
        %parallel_loop3A_455 = tpu.vector_load %arg22[%parallel_loop3A_453, %parallel_loop3A_454] {strides = array<i32>} : memref<64x128xf32, #tpu.memory_space<vmem>>, vector<16xf32>,
        tpu.vector_store %arg22[%parallel_loop3A_453, %parallel_loop3A_454], %parallel_loop3A_452 {strides = array<i32>} : memref<64x128xf32, #tpu.memory_space<vmem>>, vector<16xf32>,
        %parallel_loop3A_456 = arith.mulf %parallel_loop3A_349, %parallel_loop3A_439 : vector<16xf32>
        %parallel_loop3A_457 = arith.index_cast %parallel_loop3A_229 : i32 to index
        %parallel_loop3A_458 = arith.constant 64 : index
        %parallel_loop3A_459 = tpu.vector_load %arg22[%parallel_loop3A_457, %parallel_loop3A_458] {strides = array<i32>} : memref<64x128xf32, #tpu.memory_space<vmem>>, vector<16xf32>,
        tpu.vector_store %arg22[%parallel_loop3A_457, %parallel_loop3A_458], %parallel_loop3A_456 {strides = array<i32>} : memref<64x128xf32, #tpu.memory_space<vmem>>, vector<16xf32>,
        %parallel_loop3A_460 = arith.mulf %parallel_loop3A_373, %parallel_loop3A_439 : vector<16xf32>
        %parallel_loop3A_461 = arith.index_cast %parallel_loop3A_229 : i32 to index
        %parallel_loop3A_462 = arith.constant 80 : index
        %parallel_loop3A_463 = tpu.vector_load %arg22[%parallel_loop3A_461, %parallel_loop3A_462] {strides = array<i32>} : memref<64x128xf32, #tpu.memory_space<vmem>>, vector<16xf32>,
        tpu.vector_store %arg22[%parallel_loop3A_461, %parallel_loop3A_462], %parallel_loop3A_460 {strides = array<i32>} : memref<64x128xf32, #tpu.memory_space<vmem>>, vector<16xf32>,
        %parallel_loop3A_464 = arith.mulf %parallel_loop3A_397, %parallel_loop3A_439 : vector<16xf32>
        %parallel_loop3A_465 = arith.index_cast %parallel_loop3A_229 : i32 to index
        %parallel_loop3A_466 = arith.constant 96 : index
        %parallel_loop3A_467 = tpu.vector_load %arg22[%parallel_loop3A_465, %parallel_loop3A_466] {strides = array<i32>} : memref<64x128xf32, #tpu.memory_space<vmem>>, vector<16xf32>,
        tpu.vector_store %arg22[%parallel_loop3A_465, %parallel_loop3A_466], %parallel_loop3A_464 {strides = array<i32>} : memref<64x128xf32, #tpu.memory_space<vmem>>, vector<16xf32>,
        %parallel_loop3A_468 = arith.mulf %parallel_loop3A_421, %parallel_loop3A_439 : vector<16xf32>
        %parallel_loop3A_469 = arith.index_cast %parallel_loop3A_229 : i32 to index
        %parallel_loop3A_470 = arith.constant 112 : index
        %parallel_loop3A_471 = tpu.vector_load %arg22[%parallel_loop3A_469, %parallel_loop3A_470] {strides = array<i32>} : memref<64x128xf32, #tpu.memory_space<vmem>>, vector<16xf32>,
        tpu.vector_store %arg22[%parallel_loop3A_469, %parallel_loop3A_470], %parallel_loop3A_468 {strides = array<i32>} : memref<64x128xf32, #tpu.memory_space<vmem>>, vector<16xf32>,
      } {sc.loop_unroll_factor = 2 : i64, sc.parallel_access}
      %dma_start3A_223 = arith.constant 0 : i32
      %dma_start3A_224 = arith.constant 0 : i32
      %dma_start3A_225 = tpu.memref_slice %arg27[%dma_start3A_223, %dma_start3A_224] : memref<5008x128xf32, #tpu.memory_space<vmem_shared>> -> memref<5008x128xf32, #tpu.memory_space<vmem_shared>>
      tpu.enqueue_indirect_dma source(%arg22 : memref<64x128xf32, #tpu.memory_space<vmem>>) target(%dma_start3A_225 : memref<5008x128xf32, #tpu.memory_space<vmem_shared>>) offsets(%arg20 : memref<64xi32, #tpu.memory_space<vmem>>) semaphore(%arg35 : memref<!tpu.dma_semaphore, #tpu.memory_space<semaphore_mem>>) {add = true}
      %dma_start3A_226 = arith.constant 0 : i32
      %dma_start3A_227 = arith.constant 0 : i32
      %dma_start3A_228 = tpu.memref_slice %arg28[%dma_start3A_226, %dma_start3A_227] : memref<5008x128xf32, #tpu.memory_space<vmem_shared>> -> memref<5008x128xf32, #tpu.memory_space<vmem_shared>>
      tpu.enqueue_indirect_dma source(%arg22 : memref<64x128xf32, #tpu.memory_space<vmem>>) target(%dma_start3A_228 : memref<5008x128xf32, #tpu.memory_space<vmem_shared>>) offsets(%arg21 : memref<64xi32, #tpu.memory_space<vmem>>) semaphore(%arg36 : memref<!tpu.dma_semaphore, #tpu.memory_space<semaphore_mem>>) {add = true}
    }
    %dma_wait3A_135 = arith.constant 0 : i32
    %dma_wait3A_136 = arith.constant 0 : i32
    %dma_wait3A_137 = tpu.memref_slice %arg27[%dma_wait3A_135, %dma_wait3A_136] : memref<5008x128xf32, #tpu.memory_space<vmem_shared>> -> memref<5008x128xf32, #tpu.memory_space<vmem_shared>>
    tpu.wait_indirect_dma semaphore(%arg33 : memref<!tpu.dma_semaphore, #tpu.memory_space<semaphore_mem>>) src(%arg15 : memref<64x128xf32, #tpu.memory_space<vmem>>) dst(%dma_wait3A_137 : memref<5008x128xf32, #tpu.memory_space<vmem_shared>>)
    %dma_wait3A_138 = arith.constant 0 : i32
    %dma_wait3A_139 = arith.constant 0 : i32
    %dma_wait3A_140 = tpu.memref_slice %arg28[%dma_wait3A_138, %dma_wait3A_139] : memref<5008x128xf32, #tpu.memory_space<vmem_shared>> -> memref<5008x128xf32, #tpu.memory_space<vmem_shared>>
    tpu.wait_indirect_dma semaphore(%arg34 : memref<!tpu.dma_semaphore, #tpu.memory_space<semaphore_mem>>) src(%arg15 : memref<64x128xf32, #tpu.memory_space<vmem>>) dst(%dma_wait3A_140 : memref<5008x128xf32, #tpu.memory_space<vmem_shared>>)
    %dma_wait3A_141 = arith.constant 0 : i32
    %dma_wait3A_142 = arith.constant 0 : i32
    %dma_wait3A_143 = tpu.memref_slice %arg27[%dma_wait3A_141, %dma_wait3A_142] : memref<5008x128xf32, #tpu.memory_space<vmem_shared>> -> memref<5008x128xf32, #tpu.memory_space<vmem_shared>>
    tpu.wait_indirect_dma semaphore(%arg35 : memref<!tpu.dma_semaphore, #tpu.memory_space<semaphore_mem>>) src(%arg22 : memref<64x128xf32, #tpu.memory_space<vmem>>) dst(%dma_wait3A_143 : memref<5008x128xf32, #tpu.memory_space<vmem_shared>>)
    %dma_wait3A_144 = arith.constant 0 : i32
    %dma_wait3A_145 = arith.constant 0 : i32
    %dma_wait3A_146 = tpu.memref_slice %arg28[%dma_wait3A_144, %dma_wait3A_145] : memref<5008x128xf32, #tpu.memory_space<vmem_shared>> -> memref<5008x128xf32, #tpu.memory_space<vmem_shared>>
    tpu.wait_indirect_dma semaphore(%arg36 : memref<!tpu.dma_semaphore, #tpu.memory_space<semaphore_mem>>) src(%arg22 : memref<64x128xf32, #tpu.memory_space<vmem>>) dst(%dma_wait3A_146 : memref<5008x128xf32, #tpu.memory_space<vmem_shared>>)
    %barrier3A_147 = arith.constant 0 : index
    tpu.barrier barrier_id(%barrier3A_147)
    "tpu.region"() ({
      %run_scoped3A = tpu.sem_alloc : memref<!tpu.dma_semaphore, #tpu.memory_space<semaphore_mem>>
      %dma_start3A_155 = arith.constant 0 : i32
      %dma_start3A_156 = tpu.memref_slice %arg10[%arg0, %mul3A_2, %dma_start3A_155] : memref<2x10000x128xf32, #tpu.memory_space<hbm>> -> memref<1x312x128xf32, #tpu.memory_space<hbm>>
      %dma_start3A_157 = tpu.memref_squeeze %dma_start3A_156 : memref<1x312x128xf32, #tpu.memory_space<hbm>> -> memref<312x128xf32, #tpu.memory_space<hbm>>
      %dma_start3A_158 = arith.constant 0 : i32
      %dma_start3A_159 = tpu.memref_slice %arg27[%mul3A_2, %dma_start3A_158] : memref<5008x128xf32, #tpu.memory_space<vmem_shared>> -> memref<312x128xf32, #tpu.memory_space<vmem_shared>>
      tpu.enqueue_dma source(%dma_start3A_159 : memref<312x128xf32, #tpu.memory_space<vmem_shared>>) target(%dma_start3A_157 : memref<312x128xf32, #tpu.memory_space<hbm>>) target_semaphore(%run_scoped3A : memref<!tpu.dma_semaphore, #tpu.memory_space<semaphore_mem>>)
      %dma_wait3A_160 = arith.constant 0 : i32
      %dma_wait3A_161 = tpu.memref_slice %arg10[%arg0, %mul3A_2, %dma_wait3A_160] : memref<2x10000x128xf32, #tpu.memory_space<hbm>> -> memref<1x312x128xf32, #tpu.memory_space<hbm>>
      %dma_wait3A_162 = tpu.memref_squeeze %dma_wait3A_161 : memref<1x312x128xf32, #tpu.memory_space<hbm>> -> memref<312x128xf32, #tpu.memory_space<hbm>>
      %dma_wait3A_163 = arith.constant 0 : i32
      %dma_wait3A_164 = tpu.memref_slice %arg27[%mul3A_2, %dma_wait3A_163] : memref<5008x128xf32, #tpu.memory_space<vmem_shared>> -> memref<312x128xf32, #tpu.memory_space<vmem_shared>>
      tpu.wait_dma2 semaphore(%run_scoped3A : memref<!tpu.dma_semaphore, #tpu.memory_space<semaphore_mem>>) src(%dma_wait3A_164 : memref<312x128xf32, #tpu.memory_space<vmem_shared>>) dst(%dma_wait3A_162 : memref<312x128xf32, #tpu.memory_space<hbm>>)
      tpu.yield
    }) : () -> ()
    %add3A_148 = arith.constant 5000 : i32
    %add3A_149 = arith.addi %add3A_148, %mul3A_2 : i32
    "tpu.region"() ({
      %run_scoped3A = tpu.sem_alloc : memref<!tpu.dma_semaphore, #tpu.memory_space<semaphore_mem>>
      %dma_start3A_155 = arith.constant 0 : i32
      %dma_start3A_156 = tpu.memref_slice %arg10[%arg0, %add3A_149, %dma_start3A_155] : memref<2x10000x128xf32, #tpu.memory_space<hbm>> -> memref<1x312x128xf32, #tpu.memory_space<hbm>>
      %dma_start3A_157 = tpu.memref_squeeze %dma_start3A_156 : memref<1x312x128xf32, #tpu.memory_space<hbm>> -> memref<312x128xf32, #tpu.memory_space<hbm>>
      %dma_start3A_158 = arith.constant 0 : i32
      %dma_start3A_159 = tpu.memref_slice %arg28[%mul3A_2, %dma_start3A_158] : memref<5008x128xf32, #tpu.memory_space<vmem_shared>> -> memref<312x128xf32, #tpu.memory_space<vmem_shared>>
      tpu.enqueue_dma source(%dma_start3A_159 : memref<312x128xf32, #tpu.memory_space<vmem_shared>>) target(%dma_start3A_157 : memref<312x128xf32, #tpu.memory_space<hbm>>) target_semaphore(%run_scoped3A : memref<!tpu.dma_semaphore, #tpu.memory_space<semaphore_mem>>)
      %dma_wait3A_160 = arith.constant 0 : i32
      %dma_wait3A_161 = tpu.memref_slice %arg10[%arg0, %add3A_149, %dma_wait3A_160] : memref<2x10000x128xf32, #tpu.memory_space<hbm>> -> memref<1x312x128xf32, #tpu.memory_space<hbm>>
      %dma_wait3A_162 = tpu.memref_squeeze %dma_wait3A_161 : memref<1x312x128xf32, #tpu.memory_space<hbm>> -> memref<312x128xf32, #tpu.memory_space<hbm>>
      %dma_wait3A_163 = arith.constant 0 : i32
      %dma_wait3A_164 = tpu.memref_slice %arg28[%mul3A_2, %dma_wait3A_163] : memref<5008x128xf32, #tpu.memory_space<vmem_shared>> -> memref<312x128xf32, #tpu.memory_space<vmem_shared>>
      tpu.wait_dma2 semaphore(%run_scoped3A : memref<!tpu.dma_semaphore, #tpu.memory_space<semaphore_mem>>) src(%dma_wait3A_164 : memref<312x128xf32, #tpu.memory_space<vmem_shared>>) dst(%dma_wait3A_162 : memref<312x128xf32, #tpu.memory_space<hbm>>)
      tpu.yield
    }) : () -> ()
    %eq3A_150 = arith.constant 0 : i32
    %eq3A_151 = arith.cmpi eq, %arg1, %eq3A_150 : i32
    %convert_element_type3A_152 = arith.extui %eq3A_151 : i1 to i32
    %cond3A_153 = arith.constant 0 : i32
    %cond3A_154 = arith.cmpi ne, %convert_element_type3A_152, %cond3A_153 : i32
    scf.if %cond3A_154 {
      "tpu.region"() ({
        %run_scoped3A = tpu.sem_alloc : memref<!tpu.dma_semaphore, #tpu.memory_space<semaphore_mem>>
        %dma_start3A_155 = arith.constant 4992 : i32
        %dma_start3A_156 = arith.constant 0 : i32
        %dma_start3A_157 = tpu.memref_slice %arg10[%arg0, %dma_start3A_155, %dma_start3A_156] : memref<2x10000x128xf32, #tpu.memory_space<hbm>> -> memref<1x8x128xf32, #tpu.memory_space<hbm>>
        %dma_start3A_158 = tpu.memref_squeeze %dma_start3A_157 : memref<1x8x128xf32, #tpu.memory_space<hbm>> -> memref<8x128xf32, #tpu.memory_space<hbm>>
        %dma_start3A_159 = arith.constant 4992 : i32
        %dma_start3A_160 = arith.constant 0 : i32
        %dma_start3A_161 = tpu.memref_slice %arg27[%dma_start3A_159, %dma_start3A_160] : memref<5008x128xf32, #tpu.memory_space<vmem_shared>> -> memref<8x128xf32, #tpu.memory_space<vmem_shared>>
        tpu.enqueue_dma source(%dma_start3A_161 : memref<8x128xf32, #tpu.memory_space<vmem_shared>>) target(%dma_start3A_158 : memref<8x128xf32, #tpu.memory_space<hbm>>) target_semaphore(%run_scoped3A : memref<!tpu.dma_semaphore, #tpu.memory_space<semaphore_mem>>)
        %dma_wait3A_162 = arith.constant 4992 : i32
        %dma_wait3A_163 = arith.constant 0 : i32
        %dma_wait3A_164 = tpu.memref_slice %arg10[%arg0, %dma_wait3A_162, %dma_wait3A_163] : memref<2x10000x128xf32, #tpu.memory_space<hbm>> -> memref<1x8x128xf32, #tpu.memory_space<hbm>>
        %dma_wait3A_165 = tpu.memref_squeeze %dma_wait3A_164 : memref<1x8x128xf32, #tpu.memory_space<hbm>> -> memref<8x128xf32, #tpu.memory_space<hbm>>
        %dma_wait3A_166 = arith.constant 4992 : i32
        %dma_wait3A_167 = arith.constant 0 : i32
        %dma_wait3A_168 = tpu.memref_slice %arg27[%dma_wait3A_166, %dma_wait3A_167] : memref<5008x128xf32, #tpu.memory_space<vmem_shared>> -> memref<8x128xf32, #tpu.memory_space<vmem_shared>>
        tpu.wait_dma2 semaphore(%run_scoped3A : memref<!tpu.dma_semaphore, #tpu.memory_space<semaphore_mem>>) src(%dma_wait3A_168 : memref<8x128xf32, #tpu.memory_space<vmem_shared>>) dst(%dma_wait3A_165 : memref<8x128xf32, #tpu.memory_space<hbm>>)
        tpu.yield
      }) : () -> ()
      "tpu.region"() ({
        %run_scoped3A = tpu.sem_alloc : memref<!tpu.dma_semaphore, #tpu.memory_space<semaphore_mem>>
        %dma_start3A_155 = arith.constant 9992 : i32
        %dma_start3A_156 = arith.constant 0 : i32
        %dma_start3A_157 = tpu.memref_slice %arg10[%arg0, %dma_start3A_155, %dma_start3A_156] : memref<2x10000x128xf32, #tpu.memory_space<hbm>> -> memref<1x8x128xf32, #tpu.memory_space<hbm>>
        %dma_start3A_158 = tpu.memref_squeeze %dma_start3A_157 : memref<1x8x128xf32, #tpu.memory_space<hbm>> -> memref<8x128xf32, #tpu.memory_space<hbm>>
        %dma_start3A_159 = arith.constant 4992 : i32
        %dma_start3A_160 = arith.constant 0 : i32
        %dma_start3A_161 = tpu.memref_slice %arg28[%dma_start3A_159, %dma_start3A_160] : memref<5008x128xf32, #tpu.memory_space<vmem_shared>> -> memref<8x128xf32, #tpu.memory_space<vmem_shared>>
        tpu.enqueue_dma source(%dma_start3A_161 : memref<8x128xf32, #tpu.memory_space<vmem_shared>>) target(%dma_start3A_158 : memref<8x128xf32, #tpu.memory_space<hbm>>) target_semaphore(%run_scoped3A : memref<!tpu.dma_semaphore, #tpu.memory_space<semaphore_mem>>)
        %dma_wait3A_162 = arith.constant 9992 : i32
        %dma_wait3A_163 = arith.constant 0 : i32
        %dma_wait3A_164 = tpu.memref_slice %arg10[%arg0, %dma_wait3A_162, %dma_wait3A_163] : memref<2x10000x128xf32, #tpu.memory_space<hbm>> -> memref<1x8x128xf32, #tpu.memory_space<hbm>>
        %dma_wait3A_165 = tpu.memref_squeeze %dma_wait3A_164 : memref<1x8x128xf32, #tpu.memory_space<hbm>> -> memref<8x128xf32, #tpu.memory_space<hbm>>
        %dma_wait3A_166 = arith.constant 4992 : i32
        %dma_wait3A_167 = arith.constant 0 : i32
        %dma_wait3A_168 = tpu.memref_slice %arg28[%dma_wait3A_166, %dma_wait3A_167] : memref<5008x128xf32, #tpu.memory_space<vmem_shared>> -> memref<8x128xf32, #tpu.memory_space<vmem_shared>>
        tpu.wait_dma2 semaphore(%run_scoped3A : memref<!tpu.dma_semaphore, #tpu.memory_space<semaphore_mem>>) src(%dma_wait3A_168 : memref<8x128xf32, #tpu.memory_space<vmem_shared>>) dst(%dma_wait3A_165 : memref<8x128xf32, #tpu.memory_space<hbm>>)
        tpu.yield
      }) : () -> ()
    } else {
    }
    return
  }
}

module attributes {stable_mosaic.version = 14 : i64} {
  func.func @_edge_bias_body(%arg0: i32, %arg1: memref<4096x16xf32, #tpu.memory_space<vmem>>, %arg2: memref<16x128xf32, #tpu.memory_space<vmem>>, %arg3: memref<1x128xf32, #tpu.memory_space<vmem>>, %arg4: memref<4096x128xf32, #tpu.memory_space<vmem>>) attributes {dimension_semantics = [#tpu.dimension_semantics<arbitrary>], iteration_bounds = array<i64: 80>, scalar_prefetch = 0 : i64, scratch_operands = 0 : i64, tpu.core_type = #tpu.core_type<tc>, window_params = [{transform_indices = @transform_0, window_bounds = array<i64: 4096, 16>}, {pipeline_mode = #tpu.pipeline_mode<synchronous>, transform_indices = @transform_1, window_bounds = array<i64: 16, 128>}, {pipeline_mode = #tpu.pipeline_mode<synchronous>, transform_indices = @transform_2, window_bounds = array<i64: 1, 128>}, {transform_indices = @transform_3, window_bounds = array<i64: 4096, 128>}]} {
    %get3A = arith.constant 0 : index
    %get3A_0 = arith.constant 0 : index
    %get3A_1 = vector.load %arg1[%get3A, %get3A_0] : memref<4096x16xf32, #tpu.memory_space<vmem>>, vector<4096x16xf32>
    %get3A_2 = arith.constant 0 : index
    %get3A_3 = arith.constant 0 : index
    %get3A_4 = vector.load %arg2[%get3A_2, %get3A_3] : memref<16x128xf32, #tpu.memory_space<vmem>>, vector<16x128xf32>
    %dot_general3A = arith.constant dense<0.000000e+00> : vector<4096x128xf32>
    %dot_general3A_5 = tpu.matmul %get3A_1, %get3A_4, %dot_general3A {dimension_numbers = #tpu.dot_dimension_numbers<[1], [0], [0], [1], [0, 0, 1, 1], [], []>, transpose_lhs_hint = false} : vector<4096x16xf32>, vector<16x128xf32>, vector<4096x128xf32> -> vector<4096x128xf32>
    %get3A_6 = arith.constant 0 : index
    %get3A_7 = arith.constant 0 : index
    %get3A_8 = vector.load %arg3[%get3A_6, %get3A_7] : memref<1x128xf32, #tpu.memory_space<vmem>>, vector<1x128xf32>
    %add3A = vector.broadcast %get3A_8 : vector<1x128xf32> to vector<4096x128xf32>
    %add3A_9 = arith.addf %dot_general3A_5, %add3A : vector<4096x128xf32>
    %swap3A = arith.constant 0 : index
    %swap3A_10 = arith.constant 0 : index
    %swap3A_11 = vector.load %arg4[%swap3A, %swap3A_10] : memref<4096x128xf32, #tpu.memory_space<vmem>>, vector<4096x128xf32>
    tpu.vector_store %arg4[%swap3A, %swap3A_10], %add3A_9 {strides = array<i32>} : memref<4096x128xf32, #tpu.memory_space<vmem>>, vector<4096x128xf32>,
    return
  }
  func.func @transform_0(%arg0: i32) -> (i32, i32) {
    %c0_i32 = arith.constant 0 : i32
    %c0_i32_0 = arith.constant 0 : i32
    return %arg0, %c0_i32 : i32, i32
  }
  func.func @transform_1(%arg0: i32) -> (i32, i32) {
    %c0_i32 = arith.constant 0 : i32
    %c0_i32_0 = arith.constant 0 : i32
    %c0_i32_1 = arith.constant 0 : i32
    return %c0_i32, %c0_i32_0 : i32, i32
  }
  func.func @transform_2(%arg0: i32) -> (i32, i32) {
    %c0_i32 = arith.constant 0 : i32
    %c0_i32_0 = arith.constant 0 : i32
    %c0_i32_1 = arith.constant 0 : i32
    return %c0_i32, %c0_i32_0 : i32, i32
  }
  func.func @transform_3(%arg0: i32) -> (i32, i32) {
    %c0_i32 = arith.constant 0 : i32
    %c0_i32_0 = arith.constant 0 : i32
    return %arg0, %c0_i32 : i32, i32
  }
}

module attributes {stable_mosaic.version = 14 : i64} {
  func.func @_proj_body(%arg0: i32, %arg1: memref<1024x128xf32, #tpu.memory_space<vmem>>, %arg2: memref<1024x128xf32, #tpu.memory_space<vmem>>, %arg3: memref<128x128xf32, #tpu.memory_space<vmem>>, %arg4: memref<128x128xf32, #tpu.memory_space<vmem>>, %arg5: memref<1024x128xf32, #tpu.memory_space<vmem>>, %arg6: memref<1024x128xf32, #tpu.memory_space<vmem>>) attributes {dimension_semantics = [#tpu.dimension_semantics<arbitrary>], iteration_bounds = array<i64: 10>, scalar_prefetch = 0 : i64, scratch_operands = 0 : i64, tpu.core_type = #tpu.core_type<tc>, window_params = [{transform_indices = @transform_0, window_bounds = array<i64: 1024, 128>}, {transform_indices = @transform_1, window_bounds = array<i64: 1024, 128>}, {pipeline_mode = #tpu.pipeline_mode<synchronous>, transform_indices = @transform_2, window_bounds = array<i64: 128, 128>}, {pipeline_mode = #tpu.pipeline_mode<synchronous>, transform_indices = @transform_3, window_bounds = array<i64: 128, 128>}, {transform_indices = @transform_4, window_bounds = array<i64: 1024, 128>}, {transform_indices = @transform_5, window_bounds = array<i64: 1024, 128>}]} {
    %get3A = arith.constant 0 : index
    %get3A_0 = arith.constant 0 : index
    %get3A_1 = vector.load %arg1[%get3A, %get3A_0] : memref<1024x128xf32, #tpu.memory_space<vmem>>, vector<1024x128xf32>
    %get3A_2 = arith.constant 0 : index
    %get3A_3 = arith.constant 0 : index
    %get3A_4 = vector.load %arg3[%get3A_2, %get3A_3] : memref<128x128xf32, #tpu.memory_space<vmem>>, vector<128x128xf32>
    %dot_general3A = arith.constant dense<0.000000e+00> : vector<1024x128xf32>
    %dot_general3A_5 = tpu.matmul %get3A_1, %get3A_4, %dot_general3A {dimension_numbers = #tpu.dot_dimension_numbers<[1], [0], [0], [1], [0, 0, 1, 1], [], []>, precision = #tpu.contract_precision<fp32>, transpose_lhs_hint = false} : vector<1024x128xf32>, vector<128x128xf32>, vector<1024x128xf32> -> vector<1024x128xf32>
    %swap3A = arith.constant 0 : index
    %swap3A_6 = arith.constant 0 : index
    %swap3A_7 = vector.load %arg5[%swap3A, %swap3A_6] : memref<1024x128xf32, #tpu.memory_space<vmem>>, vector<1024x128xf32>
    tpu.vector_store %arg5[%swap3A, %swap3A_6], %dot_general3A_5 {strides = array<i32>} : memref<1024x128xf32, #tpu.memory_space<vmem>>, vector<1024x128xf32>,
    %get3A_8 = arith.constant 0 : index
    %get3A_9 = arith.constant 0 : index
    %get3A_10 = vector.load %arg2[%get3A_8, %get3A_9] : memref<1024x128xf32, #tpu.memory_space<vmem>>, vector<1024x128xf32>
    %get3A_11 = arith.constant 0 : index
    %get3A_12 = arith.constant 0 : index
    %get3A_13 = vector.load %arg4[%get3A_11, %get3A_12] : memref<128x128xf32, #tpu.memory_space<vmem>>, vector<128x128xf32>
    %dot_general3A_14 = arith.constant dense<0.000000e+00> : vector<1024x128xf32>
    %dot_general3A_15 = tpu.matmul %get3A_10, %get3A_13, %dot_general3A_14 {dimension_numbers = #tpu.dot_dimension_numbers<[1], [0], [0], [1], [0, 0, 1, 1], [], []>, precision = #tpu.contract_precision<fp32>, transpose_lhs_hint = false} : vector<1024x128xf32>, vector<128x128xf32>, vector<1024x128xf32> -> vector<1024x128xf32>
    %swap3A_16 = arith.constant 0 : index
    %swap3A_17 = arith.constant 0 : index
    %swap3A_18 = vector.load %arg6[%swap3A_16, %swap3A_17] : memref<1024x128xf32, #tpu.memory_space<vmem>>, vector<1024x128xf32>
    tpu.vector_store %arg6[%swap3A_16, %swap3A_17], %dot_general3A_15 {strides = array<i32>} : memref<1024x128xf32, #tpu.memory_space<vmem>>, vector<1024x128xf32>,
    return
  }
  func.func @transform_0(%arg0: i32) -> (i32, i32) {
    %c0_i32 = arith.constant 0 : i32
    %c0_i32_0 = arith.constant 0 : i32
    return %arg0, %c0_i32 : i32, i32
  }
  func.func @transform_1(%arg0: i32) -> (i32, i32) {
    %c0_i32 = arith.constant 0 : i32
    %c0_i32_0 = arith.constant 0 : i32
    return %arg0, %c0_i32 : i32, i32
  }
  func.func @transform_2(%arg0: i32) -> (i32, i32) {
    %c0_i32 = arith.constant 0 : i32
    %c0_i32_0 = arith.constant 0 : i32
    %c0_i32_1 = arith.constant 0 : i32
    return %c0_i32, %c0_i32_0 : i32, i32
  }
  func.func @transform_3(%arg0: i32) -> (i32, i32) {
    %c0_i32 = arith.constant 0 : i32
    %c0_i32_0 = arith.constant 0 : i32
    %c0_i32_1 = arith.constant 0 : i32
    return %c0_i32, %c0_i32_0 : i32, i32
  }
  func.func @transform_4(%arg0: i32) -> (i32, i32) {
    %c0_i32 = arith.constant 0 : i32
    %c0_i32_0 = arith.constant 0 : i32
    return %arg0, %c0_i32 : i32, i32
  }
  func.func @transform_5(%arg0: i32) -> (i32, i32) {
    %c0_i32 = arith.constant 0 : i32
    %c0_i32_0 = arith.constant 0 : i32
    return %arg0, %c0_i32 : i32, i32
  }
}

module attributes {stable_mosaic.version = 14 : i64} {
  func.func @_final_body(%arg0: i32, %arg1: memref<2000x128xf32, #tpu.memory_space<vmem>>, %arg2: memref<2000x128xf32, #tpu.memory_space<vmem>>, %arg3: memref<2000x128xf32, #tpu.memory_space<vmem>>, %arg4: memref<2000x128xf32, #tpu.memory_space<vmem>>) attributes {dimension_semantics = [#tpu.dimension_semantics<arbitrary>], iteration_bounds = array<i64: 5>, scalar_prefetch = 0 : i64, scratch_operands = 0 : i64, tpu.core_type = #tpu.core_type<tc>, window_params = [{transform_indices = @transform_0, window_bounds = array<i64: 2000, 128>}, {transform_indices = @transform_1, window_bounds = array<i64: 2000, 128>}, {transform_indices = @transform_2, window_bounds = array<i64: 2000, 128>}, {transform_indices = @transform_3, window_bounds = array<i64: 2000, 128>}]} {
    %get3A = arith.constant 0 : index
    %get3A_0 = arith.constant 0 : index
    %get3A_1 = vector.load %arg1[%get3A, %get3A_0] : memref<2000x128xf32, #tpu.memory_space<vmem>>, vector<2000x128xf32>
    %get3A_2 = arith.constant 0 : index
    %get3A_3 = arith.constant 0 : index
    %get3A_4 = vector.load %arg2[%get3A_2, %get3A_3] : memref<2000x128xf32, #tpu.memory_space<vmem>>, vector<2000x128xf32>
    %add3A = arith.addf %get3A_1, %get3A_4 : vector<2000x128xf32>
    %get3A_5 = arith.constant 0 : index
    %get3A_6 = arith.constant 0 : index
    %get3A_7 = vector.load %arg3[%get3A_5, %get3A_6] : memref<2000x128xf32, #tpu.memory_space<vmem>>, vector<2000x128xf32>
    %add3A_8 = arith.addf %add3A, %get3A_7 : vector<2000x128xf32>
    %swap3A = arith.constant 0 : index
    %swap3A_9 = arith.constant 0 : index
    %swap3A_10 = vector.load %arg4[%swap3A, %swap3A_9] : memref<2000x128xf32, #tpu.memory_space<vmem>>, vector<2000x128xf32>
    tpu.vector_store %arg4[%swap3A, %swap3A_9], %add3A_8 {strides = array<i32>} : memref<2000x128xf32, #tpu.memory_space<vmem>>, vector<2000x128xf32>,
    return
  }
  func.func @transform_0(%arg0: i32) -> (i32, i32) {
    %c0_i32 = arith.constant 0 : i32
    %c0_i32_0 = arith.constant 0 : i32
    return %arg0, %c0_i32 : i32, i32
  }
  func.func @transform_1(%arg0: i32) -> (i32, i32) {
    %c0_i32 = arith.constant 0 : i32
    %c0_i32_0 = arith.constant 0 : i32
    return %arg0, %c0_i32 : i32, i32
  }
  func.func @transform_2(%arg0: i32) -> (i32, i32) {
    %c0_i32 = arith.constant 0 : i32
    %c0_i32_0 = arith.constant 0 : i32
    return %arg0, %c0_i32 : i32, i32
  }
  func.func @transform_3(%arg0: i32) -> (i32, i32) {
    %c0_i32 = arith.constant 0 : i32
    %c0_i32_0 = arith.constant 0 : i32
    return %arg0, %c0_i32 : i32, i32
  }
}

</mosaic_0001>

<sc_bundles>
// kernel: kernel.6.cloned.1.call-start
scs
__scs_entry_jumppad:
0x0: {  	(pc) =	sbr.rel $0x88, $3  }
0x1: {  	(tag) =	ssettag $0x0;
	lr =	simm.s32 $0x1  }
0x2: {  	[smem:$0x3F98] =	sst lr;
	_ =	strace $0xD0000000  }
0x3: {  	_ = 	snop  }
0x4: {  	_ = 	snop  }
0x5: {  	_ = 	snop  }
0x6: {  	_ = 	snop  }
0x7: {  	_ = 	snop  }
__scs_overlays_trampoline_lowered:
0x8: {  	[smem:$0x3FA7] =	sst s0  }
0x9: {  	[smem:$0x3FA8] =	sst s1  }
0xa: {  	[smem:$0x3FA9] =	sst s2  }
0xb: {  	[smem:$0x3FAA] =	sst s3  }
0xc: {  	[smem:$0x3FAB] =	sst s4  }
0xd: {  	[smem:$0x3FAC] =	sst s5  }
0xe: {  	[smem:$0x3FAD] =	sst s6  }
0xf: {  	[smem:$0x3FAE] =	sst s7  }
0x10: {  	[smem:$0x3FAF] =	sst s8  }
0x11: {  	[smem:$0x3FB0] =	sst s9;
	s0 =	simm.s32 @!p0 $0x0  }
0x12: {  	s1 =	sld [smem:$0x3F96];
	s0 =	simm.s32 @p0 $0x1  }
0x13: {  	[smem:$0x3FB1] =	sst s0;
	s0 =	simm.s32 @!p1 $0x0  }
0x14: {  	s2 =	sld [smem:$0x3F95];
	s0 =	simm.s32 @p1 $0x1  }
0x15: {  	[smem:$0x3FB2] =	sst s0;
	s0 =	simm.s32 @!p2 $0x0  }
0x16: {  	s3 =	sld [smem:$0x3FDB];
	s0 =	simm.s32 @p2 $0x1  }
0x17: {  	s4 =	simm.s32 $0x1BF5;
	[smem:$0x3FB4] =	sst s0  }
0x18: {  	s0 =	sld [smem:$0x3F97];
	_ =	swait.ge [sflag:s4], $0x0  }
0x19: {  	s7 =	sld [smem:$0x3F98]  }
0x1a: {  	s8 =	sadd.s32 $0xFFFFE003, lr  }
0x1b: {  	s9 =	sadd.s32 $0xFFFFFEF7, lr;
	s5 =	simm.s32 $0xFFFFFFFF;
	p2 =	slt.u32 s8, $0xFFFFF086  }
0x1c: {  	p1 =	slt.u32 s9, $0xF7A;
	s5 =	simm.s32 @!p2 $0x0  }
0x1d: {  	s5 =	simm.s32 @p1 $0x1;
	p0 =	seq.s32 s7, s2  }
0x1e: {  	s7 =	smul.u32 @!p0 $0xF7A, s2;
	p2 =	seq.s32 @!p0 s5, $0x0  }
0x1f: {  	s9 =	smul.u32 $0xF7A, s1;
	s8 =	simm.s32 @!p0 $0x1BF5;
	p2 =	por !p2, p0  }
0x20: {  	[sflag:s8] =	ssyncset.s32 @!p0 $0xFFFFF086;
	s6 =	sadd.s32 @!p0 s3, s7;
	s7 =	simm.s32 @!p0 $0x108  }
0x21: {  	s3 =	sadd.s32 s3, s9;
	s6 =	sadd.s32 @!p0 $0x88, s6;
	s7 =	simm.s32 @p2 $0x1082  }
0x22: {  	[simem:s7], [sflag:s8] =	dma.local @!p0 [hbm:s6], $0xF7A  }
0x23: {  	s9 =	sor.u32 $0xD0000000, s2;
	s6 =	simm.s32 $0x108;
	_ =	swait.ge @!p0 [sflag:s8], $0x0  }
0x24: {  	s3 =	sadd.s32 $0x88, s3;
	s6 =	simm.s32 @!p1 $0x1082;
	[sflag:s4] =	ssyncset.s32 $0xFFFFF086  }
0x25: {  	[simem:s6], [sflag:s4] =	dma.local [hbm:s3], $0xF7A  }
0x26: {  	[smem:$0x3F98] =	sst s1;
	(tag) =	ssettag s2;
	_ =	strace s9  }
0x27: {  	s1 =	sld [smem:$0x3FA8]  }
0x28: {  	s2 =	sld [smem:$0x3FA9]  }
0x29: {  	s4 =	sld [smem:$0x3FAB]  }
0x2a: {  	p0 =	seq.s32 s5, $0x0;
	s5 =	sld [smem:$0x3FAC]  }
0x2b: {  	s6 =	sld [smem:$0x3FAD]  }
0x2c: {  	s7 =	sld [smem:$0x3FAE]  }
0x2d: {  	s3 =	simm.s32 $0x108;
	s8 =	sld [smem:$0x3FAF]  }
0x2e: {  	s3 =	simm.s32 @!p0 $0x1082;
	s9 =	sld [smem:$0x3FB0]  }
0x2f: {  	lr =	sadd.s32 s0, s3;
	s0 =	sld [smem:$0x3FA7]  }
0x30: {  	s3 =	sld [smem:$0x3FAA]  }
0x31: {  	[smem:$0x3FB3] =	sst s10  }
0x32: {  	s10 =	sld [smem:$0x3FB1];
	_ =	sdelay $0x3  }
0x33: {  	p0 =	seq.s32 s10, $0x1;
	s10 =	sld [smem:$0x3FB3];
	_ =	sdelay $0x3  }
0x34: {  	[smem:$0x3FB3] =	sst s10  }
0x35: {  	s10 =	sld [smem:$0x3FB2];
	_ =	sdelay $0x3  }
0x36: {  	p1 =	seq.s32 s10, $0x1;
	s10 =	sld [smem:$0x3FB3];
	_ =	sdelay $0x3  }
0x37: {  	[smem:$0x3FB3] =	sst s10  }
0x38: {  	s10 =	sld [smem:$0x3FB4]  }
0x39: {  	_ = 	snop;
	(pc) =	sbr.ind lr, $3  }
0x3a: {  	_ = 	snop  }
0x3b: {  	_ = 	snop  }
0x3c: {  	p2 =	seq.s32 s10, $0x1;
	s10 =	sld [smem:$0x3FB3]  }
0x3d: {  	_ =	shalt  }
0x3e: {  	_ =	shalt  }
0x3f: {  	_ =	shalt  }
0x40: {  	_ =	shalt  }
0x41: {  	_ =	shalt  }
0x42: {  	_ =	shalt  }
0x43: {  	_ =	shalt  }
0x44: {  	_ =	shalt  }
0x45: {  	_ =	shalt  }
0x46: {  	_ =	shalt  }
0x47: {  	_ =	shalt  }
0x48: {  	_ =	shalt  }
0x49: {  	_ =	shalt  }
0x4a: {  	_ =	shalt  }
0x4b: {  	_ =	shalt  }
0x4c: {  	_ =	shalt  }
0x4d: {  	_ =	shalt  }
0x4e: {  	_ =	shalt  }
0x4f: {  	_ =	shalt  }
0x50: {  	_ =	shalt  }
0x51: {  	_ =	shalt  }
0x52: {  	_ =	shalt  }
0x53: {  	_ =	shalt  }
0x54: {  	_ =	shalt  }
0x55: {  	_ =	shalt  }
0x56: {  	_ =	shalt  }
0x57: {  	_ =	shalt  }
0x58: {  	_ =	shalt  }
0x59: {  	_ =	shalt  }
0x5a: {  	_ =	shalt  }
0x5b: {  	_ =	shalt  }
0x5c: {  	_ =	shalt  }
0x5d: {  	_ =	shalt  }
0x5e: {  	_ =	shalt  }
0x5f: {  	_ =	shalt  }
0x60: {  	_ =	shalt  }
0x61: {  	_ =	shalt  }
0x62: {  	_ =	shalt  }
0x63: {  	_ =	shalt  }
0x64: {  	_ =	shalt  }
0x65: {  	_ =	shalt  }
0x66: {  	_ =	shalt  }
0x67: {  	_ =	shalt  }
0x68: {  	_ =	shalt  }
0x69: {  	_ =	shalt  }
0x6a: {  	_ =	shalt  }
0x6b: {  	_ =	shalt  }
0x6c: {  	_ =	shalt  }
0x6d: {  	_ =	shalt  }
0x6e: {  	_ =	shalt  }
0x6f: {  	_ =	shalt  }
0x70: {  	_ =	shalt  }
0x71: {  	_ =	shalt  }
0x72: {  	_ =	shalt  }
0x73: {  	_ =	shalt  }
0x74: {  	_ =	shalt  }
0x75: {  	_ =	shalt  }
0x76: {  	_ =	shalt  }
0x77: {  	_ =	shalt  }
0x78: {  	_ =	shalt  }
0x79: {  	_ =	shalt  }
0x7a: {  	_ =	shalt  }
0x7b: {  	_ =	shalt  }
0x7c: {  	_ =	shalt  }
0x7d: {  	_ =	shalt  }
0x7e: {  	_ =	shalt  }
0x7f: {  	_ =	shalt  }
0x80: {  	_ =	shalt  }
0x81: {  	_ =	shalt  }
0x82: {  	_ =	shalt  }
0x83: {  	_ =	shalt  }
0x84: {  	_ =	shalt  }
0x85: {  	_ =	shalt  }
0x86: {  	_ =	shalt  }
0x87: {  	_ =	shalt  }
.Lfunc_end0:
.L_simem_size_0:
called_computation_lowered:
.L_overlay_start_0:
0x88: {  	s2 =	sld [smem:$0x3FD9]  }
0x89: {  	s3 =	sld [smem:$0x3FFE];
	_ =	sdelay $0x1  }
0x8a: {  	s1 =	srdreg.scid  }
0x8b: {  	s0 =	sand.u32 $0x1, s1  }
0x8c: {  	s17 =	sshll.u32 s0, $0xA;
	s2 =	sadd.s32 s3, s2  }
0x8d: {  	s2 =	sadd.s32 s2, s17  }
0x8e: {  	[smem:$0x3FBF] =	sst s2  }
0x8f: {  	_ = 	snop  }
0x90: {  	s2 =	sld [smem:$0x3FC4]  }
0x91: {  	s18 =	sld [smem:$0x3FD0];
	(tm) =	ssettm $0x1  }
0x92: {  	s4 =	sld [smem:$0x3FFB];
	_ =	sdelay $0x3  }
0x93: {  	_ =	strace s4  }
0x94: {  	s4 =	sld [smem:$0x3FFC];
	_ =	sdelay $0x3  }
0x95: {  	_ =	strace s4  }
0x96: {  	s4 =	sld [smem:$0x3FFD];
	_ =	sdelay $0x3  }
0x97: {  	_ =	strace s4  }
0x98: {  	_ =	strace $0x8FFFFFFF  }
0x99: {  	s19 =	sld [smem:$0x3FDB];
	_ =	sdelay $0x1  }
0x9a: {  	s5 =	simm.s32 $_scs_section_size  }
0x9b: {  	s6 =	simm.s32 $_size__tile_overlayer_lowered;
	s7 =	simm.s32 $_tile_overlayer_lowered  }
0x9c: {  	s22 =	simm.s32 $0x1BFF;
	s21 =	sshll.u32 s7, $0x1;
	s4 =	sadd.s32 s5, s19  }
0x9d: {  	s8 =	simm.s32 $0x0;
	s20 =	sshll.u32 s6, $0x1;
	s6 =	sadd.s32 s21, s4  }
0x9e: {  	[timem:s8], [sflag:s22] =	dma.local [hbm:s6], s20  }
0x9f: {  	_ =	swait.ge [sflag:s22], s20  }
0xa0: {  	s5 =	ssub.s32 $0x0, s20;
	[sflag:s22] =	ssyncset.done $0x0  }
0xa1: {  	[sflag:s22] =	ssyncadd.s32 s5;
	_ =	sdelay $0x1  }
0xa2: {  	s23 =	simm.s32 $0x1B8B  }
0xa3: {  	_ =	swait.ge [sflag:s23], $0x1  }
0xa4: {  	[sflag:s23] =	ssyncset.done $0x0  }
0xa5: {  	s25 =	simm.s32 $0x1B8E;
	s24 =	sld [smem:$0x3FFE];
	[sflag:s23] =	ssyncadd.s32 $0xFFFFFFFF  }
0xa6: {  	s26 =	simm.s32 $execute0_lowered;
	[smem:$0x3FD2] =	sst s25  }
0xa7: {  	s6 =	sshll.u32 s26, $0x1;
	_ =	strace $0x80000046;
	[dreg:$0x1] =	wrdreg $0xFFFFFFFF  }
0xa8: {  	s28 =	simm.s32 $_size_execute0_lowered;
	s4 =	sadd.s32 s4, s6;
	[dreg:$0x0] =	wrdreg $0x0  }
0xa9: {  	s6 =	sshll.u32 s28, $0x1;
	[dreg:$0x2] =	wrdreg s4  }
0xaa: {  	[dreg:$0x3] =	wrdreg s6  }
0xab: {  	[dreg:$0x4] =	wrdreg $0xC0  }
0xac: {  	_ =	task [dreg:s8], $0x5FFFF  }
0xad: {  	[dreg:$0x1] =	wrdreg $0xFFFFFFFF  }
0xae: {  	[dreg:$0x0] =	wrdreg $0x60  }
0xaf: {  	[dreg:$0x2] =	wrdreg s24  }
0xb0: {  	[dreg:$0x3] =	wrdreg s18  }
0xb1: {  	[dreg:$0x4] =	wrdreg s2  }
0xb2: {  	[dreg:$0x5] =	wrdreg $0xC5000  }
0xb3: {  	[dreg:$0x6] =	wrdreg $0x161800  }
0xb4: {  	[dreg:$0x7] =	wrdreg $0x9  }
0xb5: {  	_ =	task.clear_ibuf [dreg:s8], $0x8FFFF;
	_ =	strace $0x90000046  }
0xb6: {  	s29 =	simm.s32 $0x9;
	_ =	strace $0x80000048  }
0xb7: {  	_ =	swait.ge [sflag:s29], $0x1  }
0xb8: {  	[sflag:s29] =	ssyncadd.s32 $0xFFFFFFFF  }
0xb9: {  	_ =	strace $0x90000048  }
0xba: {  	_ =	sfence  }
0xbb: {  	s30 =	sld [smem:$0x0];
	_ =	sdelay $0x2  }
0xbc: {  	s31 =	sshll.u32 s1, $0xD;
	s1 =	sshrl.u32 s1, $0x2  }
0xbd: {  	s3 =	sand.u32 $0x4000, s31;
	s1 =	sadd.s32 s1, s30  }
0xbe: {  	s0 =	sor.u32 s3, s0;
	s1 =	sshll.u32 s1, $0x11  }
0xbf: {  	s0 =	sor.u32 s1, s0  }
0xc0: {  	s0 =	sadd.s32 $0x8F2B, s0  }
0xc1: {  	[sflag:s0] =	ssyncadd.remote.s32 $0x1  }
0xc2: {  	_ =	sfence.sel $0xFFFF  }
0xc3: {  	[dreg:$0x0] =	wrdreg $0xFFFFFFFF;
	(pc) =	sbr.abs _section_cstart, $3  }
0xc4: {  	[dreg:$0x1] =	wrdreg $0xFFFFFFFF  }
0xc5: {  	_ =	task.clear_ibuf [dreg:s8], $0x2FFFF;
	_ =	strace $0x9FFFFFFF  }
0xc6: {  	(tm) =	ssettm $0x7FFFFFFF  }
0xc7: {  	_ =	shalt  }
tec
execute0_lowered:
.L_overlay_start_1:
0x0: {  	(tag) =	ssettag $0x1  }
0x1: {  	s0 =	rddreg [dreg:$0x0]  }
0x2: {  	s1 =	rddreg [dreg:$0x1]  }
0x3: {  	s2 =	rddreg [dreg:$0x3]  }
0x4: {  	s3 =	rddreg [dreg:$0x4]  }
0x5: {  	s4 =	simm.s32 $0x0;
	s14 =	srdreg.scid;
	s10 =	stileid.u32  }
0x6: {  	[smem:$0x7FF] =	sst s4;
	s5 =	sadd.s32 $0x3400, s0;
	s6 =	sadd.s32 $0x2B400, s0  }
0x7: {  	s7 =	sadd.s32 $0xA35E00, s0;
	s8 =	sadd.s32 $0x54000, s0;
	s4 =	sand.u32 $0x1, s14  }
0x8: {  	s9 =	sadd.s32 $0x5E000, s0;
	s12 =	smul.u32 $0x9C00, s10;
	s13 =	sadd.s32 $0x53400, s0  }
0x9: {  	s0 =	sadd.s32 $0x68000, s0;
	s18 =	sshll.u32 s10, $0x6;
	s14 =	smul.u32 $0x74, s10  }
0xa: {  	s28 =	sadd.s32 $0x9C000, s2;
	_ =	strace $0x80000047;
	[dreg:$0x6] =	wrdreg s13  }
0xb: {  	s29 =	sadd.s32 $0x9C000, s3;
	s11 =	ssub.s32 $0x2, s4;
	[dreg:$0x14] =	wrdreg s28  }
0xc: {  	p0 =	seq.s32 s4, $0x0;
	s4 =	smul.u32 $0x138800, s4;
	[dreg:$0x15] =	wrdreg s29  }
0xd: {  	s15 =	sshrl.u32 s11, $0x1;
	s16 =	sadd.s32 s12, s2;
	s17 =	sshrl.u32 s12, $0x3  }
0xe: {  	s11 =	ssub.s32 s11, s15;
	[dreg:$0x7] =	wrdreg s16;
	s13 =	sadd.s32 s1, s17  }
0xf: {  	s15 =	sadd.s32 s12, s3;
	s16 =	smul.u32 $0xCC, s10;
	s1 =	sadd.s32 $0x13800, s1  }
0x10: {  	s17 =	simm.s32 $0xCC;
	s12 =	sadd.s32 s12, s4;
	[dreg:$0x8] =	wrdreg s13  }
0x11: {  	s4 =	sshrl.u32 s4, $0x3;
	s13 =	sor.u32 $0x1C09, s18;
	[dreg:$0x9] =	wrdreg s15  }
0x12: {  	s15 =	sadd.s32 $0xCC0, s14;
	[dreg:$0xa] =	wrdreg s1;
	s17 =	simm.s32 @!p0 $0x74  }
0x13: {  	s12 =	sshrl.u32 s12, $0x3;
	s26 =	smax.u32 s11, $0x1;
	s11 =	simm.s32 $0x200  }
0x14: {  	s14 =	simm.s32 $0x1;
	s18 =	simm.s32 $0x100;
	s15 =	smov.u32 @p0 s16  }
0x15: {  	s12 =	sadd.s32 s0, s12;
	s0 =	sadd.s32 s0, s4;
	p0 =	sne.s32 s10, $0x0  }
0x16: {  	[dreg:$0x13] =	wrdreg s26;
	s30 =	sshrl.u32 s17, $0x1;
	s10 =	simm.s32 $0x40  }
0x17: {  	s19 =	sshll.u32 s15, $0x3;
	s25 =	sadd.s32 $0x13800, s0;
	[dreg:$0xd] =	wrdreg s12  }
0x18: {  	s22 =	sshll.u32 s15, $0xA;
	s0 =	sadd.s32 $0x27080, s0;
	[dreg:$0x11] =	wrdreg s25  }
0x19: {  	s31 =	sadd.s32 $0x13880, s12;
	s12 =	simm.s32 $0x0;
	[dreg:$0x12] =	wrdreg s0  }
0x1a: {  	s20 =	sadd.s32 s8, s19;
	s21 =	sadd.s32 s9, s19;
	[dreg:$0x16] =	wrdreg s31  }
0x1b: {  	s1 =	sor.u32 $0x8, s19;
	s24 =	sadd.s32 s7, s22;
	[dreg:$0xb] =	wrdreg s20  }
0x1c: {  	s0 =	simm.s32 $0x9;
	s19 =	simm.s32 $0x180;
	[dreg:$0xc] =	wrdreg s21  }
0x1d: {  	s22 =	simm.s32 $0x6300;
	s23 =	sadd.s32 s8, s1;
	[dreg:$0x10] =	wrdreg s24  }
0x1e: {  	s1 =	sadd.s32 s9, s1;
	s21 =	simm.s32 $0x2;
	[dreg:$0xe] =	wrdreg s23  }
0x1f: {  	s24 =	simm.s32 $0x6380;
	[dreg:$0xf] =	wrdreg s1;
	s23 =	simm.s32 $0x6400  }
.LBB2_1:
0x20: {  	[dreg:$0x17] =	wrdreg s12  }
0x21: {  	s1 =	rddreg [dreg:$0x7]  }
0x22: {  	s26 =	rddreg [dreg:$0x8];
	s4 =	sshrl.u32 s1, $0x3  }
0x23: {  	[dreg:$0x18] =	wrdreg s4  }
0x24: {  	[spmem:s4], [sflag:s13] =	dma.local [hbm:s26], $0x1380  }
0x25: {  	_ =	swait.ge [sflag:s0], $0x1380  }
0x26: {  	s28 =	rddreg [dreg:$0x9]  }
0x27: {  	[sflag:s0] =	ssyncset.done $0x0;
	s4 =	sshrl.u32 s28, $0x3  }
0x28: {  	[sflag:s0] =	ssyncadd.s32 $0xFFFFEC80;
	[dreg:$0x19] =	wrdreg s4  }
0x29: {  	[spmem:s4], [sflag:s13] =	dma.local [hbm:s26], $0x1380  }
0x2a: {  	_ =	swait.ge [sflag:s0], $0x1380  }
0x2b: {  	s1 =	rddreg [dreg:$0x14]  }
0x2c: {  	[sflag:s0] =	ssyncset.done $0x0;
	s4 =	rddreg [dreg:$0xa];
	s1 =	sshrl.u32 @!p0 s1, $0x3  }
0x2d: {  	[sflag:s0] =	ssyncadd.s32 $0xFFFFEC80;
	[dreg:$0x1a] =	wrdreg s1  }
0x2e: {  	[spmem:s1], [sflag:s13] =	dma.local @!p0 [hbm:s4], $0x80  }
0x2f: {  	s1 =	simm.s32 @!p0 $0x9  }
0x30: {  	_ =	swait.ge @!p0 [sflag:s1], $0x80  }
0x31: {  	s12 =	rddreg [dreg:$0x15]  }
0x32: {  	[sflag:s1] =	ssyncset.done @!p0 $0x0;
	s12 =	sshrl.u32 @!p0 s12, $0x3  }
0x33: {  	[sflag:s1] =	ssyncadd.s32 @!p0 $0xFFFFFF80;
	[dreg:$0x1b] =	wrdreg s12  }
0x34: {  	[spmem:s12], [sflag:s13] =	dma.local @!p0 [hbm:s4], $0x80  }
0x35: {  	_ =	swait.ge @!p0 [sflag:s1], $0x80  }
0x36: {  	[sflag:s1] =	ssyncset.done @!p0 $0x0  }
0x37: {  	[sflag:s1] =	ssyncadd.s32 @!p0 $0xFFFFFF80  }
0x38: {  	s31 =	simm.s32 $0xC400;
	s4 =	simm.s32 $0x0;
	s1 =	rddreg [dreg:$0x2]  }
0x39: {  	[tilespmem:s31], [sflag:$0x9] =	stream.linear.gather [hbm4b:s1+s4], $0x80, $0x38;
	[tilespmem:$0x1FE00] =	vst v63  }
0x3a: {  	_ =	swait.ge [sflag:s0], $0x80  }
0x3b: {  	[sflag:s0] =	ssyncset.done $0x0  }
0x3c: {  	s20 =	simm.s32 $0xC480;
	s16 =	rddreg [dreg:$0x6];
	[sflag:s0] =	ssyncadd.s32 $0xFFFFFF80  }
0x3d: {  	[tilespmem:s20], [sflag:$0x9] =	stream.linear.gather [hbm4b:s16+s4], $0x80, $0x38;
	[tilespmem:$0x1FE00] =	vst v63  }
0x3e: {  	_ =	swait.ge [sflag:s0], $0x80  }
0x3f: {  	[sflag:s0] =	ssyncset.done $0x0  }
0x40: {  	[sflag:s0] =	ssyncadd.s32 $0xFFFFFF80  }
0x41: {  	[bflag:$0x0] =	sbarrier.arrive $0xFFFF  }
0x42: {  	v0 =	vld [tilespmem:$0xC400]  }
0x43: {  	v1 =	vld [tilespmem:$0xC410]  }
0x44: {  	v2 =	vld [tilespmem:$0xC420]  }
0x45: {  	v3 =	vld [tilespmem:$0xC430]  }
0x46: {  	v4 =	vld [tilespmem:$0xC440]  }
0x47: {  	v5 =	vld [tilespmem:$0xC450]  }
0x48: {  	v6 =	vld [tilespmem:$0xC460]  }
0x49: {  	v7 =	vld [tilespmem:$0xC470];
	s25 =	rddreg [dreg:$0xb]  }
0x4a: {  	v8 =	vld [tilespmem:$0xC480];
	[tilespmem:s4], [sflag:$0x3] =	stream.linear.gather [hbm4b:s25+s4], $0x40, $0x38  }
0x4b: {  	s28 =	simm.s32 $0x80;
	s26 =	rddreg [dreg:$0xc]  }
0x4c: {  	[tilespmem:s28], [sflag:$0x3] =	stream.linear.gather [hbm4b:s26+s4], $0x40, $0x38;
	[tilespmem:$0x1FE00] =	vst v63  }
0x4d: {  	s16 =	simm.s32 $0x6200;
	s31 =	rddreg [dreg:$0xe]  }
0x4e: {  	[tilespmem:s16], [sflag:$0x4] =	stream.linear.gather [hbm4b:s31+s4], $0x40, $0x38;
	[tilespmem:$0x1FE00] =	vst v63  }
0x4f: {  	s20 =	simm.s32 $0x6280;
	s25 =	simm.s32 $0x3;
	s16 =	rddreg [dreg:$0xf]  }
0x50: {  	[tilespmem:s20], [sflag:$0x4] =	stream.linear.gather [hbm4b:s16+s4], $0x40, $0x38;
	[tilespmem:$0x1FE00] =	vst v63  }
0x51: {  	_ =	swait.ge [sflag:s25], $0x40  }
0x52: {  	[sflag:s25] =	ssyncset.done $0x0  }
0x53: {  	[sflag:s25] =	ssyncadd.s32 $0xFFFFFFC0  }
0x54: {  	_ =	swait.ge [sflag:s25], $0x40  }
0x55: {  	[sflag:s25] =	ssyncset.done $0x0  }
0x56: {  	[sflag:s25] =	ssyncadd.s32 $0xFFFFFFC0  }
0x57: {  	[tilespmem:s11], [sflag:$0x1] =	stream.indirect.gather [hbm4b:s5+s10], $0x80, s4, s10, $0xb8;
	[tilespmem:$0x1FE00] =	vst v63  }
0x58: {  	s26 =	simm.s32 $0x2200  }
0x59: {  	[tilespmem:s26], [sflag:$0x1] =	stream.indirect.gather [hbm4b:s6+s10], $0x80, s28, s10, $0xb8;
	[tilespmem:$0x1FE00] =	vst v63  }
0x5a: {  	s31 =	simm.s32 $0x4200;
	s28 =	rddreg [dreg:$0x10]  }
0x5b: {  	[tilespmem:s31], [sflag:$0x1] =	stream.linear.gather [hbm4b:s28+s4], $0x2000, $0x38;
	[tilespmem:$0x1FE00] =	vst v63  }
0x5c: {  	v9 =	vld [tilespmem:$0x80];
	_ =	sdelay $0x1  }
0x5d: {  	v10 =	vld [tilespmem:$0x90];
	_ =	sdelay $0x1  }
0x5e: {  	v11 =	vld [tilespmem:$0xA0]  }
0x5f: {  	vm0 =	vlt.s32 v9, $0x1388  }
0x60: {  	v13 =	vld [tilespmem:$0xB0];
	v12 =	vadd.s32 $0xFFFFEC78, v9;
	v9 =	vnsel vm0, $0x1388, v9  }
0x61: {  	vm13 =	vlt.s32 v10, $0x1388;
	[tilespmem:$0x100] =	vst v9;
	v9 =	vmin.u32 v12, $0x1388  }
0x62: {  	[tilespmem:$0x180] =	vst v9;
	v9 =	vnsel vm13, $0x1388, v10;
	v10 =	vadd.s32 $0xFFFFEC78, v10  }
0x63: {  	vm14 =	vlt.s32 v11, $0x1388;
	[tilespmem:$0x110] =	vst v9;
	v9 =	vmin.u32 v10, $0x1388  }
0x64: {  	v10 =	vadd.s32 $0xFFFFEC78, v11;
	[tilespmem:$0x190] =	vst v9;
	v9 =	vnsel vm14, $0x1388, v11  }
0x65: {  	vm15 =	vlt.s32 v13, $0x1388;
	[tilespmem:$0x120] =	vst v9;
	v9 =	vmin.u32 v10, $0x1388  }
0x66: {  	v10 =	vnsel vm15, $0x1388, v13;
	[tilespmem:$0x1A0] =	vst v9;
	v9 =	vadd.s32 $0xFFFFEC78, v13  }
0x67: {  	[tilespmem:$0x130] =	vst v10;
	v9 =	vmin.u32 v9, $0x1388  }
0x68: {  	s29 =	simm.s32 $0x0;
	[tilespmem:$0x1B0] =	vst v9  }
.LBB2_2:
0x69: {  	s1 =	sshllo.u32 s29, $0x1  }
0x6a: {  	p1 =	sge.u32 s1, s17  }
0x6b: {  	p2 =	seq.s32 @!p1 s29, $0x0  }
0x6c: {  	p2 =	por p2, p1  }
0x6d: {  	s4 =	simm.s32 @!p2 $0x7  }
0x6e: {  	_ =	swait.ge @!p2 [sflag:s4], $0x2000  }
0x6f: {  	[sflag:s4] =	ssyncset.done @!p2 $0x0  }
0x70: {  	[sflag:s4] =	ssyncadd.s32 @!p2 $0xFFFFE000;
	s4 =	simm.s32 @!p2 $0x8  }
0x71: {  	_ =	swait.ge @!p2 [sflag:s4], $0x2000  }
0x72: {  	[sflag:s4] =	ssyncset.done @!p2 $0x0  }
0x73: {  	[sflag:s4] =	ssyncadd.s32 @!p2 $0xFFFFE000;
	s4 =	simm.s32 @!p1 $0x4  }
0x74: {  	_ =	swait.ge @!p1 [sflag:s4], $0x40  }
0x75: {  	[sflag:s4] =	ssyncset.done @!p1 $0x0  }
0x76: {  	[sflag:s4] =	ssyncadd.s32 @!p1 $0xFFFFFFC0  }
0x77: {  	_ =	swait.ge @!p1 [sflag:s4], $0x40  }
0x78: {  	s12 =	simm.s32 @!p1 $0x6200;
	s16 =	simm.s32 @!p1 $0x6400;
	[sflag:s4] =	ssyncset.done @!p1 $0x0  }
0x79: {  	s1 =	sadd.s32 @!p1 s15, s1;
	[sflag:s4] =	ssyncadd.s32 @!p1 $0xFFFFFFC0;
	s4 =	simm.s32 @!p1 $0x40  }
0x7a: {  	[tilespmem:s16], [sflag:$0x2] =	stream.indirect.gather @!p1 [hbm4b:s5+s4], $0x80, s12, s4, $0xb8;
	[tilespmem:$0x1FE00] =	vst v63  }
0x7b: {  	s1 =	sshll.u32 @!p1 s1, $0xA;
	s12 =	simm.s32 @!p1 $0x6280;
	s16 =	simm.s32 @!p1 $0x8400  }
0x7c: {  	[tilespmem:s16], [sflag:$0x2] =	stream.indirect.gather @!p1 [hbm4b:s6+s4], $0x80, s12, s4, $0xb8;
	[tilespmem:$0x1FE00] =	vst v63  }
0x7d: {  	s1 =	sadd.s32 @!p1 s7, s1;
	s4 =	simm.s32 @!p1 $0x0;
	s12 =	simm.s32 @!p1 $0xA400  }
0x7e: {  	[tilespmem:s12], [sflag:$0x2] =	stream.linear.gather @!p1 [hbm4b:s1+s4], $0x2000, $0x38;
	[tilespmem:$0x1FE00] =	vst v63  }
0x7f: {  	v9 =	vld @!p1 [tilespmem:$0x6280];
	_ =	sdelay $0x1  }
0x80: {  	v10 =	vld @!p1 [tilespmem:$0x6290];
	_ =	sdelay $0x1  }
0x81: {  	v11 =	vld @!p1 [tilespmem:$0x62A0]  }
0x82: {  	vm0 =	vlt.s32 @!p1 v9, $0x1388  }
0x83: {  	v13 =	vld @!p1 [tilespmem:$0x62B0];
	v12 =	vadd.s32 @!p1 $0xFFFFEC78, v9;
	v9 =	vnsel @!p1 vm0, $0x1388, v9  }
0x84: {  	vm0 =	vlt.s32 @!p1 v10, $0x1388;
	[tilespmem:$0x6300] =	vst @!p1 v9;
	v9 =	vmin.u32 @!p1 v12, $0x1388  }
0x85: {  	[tilespmem:$0x6380] =	vst @!p1 v9;
	v9 =	vadd.s32 @!p1 $0xFFFFEC78, v10;
	v10 =	vnsel @!p1 vm0, $0x1388, v10  }
0x86: {  	vm0 =	vlt.s32 @!p1 v11, $0x1388;
	[tilespmem:$0x6310] =	vst @!p1 v10;
	v9 =	vmin.u32 @!p1 v9, $0x1388  }
0x87: {  	v10 =	vnsel @!p1 vm0, $0x1388, v11;
	[tilespmem:$0x6390] =	vst @!p1 v9;
	v9 =	vadd.s32 @!p1 $0xFFFFEC78, v11  }
0x88: {  	vm0 =	vlt.s32 @!p1 v13, $0x1388;
	[tilespmem:$0x6320] =	vst @!p1 v10;
	v9 =	vmin.u32 @!p1 v9, $0x1388  }
0x89: {  	v10 =	vnsel @!p1 vm0, $0x1388, v13;
	[tilespmem:$0x63A0] =	vst @!p1 v9;
	v9 =	vadd.s32 @!p1 $0xFFFFEC78, v13  }
0x8a: {  	[tilespmem:$0x6330] =	vst @!p1 v10;
	v9 =	vmin.u32 @!p1 v9, $0x1388  }
0x8b: {  	[tilespmem:$0x63B0] =	vst @!p1 v9  }
0x8c: {  	_ =	swait.ge [sflag:s14], $0x2000  }
0x8d: {  	[sflag:s14] =	ssyncset.done $0x0  }
0x8e: {  	[sflag:s14] =	ssyncadd.s32 $0xFFFFE000  }
0x8f: {  	s12 =	sshll.u32 s29, $0x1;
	_ =	swait.ge [sflag:s14], $0x2000  }
0x90: {  	s1 =	sadd.s32 $0x2, s12;
	[sflag:s14] =	ssyncset.done $0x0  }
0x91: {  	p1 =	sge.u32 s1, s17;
	[sflag:s14] =	ssyncadd.s32 $0xFFFFE000  }
0x92: {  	s16 =	sadd.s32 @!p1 s15, s1;
	_ =	swait.ge [sflag:s14], $0x2000  }
0x93: {  	s1 =	sshll.u32 @!p1 s16, $0x3;
	[sflag:s14] =	ssyncset.done $0x0  }
0x94: {  	s20 =	simm.s32 @!p1 $0x0;
	s4 =	sadd.s32 @!p1 s8, s1;
	[sflag:s14] =	ssyncadd.s32 $0xFFFFE000  }
0x95: {  	[tilespmem:s20], [sflag:$0x3] =	stream.linear.gather @!p1 [hbm4b:s4+s20], $0x40, $0x38;
	[tilespmem:$0x1FE00] =	vst v63  }
0x96: {  	s1 =	sadd.s32 @!p1 s9, s1;
	s4 =	simm.s32 @!p1 $0x80  }
0x97: {  	[tilespmem:s4], [sflag:$0x3] =	stream.linear.gather @!p1 [hbm4b:s1+s20], $0x40, $0x38;
	[tilespmem:$0x1FE00] =	vst v63  }
0x98: {  	s1 =	simm.s32 $0x280  }
0x99: {  	s26 =	simm.s32 $0x4280;
	v9 =	vld [tilespmem:s1+$0x70]  }
0x9a: {  	v10 =	vld [tilespmem:s26+$0x50]  }
0x9b: {  	v11 =	vld [tilespmem:s26+$0x40]  }
0x9c: {  	v12 =	vld [tilespmem:s26+$0x30]  }
0x9d: {  	v13 =	vld [tilespmem:s1+$0x40]  }
0x9e: {  	v14 =	vld [tilespmem:s1+$0x30]  }
0x9f: {  	v15 =	vld [tilespmem:s1+$0x20]  }
0xa0: {  	v16 =	vld [tilespmem:s26+$0x0]  }
0xa1: {  	s25 =	simm.s32 $0x2280;
	v17 =	vld [tilespmem:s1+$0x0]  }
0xa2: {  	v18 =	vld [tilespmem:s25+$0x0]  }
0xa3: {  	v19 =	vld [tilespmem:s1+$0x10]  }
0xa4: {  	v20 =	vld [tilespmem:s25+$0x10]  }
0xa5: {  	v21 =	vld [tilespmem:s25+$0x20]  }
0xa6: {  	v22 =	vld [tilespmem:s26+$0x10]  }
0xa7: {  	v23 =	vld [tilespmem:s26+$0x20];
	v17 =	vadd.f32 v18, v17  }
0xa8: {  	v18 =	vld [tilespmem:s25+$0x30]  }
0xa9: {  	v16 =	vadd.f32 v16, v17;
	v17 =	vadd.f32 v20, v19;
	v19 =	vld [tilespmem:s25+$0x40]  }
0xaa: {  	v15 =	vadd.f32 v21, v15;
	v20 =	vld [tilespmem:s1+$0x50]  }
0xab: {  	v17 =	vadd.f32 v22, v17;
	v22 =	vld [tilespmem:s25+$0x50]  }
0xac: {  	v15 =	vadd.f32 v23, v15;
	v23 =	vld [tilespmem:s25+$0x60];
	v21 =	vsub.f32 $0.0e+00, v16  }
0xad: {  	v14 =	vadd.f32 v18, v14;
	v18 =	vld [tilespmem:s1+$0x60];
	v24 =	vsub.f32 $0.0e+00, v17  }
0xae: {  	v25 =	vld [tilespmem:s25+$0x70];
	v21 =	vmul.f32 $1.442695020e+00, v21;
	v13 =	vadd.f32 v19, v13  }
0xaf: {  	v12 =	vadd.f32 v12, v14;
	v19 =	vsub.f32 $0.0e+00, v15;
	v14 =	vmul.f32 $1.442695020e+00, v24;
	v24 =	vld [tilespmem:s26+$0x60]  }
0xb0: {  	v11 =	vadd.f32 v11, v13;
	v13 =	vadd.f32 v22, v20  }
0xb1: {  	(erf) = vpow2.f32 v21;
	v21 =	vld [tilespmem:s26+$0x70];
	v19 =	vmul.f32 $1.442695020e+00, v19;
	v20 =	vsub.f32 $0.0e+00, v12  }
0xb2: {  	(erf) = vpow2.f32 v14;
	v14 =	vld [tilespmem:s25+$0xFFFFFF80];
	v13 =	vadd.f32 v10, v13;
	v10 =	vadd.f32 v23, v18  }
0xb3: {  	v9 =	vadd.f32 v25, v9;
	v18 =	vld [tilespmem:s1+$0xFFFFFF80]  }
0xb4: {  	v20 =	vmul.f32 $1.442695020e+00, v20;
	(erf) = vpow2.f32 v19;
	v19 =	vld [tilespmem:s26+$0xFFFFFF80];
	v25 =	vadd.f32 v24, v10  }
0xb5: {  	v22 =	vsub.f32 $0.0e+00, v11;
	v10 =	vld [tilespmem:s1+$0xFFFFFF90]  }
0xb6: {  	v23 =	vsub.f32 $0.0e+00, v13;
	(erf) = vpow2.f32 v20;
	v20 =	vld [tilespmem:s25+$0xFFFFFF90];
	v24 =	vsub.f32 $0.0e+00, v25  }
0xb7: {  	v22 =	vmul.f32 $1.442695020e+00, v22;
	v26 =	vadd.f32 v21, v9  }
0xb8: {  	v9 =	vmul.f32 $1.442695020e+00, v23;
	v14 =	vadd.f32 v14, v18  }
0xb9: {  	v21 =	vld [tilespmem:s1+$0xFFFFFFA0];
	(erf) = vpow2.f32 v22;
	v23 =	vsub.f32 $0.0e+00, v26  }
0xba: {  	v18 =	vld [tilespmem:s25+$0xFFFFFFA0];
	v22 =	vmul.f32 $1.442695020e+00, v24;
	v24 =	vpop (erf);
	(erf) = vpow2.f32 v9;
	v9 =	vadd.f32 v19, v14  }
0xbb: {  	v27 =	vld [tilespmem:s26+$0xFFFFFF90];
	v10 =	vadd.f32 v20, v10  }
0xbc: {  	v28 =	vld [tilespmem:s26+$0xFFFFFFA0];
	v24 =	vadd.f32 $1.000000000e+00, v24;
	v20 =	vsub.f32 $0.0e+00, v9  }
0xbd: {  	v14 =	vmul.f32 $1.442695020e+00, v23;
	v19 =	vpop (erf);
	(erf) = vpow2.f32 v22  }
0xbe: {  	v22 =	vld [tilespmem:s1+$0xFFFFFFB0];
	v19 =	vadd.f32 $1.000000000e+00, v19;
	v23 =	vpop (erf);
	(erf) = vrcp.f32 v24;
	v20 =	vmul.f32 $1.442695020e+00, v20  }
0xbf: {  	v18 =	vadd.f32 v18, v21;
	v21 =	vadd.f32 $1.000000000e+00, v23;
	(erf) = vpow2.f32 v14;
	v14 =	vld [tilespmem:s25+$0xFFFFFFB0]  }
0xc0: {  	v23 =	vld [tilespmem:s1+$0xFFFFFFC0];
	(erf) = vrcp.f32 v19;
	v19 =	vadd.f32 v27, v10  }
0xc1: {  	v24 =	vpop (erf);
	v27 =	vld [tilespmem:s25+$0xFFFFFFC0];
	v10 =	vadd.f32 v28, v18;
	(erf) = vrcp.f32 v21  }
0xc2: {  	v18 =	vadd.f32 $1.000000000e+00, v24;
	v24 =	vsub.f32 $0.0e+00, v19;
	(erf) = vpow2.f32 v20;
	v20 =	vpop (erf)  }
0xc3: {  	v30 =	vld [tilespmem:s25+$0xFFFFFFD0];
	v20 =	vadd.f32 $1.000000000e+00, v20  }
0xc4: {  	v21 =	vld [tilespmem:s26+$0xFFFFFFB0];
	v14 =	vadd.f32 v14, v22;
	v22 =	vmul.f32 $1.442695020e+00, v24  }
0xc5: {  	v28 =	vld [tilespmem:s26+$0xFFFFFFC0];
	(erf) = vrcp.f32 v18  }
0xc6: {  	v18 =	vld [tilespmem:s1+$0xFFFFFFD0];
	v23 =	vadd.f32 v27, v23;
	v24 =	vpop (erf)  }
0xc7: {  	(erf) = vrcp.f32 v20;
	v24 =	vadd.f32 $1.000000000e+00, v24;
	v20 =	vpop (erf)  }
0xc8: {  	v29 =	vsub.f32 $0.0e+00, v10;
	v27 =	vld [tilespmem:s26+$0xFFFFFFD0];
	(erf) = vpow2.f32 v22;
	v20 =	vadd.f32 $1.000000000e+00, v20;
	v22 =	vpop (erf)  }
0xc9: {  	v14 =	vadd.f32 v21, v14;
	(erf) = vrcp.f32 v24;
	v21 =	vmul.f32 v22, v16;
	v16 =	vpop (erf);
	v22 =	vld [tilespmem:s1+$0xFFFFFFE0]  }
0xca: {  	v34 =	vadd.f32 v28, v23;
	v23 =	vpop (erf);
	(erf) = vrcp.f32 v20;
	v20 =	vld [tilespmem:s25+$0xFFFFFFE0]  }
0xcb: {  	v29 =	vmul.f32 $1.442695020e+00, v29;
	v24 =	vmul.f32 v23, v17;
	v17 =	vadd.f32 v30, v18  }
0xcc: {  	v28 =	vsub.f32 $0.0e+00, v14;
	v16 =	vadd.f32 $1.000000000e+00, v16;
	v31 =	vmul.f32 v21, v0;
	v23 =	vpop (erf)  }
0xcd: {  	v18 =	vsub.f32 $0.0e+00, v34;
	v23 =	vmul.f32 v23, v15;
	v15 =	vpop (erf);
	v17 =	vadd.f32 v27, v17  }
0xce: {  	(erf) = vrcp.f32 v16;
	v16 =	vld [tilespmem:s26+$0xFFFFFFE0];
	v30 =	vadd.f32 $0.0e+00, v31;
	v31 =	vmul.f32 v24, v1;
	v27 =	vpop (erf)  }
0xcf: {  	v32 =	vld [tilespmem:s1+$0xFFFFFFF0];
	v33 =	vmul.f32 v27, v12;
	v12 =	vadd.f32 v20, v22;
	v20 =	vsub.f32 $0.0e+00, v17  }
0xd0: {  	v35 =	vld [tilespmem:s25+$0xFFFFFFF0];
	v28 =	vmul.f32 $1.442695020e+00, v28;
	v30 =	vadd.f32 v31, v30;
	v31 =	vmul.f32 v23, v2  }
0xd1: {  	v18 =	vmul.f32 $1.442695020e+00, v18;
	(erf) = vpow2.f32 v29;
	v22 =	vpop (erf)  }
0xd2: {  	v27 =	vmul.f32 v22, v11;
	v11 =	vpop (erf);
	v30 =	vadd.f32 v31, v30;
	v31 =	vmul.f32 v33, v3  }
0xd3: {  	(erf) = vpow2.f32 v28;
	v12 =	vadd.f32 v16, v12;
	v16 =	vmul.f32 $1.442695020e+00, v20;
	v20 =	vpop (erf)  }
0xd4: {  	v22 =	vadd.f32 v31, v30;
	v30 =	vmul.f32 v27, v4;
	v28 =	vmul.f32 v20, v13  }
0xd5: {  	v29 =	vld [tilespmem:s26+$0xFFFFFFF0];
	(erf) = vpow2.f32 v18;
	v13 =	vadd.f32 v35, v32;
	v18 =	vpop (erf)  }
0xd6: {  	v22 =	vadd.f32 v30, v22;
	v32 =	vmul.f32 v18, v25;
	v30 =	vmul.f32 v28, v5  }
0xd7: {  	v15 =	vadd.f32 $1.000000000e+00, v15;
	v20 =	vsub.f32 $0.0e+00, v12;
	(erf) = vpow2.f32 v16;
	v16 =	vpop (erf)  }
0xd8: {  	v25 =	vmul.f32 v32, v6;
	v18 =	vadd.f32 v30, v22;
	v22 =	vmul.f32 v16, v26  }
0xd9: {  	v11 =	vadd.f32 $1.000000000e+00, v11;
	(erf) = vrcp.f32 v15;
	v16 =	vmul.f32 $1.442695020e+00, v20  }
0xda: {  	v13 =	vadd.f32 v29, v13;
	v15 =	vadd.f32 v25, v18;
	v18 =	vmul.f32 v22, v7  }
0xdb: {  	(erf) = vpow2.f32 v16  }
0xdc: {  	v20 =	vsub.f32 $0.0e+00, v13;
	(erf) = vrcp.f32 v11;
	v11 =	vadd.f32 v18, v15;
	_ =	sdelay $0x1  }
0xdd: {  	v20 =	vmul.f32 $1.442695020e+00, v20;
	v25 =	vpop (erf)  }
0xde: {  	v16 =	vadd.f32 $1.000000000e+00, v25;
	v15 =	vpop (erf)  }
0xdf: {  	(erf) = vpow2.f32 v20;
	(xrf2) =	vadd.scan.msk.f32 $0xffff, v11;
	v11 =	vpop (erf)  }
0xe0: {  	(erf) = vrcp.f32 v16;
	v11 =	vadd.f32 $1.000000000e+00, v11  }
0xe1: {  	v15 =	vadd.f32 $1.000000000e+00, v15  }
0xe2: {  	s20 =	simm.s32 $0x380  }
0xe3: {  	v36 =	vld [tilespmem:s20+$0x40];
	(erf) = vrcp.f32 v15;
	v18 =	vpop (erf)  }
0xe4: {  	v37 =	vld [tilespmem:s20+$0x30];
	s26 =	simm.s32 $0x4380;
	(erf) = vrcp.f32 v11;
	v11 =	vpop (erf)  }
0xe5: {  	v26 =	vld [tilespmem:s26+$0x30];
	v48 =	vpop (erf)  }
0xe6: {  	v20 =	vld [tilespmem:s26+$0x50];
	v30 =	vmul.f32 v11, v9;
	v9 =	vpop (erf)  }
0xe7: {  	v25 =	vld [tilespmem:s26+$0x40];
	v11 =	vadd.f32 $1.000000000e+00, v18;
	v29 =	vmul.f32 v9, v19  }
0xe8: {  	s25 =	simm.s32 $0x2380;
	v16 =	vld [tilespmem:s20+$0x70];
	v18 =	vpop (erf)  }
0xe9: {  	v15 =	vld [tilespmem:s25+$0x70];
	v9 =	vmul.f32 v30, v0;
	v31 =	vpop (erf);
	(erf) = vrcp.f32 v11;
	[tilespmem:$0x1FFE0] =	vst v29  }
0xea: {  	v11 =	vmul.f32 v29, v1;
	v29 =	vmul.f32 v31, v10;
	v19 =	vld [tilespmem:s20+$0x20]  }
0xeb: {  	v38 =	vld [tilespmem:s26+$0x0]  }
0xec: {  	v40, _, _ =	vpop (xrf2);
	v39 =	vld [tilespmem:s20+$0x0];
	[tilespmem:$0x1FFF0] =	vst v29  }
0xed: {  	v41 =	vadd.f32 $0.0e+00, v9;
	v10 =	vbroadcast v40, $0xF;
	v9 =	vpop (erf);
	v42 =	vld [tilespmem:s25+$0x0]  }
0xee: {  	v9 =	vmul.f32 v9, v14;
	v14 =	vld [tilespmem:s20+$0x10]  }
0xef: {  	v35 =	vadd.f32 $1.000000000e+00, v48;
	v11 =	vadd.f32 v11, v41;
	v49 =	vmul.f32 v29, v2;
	v50 =	vld [tilespmem:s25+$0x10]  }
0xf0: {  	v43 =	vadd.f32 v10, v8;
	v44 =	vld [tilespmem:s25+$0x20]  }
0xf1: {  	(erf) = vrcp.f32 v35;
	v52 =	vld [tilespmem:s26+$0x10];
	v10 =	vpop (erf);
	v11 =	vadd.f32 v49, v11;
	v51 =	vmul.f32 v9, v3  }
0xf2: {  	v18 =	vadd.f32 $1.000000000e+00, v18;
	v56 =	vld [tilespmem:s26+$0x20];
	v53 =	vsub.f32 $0.0e+00, v43;
	v10 =	vmul.f32 v10, v34  }
0xf3: {  	v54 =	vld [tilespmem:s25+$0x30];
	v11 =	vadd.f32 v51, v11;
	v39 =	vadd.f32 v42, v39  }
0xf4: {  	(erf) = vrcp.f32 v18;
	v18 =	vld [tilespmem:s25+$0x40];
	v55 =	vmul.f32 v10, v4;
	v14 =	vadd.f32 v50, v14  }
0xf5: {  	v57 =	vld [tilespmem:s20+$0x50];
	v40 =	vmul.f32 $1.442695020e+00, v53;
	v19 =	vadd.f32 v44, v19;
	v39 =	vadd.f32 v38, v39  }
0xf6: {  	v38 =	vadd.f32 v55, v11;
	v43 =	vadd.f32 v52, v14;
	v14 =	vld [tilespmem:s25+$0x50]  }
0xf7: {  	v59 =	vld [tilespmem:s20+$0x60];
	(erf) = vpow2.f32 v40;
	v19 =	vadd.f32 v56, v19;
	v11 =	vpop (erf);
	v58 =	vsub.f32 $0.0e+00, v39  }
0xf8: {  	v62 =	vld [tilespmem:s25+$0x60];
	v11 =	vmul.f32 v11, v17;
	v17 =	vadd.f32 v54, v37;
	v61 =	vsub.f32 $0.0e+00, v43  }
0xf9: {  	v15 =	vadd.f32 v15, v16;
	v56 =	vld [tilespmem:s26+$0x70];
	v53 =	vsub.f32 $0.0e+00, v19;
	v60 =	vmul.f32 $1.442695020e+00, v58  }
0xfa: {  	v54 =	vld [tilespmem:s26+$0x60];
	v16 =	vadd.f32 v26, v17;
	v17 =	vadd.f32 v18, v36;
	v18 =	vpop (erf);
	v26 =	vmul.f32 $1.442695020e+00, v61  }
0xfb: {  	v12 =	vmul.f32 v18, v12;
	v14 =	vadd.f32 v14, v57;
	(erf) = vpow2.f32 v60  }
0xfc: {  	v45 =	vld [tilespmem:s26+$0xFFFFFF80];
	v18 =	vadd.f32 v25, v17;
	v17 =	vmul.f32 $1.442695020e+00, v53;
	v25 =	vsub.f32 $0.0e+00, v16  }
0xfd: {  	v47 =	vld [tilespmem:s20+$0xFFFFFFA0];
	v20 =	vadd.f32 v20, v14;
	v14 =	vadd.f32 v62, v59  }
0xfe: {  	v52 =	vld [tilespmem:s25+$0xFFFFFF80];
	v48 =	vadd.f32 v56, v15  }
0xff: {  	v55 =	vld [tilespmem:s20+$0xFFFFFF80];
	(erf) = vpow2.f32 v26;
	v26 =	vpop (erf);
	v25 =	vmul.f32 $1.442695020e+00, v25;
	v40 =	vadd.f32 v54, v14  }
0x100: {  	v57 =	vld [tilespmem:s20+$0xFFFFFF90];
	v58 =	vsub.f32 $0.0e+00, v18;
	(erf) = vpow2.f32 v17;
	v13 =	vmul.f32 v26, v13;
	v17 =	vpop (erf)  }
0x101: {  	v26 =	vld [tilespmem:s25+$0xFFFFFF90];
	(erf) = vpow2.f32 v25;
	v14 =	vadd.f32 $1.000000000e+00, v17;
	v25 =	vsub.f32 $0.0e+00, v40  }
0x102: {  	v63 =	vmul.f32 v11, v5;
	v15 =	vld [tilespmem:s25+$0xFFFFFFA0];
	v46 =	vsub.f32 $0.0e+00, v20;
	v35 =	vmul.f32 $1.442695020e+00, v58  }
0x103: {  	v41 =	vmul.f32 v12, v6;
	v62 =	vsub.f32 $0.0e+00, v48;
	v17 =	vld [tilespmem:s26+$0xFFFFFF90];
	(erf) = vrcp.f32 v14  }
0x104: {  	v37 =	vld [tilespmem:s26+$0xFFFFFFA0];
	v60 =	vadd.f32 v52, v55;
	v59 =	vmul.f32 $1.442695020e+00, v46;
	(erf) = vpow2.f32 v35  }
0x105: {  	v52 =	vld [tilespmem:s25+$0xFFFFFFB0];
	v53 =	vmul.f32 $1.442695020e+00, v62;
	v14 =	vadd.f32 v63, v38;
	v61 =	vmul.f32 $1.442695020e+00, v25;
	v25 =	vpop (erf)  }
0x106: {  	v63 =	vld [tilespmem:s20+$0xFFFFFFB0];
	v26 =	vadd.f32 v26, v57;
	(erf) = vpow2.f32 v59;
	v49 =	vadd.f32 $1.000000000e+00, v25  }
0x107: {  	v55 =	vld [tilespmem:s26+$0xFFFFFFB0];
	v15 =	vadd.f32 v15, v47;
	v25 =	vadd.f32 v45, v60;
	(erf) = vpow2.f32 v61  }
0x108: {  	v58 =	vld [tilespmem:s20+$0xFFFFFFC0];
	v14 =	vadd.f32 v41, v14;
	v54 =	vpop (erf);
	v35 =	vadd.f32 v17, v26;
	(erf) = vrcp.f32 v49  }
0x109: {  	v44 =	vmul.f32 v13, v7;
	v17 =	vld [tilespmem:s25+$0xFFFFFFC0];
	v56 =	vadd.f32 $1.000000000e+00, v54;
	v59 =	vpop (erf);
	v57 =	vsub.f32 $0.0e+00, v25  }
0x10a: {  	v62 =	vld [tilespmem:s26+$0xFFFFFFC0];
	v26 =	vadd.f32 v37, v15;
	v47 =	vadd.f32 $1.000000000e+00, v59;
	(erf) = vpow2.f32 v53  }
0x10b: {  	v54 =	vld [tilespmem:s25+$0xFFFFFFD0];
	v36 =	vadd.f32 v52, v63;
	v15 =	vpop (erf);
	(erf) = vrcp.f32 v56;
	v60 =	vmul.f32 $1.442695020e+00, v57  }
0x10c: {  	v61 =	vsub.f32 $0.0e+00, v35;
	v63 =	vld [tilespmem:s20+$0xFFFFFFD0];
	v15 =	vadd.f32 $1.000000000e+00, v15;
	(erf) = vrcp.f32 v47;
	v34 =	vpop (erf)  }
0x10d: {  	v52 =	vsub.f32 $0.0e+00, v26;
	v36 =	vadd.f32 v55, v36;
	v57 =	vld [tilespmem:s20+$0xFFFFFFE0];
	(erf) = vpow2.f32 v60;
	v53 =	vpop (erf)  }
0x10e: {  	(erf) = vrcp.f32 v15;
	v15 =	vadd.f32 v17, v58;
	v58 =	vld [tilespmem:s25+$0xFFFFFFE0];
	v41 =	vadd.f32 $1.000000000e+00, v53  }
0x10f: {  	v37 =	vmul.f32 $1.442695020e+00, v61;
	v47 =	vmul.f32 $1.442695020e+00, v52;
	v17 =	vpop (erf)  }
0x110: {  	v55 =	vld [tilespmem:s26+$0xFFFFFFD0];
	v50 =	vsub.f32 $0.0e+00, v36;
	v17 =	vadd.f32 $1.000000000e+00, v17;
	v56 =	vpop (erf);
	(erf) = vrcp.f32 v41  }
0x111: {  	v60 =	vld [tilespmem:s26+$0xFFFFFFE0];
	v41 =	vadd.f32 v44, v14;
	v51 =	vadd.f32 $1.000000000e+00, v56;
	(erf) = vpow2.f32 v37;
	v14 =	vpop (erf)  }
0x112: {  	v14 =	vmul.f32 v14, v39;
	(erf) = vrcp.f32 v17;
	v17 =	vadd.f32 v54, v63  }
0x113: {  	v50 =	vmul.f32 $1.442695020e+00, v50;
	v38 =	vadd.f32 v62, v15;
	v15 =	vpop (erf);
	v37 =	vadd.f32 v58, v57  }
0x114: {  	v39 =	vld [tilespmem:s25+$0xFFFFFFF0];
	v59 =	vadd.f32 $1.000000000e+00, v15;
	v15 =	vpop (erf);
	(erf) = vrcp.f32 v51;
	v62 =	vmul.f32 v14, v0  }
0x115: {  	v61 =	vsub.f32 $0.0e+00, v38;
	v15 =	vmul.f32 v15, v43;
	v43 =	vld [tilespmem:s20+$0xFFFFFFF0];
	v45 =	vadd.f32 v55, v17  }
0x116: {  	v42 =	vadd.f32 v60, v37;
	v17 =	vpop (erf);
	(erf) = vrcp.f32 v59;
	v49 =	vadd.f32 $0.0e+00, v62  }
0x117: {  	v56 =	vld [tilespmem:s26+$0xFFFFFFF0];
	v63 =	vmul.f32 v15, v1;
	v59 =	vsub.f32 $0.0e+00, v45;
	v17 =	vmul.f32 v17, v19;
	v52 =	vpop (erf)  }
0x118: {  	v53 =	vsub.f32 $0.0e+00, v42;
	v19 =	vmul.f32 $1.442695020e+00, v61;
	(erf) = vpow2.f32 v47;
	v55 =	vpop (erf)  }
0x119: {  	(xrf2) =	vadd.scan.msk.f32 $0xffff, v41;
	v57 =	vadd.f32 v63, v49;
	v58 =	vmul.f32 v17, v2;
	v16 =	vmul.f32 v55, v16  }
0x11a: {  	(erf) = vpow2.f32 v50;
	v41 =	vmul.f32 $1.442695020e+00, v59;
	v60 =	vpop (erf);
	v39 =	vadd.f32 v39, v43  }
0x11b: {  	v18 =	vmul.f32 v60, v18;
	v63 =	vpop (erf);
	v61 =	vadd.f32 v58, v57;
	v62 =	vmul.f32 v16, v3  }
0x11c: {  	(erf) = vpow2.f32 v19;
	v19 =	vpop (erf);
	v46 =	vadd.f32 v56, v39;
	v58 =	vmul.f32 $1.442695020e+00, v53  }
0x11d: {  	v51 =	vmul.f32 v18, v4;
	v20 =	vmul.f32 v19, v20;
	v19 =	vpop (erf);
	v50 =	vadd.f32 v62, v61  }
0x11e: {  	v57 =	vadd.f32 $1.000000000e+00, v52;
	(erf) = vpow2.f32 v41;
	v19 =	vmul.f32 v19, v40  }
0x11f: {  	v37 =	vadd.f32 $1.000000000e+00, v63;
	v55 =	vmul.f32 v20, v5;
	v54 =	vadd.f32 v51, v50  }
0x120: {  	v59 =	vsub.f32 $0.0e+00, v46;
	(erf) = vrcp.f32 v57;
	v56 =	vpop (erf);
	v60 =	vmul.f32 v19, v6  }
0x121: {  	(erf) = vpow2.f32 v58;
	v39 =	vmul.f32 v56, v48;
	v41 =	vadd.f32 v55, v54  }
0x122: {  	v47 =	vmul.f32 $1.442695020e+00, v59;
	v61 =	vpop (erf);
	(erf) = vrcp.f32 v37  }
0x123: {  	v52, _, _ =	vpop (xrf2);
	v40 =	vadd.f32 $1.000000000e+00, v61;
	v62 =	vmul.f32 v39, v7;
	v41 =	vadd.f32 v60, v41  }
0x124: {  	v63 =	vpop (erf);
	(erf) = vpow2.f32 v47;
	v54 =	vbroadcast v52, $0xF  }
0x125: {  	v48 =	vadd.f32 $1.000000000e+00, v63;
	(erf) = vrcp.f32 v40;
	v53 =	vadd.f32 v62, v41  }
0x126: {  	s26 =	simm.s32 $0x2480;
	v55 =	vpop (erf)  }
0x127: {  	v44 =	vld [tilespmem:s26+$0x70];
	s25 =	simm.s32 $0x480;
	v57 =	vadd.f32 v54, v8;
	v56 =	vadd.f32 $1.000000000e+00, v55;
	(erf) = vrcp.f32 v48;
	v58 =	vpop (erf);
	(xrf2) =	vadd.scan.msk.f32 $0xffff, v53  }
0x128: {  	s28 =	simm.s32 $0x4480;
	v22 =	vmul.f32 v34, v22;
	v43 =	vld [tilespmem:s25+$0x70];
	v41 =	vadd.f32 $1.000000000e+00, v58  }
0x129: {  	v24 =	vmul.f32 v34, v24;
	v47 =	vld [tilespmem:s28+$0x50];
	v37 =	vsub.f32 $0.0e+00, v57;
	(erf) = vrcp.f32 v56;
	v59 =	vpop (erf)  }
0x12a: {  	v40 =	vld [tilespmem:s28+$0x40];
	[tilespmem:$0x1FFA0] =	vst v22;
	v22 =	vmul.f32 v59, v25;
	(erf) = vrcp.f32 v41  }
0x12b: {  	v23 =	vmul.f32 v34, v23;
	v54 =	vld [tilespmem:s25+$0x30];
	v60 =	vmul.f32 $1.442695020e+00, v37;
	v25 =	vpop (erf)  }
0x12c: {  	v48 =	vmul.f32 v34, v21;
	v53 =	vld [tilespmem:s28+$0x30];
	v25 =	vadd.f32 $1.000000000e+00, v25;
	v21 =	vpop (erf);
	v61 =	vmul.f32 v22, v0  }
0x12d: {  	v41 =	vld [tilespmem:s25+$0x40];
	[tilespmem:$0x1FFB0] =	vst v24;
	(erf) = vpow2.f32 v60;
	v21 =	vmul.f32 v21, v35;
	v62 =	vpop (erf)  }
0x12e: {  	v52 =	vld [tilespmem:s25+$0x20];
	(erf) = vrcp.f32 v25;
	v25 =	vadd.f32 $0.0e+00, v61;
	v24 =	vpop (erf)  }
0x12f: {  	v55 =	vld [tilespmem:s28+$0x0];
	[tilespmem:$0x1FFC0] =	vst v23;
	v63 =	vmul.f32 v21, v1;
	v24 =	vmul.f32 v24, v26  }
0x130: {  	v29 =	vmul.f32 v34, v33;
	v56 =	vld [tilespmem:s25+$0x0];
	v35 =	vadd.f32 $1.000000000e+00, v62;
	v26 =	vpop (erf)  }
0x131: {  	v23 =	vmul.f32 v26, v36;
	v36 =	vld [tilespmem:s26+$0x0];
	v51 =	vadd.f32 v63, v25;
	v57 =	vmul.f32 v24, v2;
	v26, _, _ =	vpop (xrf2)  }
0x132: {  	v59 =	vld [tilespmem:s26+$0x10];
	(erf) = vrcp.f32 v35;
	v25 =	vpop (erf);
	v26 =	vbroadcast v26, $0xF  }
0x133: {  	v35 =	vld [tilespmem:s25+$0x10];
	v25 =	vmul.f32 v25, v38;
	v38 =	vmul.f32 v23, v3;
	v58 =	vpop (erf);
	v51 =	vadd.f32 v57, v51  }
0x134: {  	v50 =	vadd.f32 v26, v8;
	v26 =	vmul.f32 v58, v45;
	v45 =	vld [tilespmem:s26+$0x20];
	[tilespmem:$0x1FFD0] =	vst v29  }
0x135: {  	v38 =	vadd.f32 v38, v51;
	v60 =	vld [tilespmem:s28+$0x10]  }
0x136: {  	v36 =	vadd.f32 v36, v56;
	v58 =	vmul.f32 v25, v4;
	v56 =	vld [tilespmem:s26+$0x30];
	v57 =	vsub.f32 $0.0e+00, v50  }
0x137: {  	v43 =	vadd.f32 v44, v43;
	v33 =	vpop (erf);
	v51 =	vmul.f32 v34, v27;
	v63 =	vld [tilespmem:s28+$0x20];
	v61 =	vmul.f32 v26, v5  }
0x138: {  	v27 =	vpop (erf);
	v38 =	vadd.f32 v58, v38;
	v58 =	vadd.f32 v55, v36;
	v36 =	vld [tilespmem:s26+$0x40];
	v57 =	vmul.f32 $1.442695020e+00, v57  }
0x139: {  	v35 =	vadd.f32 v59, v35;
	v62 =	vadd.f32 $1.000000000e+00, v33;
	v27 =	vmul.f32 v27, v42;
	v42 =	vld [tilespmem:s26+$0x60]  }
0x13a: {  	v38 =	vadd.f32 v61, v38;
	v50 =	vadd.f32 v45, v52;
	v45 =	vld [tilespmem:s25+$0x50];
	(erf) = vpow2.f32 v57  }
0x13b: {  	v52 =	vmul.f32 v34, v28;
	v28 =	vsub.f32 $0.0e+00, v58;
	v57 =	vadd.f32 v60, v35;
	v35 =	vld [tilespmem:s26+$0x50]  }
0x13c: {  	v54 =	vadd.f32 v56, v54;
	v56 =	vld [tilespmem:s25+$0x60];
	v61 =	vadd.f32 v63, v50  }
0x13d: {  	v37 =	vpop (erf);
	v49 =	vmul.f32 $1.442695020e+00, v28;
	v36 =	vadd.f32 v36, v41;
	v60 =	vsub.f32 $0.0e+00, v57  }
0x13e: {  	v28 =	vmul.f32 v37, v46;
	v46 =	vadd.f32 v53, v54;
	v54 =	vld [tilespmem:s28+$0x60];
	v37 =	vsub.f32 $0.0e+00, v61  }
0x13f: {  	v44 =	vld [tilespmem:s26+$0xFFFFFF80];
	(erf) = vpow2.f32 v49;
	v40 =	vadd.f32 v40, v36;
	v50 =	vmul.f32 $1.442695020e+00, v60  }
0x140: {  	(erf) = vrcp.f32 v62;
	v49 =	vsub.f32 $0.0e+00, v46;
	v62 =	vld [tilespmem:s28+$0x70];
	v35 =	vadd.f32 v35, v45  }
0x141: {  	v60 =	vld [tilespmem:s25+$0xFFFFFF80];
	v36 =	vmul.f32 $1.442695020e+00, v37;
	(erf) = vpow2.f32 v50;
	v50 =	vadd.f32 v42, v56  }
0x142: {  	v59 =	vmul.f32 v27, v6;
	v45 =	vmul.f32 $1.442695020e+00, v49;
	v55 =	vadd.f32 v47, v35  }
0x143: {  	v63 =	vld [tilespmem:s28+$0xFFFFFF80];
	v47 =	vsub.f32 $0.0e+00, v40;
	(erf) = vpow2.f32 v36;
	v49 =	vadd.f32 v54, v50;
	v33 =	vpop (erf)  }
0x144: {  	v53 =	vmul.f32 v34, v32;
	v42 =	vld [tilespmem:s25+$0xFFFFFF90];
	v37 =	vsub.f32 $0.0e+00, v55;
	v32 =	vadd.f32 $1.000000000e+00, v33  }
0x145: {  	v56 =	vld [tilespmem:s26+$0xFFFFFF90];
	(erf) = vpow2.f32 v45;
	v50 =	vmul.f32 $1.442695020e+00, v47;
	v54 =	vadd.f32 v62, v43  }
0x146: {  	v36 =	vld [tilespmem:s28+$0xFFFFFF90];
	v29 =	vsub.f32 $0.0e+00, v49;
	(erf) = vrcp.f32 v32;
	v32 =	vadd.f32 v44, v60  }
0x147: {  	v45 =	vld [tilespmem:s25+$0xFFFFFFA0];
	v44 =	vmul.f32 $1.442695020e+00, v37;
	(erf) = vpow2.f32 v50  }
0x148: {  	v43 =	vld [tilespmem:s26+$0xFFFFFFA0];
	v29 =	vmul.f32 $1.442695020e+00, v29;
	v50 =	vsub.f32 $0.0e+00, v54;
	v37 =	vpop (erf);
	v35 =	vadd.f32 v63, v32  }
0x149: {  	v59 =	vadd.f32 v59, v38;
	v47 =	vld [tilespmem:s28+$0xFFFFFFA0];
	v38 =	vadd.f32 $1.000000000e+00, v37;
	(erf) = vpow2.f32 v44  }
0x14a: {  	v63 =	vld [tilespmem:s25+$0xFFFFFFB0];
	v50 =	vmul.f32 $1.442695020e+00, v50;
	(erf) = vpow2.f32 v29;
	v32 =	vpop (erf);
	v29 =	vsub.f32 $0.0e+00, v35  }
0x14b: {  	v42 =	vadd.f32 v56, v42;
	v44 =	vld [tilespmem:s26+$0xFFFFFFB0];
	v33 =	vpop (erf)  }
0x14c: {  	v62 =	vld [tilespmem:s28+$0xFFFFFFB0];
	(erf) = vrcp.f32 v38;
	v60 =	vadd.f32 $1.000000000e+00, v33;
	v37 =	vpop (erf);
	v29 =	vmul.f32 $1.442695020e+00, v29  }
0x14d: {  	v34 =	vadd.f32 v43, v45;
	v45 =	vld [tilespmem:s26+$0xFFFFFFC0];
	(erf) = vpow2.f32 v50;
	v43 =	vadd.f32 $1.000000000e+00, v37  }
0x14e: {  	v38 =	vadd.f32 v36, v42;
	v42 =	vld [tilespmem:s25+$0xFFFFFFC0];
	v50 =	vpop (erf);
	(erf) = vrcp.f32 v60  }
0x14f: {  	v36 =	vadd.f32 v47, v34;
	v34 =	vld [tilespmem:s28+$0xFFFFFFC0];
	v60 =	vmul.f32 v32, v30;
	(erf) = vrcp.f32 v43;
	v30 =	vpop (erf)  }
0x150: {  	v44 =	vadd.f32 v44, v63;
	v43 =	vld [tilespmem:s25+$0xFFFFFFD0];
	(erf) = vpow2.f32 v29;
	v29 =	vpop (erf)  }
0x151: {  	v47 =	vadd.f32 $1.000000000e+00, v50;
	v50 =	vmul.f32 v30, v39;
	v39 =	vld [tilespmem:s26+$0xFFFFFFD0];
	v29 =	vadd.f32 $1.000000000e+00, v29  }
0x152: {  	v33 =	vsub.f32 $0.0e+00, v36  }
0x153: {  	v56 =	vsub.f32 $0.0e+00, v38;
	v44 =	vadd.f32 v62, v44;
	v62 =	vpop (erf)  }
0x154: {  	v42 =	vadd.f32 v45, v42;
	(erf) = vrcp.f32 v47;
	v62 =	vadd.f32 $1.000000000e+00, v62  }
0x155: {  	v56 =	vmul.f32 $1.442695020e+00, v56;
	v47 =	vld [tilespmem:s28+$0xFFFFFFD0];
	(erf) = vrcp.f32 v29;
	v29 =	vpop (erf)  }
0x156: {  	v31 =	vld [tilespmem:s26+$0xFFFFFFE0];
	v63 =	vmul.f32 $1.442695020e+00, v33;
	v45 =	vadd.f32 v34, v42;
	v39 =	vadd.f32 v39, v43;
	v33 =	vpop (erf)  }
0x157: {  	v37 =	vld [tilespmem:s25+$0xFFFFFFE0];
	(erf) = vpow2.f32 v56;
	v29 =	vadd.f32 $1.000000000e+00, v29;
	v42 =	vmul.f32 v33, v58;
	v58 =	vpop (erf)  }
0x158: {  	v41 =	vmul.f32 v28, v7;
	(erf) = vrcp.f32 v62;
	v33 =	vld [tilespmem:s28+$0xFFFFFFE0];
	v34 =	vadd.f32 $1.000000000e+00, v58;
	v62 =	vpop (erf)  }
0x159: {  	(erf) = vrcp.f32 v29;
	v43 =	vmul.f32 v62, v57;
	v57 =	vld [tilespmem:s25+$0xFFFFFFF0]  }
0x15a: {  	v47 =	vadd.f32 v47, v39;
	v39 =	vpop (erf);
	(erf) = vrcp.f32 v34;
	v34 =	vld [tilespmem:s26+$0xFFFFFFF0]  }
0x15b: {  	v59 =	vadd.f32 v41, v59;
	v41 =	vsub.f32 $0.0e+00, v44;
	_ =	sdelay $0x1  }
0x15c: {  	v31 =	vadd.f32 v31, v37;
	v62 =	vmul.f32 $1.442695020e+00, v41;
	v41 =	vmul.f32 v39, v61;
	v61 =	vpop (erf)  }
0x15d: {  	(erf) = vpow2.f32 v63;
	v63 =	vpop (erf)  }
0x15e: {  	v39 =	vmul.f32 v63, v46;
	v46 =	vadd.f32 v33, v31;
	v33 =	vadd.f32 v34, v57;
	v57 =	vld [tilespmem:$0x1FFA0];
	_ =	sdelay $0x3  }
0x15f: {  	[tilespmem:s1+$0x0] =	vst v48  }
0x160: {  	[tilespmem:s1+$0x70] =	vst v57  }
0x161: {  	v58 =	vmul.f32 v42, v0;
	v57 =	vld [tilespmem:$0x1FFB0];
	_ =	sdelay $0x1  }
0x162: {  	v58 =	vadd.f32 $0.0e+00, v58;
	v29 =	vmul.f32 v43, v1;
	_ =	sdelay $0x1  }
0x163: {  	v29 =	vadd.f32 v29, v58;
	v58 =	vmul.f32 v41, v2  }
0x164: {  	v56 =	vsub.f32 $0.0e+00, v45;
	[tilespmem:s1+$0x10] =	vst v57  }
0x165: {  	v29 =	vadd.f32 v58, v29;
	v58 =	vld [tilespmem:$0x1FFC0]  }
0x166: {  	v37 =	vmul.f32 $1.442695020e+00, v56;
	(erf) = vpow2.f32 v62;
	v63 =	vpop (erf)  }
0x167: {  	v56 =	vld [tilespmem:s28+$0xFFFFFFF0];
	v40 =	vmul.f32 v63, v40;
	v62 =	vmul.f32 v39, v3  }
0x168: {  	(xrf2) =	vadd.scan.msk.f32 $0xffff, v59;
	v59 =	vpop (erf)  }
0x169: {  	v31 =	vsub.f32 $0.0e+00, v47;
	v63 =	vpop (erf);
	v29 =	vadd.f32 v62, v29;
	v62 =	vmul.f32 v40, v4  }
0x16a: {  	(erf) = vpow2.f32 v37;
	v37 =	vmul.f32 v63, v55;
	v63 =	vpop (erf);
	[tilespmem:s1+$0x20] =	vst v58  }
0x16b: {  	v31 =	vmul.f32 $1.442695020e+00, v31;
	v34 =	vmul.f32 v63, v49;
	v63 =	vld [tilespmem:$0x1FFD0]  }
0x16c: {  	v48 =	vadd.f32 v56, v33;
	v55 =	vmul.f32 v37, v5;
	v29 =	vadd.f32 v62, v29  }
0x16d: {  	(erf) = vpow2.f32 v31;
	v31 =	vsub.f32 $0.0e+00, v46;
	v49 =	vadd.f32 $1.000000000e+00, v61;
	v62 =	vpop (erf);
	[tilespmem:s1+$0x40] =	vst v51  }
0x16e: {  	v61 =	vmul.f32 v34, v6;
	v29 =	vadd.f32 v55, v29;
	v33 =	vmul.f32 v62, v54;
	[tilespmem:s1+$0x50] =	vst v52  }
0x16f: {  	v31 =	vmul.f32 $1.442695020e+00, v31;
	[tilespmem:s1+$0x60] =	vst v53  }
0x170: {  	v29 =	vadd.f32 v61, v29;
	[tilespmem:s1+$0x30] =	vst v63;
	v63 =	vadd.f32 $1.000000000e+00, v59;
	v59 =	vmul.f32 v33, v7  }
0x171: {  	(erf) = vrcp.f32 v49;
	[tilespmem:s1+$0xFFFFFF80] =	vst v60  }
0x172: {  	v62 =	vpop (erf);
	(erf) = vpow2.f32 v31;
	[tilespmem:s20+$0x70] =	vst v50;
	v29 =	vadd.f32 v59, v29  }
0x173: {  	v56 =	vsub.f32 $0.0e+00, v48;
	(erf) = vrcp.f32 v63;
	v63 =	vld [tilespmem:$0x1FFE0]  }
0x174: {  	v31, _, _ =	vpop (xrf2);
	(xrf2) =	vadd.scan.msk.f32 $0xffff, v29;
	v29 =	vld [tilespmem:$0x1FFF0]  }
0x175: {  	v56 =	vmul.f32 $1.442695020e+00, v56  }
0x176: {  	v61 =	vpop (erf);
	v51 =	vadd.f32 $1.000000000e+00, v62  }
0x177: {  	v31 =	vbroadcast v31, $0xF;
	v52 =	vadd.f32 $1.000000000e+00, v61;
	v62 =	vpop (erf);
	(erf) = vpow2.f32 v56  }
0x178: {  	v50 =	vadd.f32 $1.000000000e+00, v62;
	(erf) = vrcp.f32 v51;
	v49 =	vmul.f32 v32, v63  }
0x179: {  	s31 =	simm.s32 $0x580;
	s4 =	simm.s32 $0x4;
	v53 =	vpop (erf);
	(erf) = vrcp.f32 v52;
	v52 =	vadd.f32 v31, v8;
	v31 =	vmul.f32 v32, v29  }
.LBB2_3:
0x17a: {  	v51 =	vld [tilespmem:s31+$0x70];
	v54 =	vadd.f32 $1.000000000e+00, v53;
	s26 =	sadd.s32 $0x100, s26;
	[tilespmem:s1+$0xFFFFFF90] =	vst v49;
	v49 =	vmul.f32 v32, v9;
	v55 =	vmul.f32 v32, v10;
	v29 =	vmovc v24  }
0x17b: {  	s28 =	sadd.s32 $0x100, s28;
	v9 =	vmovc v23;
	v10 =	vmovc v25;
	v53 =	vld [tilespmem:s26+$0x70];
	(erf) = vrcp.f32 v50;
	v24 =	vsub.f32 $0.0e+00, v52;
	[tilespmem:s1+$0xFFFFFFA0] =	vst v31;
	v31 =	vmul.f32 v32, v11  }
0x17c: {  	v23 =	vmul.f32 v32, v12;
	v12 =	vmovc v27;
	v11 =	vmov v26;
	v50 =	vld [tilespmem:s28+$0x50];
	(erf) = vrcp.f32 v54;
	[tilespmem:s1+$0xFFFFFFB0] =	vst v49  }
0x17d: {  	v26 =	vmul.f32 v32, v13;
	v13 =	vmov v28;
	v52 =	vld [tilespmem:s28+$0x40];
	v25 =	vpop (erf);
	v56 =	vmul.f32 $1.442695020e+00, v24;
	[tilespmem:s1+$0xFFFFFFC0] =	vst v55  }
0x17e: {  	v27 =	vmul.f32 v30, v14;
	v14 =	vmov v42;
	v32 =	vld [tilespmem:s28+$0x30];
	v49 =	vmul.f32 v25, v35;
	v25 =	vpop (erf);
	[tilespmem:s1+$0xFFFFFFD0] =	vst v31  }
0x17f: {  	v42 =	vmul.f32 v30, v15;
	v35 =	vld [tilespmem:s31+$0x40];
	v25 =	vadd.f32 $1.000000000e+00, v25;
	v28 =	vpop (erf);
	(erf) = vpow2.f32 v56;
	[tilespmem:s1+$0xFFFFFFE0] =	vst v23  }
0x180: {  	v15 =	vmov v43;
	v54 =	vld [tilespmem:s31+$0x30];
	v55 =	vmul.f32 v49, v0;
	v31 =	vmul.f32 v28, v38;
	v24 =	vpop (erf);
	[tilespmem:s1+$0xFFFFFFF0] =	vst v26;
	s1 =	smov.u32 s20;
	s20 =	smov.u32 s25;
	s25 =	smov.u32 s31  }
0x181: {  	v56 =	vmul.f32 v30, v17;
	v28 =	vld [tilespmem:s31+$0x20];
	v43 =	vadd.f32 $1.000000000e+00, v24;
	v24 =	vpop (erf);
	(erf) = vrcp.f32 v25;
	[tilespmem:s1+$0x0] =	vst v27  }
0x182: {  	v27 =	vld [tilespmem:s28+$0x0];
	v55 =	vadd.f32 $0.0e+00, v55;
	v38 =	vmul.f32 v31, v1;
	v24 =	vmul.f32 v24, v36;
	v23 =	vpop (erf);
	[tilespmem:s1+$0x10] =	vst v42  }
0x183: {  	v17 =	vmov v41;
	v36 =	vld [tilespmem:s31+$0x0];
	v23 =	vmul.f32 v23, v44;
	(erf) = vrcp.f32 v43;
	v26, _, _ =	vpop (xrf2);
	[tilespmem:s1+$0x20] =	vst v56  }
0x184: {  	s4 =	sadd.s32 $0x2, s4;
	v41 =	vld [tilespmem:s26+$0x0];
	v38 =	vadd.f32 v38, v55;
	v42 =	vmul.f32 v24, v2;
	v43 =	vbroadcast v26, $0xF;
	v25 =	vpop (erf)  }
0x185: {  	p2 =	slt.u32 s4, $0x3E;
	v44 =	vld [tilespmem:s31+$0x10];
	v55 =	vmul.f32 v23, v3;
	v25 =	vmul.f32 v25, v45;
	v26 =	vpop (erf)  }
0x186: {  	v45 =	vld [tilespmem:s26+$0x10];
	v38 =	vadd.f32 v42, v38;
	v26 =	vmul.f32 v26, v47;
	v58 =	vadd.f32 v43, v8  }
0x187: {  	v59 =	vmul.f32 v30, v16;
	v16 =	vmov v39;
	v43 =	vld [tilespmem:s26+$0x20];
	v47 =	vmul.f32 v25, v4  }
0x188: {  	v57 =	vld [tilespmem:s28+$0x10];
	v38 =	vadd.f32 v55, v38;
	v55 =	vmul.f32 v26, v5;
	v39 =	vsub.f32 $0.0e+00, v58;
	v42 =	vpop (erf)  }
0x189: {  	v36 =	vadd.f32 v41, v36;
	v58 =	vld [tilespmem:s26+$0x30];
	v42 =	vadd.f32 $1.000000000e+00, v42;
	[tilespmem:s1+$0x30] =	vst v59;
	v41 =	vmul.f32 v30, v18;
	v18 =	vmovc v40  }
0x18a: {  	v59 =	vmul.f32 v30, v20;
	v40 =	vld [tilespmem:s28+$0x20];
	v38 =	vadd.f32 v47, v38;
	v47 =	vmul.f32 $1.442695020e+00, v39;
	v56 =	vpop (erf)  }
0x18b: {  	v39 =	vadd.f32 v27, v36;
	v36 =	vadd.f32 v45, v44;
	v44 =	vld [tilespmem:s26+$0x40];
	v27 =	vmul.f32 v56, v46;
	[tilespmem:s1+$0x40] =	vst v41  }
0x18c: {  	v43 =	vadd.f32 v43, v28;
	v45 =	vld [tilespmem:s31+$0x50];
	v38 =	vadd.f32 v55, v38;
	v28 =	vpop (erf);
	(erf) = vpow2.f32 v47;
	[tilespmem:s1+$0x50] =	vst v59  }
0x18d: {  	v20 =	vmovc v37;
	v46 =	vsub.f32 $0.0e+00, v39;
	v41 =	vadd.f32 v57, v36;
	v36 =	vld [tilespmem:s26+$0x50];
	v47 =	vmul.f32 v27, v6  }
0x18e: {  	v51 =	vadd.f32 v53, v51;
	v28 =	vmul.f32 v28, v48;
	v37 =	vadd.f32 v58, v54;
	v54 =	vld [tilespmem:s31+$0x60]  }
0x18f: {  	v48 =	vmul.f32 $1.442695020e+00, v46;
	v53 =	vsub.f32 $0.0e+00, v41;
	v46 =	vadd.f32 v40, v43;
	v43 =	vld [tilespmem:s26+$0x60]  }
0x190: {  	v56 =	vmul.f32 v28, v7;
	v55 =	vld [tilespmem:s26+$0xFFFFFF80];
	v37 =	vadd.f32 v32, v37;
	v32 =	vadd.f32 v44, v35  }
0x191: {  	v35 =	vmul.f32 $1.442695020e+00, v53;
	v44 =	vsub.f32 $0.0e+00, v46;
	v53 =	vld [tilespmem:s28+$0x60];
	(erf) = vpow2.f32 v48  }
0x192: {  	v57 =	vld [tilespmem:s31+$0xFFFFFF80];
	v40 =	vadd.f32 v52, v32;
	v32 =	vadd.f32 v36, v45;
	(erf) = vrcp.f32 v42  }
0x193: {  	v42 =	vsub.f32 $0.0e+00, v37;
	v52 =	vmul.f32 $1.442695020e+00, v44;
	v44 =	vld [tilespmem:s28+$0x70];
	(erf) = vpow2.f32 v35  }
0x194: {  	v30 =	vmul.f32 v30, v19;
	v19 =	vmovc v34;
	v35 =	vld [tilespmem:s28+$0xFFFFFF80];
	v48 =	vadd.f32 v50, v32;
	v32 =	vadd.f32 v43, v54  }
0x195: {  	v42 =	vmul.f32 $1.442695020e+00, v42;
	v45 =	vsub.f32 $0.0e+00, v40;
	v43 =	vld [tilespmem:s31+$0xFFFFFF90];
	(erf) = vpow2.f32 v52;
	v36 =	vpop (erf)  }
0x196: {  	v52 =	vld [tilespmem:s26+$0xFFFFFF90];
	v34 =	vadd.f32 v53, v32;
	v32 =	vadd.f32 $1.000000000e+00, v36;
	[tilespmem:s1+$0x60] =	vst v30  }
0x197: {  	v36 =	vmul.f32 $1.442695020e+00, v45;
	v45 =	vsub.f32 $0.0e+00, v48;
	v30 =	vld [tilespmem:s28+$0xFFFFFF90];
	(erf) = vpow2.f32 v42  }
0x198: {  	v42 =	vld [tilespmem:s31+$0xFFFFFFA0];
	v53 =	vsub.f32 $0.0e+00, v34;
	v50 =	vadd.f32 v44, v51;
	(erf) = vrcp.f32 v32  }
0x199: {  	v57 =	vadd.f32 v55, v57;
	v45 =	vmul.f32 $1.442695020e+00, v45;
	v44 =	vld [tilespmem:s26+$0xFFFFFFA0];
	(erf) = vpow2.f32 v36  }
0x19a: {  	v47 =	vadd.f32 v47, v38;
	v36 =	vld [tilespmem:s28+$0xFFFFFFA0];
	v51 =	vmul.f32 $1.442695020e+00, v53;
	v58 =	vsub.f32 $0.0e+00, v50;
	v54 =	vpop (erf)  }
0x19b: {  	v35 =	vadd.f32 v35, v57;
	v55 =	vld [tilespmem:s31+$0xFFFFFFB0];
	v38 =	vadd.f32 $1.000000000e+00, v54;
	(erf) = vpow2.f32 v45;
	v32 =	vpop (erf)  }
0x19c: {  	v57 =	vadd.f32 v52, v43;
	v45 =	vld [tilespmem:s26+$0xFFFFFFB0];
	v52 =	vmul.f32 $1.442695020e+00, v58;
	v53 =	vpop (erf);
	(erf) = vpow2.f32 v51  }
0x19d: {  	v51 =	vsub.f32 $0.0e+00, v35;
	v54 =	vld [tilespmem:s28+$0xFFFFFFB0];
	v53 =	vadd.f32 $1.000000000e+00, v53;
	(erf) = vrcp.f32 v38  }
0x19e: {  	v38 =	vadd.f32 v30, v57;
	v57 =	vadd.f32 v44, v42;
	v42 =	vld [tilespmem:s31+$0xFFFFFFC0];
	v43 =	vpop (erf);
	(erf) = vpow2.f32 v52  }
0x19f: {  	v59 =	vmul.f32 $1.442695020e+00, v51;
	v51 =	vld [tilespmem:s26+$0xFFFFFFC0];
	v43 =	vadd.f32 $1.000000000e+00, v43;
	(erf) = vrcp.f32 v53  }
0x1a0: {  	v61 =	vmul.f32 v32, v22;
	v52 =	vsub.f32 $0.0e+00, v38;
	v36 =	vadd.f32 v36, v57;
	v53 =	vld [tilespmem:s28+$0xFFFFFFC0];
	v30 =	vpop (erf)  }
0x1a1: {  	v45 =	vadd.f32 v45, v55;
	v55 =	vld [tilespmem:s31+$0xFFFFFFD0];
	v57 =	vadd.f32 $1.000000000e+00, v30;
	(erf) = vrcp.f32 v43;
	v30 =	vpop (erf)  }
0x1a2: {  	v62 =	vsub.f32 $0.0e+00, v36;
	v58 =	vld [tilespmem:s26+$0xFFFFFFD0];
	(erf) = vpow2.f32 v59;
	v44 =	vpop (erf);
	v33 =	vmul.f32 v30, v33;
	[tilespmem:s1+$0xFFFFFF80] =	vst v61  }
0x1a3: {  	v22 =	vmovc v49;
	v61 =	vmul.f32 $1.442695020e+00, v52;
	v59 =	vld [tilespmem:s28+$0xFFFFFFD0];
	v60 =	vadd.f32 $1.000000000e+00, v44;
	(erf) = vrcp.f32 v57  }
0x1a4: {  	v44 =	vadd.f32 v54, v45;
	v49 =	vmul.f32 $1.442695020e+00, v62;
	v42 =	vadd.f32 v51, v42;
	v51 =	vld [tilespmem:s31+$0xFFFFFFE0];
	v43 =	vpop (erf);
	[tilespmem:s20+$0x70] =	vst v33  }
0x1a5: {  	v47 =	vadd.f32 v56, v47;
	v33 =	vld [tilespmem:s26+$0xFFFFFFE0];
	v62 =	vadd.f32 $1.000000000e+00, v43;
	(erf) = vrcp.f32 v60;
	v45 =	vpop (erf)  }
0x1a6: {  	v54 =	vsub.f32 $0.0e+00, v44;
	v56 =	vld [tilespmem:s28+$0xFFFFFFE0];
	v57 =	vadd.f32 $1.000000000e+00, v45;
	(erf) = vpow2.f32 v61;
	v52 =	vpop (erf)  }
0x1a7: {  	v45 =	vadd.f32 v53, v42;
	v53 =	vld [tilespmem:s31+$0xFFFFFFF0];
	v42 =	vmul.f32 v52, v39;
	(erf) = vrcp.f32 v62;
	v39 =	vpop (erf)  }
0x1a8: {  	v52 =	vadd.f32 v58, v55;
	v55 =	vld [tilespmem:s26+$0xFFFFFFF0];
	v39 =	vadd.f32 $1.000000000e+00, v39;
	v43 =	vpop (erf);
	(erf) = vrcp.f32 v57;
	(xrf2) =	vadd.scan.msk.f32 $0xffff, v47  }
0x1a9: {  	v57 =	vsub.f32 $0.0e+00, v45;
	v58 =	vld [tilespmem:s28+$0xFFFFFFF0];
	v60 =	vmul.f32 v42, v0;
	v43 =	vmul.f32 v43, v41  }
0x1aa: {  	v54 =	vmul.f32 $1.442695020e+00, v54;
	v47 =	vadd.f32 v59, v52;
	v41 =	vpop (erf);
	(erf) = vrcp.f32 v39  }
0x1ab: {  	v39 =	vadd.f32 $0.0e+00, v60;
	v52 =	vmul.f32 v43, v1;
	v41 =	vmul.f32 v41, v46;
	v59 =	vpop (erf)  }
0x1ac: {  	v57 =	vmul.f32 $1.442695020e+00, v57;
	v60 =	vadd.f32 v33, v51;
	(erf) = vpow2.f32 v49;
	v46 =	vpop (erf)  }
0x1ad: {  	v49 =	vadd.f32 v52, v39;
	v51 =	vmul.f32 v41, v2;
	v39 =	vmul.f32 v46, v37  }
0x1ae: {  	v61 =	vsub.f32 $0.0e+00, v47;
	v46 =	vadd.f32 v56, v60;
	(erf) = vpow2.f32 v54;
	v33 =	vpop (erf)  }
0x1af: {  	v49 =	vadd.f32 v51, v49;
	v51 =	vmul.f32 v39, v3;
	v40 =	vmul.f32 v33, v40;
	v52 =	vpop (erf)  }
0x1b0: {  	v56 =	vadd.f32 v55, v53;
	v33 =	vmul.f32 $1.442695020e+00, v61;
	(erf) = vpow2.f32 v57;
	v37 =	vpop (erf)  }
0x1b1: {  	v49 =	vadd.f32 v51, v49;
	v57 =	vmul.f32 v40, v4;
	v37 =	vmul.f32 v37, v48;
	v54 =	vpop (erf)  }
0x1b2: {  	v55 =	vsub.f32 $0.0e+00, v46;
	v48 =	vadd.f32 v58, v56;
	(erf) = vpow2.f32 v33;
	v53, _, _ =	vpop (xrf2)  }
0x1b3: {  	v34 =	vmul.f32 v54, v34;
	v33 =	vadd.f32 v57, v49;
	v49 =	vmul.f32 v37, v5;
	v51 =	vpop (erf)  }
0x1b4: {  	v55 =	vmul.f32 $1.442695020e+00, v55;
	v54 =	vadd.f32 $1.000000000e+00, v59;
	v58 =	vsub.f32 $0.0e+00, v48  }
0x1b5: {  	v57 =	vmul.f32 v34, v6;
	v49 =	vadd.f32 v49, v33;
	v33 =	vmul.f32 v51, v50;
	v50 =	vpop (erf)  }
0x1b6: {  	v51 =	vadd.f32 $1.000000000e+00, v52;
	v52 =	vmul.f32 $1.442695020e+00, v58;
	(erf) = vrcp.f32 v54  }
.Ltmp0:
0x1b7: {  	v57 =	vadd.f32 v57, v49;
	v54 =	vmul.f32 v33, v7;
	v56 =	vpop (erf);
	(erf) = vpow2.f32 v55;
	(pc) =	sbr.rel @p2 .LBB2_3-.Ltmp0, $4  }
0x1b8: {  	v55 =	vadd.f32 $1.000000000e+00, v50;
	v56 =	vadd.f32 $1.000000000e+00, v56;
	(erf) = vrcp.f32 v51  }
0x1b9: {  	v51 =	vadd.f32 v54, v57;
	v49 =	vpop (erf);
	(erf) = vpow2.f32 v52;
	v52 =	vbroadcast v53, $0xF  }
0x1ba: {  	v50 =	vadd.f32 $1.000000000e+00, v49;
	(erf) = vrcp.f32 v55;
	v49 =	vmul.f32 v32, v21;
	v21 =	vmovc v31  }
0x1bb: {  	s31 =	sadd.s32 $0x100, s31;
	v31 =	vmul.f32 v32, v29;
	(erf) = vrcp.f32 v56;
	v53 =	vpop (erf);
	(xrf2) =	vadd.scan.msk.f32 $0xffff, v51;
	v52 =	vadd.f32 v52, v8  }
0x1bc: {  	_ =	sdelay $0x1  }
0x1bd: {  	v29 =	vsub.f32 $0.0e+00, v52  }
0x1be: {  	v51 =	vadd.f32 $1.000000000e+00, v53;
	(erf) = vrcp.f32 v50;
	v56 =	vpop (erf)  }
0x1bf: {  	v29 =	vmul.f32 $1.442695020e+00, v29;
	v57 =	vpop (erf)  }
0x1c0: {  	(erf) = vrcp.f32 v51;
	v35 =	vmul.f32 v56, v35;
	v58 =	vadd.f32 $1.000000000e+00, v57;
	v59 =	vpop (erf)  }
0x1c1: {  	(erf) = vpow2.f32 v29;
	v29 =	vmul.f32 v59, v38;
	v60 =	vpop (erf)  }
0x1c2: {  	v61 =	vmul.f32 v35, v0;
	v38 =	vadd.f32 $1.000000000e+00, v60;
	(erf) = vrcp.f32 v58  }
0x1c3: {  	v62 =	vpop (erf);
	v63 =	vmul.f32 v29, v1  }
0x1c4: {  	v51 =	vadd.f32 $0.0e+00, v61;
	v36 =	vmul.f32 v62, v36;
	(erf) = vrcp.f32 v38  }
0x1c5: {  	v56 =	vpop (erf)  }
0x1c6: {  	v38 =	vmul.f32 v56, v44;
	v57 =	vadd.f32 v63, v51;
	v50 =	vmul.f32 v36, v2  }
0x1c7: {  	v58 =	vpop (erf)  }
0x1c8: {  	v45 =	vmul.f32 v58, v45;
	v59 =	vmul.f32 v38, v3;
	v44 =	vadd.f32 v50, v57  }
0x1c9: {  	v60 =	vpop (erf)  }
0x1ca: {  	v61 =	vmul.f32 v45, v4;
	v47 =	vmul.f32 v60, v47;
	v44 =	vadd.f32 v59, v44;
	v62 =	vpop (erf)  }
0x1cb: {  	v63 =	vpop (erf)  }
0x1cc: {  	v56 =	vmul.f32 v47, v5;
	v44 =	vadd.f32 v61, v44;
	v46 =	vmul.f32 v63, v46  }
0x1cd: {  	v57 =	vpop (erf)  }
0x1ce: {  	v44 =	vadd.f32 v56, v44;
	v52 =	vmul.f32 v46, v6;
	v48 =	vmul.f32 v57, v48;
	_ =	sdelay $0x1  }
0x1cf: {  	v59 =	vmul.f32 v48, v7;
	v44 =	vadd.f32 v52, v44  }
0x1d0: {  	v58, _, _ =	vpop (xrf2)  }
0x1d1: {  	v50 =	vbroadcast v58, $0xF;
	v44 =	vadd.f32 v59, v44;
	_ =	sdelay $0x1  }
0x1d2: {  	v50 =	vadd.f32 v50, v8;
	(xrf2) =	vadd.scan.msk.f32 $0xffff, v44;
	_ =	sdelay $0x1  }
0x1d3: {  	v50 =	vsub.f32 $0.0e+00, v50;
	_ =	sdelay $0x1  }
0x1d4: {  	v60 =	vmul.f32 $1.442695020e+00, v50;
	_ =	sdelay $0x1  }
0x1d5: {  	(erf) = vpow2.f32 v60;
	_ =	sdelay $0x3  }
0x1d6: {  	v61, _, _ =	vpop (xrf2)  }
0x1d7: {  	v62 =	vadd.f32 $1.000000000e+00, v62;
	v44 =	vbroadcast v61, $0xF;
	_ =	sdelay $0x1  }
0x1d8: {  	[tilespmem:s1+$0xFFFFFF90] =	vst v49;
	v9 =	vmul.f32 v32, v9;
	(erf) = vrcp.f32 v62;
	v44 =	vadd.f32 v44, v8  }
0x1d9: {  	v10 =	vmul.f32 v32, v10;
	[tilespmem:s1+$0xFFFFFFA0] =	vst v31  }
0x1da: {  	v11 =	vmul.f32 v32, v11;
	[tilespmem:s1+$0xFFFFFFB0] =	vst v9;
	v63 =	vpop (erf);
	v9 =	vsub.f32 $0.0e+00, v44  }
0x1db: {  	v12 =	vmul.f32 v32, v12;
	[tilespmem:s1+$0xFFFFFFC0] =	vst v10;
	v31 =	vadd.f32 $1.000000000e+00, v63  }
0x1dc: {  	v10 =	vmul.f32 v32, v13;
	[tilespmem:s1+$0xFFFFFFD0] =	vst v11;
	v9 =	vmul.f32 $1.442695020e+00, v9  }
0x1dd: {  	v11 =	vmul.f32 v30, v14;
	[tilespmem:s1+$0xFFFFFFE0] =	vst v12;
	(erf) = vrcp.f32 v31  }
0x1de: {  	[tilespmem:s1+$0xFFFFFFF0] =	vst v10;
	v10 =	vmul.f32 v30, v16;
	(erf) = vpow2.f32 v9  }
0x1df: {  	v12 =	vmul.f32 v30, v15;
	[tilespmem:s20+$0x0] =	vst v11  }
0x1e0: {  	[tilespmem:s20+$0x30] =	vst v10;
	v10 =	vmul.f32 v30, v20  }
0x1e1: {  	[tilespmem:s20+$0x10] =	vst v12;
	v11 =	vpop (erf);
	v9 =	vmul.f32 v30, v17  }
0x1e2: {  	[tilespmem:s20+$0x50] =	vst v10;
	v10 =	vmul.f32 v11, v22  }
0x1e3: {  	[tilespmem:s20+$0x20] =	vst v9;
	v9 =	vmul.f32 v30, v18  }
0x1e4: {  	v14 =	vmul.f32 v11, v25;
	[tilespmem:s20+$0xFFFFFF80] =	vst v10  }
0x1e5: {  	[tilespmem:s20+$0x40] =	vst v9;
	v9 =	vmul.f32 v30, v19  }
0x1e6: {  	v10 =	vmul.f32 v11, v21;
	[tilespmem:s20+$0xFFFFFFC0] =	vst v14;
	v12 =	vpop (erf)  }
0x1e7: {  	[tilespmem:s20+$0x60] =	vst v9;
	v9 =	vmul.f32 v12, v33;
	v13 =	vpop (erf)  }
0x1e8: {  	[tilespmem:s20+$0xFFFFFF90] =	vst v10;
	v10 =	vmul.f32 v11, v23;
	v13 =	vadd.f32 $1.000000000e+00, v13  }
0x1e9: {  	[tilespmem:s25+$0x70] =	vst v9;
	v9 =	vmul.f32 v11, v24  }
0x1ea: {  	[tilespmem:s20+$0xFFFFFFB0] =	vst v10;
	v10 =	vmul.f32 v11, v27;
	(erf) = vrcp.f32 v13  }
0x1eb: {  	[tilespmem:s20+$0xFFFFFFA0] =	vst v9;
	v9 =	vmul.f32 v11, v26  }
0x1ec: {  	[tilespmem:s20+$0xFFFFFFE0] =	vst v10;
	v10 =	vmul.f32 v12, v43  }
0x1ed: {  	[tilespmem:s20+$0xFFFFFFD0] =	vst v9;
	v9 =	vmul.f32 v12, v42  }
0x1ee: {  	[tilespmem:s25+$0x10] =	vst v10;
	v10 =	vmul.f32 v12, v39  }
0x1ef: {  	v11 =	vmul.f32 v11, v28;
	[tilespmem:s25+$0x0] =	vst v9;
	v9 =	vmul.f32 v12, v41  }
0x1f0: {  	[tilespmem:s25+$0x30] =	vst v10  }
0x1f1: {  	[tilespmem:s25+$0x20] =	vst v9;
	v9 =	vmul.f32 v12, v40  }
0x1f2: {  	v10 =	vmul.f32 v12, v37;
	[tilespmem:s20+$0xFFFFFFF0] =	vst v11  }
0x1f3: {  	[tilespmem:s25+$0x40] =	vst v9;
	v9 =	vmul.f32 v12, v34;
	v11 =	vpop (erf)  }
0x1f4: {  	[tilespmem:s25+$0x50] =	vst v10;
	v10 =	vmul.f32 v11, v35  }
0x1f5: {  	[tilespmem:s25+$0x60] =	vst v9;
	v9 =	vmul.f32 v11, v29  }
0x1f6: {  	v12 =	vmul.f32 v11, v45;
	[tilespmem:s25+$0xFFFFFF80] =	vst v10  }
0x1f7: {  	v10 =	vmul.f32 v11, v36;
	[tilespmem:s25+$0xFFFFFF90] =	vst v9  }
0x1f8: {  	v9 =	vmul.f32 v11, v38;
	[tilespmem:s25+$0xFFFFFFC0] =	vst v12  }
0x1f9: {  	[tilespmem:s25+$0xFFFFFFA0] =	vst v10;
	v10 =	vmul.f32 v11, v47  }
0x1fa: {  	[tilespmem:s25+$0xFFFFFFB0] =	vst v9;
	v9 =	vmul.f32 v11, v46  }
0x1fb: {  	v11 =	vmul.f32 v11, v48;
	[tilespmem:s25+$0xFFFFFFD0] =	vst v10  }
0x1fc: {  	[tilespmem:s25+$0xFFFFFFE0] =	vst v9  }
0x1fd: {  	[tilespmem:s25+$0xFFFFFFF0] =	vst v11  }
0x1fe: {  	[spmem:s2] =	stream.indirect.scatter.add.f32 [tilespmem:s11], [sflag:$0x5], $0x80, s18, s10, $0xb8;
	[tilespmem:$0x1FE00] =	vst v63  }
0x1ff: {  	s1 =	simm.s32 @!p1 $0x5  }
0x200: {  	[spmem:s3] =	stream.indirect.scatter.add.f32 [tilespmem:s11], [sflag:$0x6], $0x80, s19, s10, $0xb8;
	[tilespmem:$0x1FE00] =	vst v63  }
0x201: {  	_ =	swait.ge @!p1 [sflag:s1], $0x2000  }
0x202: {  	[sflag:s1] =	ssyncset.done @!p1 $0x0  }
0x203: {  	[sflag:s1] =	ssyncadd.s32 @!p1 $0xFFFFE000;
	s1 =	simm.s32 @!p1 $0x6  }
0x204: {  	_ =	swait.ge @!p1 [sflag:s1], $0x2000  }
0x205: {  	[sflag:s1] =	ssyncset.done @!p1 $0x0  }
0x206: {  	[sflag:s1] =	ssyncadd.s32 @!p1 $0xFFFFE000;
	s1 =	simm.s32 @!p1 $0x3  }
0x207: {  	_ =	swait.ge @!p1 [sflag:s1], $0x40  }
0x208: {  	[sflag:s1] =	ssyncset.done @!p1 $0x0  }
0x209: {  	[sflag:s1] =	ssyncadd.s32 @!p1 $0xFFFFFFC0  }
0x20a: {  	_ =	swait.ge @!p1 [sflag:s1], $0x40  }
0x20b: {  	s4 =	simm.s32 @!p1 $0x0;
	[sflag:s1] =	ssyncset.done @!p1 $0x0  }
0x20c: {  	s20 =	simm.s32 @!p1 $0x200;
	[sflag:s1] =	ssyncadd.s32 @!p1 $0xFFFFFFC0;
	s1 =	simm.s32 @!p1 $0x40  }
0x20d: {  	[tilespmem:s20], [sflag:$0x1] =	stream.indirect.gather @!p1 [hbm4b:s5+s1], $0x80, s4, s1, $0xb8;
	[tilespmem:$0x1FE00] =	vst v63  }
0x20e: {  	s25 =	simm.s32 @!p1 $0x2200;
	s20 =	simm.s32 @!p1 $0x80  }
0x20f: {  	[tilespmem:s25], [sflag:$0x1] =	stream.indirect.gather @!p1 [hbm4b:s6+s1], $0x80, s20, s1, $0xb8;
	[tilespmem:$0x1FE00] =	vst v63  }
0x210: {  	s1 =	sshll.u32 @!p1 s16, $0xA  }
0x211: {  	s16 =	simm.s32 @!p1 $0x4200;
	s1 =	sadd.s32 @!p1 s7, s1  }
0x212: {  	[tilespmem:s16], [sflag:$0x1] =	stream.linear.gather @!p1 [hbm4b:s1+s4], $0x2000, $0x38;
	[tilespmem:$0x1FE00] =	vst v63  }
0x213: {  	v9 =	vld @!p1 [tilespmem:$0x80];
	_ =	sdelay $0x1  }
0x214: {  	v10 =	vld @!p1 [tilespmem:$0x90];
	_ =	sdelay $0x1  }
0x215: {  	v11 =	vld @!p1 [tilespmem:$0xA0]  }
0x216: {  	vm0 =	vlt.s32 @!p1 v9, $0x1388  }
0x217: {  	v13 =	vld @!p1 [tilespmem:$0xB0];
	v12 =	vadd.s32 @!p1 $0xFFFFEC78, v9;
	v9 =	vnsel @!p1 vm0, $0x1388, v9  }
0x218: {  	vm0 =	vlt.s32 @!p1 v10, $0x1388;
	[tilespmem:$0x100] =	vst @!p1 v9;
	v9 =	vmin.u32 @!p1 v12, $0x1388  }
0x219: {  	[tilespmem:$0x180] =	vst @!p1 v9;
	v9 =	vadd.s32 @!p1 $0xFFFFEC78, v10;
	v10 =	vnsel @!p1 vm0, $0x1388, v10  }
0x21a: {  	vm0 =	vlt.s32 @!p1 v11, $0x1388;
	[tilespmem:$0x110] =	vst @!p1 v10;
	v9 =	vmin.u32 @!p1 v9, $0x1388  }
0x21b: {  	v10 =	vnsel @!p1 vm0, $0x1388, v11;
	[tilespmem:$0x190] =	vst @!p1 v9;
	v9 =	vadd.s32 @!p1 $0xFFFFEC78, v11  }
0x21c: {  	vm0 =	vlt.s32 @!p1 v13, $0x1388;
	[tilespmem:$0x120] =	vst @!p1 v10;
	v9 =	vmin.u32 @!p1 v9, $0x1388  }
0x21d: {  	v10 =	vnsel @!p1 vm0, $0x1388, v13;
	[tilespmem:$0x1A0] =	vst @!p1 v9;
	v9 =	vadd.s32 @!p1 $0xFFFFEC78, v13  }
0x21e: {  	[tilespmem:$0x130] =	vst @!p1 v10;
	v9 =	vmin.u32 @!p1 v9, $0x1388  }
0x21f: {  	[tilespmem:$0x1B0] =	vst @!p1 v9  }
0x220: {  	_ =	swait.ge [sflag:s21], $0x2000  }
0x221: {  	[sflag:s21] =	ssyncset.done $0x0  }
0x222: {  	[sflag:s21] =	ssyncadd.s32 $0xFFFFE000  }
0x223: {  	_ =	swait.ge [sflag:s21], $0x2000  }
0x224: {  	s1 =	sadd.s32 $0x3, s12;
	[sflag:s21] =	ssyncset.done $0x0  }
0x225: {  	p1 =	sge.u32 s1, s17;
	[sflag:s21] =	ssyncadd.s32 $0xFFFFE000  }
0x226: {  	s1 =	sadd.s32 @!p1 s15, s1;
	_ =	swait.ge [sflag:s21], $0x2000  }
0x227: {  	s12 =	simm.s32 @!p1 $0x0;
	s1 =	sshll.u32 @!p1 s1, $0x3;
	[sflag:s21] =	ssyncset.done $0x0  }
0x228: {  	s16 =	simm.s32 @!p1 $0x6200;
	s4 =	sadd.s32 @!p1 s8, s1;
	[sflag:s21] =	ssyncadd.s32 $0xFFFFE000  }
0x229: {  	[tilespmem:s16], [sflag:$0x4] =	stream.linear.gather @!p1 [hbm4b:s4+s12], $0x40, $0x38;
	[tilespmem:$0x1FE00] =	vst v63  }
0x22a: {  	s1 =	sadd.s32 @!p1 s9, s1;
	s4 =	simm.s32 @!p1 $0x6280  }
0x22b: {  	[tilespmem:s4], [sflag:$0x4] =	stream.linear.gather @!p1 [hbm4b:s1+s12], $0x40, $0x38;
	[tilespmem:$0x1FE00] =	vst v63  }
0x22c: {  	s1 =	simm.s32 $0x6480  }
0x22d: {  	s25 =	simm.s32 $0xA480;
	v9 =	vld [tilespmem:s1+$0x70]  }
0x22e: {  	v10 =	vld [tilespmem:s25+$0x50]  }
0x22f: {  	v11 =	vld [tilespmem:s25+$0x40]  }
0x230: {  	v12 =	vld [tilespmem:s25+$0x30]  }
0x231: {  	v13 =	vld [tilespmem:s1+$0x40]  }
0x232: {  	v14 =	vld [tilespmem:s1+$0x30]  }
0x233: {  	v15 =	vld [tilespmem:s1+$0x20]  }
0x234: {  	v16 =	vld [tilespmem:s25+$0x0]  }
0x235: {  	s26 =	simm.s32 $0x8480;
	v17 =	vld [tilespmem:s1+$0x0]  }
0x236: {  	v18 =	vld [tilespmem:s26+$0x0]  }
0x237: {  	v19 =	vld [tilespmem:s1+$0x10]  }
0x238: {  	v20 =	vld [tilespmem:s26+$0x10]  }
0x239: {  	v21 =	vld [tilespmem:s26+$0x20]  }
0x23a: {  	v22 =	vld [tilespmem:s25+$0x10]  }
0x23b: {  	v23 =	vld [tilespmem:s25+$0x20];
	v17 =	vadd.f32 v18, v17  }
0x23c: {  	v18 =	vld [tilespmem:s26+$0x30]  }
0x23d: {  	v16 =	vadd.f32 v16, v17;
	v17 =	vadd.f32 v20, v19;
	v19 =	vld [tilespmem:s26+$0x40]  }
0x23e: {  	v15 =	vadd.f32 v21, v15;
	v20 =	vld [tilespmem:s1+$0x50]  }
0x23f: {  	v17 =	vadd.f32 v22, v17;
	v22 =	vld [tilespmem:s26+$0x50]  }
0x240: {  	v15 =	vadd.f32 v23, v15;
	v23 =	vld [tilespmem:s26+$0x60];
	v21 =	vsub.f32 $0.0e+00, v16  }
0x241: {  	v14 =	vadd.f32 v18, v14;
	v18 =	vld [tilespmem:s1+$0x60];
	v24 =	vsub.f32 $0.0e+00, v17  }
0x242: {  	v25 =	vld [tilespmem:s26+$0x70];
	v21 =	vmul.f32 $1.442695020e+00, v21;
	v13 =	vadd.f32 v19, v13  }
0x243: {  	v12 =	vadd.f32 v12, v14;
	v19 =	vsub.f32 $0.0e+00, v15;
	v14 =	vmul.f32 $1.442695020e+00, v24;
	v24 =	vld [tilespmem:s25+$0x60]  }
0x244: {  	(erf) = vpow2.f32 v21;
	v21 =	vld [tilespmem:s25+$0x70];
	v11 =	vadd.f32 v11, v13;
	v13 =	vadd.f32 v22, v20  }
0x245: {  	v19 =	vmul.f32 $1.442695020e+00, v19;
	v20 =	vsub.f32 $0.0e+00, v12;
	(erf) = vpow2.f32 v14;
	v14 =	vld [tilespmem:s26+$0xFFFFFF80]  }
0x246: {  	v13 =	vadd.f32 v10, v13;
	v10 =	vadd.f32 v23, v18;
	v18 =	vld [tilespmem:s1+$0xFFFFFF80]  }
0x247: {  	v9 =	vadd.f32 v25, v9;
	v20 =	vmul.f32 $1.442695020e+00, v20;
	(erf) = vpow2.f32 v19;
	v19 =	vld [tilespmem:s25+$0xFFFFFF80]  }
0x248: {  	v22 =	vsub.f32 $0.0e+00, v11;
	v25 =	vadd.f32 v24, v10;
	v10 =	vld [tilespmem:s1+$0xFFFFFF90]  }
0x249: {  	v23 =	vsub.f32 $0.0e+00, v13;
	(erf) = vpow2.f32 v20;
	v20 =	vld [tilespmem:s26+$0xFFFFFF90]  }
0x24a: {  	v22 =	vmul.f32 $1.442695020e+00, v22;
	v24 =	vsub.f32 $0.0e+00, v25  }
0x24b: {  	v26 =	vadd.f32 v21, v9;
	v9 =	vmul.f32 $1.442695020e+00, v23;
	v14 =	vadd.f32 v14, v18  }
0x24c: {  	v21 =	vld [tilespmem:s1+$0xFFFFFFA0];
	(erf) = vpow2.f32 v22  }
0x24d: {  	v23 =	vsub.f32 $0.0e+00, v26;
	v18 =	vld [tilespmem:s26+$0xFFFFFFA0];
	(erf) = vpow2.f32 v9;
	v9 =	vadd.f32 v19, v14  }
0x24e: {  	v27 =	vld [tilespmem:s25+$0xFFFFFF90];
	v22 =	vmul.f32 $1.442695020e+00, v24;
	v10 =	vadd.f32 v20, v10;
	v24 =	vpop (erf)  }
0x24f: {  	v28 =	vld [tilespmem:s25+$0xFFFFFFA0];
	v24 =	vadd.f32 $1.000000000e+00, v24;
	v20 =	vsub.f32 $0.0e+00, v9  }
0x250: {  	v14 =	vmul.f32 $1.442695020e+00, v23;
	(erf) = vpow2.f32 v22;
	v19 =	vpop (erf)  }
0x251: {  	v22 =	vld [tilespmem:s1+$0xFFFFFFB0];
	v19 =	vadd.f32 $1.000000000e+00, v19;
	v23 =	vpop (erf);
	(erf) = vrcp.f32 v24;
	v20 =	vmul.f32 $1.442695020e+00, v20  }
0x252: {  	v18 =	vadd.f32 v18, v21;
	v21 =	vadd.f32 $1.000000000e+00, v23;
	(erf) = vpow2.f32 v14;
	v14 =	vld [tilespmem:s26+$0xFFFFFFB0]  }
0x253: {  	v23 =	vld [tilespmem:s1+$0xFFFFFFC0];
	(erf) = vrcp.f32 v19;
	v19 =	vadd.f32 v27, v10  }
0x254: {  	v24 =	vpop (erf);
	v27 =	vld [tilespmem:s26+$0xFFFFFFC0];
	v10 =	vadd.f32 v28, v18;
	(erf) = vrcp.f32 v21  }
0x255: {  	v18 =	vadd.f32 $1.000000000e+00, v24;
	v24 =	vsub.f32 $0.0e+00, v19;
	(erf) = vpow2.f32 v20;
	v20 =	vpop (erf)  }
0x256: {  	v30 =	vld [tilespmem:s26+$0xFFFFFFD0];
	v20 =	vadd.f32 $1.000000000e+00, v20  }
0x257: {  	v21 =	vld [tilespmem:s25+$0xFFFFFFB0];
	v14 =	vadd.f32 v14, v22;
	v22 =	vmul.f32 $1.442695020e+00, v24  }
0x258: {  	v28 =	vld [tilespmem:s25+$0xFFFFFFC0];
	(erf) = vrcp.f32 v18  }
0x259: {  	v18 =	vld [tilespmem:s1+$0xFFFFFFD0];
	v23 =	vadd.f32 v27, v23;
	v24 =	vpop (erf)  }
0x25a: {  	(erf) = vrcp.f32 v20;
	v24 =	vadd.f32 $1.000000000e+00, v24;
	v20 =	vpop (erf)  }
0x25b: {  	v29 =	vsub.f32 $0.0e+00, v10;
	v27 =	vld [tilespmem:s25+$0xFFFFFFD0];
	(erf) = vpow2.f32 v22;
	v20 =	vadd.f32 $1.000000000e+00, v20;
	v22 =	vpop (erf)  }
0x25c: {  	v14 =	vadd.f32 v21, v14;
	v21 =	vmul.f32 v22, v16;
	(erf) = vrcp.f32 v24;
	v16 =	vpop (erf);
	v22 =	vld [tilespmem:s1+$0xFFFFFFE0]  }
0x25d: {  	v49 =	vadd.f32 v28, v23;
	v23 =	vpop (erf);
	(erf) = vrcp.f32 v20;
	v20 =	vld [tilespmem:s26+$0xFFFFFFE0]  }
0x25e: {  	v29 =	vmul.f32 $1.442695020e+00, v29;
	v24 =	vmul.f32 v23, v17;
	v17 =	vadd.f32 v30, v18  }
0x25f: {  	v28 =	vsub.f32 $0.0e+00, v14;
	v16 =	vadd.f32 $1.000000000e+00, v16;
	v31 =	vmul.f32 v21, v0;
	v23 =	vpop (erf)  }
0x260: {  	v18 =	vsub.f32 $0.0e+00, v49;
	v23 =	vmul.f32 v23, v15;
	v15 =	vpop (erf);
	v17 =	vadd.f32 v27, v17  }
0x261: {  	(erf) = vrcp.f32 v16;
	v16 =	vld [tilespmem:s25+$0xFFFFFFE0];
	v30 =	vadd.f32 $0.0e+00, v31;
	v31 =	vmul.f32 v24, v1;
	v27 =	vpop (erf)  }
0x262: {  	v33 =	vmul.f32 v27, v12;
	v12 =	vadd.f32 v20, v22;
	v20 =	vsub.f32 $0.0e+00, v17  }
0x263: {  	v28 =	vmul.f32 $1.442695020e+00, v28;
	v30 =	vadd.f32 v31, v30;
	v31 =	vmul.f32 v23, v2  }
0x264: {  	v50 =	vld [tilespmem:s1+$0xFFFFFFF0];
	v18 =	vmul.f32 $1.442695020e+00, v18;
	(erf) = vpow2.f32 v29;
	v22 =	vpop (erf)  }
0x265: {  	v51 =	vld [tilespmem:s26+$0xFFFFFFF0];
	v27 =	vmul.f32 v22, v11;
	v11 =	vpop (erf);
	v30 =	vadd.f32 v31, v30;
	v31 =	vmul.f32 v33, v3  }
0x266: {  	(erf) = vpow2.f32 v28;
	v12 =	vadd.f32 v16, v12;
	v16 =	vmul.f32 $1.442695020e+00, v20;
	v20 =	vpop (erf)  }
0x267: {  	v22 =	vadd.f32 v31, v30;
	v30 =	vmul.f32 v27, v4;
	v28 =	vmul.f32 v20, v13  }
0x268: {  	v29 =	vld [tilespmem:s25+$0xFFFFFFF0];
	v15 =	vadd.f32 $1.000000000e+00, v15;
	(erf) = vpow2.f32 v18;
	v18 =	vpop (erf)  }
0x269: {  	v22 =	vadd.f32 v30, v22;
	v32 =	vmul.f32 v18, v25;
	v30 =	vmul.f32 v28, v5  }
0x26a: {  	v13 =	vadd.f32 v51, v50;
	v20 =	vsub.f32 $0.0e+00, v12;
	(erf) = vpow2.f32 v16;
	v16 =	vpop (erf)  }
0x26b: {  	v25 =	vmul.f32 v32, v6;
	v18 =	vadd.f32 v30, v22;
	v22 =	vmul.f32 v16, v26  }
0x26c: {  	v11 =	vadd.f32 $1.000000000e+00, v11;
	(erf) = vrcp.f32 v15;
	v16 =	vmul.f32 $1.442695020e+00, v20  }
0x26d: {  	v13 =	vadd.f32 v29, v13;
	v15 =	vadd.f32 v25, v18;
	v18 =	vmul.f32 v22, v7  }
0x26e: {  	(erf) = vpow2.f32 v16  }
0x26f: {  	v20 =	vsub.f32 $0.0e+00, v13;
	(erf) = vrcp.f32 v11;
	v11 =	vadd.f32 v18, v15;
	_ =	sdelay $0x1  }
0x270: {  	v20 =	vmul.f32 $1.442695020e+00, v20;
	v25 =	vpop (erf)  }
0x271: {  	v16 =	vadd.f32 $1.000000000e+00, v25;
	v15 =	vpop (erf)  }
0x272: {  	(erf) = vpow2.f32 v20;
	(xrf2) =	vadd.scan.msk.f32 $0xffff, v11;
	v11 =	vpop (erf)  }
0x273: {  	(erf) = vrcp.f32 v16;
	v11 =	vadd.f32 $1.000000000e+00, v11  }
0x274: {  	v15 =	vadd.f32 $1.000000000e+00, v15  }
0x275: {  	s12 =	simm.s32 $0x6580  }
0x276: {  	v36 =	vld [tilespmem:s12+$0x40];
	(erf) = vrcp.f32 v15;
	v18 =	vpop (erf)  }
0x277: {  	s31 =	simm.s32 $0xA580;
	v53 =	vld [tilespmem:s12+$0x30];
	(erf) = vrcp.f32 v11;
	v11 =	vpop (erf)  }
0x278: {  	v26 =	vld [tilespmem:s31+$0x30];
	v52 =	vpop (erf)  }
0x279: {  	v20 =	vld [tilespmem:s31+$0x50];
	v30 =	vmul.f32 v11, v9;
	v9 =	vpop (erf)  }
0x27a: {  	v25 =	vld [tilespmem:s31+$0x40];
	v11 =	vadd.f32 $1.000000000e+00, v18;
	v29 =	vmul.f32 v9, v19  }
0x27b: {  	s28 =	simm.s32 $0x8580;
	v16 =	vld [tilespmem:s12+$0x70];
	v18 =	vpop (erf)  }
0x27c: {  	v15 =	vld [tilespmem:s28+$0x70];
	v9 =	vmul.f32 v30, v0;
	v31 =	vpop (erf);
	(erf) = vrcp.f32 v11;
	[tilespmem:$0x1FF80] =	vst v29  }
0x27d: {  	v11 =	vmul.f32 v29, v1;
	v29 =	vmul.f32 v31, v10;
	v19 =	vld [tilespmem:s12+$0x20]  }
0x27e: {  	v54 =	vld [tilespmem:s31+$0x0]  }
0x27f: {  	v56, _, _ =	vpop (xrf2);
	v55 =	vld [tilespmem:s12+$0x0];
	[tilespmem:$0x1FF90] =	vst v29  }
0x280: {  	v57 =	vadd.f32 $0.0e+00, v9;
	v10 =	vbroadcast v56, $0xF;
	v9 =	vpop (erf);
	v58 =	vld [tilespmem:s28+$0x0]  }
0x281: {  	v9 =	vmul.f32 v9, v14;
	v14 =	vld [tilespmem:s12+$0x10]  }
0x282: {  	v35 =	vadd.f32 $1.000000000e+00, v52;
	v11 =	vadd.f32 v11, v57;
	v59 =	vmul.f32 v29, v2;
	v60 =	vld [tilespmem:s28+$0x10]  }
0x283: {  	v61 =	vadd.f32 v10, v8;
	v63 =	vld [tilespmem:s28+$0x20]  }
0x284: {  	(erf) = vrcp.f32 v35;
	v46 =	vld [tilespmem:s31+$0x10];
	v10 =	vpop (erf);
	v11 =	vadd.f32 v59, v11;
	v62 =	vmul.f32 v9, v3  }
0x285: {  	v18 =	vadd.f32 $1.000000000e+00, v18;
	v50 =	vld [tilespmem:s31+$0x20];
	v47 =	vsub.f32 $0.0e+00, v61;
	v10 =	vmul.f32 v10, v49  }
0x286: {  	v48 =	vld [tilespmem:s28+$0x30];
	v11 =	vadd.f32 v62, v11;
	v39 =	vadd.f32 v58, v55  }
0x287: {  	(erf) = vrcp.f32 v18;
	v18 =	vld [tilespmem:s28+$0x40];
	v49 =	vmul.f32 v10, v4;
	v14 =	vadd.f32 v60, v14  }
0x288: {  	v51 =	vld [tilespmem:s12+$0x50];
	v40 =	vmul.f32 $1.442695020e+00, v47;
	v19 =	vadd.f32 v63, v19;
	v39 =	vadd.f32 v54, v39  }
0x289: {  	v38 =	vadd.f32 v49, v11;
	v43 =	vadd.f32 v46, v14;
	v14 =	vld [tilespmem:s28+$0x50]  }
0x28a: {  	v56 =	vld [tilespmem:s28+$0x60];
	(erf) = vpow2.f32 v40;
	v19 =	vadd.f32 v50, v19;
	v11 =	vpop (erf);
	v52 =	vsub.f32 $0.0e+00, v39  }
0x28b: {  	v11 =	vmul.f32 v11, v17;
	v17 =	vadd.f32 v48, v53;
	v53 =	vld [tilespmem:s12+$0x60];
	v55 =	vsub.f32 $0.0e+00, v43  }
0x28c: {  	v15 =	vadd.f32 v15, v16;
	v62 =	vld [tilespmem:s31+$0x70];
	v59 =	vsub.f32 $0.0e+00, v19;
	v54 =	vmul.f32 $1.442695020e+00, v52  }
0x28d: {  	v60 =	vld [tilespmem:s31+$0x60];
	v16 =	vadd.f32 v26, v17;
	v17 =	vadd.f32 v18, v36;
	v18 =	vpop (erf);
	v26 =	vmul.f32 $1.442695020e+00, v55  }
0x28e: {  	v12 =	vmul.f32 v18, v12;
	v14 =	vadd.f32 v14, v51;
	(erf) = vpow2.f32 v54  }
0x28f: {  	v61 =	vld [tilespmem:s12+$0xFFFFFF80];
	v18 =	vadd.f32 v25, v17;
	v17 =	vmul.f32 $1.442695020e+00, v59;
	v25 =	vsub.f32 $0.0e+00, v16  }
0x290: {  	v58 =	vld [tilespmem:s28+$0xFFFFFF80];
	v20 =	vadd.f32 v20, v14;
	v14 =	vadd.f32 v56, v53  }
0x291: {  	v48 =	vadd.f32 v62, v15;
	v15 =	vld [tilespmem:s28+$0xFFFFFFA0];
	(erf) = vpow2.f32 v26  }
0x292: {  	v55 =	vld [tilespmem:s12+$0xFFFFFFA0];
	v26 =	vpop (erf);
	v25 =	vmul.f32 $1.442695020e+00, v25;
	v40 =	vadd.f32 v60, v14  }
0x293: {  	v63 =	vld [tilespmem:s31+$0xFFFFFF80];
	v53 =	vsub.f32 $0.0e+00, v18;
	(erf) = vpow2.f32 v17;
	v17 =	vpop (erf)  }
0x294: {  	v52 =	vld [tilespmem:s12+$0xFFFFFF90];
	(erf) = vpow2.f32 v25;
	v14 =	vadd.f32 $1.000000000e+00, v17;
	v25 =	vsub.f32 $0.0e+00, v40  }
0x295: {  	v13 =	vmul.f32 v26, v13;
	v26 =	vld [tilespmem:s28+$0xFFFFFF90];
	v54 =	vsub.f32 $0.0e+00, v20;
	v35 =	vmul.f32 $1.442695020e+00, v53  }
0x296: {  	v57 =	vmul.f32 v11, v5;
	v60 =	vsub.f32 $0.0e+00, v48;
	(erf) = vrcp.f32 v14  }
0x297: {  	v15 =	vadd.f32 v15, v55;
	v17 =	vld [tilespmem:s31+$0xFFFFFF90];
	v56 =	vmul.f32 $1.442695020e+00, v54;
	(erf) = vpow2.f32 v35  }
0x298: {  	v55 =	vld [tilespmem:s12+$0xFFFFFFC0];
	v14 =	vadd.f32 v57, v38;
	v57 =	vadd.f32 v58, v61;
	v59 =	vmul.f32 $1.442695020e+00, v25;
	v25 =	vpop (erf)  }
0x299: {  	v50 =	vmul.f32 $1.442695020e+00, v60;
	v58 =	vld [tilespmem:s31+$0xFFFFFFA0];
	(erf) = vpow2.f32 v56;
	v62 =	vadd.f32 $1.000000000e+00, v25  }
0x29a: {  	v61 =	vld [tilespmem:s12+$0xFFFFFFB0];
	v26 =	vadd.f32 v26, v52;
	v25 =	vadd.f32 v63, v57;
	v51 =	vpop (erf);
	(erf) = vpow2.f32 v59  }
0x29b: {  	v41 =	vmul.f32 v12, v6;
	v63 =	vld [tilespmem:s28+$0xFFFFFFB0];
	v53 =	vadd.f32 $1.000000000e+00, v51;
	(erf) = vrcp.f32 v62  }
0x29c: {  	v35 =	vadd.f32 v17, v26;
	v17 =	vld [tilespmem:s28+$0xFFFFFFC0];
	v56 =	vpop (erf);
	v54 =	vsub.f32 $0.0e+00, v25;
	(erf) = vpow2.f32 v50  }
0x29d: {  	v44 =	vmul.f32 v13, v7;
	v52 =	vld [tilespmem:s31+$0xFFFFFFB0];
	v47 =	vadd.f32 $1.000000000e+00, v56;
	(erf) = vrcp.f32 v53  }
0x29e: {  	v60 =	vld [tilespmem:s12+$0xFFFFFFD0];
	v14 =	vadd.f32 v41, v14;
	v26 =	vadd.f32 v58, v15;
	v15 =	vpop (erf);
	v57 =	vmul.f32 $1.442695020e+00, v54  }
0x29f: {  	v59 =	vld [tilespmem:s31+$0xFFFFFFC0];
	v58 =	vsub.f32 $0.0e+00, v35;
	v15 =	vadd.f32 $1.000000000e+00, v15;
	(erf) = vrcp.f32 v47;
	v34 =	vpop (erf)  }
0x2a0: {  	v36 =	vadd.f32 v63, v61;
	v61 =	vsub.f32 $0.0e+00, v26;
	v63 =	vld [tilespmem:s28+$0xFFFFFFD0];
	(erf) = vpow2.f32 v57;
	v62 =	vpop (erf)  }
0x2a1: {  	v54 =	vld [tilespmem:s31+$0xFFFFFFD0];
	(erf) = vrcp.f32 v15;
	v15 =	vadd.f32 v17, v55;
	v41 =	vadd.f32 $1.000000000e+00, v62  }
0x2a2: {  	v37 =	vmul.f32 $1.442695020e+00, v58;
	v58 =	vld [tilespmem:s28+$0xFFFFFFE0];
	v47 =	vmul.f32 $1.442695020e+00, v61;
	v36 =	vadd.f32 v52, v36;
	v17 =	vpop (erf)  }
0x2a3: {  	v17 =	vadd.f32 $1.000000000e+00, v17;
	v55 =	vpop (erf);
	(erf) = vrcp.f32 v41;
	v41 =	vadd.f32 v44, v14;
	v44 =	vld [tilespmem:s12+$0xFFFFFFE0]  }
0x2a4: {  	v38 =	vadd.f32 v59, v15;
	v57 =	vadd.f32 $1.000000000e+00, v55;
	(erf) = vpow2.f32 v37;
	v14 =	vpop (erf)  }
0x2a5: {  	v14 =	vmul.f32 v14, v39;
	(erf) = vrcp.f32 v17;
	v15 =	vpop (erf);
	v17 =	vadd.f32 v63, v60  }
0x2a6: {  	v56 =	vsub.f32 $0.0e+00, v36;
	v60 =	vld [tilespmem:s31+$0xFFFFFFE0];
	v59 =	vadd.f32 $1.000000000e+00, v15;
	v15 =	vpop (erf);
	(erf) = vrcp.f32 v57  }
0x2a7: {  	v61 =	vsub.f32 $0.0e+00, v38;
	v39 =	vld [tilespmem:s28+$0xFFFFFFF0];
	v62 =	vmul.f32 v14, v0;
	v15 =	vmul.f32 v15, v43  }
0x2a8: {  	v50 =	vmul.f32 $1.442695020e+00, v56;
	v43 =	vld [tilespmem:s12+$0xFFFFFFF0];
	v45 =	vadd.f32 v54, v17;
	v37 =	vadd.f32 v58, v44  }
0x2a9: {  	v17 =	vpop (erf);
	(erf) = vrcp.f32 v59;
	v49 =	vadd.f32 $0.0e+00, v62;
	v63 =	vmul.f32 v15, v1  }
0x2aa: {  	v56 =	vld [tilespmem:s31+$0xFFFFFFF0];
	v59 =	vsub.f32 $0.0e+00, v45;
	v17 =	vmul.f32 v17, v19;
	v52 =	vpop (erf);
	(erf) = vpow2.f32 v47  }
0x2ab: {  	v19 =	vmul.f32 $1.442695020e+00, v61;
	v42 =	vadd.f32 v60, v37;
	v55 =	vpop (erf);
	(erf) = vpow2.f32 v50  }
0x2ac: {  	(xrf2) =	vadd.scan.msk.f32 $0xffff, v41;
	v57 =	vadd.f32 v63, v49;
	v58 =	vmul.f32 v17, v2;
	v16 =	vmul.f32 v55, v16  }
0x2ad: {  	v41 =	vmul.f32 $1.442695020e+00, v59;
	v60 =	vpop (erf);
	v39 =	vadd.f32 v39, v43;
	v53 =	vsub.f32 $0.0e+00, v42  }
0x2ae: {  	v18 =	vmul.f32 v60, v18;
	v63 =	vpop (erf);
	v61 =	vadd.f32 v58, v57;
	v62 =	vmul.f32 v16, v3  }
0x2af: {  	(erf) = vpow2.f32 v19;
	v19 =	vpop (erf);
	v46 =	vadd.f32 v56, v39;
	v58 =	vmul.f32 $1.442695020e+00, v53  }
0x2b0: {  	v51 =	vmul.f32 v18, v4;
	v20 =	vmul.f32 v19, v20;
	v19 =	vpop (erf);
	v50 =	vadd.f32 v62, v61  }
0x2b1: {  	v57 =	vadd.f32 $1.000000000e+00, v52;
	(erf) = vpow2.f32 v41;
	v19 =	vmul.f32 v19, v40  }
0x2b2: {  	v37 =	vadd.f32 $1.000000000e+00, v63;
	v55 =	vmul.f32 v20, v5;
	v54 =	vadd.f32 v51, v50  }
0x2b3: {  	v59 =	vsub.f32 $0.0e+00, v46;
	(erf) = vrcp.f32 v57;
	v56 =	vpop (erf);
	v60 =	vmul.f32 v19, v6  }
0x2b4: {  	(erf) = vpow2.f32 v58;
	v39 =	vmul.f32 v56, v48;
	v41 =	vadd.f32 v55, v54  }
0x2b5: {  	v47 =	vmul.f32 $1.442695020e+00, v59;
	v61 =	vpop (erf);
	(erf) = vrcp.f32 v37  }
0x2b6: {  	v52, _, _ =	vpop (xrf2);
	v40 =	vadd.f32 $1.000000000e+00, v61;
	v62 =	vmul.f32 v39, v7;
	v41 =	vadd.f32 v60, v41  }
0x2b7: {  	v63 =	vpop (erf);
	(erf) = vpow2.f32 v47;
	v54 =	vbroadcast v52, $0xF  }
0x2b8: {  	v48 =	vadd.f32 $1.000000000e+00, v63;
	(erf) = vrcp.f32 v40;
	v53 =	vadd.f32 v62, v41  }
0x2b9: {  	s20 =	simm.s32 $0x8680;
	v55 =	vpop (erf)  }
0x2ba: {  	s16 =	simm.s32 $0x6680;
	v44 =	vld [tilespmem:s20+$0x70];
	v57 =	vadd.f32 v54, v8;
	v56 =	vadd.f32 $1.000000000e+00, v55;
	(erf) = vrcp.f32 v48;
	v58 =	vpop (erf);
	(xrf2) =	vadd.scan.msk.f32 $0xffff, v53  }
0x2bb: {  	s25 =	simm.s32 $0xA680;
	v22 =	vmul.f32 v34, v22;
	v43 =	vld [tilespmem:s16+$0x70];
	v41 =	vadd.f32 $1.000000000e+00, v58  }
0x2bc: {  	v24 =	vmul.f32 v34, v24;
	v47 =	vld [tilespmem:s25+$0x50];
	v37 =	vsub.f32 $0.0e+00, v57;
	(erf) = vrcp.f32 v56;
	v59 =	vpop (erf)  }
0x2bd: {  	v40 =	vld [tilespmem:s25+$0x40];
	[tilespmem:$0x1FF40] =	vst v22;
	v22 =	vmul.f32 v59, v25;
	(erf) = vrcp.f32 v41  }
0x2be: {  	v23 =	vmul.f32 v34, v23;
	v54 =	vld [tilespmem:s16+$0x30];
	v60 =	vmul.f32 $1.442695020e+00, v37;
	v25 =	vpop (erf)  }
0x2bf: {  	v48 =	vmul.f32 v34, v21;
	v53 =	vld [tilespmem:s25+$0x30];
	v25 =	vadd.f32 $1.000000000e+00, v25;
	v21 =	vpop (erf);
	v61 =	vmul.f32 v22, v0  }
0x2c0: {  	v41 =	vld [tilespmem:s16+$0x40];
	[tilespmem:$0x1FF50] =	vst v24;
	(erf) = vpow2.f32 v60;
	v21 =	vmul.f32 v21, v35;
	v62 =	vpop (erf)  }
0x2c1: {  	v52 =	vld [tilespmem:s16+$0x20];
	(erf) = vrcp.f32 v25;
	v25 =	vadd.f32 $0.0e+00, v61;
	v24 =	vpop (erf)  }
0x2c2: {  	v55 =	vld [tilespmem:s25+$0x0];
	[tilespmem:$0x1FF60] =	vst v23;
	v63 =	vmul.f32 v21, v1;
	v24 =	vmul.f32 v24, v26  }
0x2c3: {  	v29 =	vmul.f32 v34, v33;
	v56 =	vld [tilespmem:s16+$0x0];
	v35 =	vadd.f32 $1.000000000e+00, v62;
	v26 =	vpop (erf)  }
0x2c4: {  	v23 =	vmul.f32 v26, v36;
	v36 =	vld [tilespmem:s20+$0x0];
	v51 =	vadd.f32 v63, v25;
	v57 =	vmul.f32 v24, v2;
	v26, _, _ =	vpop (xrf2)  }
0x2c5: {  	v59 =	vld [tilespmem:s20+$0x10];
	(erf) = vrcp.f32 v35;
	v25 =	vpop (erf);
	v26 =	vbroadcast v26, $0xF  }
0x2c6: {  	v35 =	vld [tilespmem:s16+$0x10];
	v25 =	vmul.f32 v25, v38;
	v38 =	vmul.f32 v23, v3;
	v58 =	vpop (erf);
	v51 =	vadd.f32 v57, v51  }
0x2c7: {  	v50 =	vadd.f32 v26, v8;
	v26 =	vmul.f32 v58, v45;
	v45 =	vld [tilespmem:s20+$0x20];
	[tilespmem:$0x1FF70] =	vst v29  }
0x2c8: {  	v38 =	vadd.f32 v38, v51;
	v60 =	vld [tilespmem:s25+$0x10]  }
0x2c9: {  	v36 =	vadd.f32 v36, v56;
	v58 =	vmul.f32 v25, v4;
	v56 =	vld [tilespmem:s20+$0x30];
	v57 =	vsub.f32 $0.0e+00, v50  }
0x2ca: {  	v43 =	vadd.f32 v44, v43;
	v33 =	vpop (erf);
	v51 =	vmul.f32 v34, v27;
	v63 =	vld [tilespmem:s25+$0x20];
	v61 =	vmul.f32 v26, v5  }
0x2cb: {  	v27 =	vpop (erf);
	v38 =	vadd.f32 v58, v38;
	v58 =	vadd.f32 v55, v36;
	v36 =	vld [tilespmem:s20+$0x40];
	v57 =	vmul.f32 $1.442695020e+00, v57  }
0x2cc: {  	v35 =	vadd.f32 v59, v35;
	v62 =	vadd.f32 $1.000000000e+00, v33;
	v27 =	vmul.f32 v27, v42;
	v42 =	vld [tilespmem:s20+$0x60]  }
0x2cd: {  	v38 =	vadd.f32 v61, v38;
	v50 =	vadd.f32 v45, v52;
	v45 =	vld [tilespmem:s16+$0x50];
	(erf) = vpow2.f32 v57  }
0x2ce: {  	v52 =	vmul.f32 v34, v28;
	v28 =	vsub.f32 $0.0e+00, v58;
	v57 =	vadd.f32 v60, v35;
	v35 =	vld [tilespmem:s20+$0x50]  }
0x2cf: {  	v54 =	vadd.f32 v56, v54;
	v56 =	vld [tilespmem:s16+$0x60];
	v61 =	vadd.f32 v63, v50  }
0x2d0: {  	v37 =	vpop (erf);
	v49 =	vmul.f32 $1.442695020e+00, v28;
	v36 =	vadd.f32 v36, v41;
	v60 =	vsub.f32 $0.0e+00, v57  }
0x2d1: {  	v28 =	vmul.f32 v37, v46;
	v46 =	vadd.f32 v53, v54;
	v54 =	vld [tilespmem:s25+$0x60];
	v37 =	vsub.f32 $0.0e+00, v61  }
0x2d2: {  	v44 =	vld [tilespmem:s20+$0xFFFFFF80];
	(erf) = vpow2.f32 v49;
	v40 =	vadd.f32 v40, v36;
	v50 =	vmul.f32 $1.442695020e+00, v60  }
0x2d3: {  	(erf) = vrcp.f32 v62;
	v49 =	vsub.f32 $0.0e+00, v46;
	v62 =	vld [tilespmem:s25+$0x70];
	v35 =	vadd.f32 v35, v45  }
0x2d4: {  	v60 =	vld [tilespmem:s16+$0xFFFFFF80];
	v36 =	vmul.f32 $1.442695020e+00, v37;
	(erf) = vpow2.f32 v50;
	v50 =	vadd.f32 v42, v56  }
0x2d5: {  	v59 =	vmul.f32 v27, v6;
	v45 =	vmul.f32 $1.442695020e+00, v49;
	v55 =	vadd.f32 v47, v35  }
0x2d6: {  	v63 =	vld [tilespmem:s25+$0xFFFFFF80];
	v47 =	vsub.f32 $0.0e+00, v40;
	(erf) = vpow2.f32 v36;
	v49 =	vadd.f32 v54, v50;
	v33 =	vpop (erf)  }
0x2d7: {  	v53 =	vmul.f32 v34, v32;
	v42 =	vld [tilespmem:s16+$0xFFFFFF90];
	v37 =	vsub.f32 $0.0e+00, v55;
	v32 =	vadd.f32 $1.000000000e+00, v33  }
0x2d8: {  	v56 =	vld [tilespmem:s20+$0xFFFFFF90];
	(erf) = vpow2.f32 v45;
	v50 =	vmul.f32 $1.442695020e+00, v47;
	v54 =	vadd.f32 v62, v43  }
0x2d9: {  	v36 =	vld [tilespmem:s25+$0xFFFFFF90];
	v29 =	vsub.f32 $0.0e+00, v49;
	(erf) = vrcp.f32 v32;
	v32 =	vadd.f32 v44, v60  }
0x2da: {  	v45 =	vld [tilespmem:s16+$0xFFFFFFA0];
	v44 =	vmul.f32 $1.442695020e+00, v37;
	(erf) = vpow2.f32 v50  }
0x2db: {  	v43 =	vld [tilespmem:s20+$0xFFFFFFA0];
	v29 =	vmul.f32 $1.442695020e+00, v29;
	v50 =	vsub.f32 $0.0e+00, v54;
	v37 =	vpop (erf);
	v35 =	vadd.f32 v63, v32  }
0x2dc: {  	v59 =	vadd.f32 v59, v38;
	v47 =	vld [tilespmem:s25+$0xFFFFFFA0];
	v38 =	vadd.f32 $1.000000000e+00, v37;
	(erf) = vpow2.f32 v44  }
0x2dd: {  	v63 =	vld [tilespmem:s16+$0xFFFFFFB0];
	v50 =	vmul.f32 $1.442695020e+00, v50;
	(erf) = vpow2.f32 v29;
	v32 =	vpop (erf);
	v29 =	vsub.f32 $0.0e+00, v35  }
0x2de: {  	v42 =	vadd.f32 v56, v42;
	v44 =	vld [tilespmem:s20+$0xFFFFFFB0];
	v33 =	vpop (erf)  }
0x2df: {  	v62 =	vld [tilespmem:s25+$0xFFFFFFB0];
	(erf) = vrcp.f32 v38;
	v60 =	vadd.f32 $1.000000000e+00, v33;
	v37 =	vpop (erf);
	v29 =	vmul.f32 $1.442695020e+00, v29  }
0x2e0: {  	v34 =	vadd.f32 v43, v45;
	v45 =	vld [tilespmem:s20+$0xFFFFFFC0];
	(erf) = vpow2.f32 v50;
	v43 =	vadd.f32 $1.000000000e+00, v37  }
0x2e1: {  	v38 =	vadd.f32 v36, v42;
	v42 =	vld [tilespmem:s16+$0xFFFFFFC0];
	v50 =	vpop (erf);
	(erf) = vrcp.f32 v60  }
0x2e2: {  	v36 =	vadd.f32 v47, v34;
	v34 =	vld [tilespmem:s25+$0xFFFFFFC0];
	v60 =	vmul.f32 v32, v30;
	(erf) = vrcp.f32 v43;
	v30 =	vpop (erf)  }
0x2e3: {  	v44 =	vadd.f32 v44, v63;
	v43 =	vld [tilespmem:s16+$0xFFFFFFD0];
	(erf) = vpow2.f32 v29;
	v29 =	vpop (erf)  }
0x2e4: {  	v47 =	vadd.f32 $1.000000000e+00, v50;
	v50 =	vmul.f32 v30, v39;
	v39 =	vld [tilespmem:s20+$0xFFFFFFD0];
	v29 =	vadd.f32 $1.000000000e+00, v29  }
0x2e5: {  	v33 =	vsub.f32 $0.0e+00, v36  }
0x2e6: {  	v56 =	vsub.f32 $0.0e+00, v38;
	v44 =	vadd.f32 v62, v44;
	v62 =	vpop (erf)  }
0x2e7: {  	v42 =	vadd.f32 v45, v42;
	(erf) = vrcp.f32 v47;
	v62 =	vadd.f32 $1.000000000e+00, v62  }
0x2e8: {  	v56 =	vmul.f32 $1.442695020e+00, v56;
	v47 =	vld [tilespmem:s25+$0xFFFFFFD0];
	(erf) = vrcp.f32 v29;
	v29 =	vpop (erf)  }
0x2e9: {  	v31 =	vld [tilespmem:s20+$0xFFFFFFE0];
	v63 =	vmul.f32 $1.442695020e+00, v33;
	v45 =	vadd.f32 v34, v42;
	v39 =	vadd.f32 v39, v43;
	v33 =	vpop (erf)  }
0x2ea: {  	v37 =	vld [tilespmem:s16+$0xFFFFFFE0];
	(erf) = vpow2.f32 v56;
	v29 =	vadd.f32 $1.000000000e+00, v29;
	v42 =	vmul.f32 v33, v58;
	v58 =	vpop (erf)  }
0x2eb: {  	v41 =	vmul.f32 v28, v7;
	(erf) = vrcp.f32 v62;
	v33 =	vld [tilespmem:s25+$0xFFFFFFE0];
	v34 =	vadd.f32 $1.000000000e+00, v58;
	v62 =	vpop (erf)  }
0x2ec: {  	(erf) = vrcp.f32 v29;
	v43 =	vmul.f32 v62, v57;
	v57 =	vld [tilespmem:s16+$0xFFFFFFF0]  }
0x2ed: {  	v47 =	vadd.f32 v47, v39;
	v39 =	vpop (erf);
	(erf) = vrcp.f32 v34;
	v34 =	vld [tilespmem:s20+$0xFFFFFFF0]  }
0x2ee: {  	v59 =	vadd.f32 v41, v59;
	v41 =	vsub.f32 $0.0e+00, v44;
	_ =	sdelay $0x1  }
0x2ef: {  	v31 =	vadd.f32 v31, v37;
	v62 =	vmul.f32 $1.442695020e+00, v41;
	v41 =	vmul.f32 v39, v61;
	v61 =	vpop (erf)  }
0x2f0: {  	(erf) = vpow2.f32 v63;
	v63 =	vpop (erf)  }
0x2f1: {  	v39 =	vmul.f32 v63, v46;
	v46 =	vadd.f32 v33, v31;
	v33 =	vadd.f32 v34, v57;
	v57 =	vld [tilespmem:$0x1FF40];
	_ =	sdelay $0x3  }
0x2f2: {  	[tilespmem:s1+$0x0] =	vst v48  }
0x2f3: {  	[tilespmem:s1+$0x70] =	vst v57  }
0x2f4: {  	v58 =	vmul.f32 v42, v0;
	v57 =	vld [tilespmem:$0x1FF50];
	_ =	sdelay $0x1  }
0x2f5: {  	v58 =	vadd.f32 $0.0e+00, v58;
	v29 =	vmul.f32 v43, v1;
	_ =	sdelay $0x1  }
0x2f6: {  	v29 =	vadd.f32 v29, v58;
	v58 =	vmul.f32 v41, v2  }
0x2f7: {  	v56 =	vsub.f32 $0.0e+00, v45;
	[tilespmem:s1+$0x10] =	vst v57  }
0x2f8: {  	v29 =	vadd.f32 v58, v29;
	v58 =	vld [tilespmem:$0x1FF60]  }
0x2f9: {  	v37 =	vmul.f32 $1.442695020e+00, v56;
	(erf) = vpow2.f32 v62;
	v63 =	vpop (erf)  }
0x2fa: {  	v56 =	vld [tilespmem:s25+$0xFFFFFFF0];
	v40 =	vmul.f32 v63, v40;
	v62 =	vmul.f32 v39, v3  }
0x2fb: {  	(xrf2) =	vadd.scan.msk.f32 $0xffff, v59;
	v59 =	vpop (erf)  }
0x2fc: {  	v31 =	vsub.f32 $0.0e+00, v47;
	v63 =	vpop (erf);
	v29 =	vadd.f32 v62, v29;
	v62 =	vmul.f32 v40, v4  }
0x2fd: {  	(erf) = vpow2.f32 v37;
	v37 =	vmul.f32 v63, v55;
	v63 =	vpop (erf);
	[tilespmem:s1+$0x20] =	vst v58  }
0x2fe: {  	v31 =	vmul.f32 $1.442695020e+00, v31;
	v34 =	vmul.f32 v63, v49;
	v63 =	vld [tilespmem:$0x1FF70]  }
0x2ff: {  	v48 =	vadd.f32 v56, v33;
	v55 =	vmul.f32 v37, v5;
	v29 =	vadd.f32 v62, v29  }
0x300: {  	(erf) = vpow2.f32 v31;
	v31 =	vsub.f32 $0.0e+00, v46;
	v49 =	vadd.f32 $1.000000000e+00, v61;
	v62 =	vpop (erf);
	[tilespmem:s1+$0x40] =	vst v51  }
0x301: {  	v61 =	vmul.f32 v34, v6;
	v29 =	vadd.f32 v55, v29;
	v33 =	vmul.f32 v62, v54;
	[tilespmem:s1+$0x50] =	vst v52  }
0x302: {  	v31 =	vmul.f32 $1.442695020e+00, v31;
	[tilespmem:s1+$0x60] =	vst v53  }
0x303: {  	v29 =	vadd.f32 v61, v29;
	[tilespmem:s1+$0x30] =	vst v63;
	v63 =	vadd.f32 $1.000000000e+00, v59;
	v59 =	vmul.f32 v33, v7  }
0x304: {  	(erf) = vrcp.f32 v49;
	[tilespmem:s1+$0xFFFFFF80] =	vst v60  }
0x305: {  	v62 =	vpop (erf);
	(erf) = vpow2.f32 v31;
	[tilespmem:s12+$0x70] =	vst v50;
	v29 =	vadd.f32 v59, v29  }
0x306: {  	v56 =	vsub.f32 $0.0e+00, v48;
	(erf) = vrcp.f32 v63;
	v63 =	vld [tilespmem:$0x1FF80]  }
0x307: {  	v31, _, _ =	vpop (xrf2);
	(xrf2) =	vadd.scan.msk.f32 $0xffff, v29;
	v29 =	vld [tilespmem:$0x1FF90]  }
0x308: {  	v56 =	vmul.f32 $1.442695020e+00, v56  }
0x309: {  	v61 =	vpop (erf);
	v51 =	vadd.f32 $1.000000000e+00, v62  }
0x30a: {  	v31 =	vbroadcast v31, $0xF;
	v52 =	vadd.f32 $1.000000000e+00, v61;
	v62 =	vpop (erf);
	(erf) = vpow2.f32 v56  }
0x30b: {  	v50 =	vadd.f32 $1.000000000e+00, v62;
	(erf) = vrcp.f32 v51;
	v49 =	vmul.f32 v32, v63  }
0x30c: {  	s4 =	simm.s32 $0x4;
	s26 =	simm.s32 $0x6780;
	v53 =	vpop (erf);
	(erf) = vrcp.f32 v52;
	v52 =	vadd.f32 v31, v8;
	v31 =	vmul.f32 v32, v29  }
.LBB2_5:
0x30d: {  	v51 =	vld [tilespmem:s26+$0x70];
	v54 =	vadd.f32 $1.000000000e+00, v53;
	s20 =	sadd.s32 $0x100, s20;
	[tilespmem:s1+$0xFFFFFF90] =	vst v49;
	v49 =	vmul.f32 v32, v9;
	v55 =	vmul.f32 v32, v10;
	v29 =	vmovc v24  }
0x30e: {  	s25 =	sadd.s32 $0x100, s25;
	v9 =	vmovc v23;
	v10 =	vmovc v25;
	v53 =	vld [tilespmem:s20+$0x70];
	(erf) = vrcp.f32 v50;
	v24 =	vsub.f32 $0.0e+00, v52;
	[tilespmem:s1+$0xFFFFFFA0] =	vst v31;
	v31 =	vmul.f32 v32, v11  }
0x30f: {  	v23 =	vmul.f32 v32, v12;
	v12 =	vmovc v27;
	v11 =	vmov v26;
	v50 =	vld [tilespmem:s25+$0x50];
	(erf) = vrcp.f32 v54;
	[tilespmem:s1+$0xFFFFFFB0] =	vst v49  }
0x310: {  	v26 =	vmul.f32 v32, v13;
	v13 =	vmov v28;
	v52 =	vld [tilespmem:s25+$0x40];
	v25 =	vpop (erf);
	v56 =	vmul.f32 $1.442695020e+00, v24;
	[tilespmem:s1+$0xFFFFFFC0] =	vst v55  }
0x311: {  	v27 =	vmul.f32 v30, v14;
	v14 =	vmov v42;
	v32 =	vld [tilespmem:s25+$0x30];
	v49 =	vmul.f32 v25, v35;
	v25 =	vpop (erf);
	[tilespmem:s1+$0xFFFFFFD0] =	vst v31  }
0x312: {  	v42 =	vmul.f32 v30, v15;
	v35 =	vld [tilespmem:s26+$0x40];
	v25 =	vadd.f32 $1.000000000e+00, v25;
	v28 =	vpop (erf);
	(erf) = vpow2.f32 v56;
	[tilespmem:s1+$0xFFFFFFE0] =	vst v23  }
0x313: {  	v15 =	vmov v43;
	v54 =	vld [tilespmem:s26+$0x30];
	v55 =	vmul.f32 v49, v0;
	v31 =	vmul.f32 v28, v38;
	v24 =	vpop (erf);
	[tilespmem:s1+$0xFFFFFFF0] =	vst v26;
	s1 =	smov.u32 s12;
	s12 =	smov.u32 s16;
	s16 =	smov.u32 s26  }
0x314: {  	v56 =	vmul.f32 v30, v17;
	v28 =	vld [tilespmem:s26+$0x20];
	v43 =	vadd.f32 $1.000000000e+00, v24;
	v24 =	vpop (erf);
	(erf) = vrcp.f32 v25;
	[tilespmem:s1+$0x0] =	vst v27  }
0x315: {  	v27 =	vld [tilespmem:s25+$0x0];
	v55 =	vadd.f32 $0.0e+00, v55;
	v38 =	vmul.f32 v31, v1;
	v24 =	vmul.f32 v24, v36;
	v23 =	vpop (erf);
	[tilespmem:s1+$0x10] =	vst v42  }
0x316: {  	v17 =	vmov v41;
	v36 =	vld [tilespmem:s26+$0x0];
	v23 =	vmul.f32 v23, v44;
	(erf) = vrcp.f32 v43;
	v26, _, _ =	vpop (xrf2);
	[tilespmem:s1+$0x20] =	vst v56  }
0x317: {  	s4 =	sadd.s32 $0x2, s4;
	v41 =	vld [tilespmem:s20+$0x0];
	v38 =	vadd.f32 v38, v55;
	v42 =	vmul.f32 v24, v2;
	v43 =	vbroadcast v26, $0xF;
	v25 =	vpop (erf)  }
0x318: {  	p1 =	slt.u32 s4, $0x3E;
	v44 =	vld [tilespmem:s26+$0x10];
	v55 =	vmul.f32 v23, v3;
	v25 =	vmul.f32 v25, v45;
	v26 =	vpop (erf)  }
0x319: {  	v45 =	vld [tilespmem:s20+$0x10];
	v38 =	vadd.f32 v42, v38;
	v26 =	vmul.f32 v26, v47;
	v58 =	vadd.f32 v43, v8  }
0x31a: {  	v59 =	vmul.f32 v30, v16;
	v16 =	vmov v39;
	v43 =	vld [tilespmem:s20+$0x20];
	v47 =	vmul.f32 v25, v4  }
0x31b: {  	v57 =	vld [tilespmem:s25+$0x10];
	v38 =	vadd.f32 v55, v38;
	v55 =	vmul.f32 v26, v5;
	v39 =	vsub.f32 $0.0e+00, v58;
	v42 =	vpop (erf)  }
0x31c: {  	v36 =	vadd.f32 v41, v36;
	v58 =	vld [tilespmem:s20+$0x30];
	v42 =	vadd.f32 $1.000000000e+00, v42;
	[tilespmem:s1+$0x30] =	vst v59;
	v41 =	vmul.f32 v30, v18;
	v18 =	vmovc v40  }
0x31d: {  	v59 =	vmul.f32 v30, v20;
	v40 =	vld [tilespmem:s25+$0x20];
	v38 =	vadd.f32 v47, v38;
	v47 =	vmul.f32 $1.442695020e+00, v39;
	v56 =	vpop (erf)  }
0x31e: {  	v39 =	vadd.f32 v27, v36;
	v36 =	vadd.f32 v45, v44;
	v44 =	vld [tilespmem:s20+$0x40];
	v27 =	vmul.f32 v56, v46;
	[tilespmem:s1+$0x40] =	vst v41  }
0x31f: {  	v43 =	vadd.f32 v43, v28;
	v45 =	vld [tilespmem:s26+$0x50];
	v38 =	vadd.f32 v55, v38;
	v28 =	vpop (erf);
	(erf) = vpow2.f32 v47;
	[tilespmem:s1+$0x50] =	vst v59  }
0x320: {  	v20 =	vmovc v37;
	v46 =	vsub.f32 $0.0e+00, v39;
	v41 =	vadd.f32 v57, v36;
	v36 =	vld [tilespmem:s20+$0x50];
	v47 =	vmul.f32 v27, v6  }
0x321: {  	v51 =	vadd.f32 v53, v51;
	v28 =	vmul.f32 v28, v48;
	v37 =	vadd.f32 v58, v54;
	v54 =	vld [tilespmem:s26+$0x60]  }
0x322: {  	v48 =	vmul.f32 $1.442695020e+00, v46;
	v53 =	vsub.f32 $0.0e+00, v41;
	v46 =	vadd.f32 v40, v43;
	v43 =	vld [tilespmem:s20+$0x60]  }
0x323: {  	v56 =	vmul.f32 v28, v7;
	v55 =	vld [tilespmem:s20+$0xFFFFFF80];
	v37 =	vadd.f32 v32, v37;
	v32 =	vadd.f32 v44, v35  }
0x324: {  	v35 =	vmul.f32 $1.442695020e+00, v53;
	v44 =	vsub.f32 $0.0e+00, v46;
	v53 =	vld [tilespmem:s25+$0x60];
	(erf) = vpow2.f32 v48  }
0x325: {  	v57 =	vld [tilespmem:s26+$0xFFFFFF80];
	v40 =	vadd.f32 v52, v32;
	v32 =	vadd.f32 v36, v45;
	(erf) = vrcp.f32 v42  }
0x326: {  	v42 =	vsub.f32 $0.0e+00, v37;
	v52 =	vmul.f32 $1.442695020e+00, v44;
	v44 =	vld [tilespmem:s25+$0x70];
	(erf) = vpow2.f32 v35  }
0x327: {  	v30 =	vmul.f32 v30, v19;
	v19 =	vmovc v34;
	v35 =	vld [tilespmem:s25+$0xFFFFFF80];
	v48 =	vadd.f32 v50, v32;
	v32 =	vadd.f32 v43, v54  }
0x328: {  	v42 =	vmul.f32 $1.442695020e+00, v42;
	v45 =	vsub.f32 $0.0e+00, v40;
	v43 =	vld [tilespmem:s26+$0xFFFFFF90];
	(erf) = vpow2.f32 v52;
	v36 =	vpop (erf)  }
0x329: {  	v52 =	vld [tilespmem:s20+$0xFFFFFF90];
	v34 =	vadd.f32 v53, v32;
	v32 =	vadd.f32 $1.000000000e+00, v36;
	[tilespmem:s1+$0x60] =	vst v30  }
0x32a: {  	v36 =	vmul.f32 $1.442695020e+00, v45;
	v45 =	vsub.f32 $0.0e+00, v48;
	v30 =	vld [tilespmem:s25+$0xFFFFFF90];
	(erf) = vpow2.f32 v42  }
0x32b: {  	v42 =	vld [tilespmem:s26+$0xFFFFFFA0];
	v53 =	vsub.f32 $0.0e+00, v34;
	v50 =	vadd.f32 v44, v51;
	(erf) = vrcp.f32 v32  }
0x32c: {  	v57 =	vadd.f32 v55, v57;
	v45 =	vmul.f32 $1.442695020e+00, v45;
	v44 =	vld [tilespmem:s20+$0xFFFFFFA0];
	(erf) = vpow2.f32 v36  }
0x32d: {  	v47 =	vadd.f32 v47, v38;
	v36 =	vld [tilespmem:s25+$0xFFFFFFA0];
	v51 =	vmul.f32 $1.442695020e+00, v53;
	v58 =	vsub.f32 $0.0e+00, v50;
	v54 =	vpop (erf)  }
0x32e: {  	v35 =	vadd.f32 v35, v57;
	v55 =	vld [tilespmem:s26+$0xFFFFFFB0];
	v38 =	vadd.f32 $1.000000000e+00, v54;
	(erf) = vpow2.f32 v45;
	v32 =	vpop (erf)  }
0x32f: {  	v57 =	vadd.f32 v52, v43;
	v45 =	vld [tilespmem:s20+$0xFFFFFFB0];
	v52 =	vmul.f32 $1.442695020e+00, v58;
	v53 =	vpop (erf);
	(erf) = vpow2.f32 v51  }
0x330: {  	v51 =	vsub.f32 $0.0e+00, v35;
	v54 =	vld [tilespmem:s25+$0xFFFFFFB0];
	v53 =	vadd.f32 $1.000000000e+00, v53;
	(erf) = vrcp.f32 v38  }
0x331: {  	v38 =	vadd.f32 v30, v57;
	v57 =	vadd.f32 v44, v42;
	v42 =	vld [tilespmem:s26+$0xFFFFFFC0];
	v43 =	vpop (erf);
	(erf) = vpow2.f32 v52  }
0x332: {  	v59 =	vmul.f32 $1.442695020e+00, v51;
	v51 =	vld [tilespmem:s20+$0xFFFFFFC0];
	v43 =	vadd.f32 $1.000000000e+00, v43;
	(erf) = vrcp.f32 v53  }
0x333: {  	v61 =	vmul.f32 v32, v22;
	v52 =	vsub.f32 $0.0e+00, v38;
	v36 =	vadd.f32 v36, v57;
	v53 =	vld [tilespmem:s25+$0xFFFFFFC0];
	v30 =	vpop (erf)  }
0x334: {  	v45 =	vadd.f32 v45, v55;
	v55 =	vld [tilespmem:s26+$0xFFFFFFD0];
	v57 =	vadd.f32 $1.000000000e+00, v30;
	(erf) = vrcp.f32 v43;
	v30 =	vpop (erf)  }
0x335: {  	v62 =	vsub.f32 $0.0e+00, v36;
	v58 =	vld [tilespmem:s20+$0xFFFFFFD0];
	(erf) = vpow2.f32 v59;
	v44 =	vpop (erf);
	v33 =	vmul.f32 v30, v33;
	[tilespmem:s1+$0xFFFFFF80] =	vst v61  }
0x336: {  	v22 =	vmovc v49;
	v61 =	vmul.f32 $1.442695020e+00, v52;
	v59 =	vld [tilespmem:s25+$0xFFFFFFD0];
	v60 =	vadd.f32 $1.000000000e+00, v44;
	(erf) = vrcp.f32 v57  }
0x337: {  	v44 =	vadd.f32 v54, v45;
	v49 =	vmul.f32 $1.442695020e+00, v62;
	v42 =	vadd.f32 v51, v42;
	v51 =	vld [tilespmem:s26+$0xFFFFFFE0];
	v43 =	vpop (erf);
	[tilespmem:s12+$0x70] =	vst v33  }
0x338: {  	v47 =	vadd.f32 v56, v47;
	v33 =	vld [tilespmem:s20+$0xFFFFFFE0];
	v62 =	vadd.f32 $1.000000000e+00, v43;
	(erf) = vrcp.f32 v60;
	v45 =	vpop (erf)  }
0x339: {  	v54 =	vsub.f32 $0.0e+00, v44;
	v56 =	vld [tilespmem:s25+$0xFFFFFFE0];
	v57 =	vadd.f32 $1.000000000e+00, v45;
	(erf) = vpow2.f32 v61;
	v52 =	vpop (erf)  }
0x33a: {  	v45 =	vadd.f32 v53, v42;
	v53 =	vld [tilespmem:s26+$0xFFFFFFF0];
	v42 =	vmul.f32 v52, v39;
	(erf) = vrcp.f32 v62;
	v39 =	vpop (erf)  }
0x33b: {  	v52 =	vadd.f32 v58, v55;
	v55 =	vld [tilespmem:s20+$0xFFFFFFF0];
	v39 =	vadd.f32 $1.000000000e+00, v39;
	v43 =	vpop (erf);
	(erf) = vrcp.f32 v57;
	(xrf2) =	vadd.scan.msk.f32 $0xffff, v47  }
0x33c: {  	v57 =	vsub.f32 $0.0e+00, v45;
	v58 =	vld [tilespmem:s25+$0xFFFFFFF0];
	v60 =	vmul.f32 v42, v0;
	v43 =	vmul.f32 v43, v41  }
0x33d: {  	v54 =	vmul.f32 $1.442695020e+00, v54;
	v47 =	vadd.f32 v59, v52;
	v41 =	vpop (erf);
	(erf) = vrcp.f32 v39  }
0x33e: {  	v39 =	vadd.f32 $0.0e+00, v60;
	v52 =	vmul.f32 v43, v1;
	v41 =	vmul.f32 v41, v46;
	v59 =	vpop (erf)  }
0x33f: {  	v57 =	vmul.f32 $1.442695020e+00, v57;
	v60 =	vadd.f32 v33, v51;
	(erf) = vpow2.f32 v49;
	v46 =	vpop (erf)  }
0x340: {  	v49 =	vadd.f32 v52, v39;
	v51 =	vmul.f32 v41, v2;
	v39 =	vmul.f32 v46, v37  }
0x341: {  	v61 =	vsub.f32 $0.0e+00, v47;
	v46 =	vadd.f32 v56, v60;
	(erf) = vpow2.f32 v54;
	v33 =	vpop (erf)  }
0x342: {  	v49 =	vadd.f32 v51, v49;
	v51 =	vmul.f32 v39, v3;
	v40 =	vmul.f32 v33, v40;
	v52 =	vpop (erf)  }
0x343: {  	v56 =	vadd.f32 v55, v53;
	v33 =	vmul.f32 $1.442695020e+00, v61;
	(erf) = vpow2.f32 v57;
	v37 =	vpop (erf)  }
0x344: {  	v49 =	vadd.f32 v51, v49;
	v57 =	vmul.f32 v40, v4;
	v37 =	vmul.f32 v37, v48;
	v54 =	vpop (erf)  }
0x345: {  	v55 =	vsub.f32 $0.0e+00, v46;
	v48 =	vadd.f32 v58, v56;
	(erf) = vpow2.f32 v33;
	v53, _, _ =	vpop (xrf2)  }
0x346: {  	v34 =	vmul.f32 v54, v34;
	v33 =	vadd.f32 v57, v49;
	v49 =	vmul.f32 v37, v5;
	v51 =	vpop (erf)  }
0x347: {  	v55 =	vmul.f32 $1.442695020e+00, v55;
	v54 =	vadd.f32 $1.000000000e+00, v59;
	v58 =	vsub.f32 $0.0e+00, v48  }
0x348: {  	v57 =	vmul.f32 v34, v6;
	v49 =	vadd.f32 v49, v33;
	v33 =	vmul.f32 v51, v50;
	v50 =	vpop (erf)  }
0x349: {  	v51 =	vadd.f32 $1.000000000e+00, v52;
	v52 =	vmul.f32 $1.442695020e+00, v58;
	(erf) = vrcp.f32 v54  }
.Ltmp1:
0x34a: {  	v57 =	vadd.f32 v57, v49;
	v54 =	vmul.f32 v33, v7;
	v56 =	vpop (erf);
	(erf) = vpow2.f32 v55;
	(pc) =	sbr.rel @p1 .LBB2_5-.Ltmp1, $4  }
0x34b: {  	v55 =	vadd.f32 $1.000000000e+00, v50;
	v56 =	vadd.f32 $1.000000000e+00, v56;
	(erf) = vrcp.f32 v51  }
0x34c: {  	v51 =	vadd.f32 v54, v57;
	v49 =	vpop (erf);
	(erf) = vpow2.f32 v52;
	v52 =	vbroadcast v53, $0xF  }
0x34d: {  	v50 =	vadd.f32 $1.000000000e+00, v49;
	(erf) = vrcp.f32 v55;
	v49 =	vmul.f32 v32, v21;
	v21 =	vmovc v31  }
0x34e: {  	s26 =	sadd.s32 $0x100, s26;
	v31 =	vmul.f32 v32, v29;
	(erf) = vrcp.f32 v56;
	v53 =	vpop (erf);
	(xrf2) =	vadd.scan.msk.f32 $0xffff, v51;
	v52 =	vadd.f32 v52, v8  }
0x34f: {  	_ =	sdelay $0x1  }
0x350: {  	v29 =	vsub.f32 $0.0e+00, v52  }
0x351: {  	v51 =	vadd.f32 $1.000000000e+00, v53;
	(erf) = vrcp.f32 v50;
	v62 =	vpop (erf)  }
0x352: {  	v29 =	vmul.f32 $1.442695020e+00, v29;
	v63 =	vpop (erf)  }
0x353: {  	(erf) = vrcp.f32 v51;
	v35 =	vmul.f32 v62, v35;
	v54 =	vadd.f32 $1.000000000e+00, v63;
	v55 =	vpop (erf)  }
0x354: {  	(erf) = vpow2.f32 v29;
	v29 =	vmul.f32 v55, v38;
	v56 =	vpop (erf)  }
0x355: {  	v57 =	vmul.f32 v35, v0;
	v38 =	vadd.f32 $1.000000000e+00, v56;
	(erf) = vrcp.f32 v54  }
0x356: {  	v58 =	vpop (erf);
	v59 =	vmul.f32 v29, v1  }
0x357: {  	v51 =	vadd.f32 $0.0e+00, v57;
	v36 =	vmul.f32 v58, v36;
	(erf) = vrcp.f32 v38  }
0x358: {  	v60 =	vpop (erf)  }
0x359: {  	v38 =	vmul.f32 v60, v44;
	v61 =	vadd.f32 v59, v51;
	v50 =	vmul.f32 v36, v2  }
0x35a: {  	v62 =	vpop (erf)  }
0x35b: {  	v45 =	vmul.f32 v62, v45;
	v63 =	vmul.f32 v38, v3;
	v44 =	vadd.f32 v50, v61  }
0x35c: {  	v55 =	vpop (erf)  }
0x35d: {  	v56 =	vmul.f32 v45, v4;
	v47 =	vmul.f32 v55, v47;
	v44 =	vadd.f32 v63, v44;
	v57 =	vpop (erf)  }
0x35e: {  	v58 =	vpop (erf)  }
0x35f: {  	v59 =	vmul.f32 v47, v5;
	v44 =	vadd.f32 v56, v44;
	v46 =	vmul.f32 v58, v46  }
0x360: {  	v60 =	vpop (erf)  }
0x361: {  	v44 =	vadd.f32 v59, v44;
	v61 =	vmul.f32 v46, v6;
	v48 =	vmul.f32 v60, v48;
	_ =	sdelay $0x1  }
0x362: {  	v44 =	vadd.f32 v61, v44;
	v63 =	vmul.f32 v48, v7  }
0x363: {  	v62, _, _ =	vpop (xrf2)  }
0x364: {  	v52 =	vbroadcast v62, $0xF;
	v44 =	vadd.f32 v63, v44;
	_ =	sdelay $0x1  }
0x365: {  	v53 =	vadd.f32 v52, v8;
	(xrf2) =	vadd.scan.msk.f32 $0xffff, v44;
	_ =	sdelay $0x1  }
0x366: {  	v50 =	vsub.f32 $0.0e+00, v53;
	_ =	sdelay $0x1  }
0x367: {  	v54 =	vmul.f32 $1.442695020e+00, v50;
	_ =	sdelay $0x1  }
0x368: {  	(erf) = vpow2.f32 v54;
	_ =	sdelay $0x3  }
0x369: {  	v55, _, _ =	vpop (xrf2)  }
0x36a: {  	v56 =	vadd.f32 $1.000000000e+00, v57;
	v44 =	vbroadcast v55, $0xF;
	_ =	sdelay $0x1  }
0x36b: {  	[tilespmem:s1+$0xFFFFFF90] =	vst v49;
	v9 =	vmul.f32 v32, v9;
	(erf) = vrcp.f32 v56;
	v44 =	vadd.f32 v44, v8  }
0x36c: {  	v10 =	vmul.f32 v32, v10;
	[tilespmem:s1+$0xFFFFFFA0] =	vst v31  }
0x36d: {  	v11 =	vmul.f32 v32, v11;
	[tilespmem:s1+$0xFFFFFFB0] =	vst v9;
	v57 =	vpop (erf);
	v9 =	vsub.f32 $0.0e+00, v44  }
0x36e: {  	v12 =	vmul.f32 v32, v12;
	[tilespmem:s1+$0xFFFFFFC0] =	vst v10;
	v10 =	vmul.f32 v32, v13;
	v58 =	vadd.f32 $1.000000000e+00, v57  }
0x36f: {  	[tilespmem:s1+$0xFFFFFFD0] =	vst v11;
	v11 =	vmul.f32 v30, v14;
	v9 =	vmul.f32 $1.442695020e+00, v9  }
0x370: {  	[tilespmem:s1+$0xFFFFFFF0] =	vst v10;
	v10 =	vmul.f32 v30, v16;
	(erf) = vrcp.f32 v58  }
0x371: {  	[tilespmem:s1+$0xFFFFFFE0] =	vst v12;
	(erf) = vpow2.f32 v9  }
0x372: {  	[tilespmem:s12+$0x30] =	vst v10;
	v10 =	vmul.f32 v30, v20  }
0x373: {  	[tilespmem:s12+$0x0] =	vst v11;
	v59 =	vmul.f32 v30, v15  }
0x374: {  	[tilespmem:s12+$0x50] =	vst v10;
	v11 =	vpop (erf);
	v9 =	vmul.f32 v30, v17  }
0x375: {  	[tilespmem:s12+$0x10] =	vst v59;
	v10 =	vmul.f32 v11, v22  }
0x376: {  	[tilespmem:s12+$0x20] =	vst v9;
	v9 =	vmul.f32 v30, v18  }
0x377: {  	v62 =	vmul.f32 v11, v25;
	[tilespmem:s12+$0xFFFFFF80] =	vst v10  }
0x378: {  	[tilespmem:s12+$0x40] =	vst v9;
	v9 =	vmul.f32 v30, v19  }
0x379: {  	v10 =	vmul.f32 v11, v21;
	[tilespmem:s12+$0xFFFFFFC0] =	vst v62;
	v60 =	vpop (erf)  }
0x37a: {  	[tilespmem:s12+$0x60] =	vst v9;
	v9 =	vmul.f32 v60, v33;
	v61 =	vpop (erf)  }
0x37b: {  	[tilespmem:s12+$0xFFFFFF90] =	vst v10;
	v10 =	vmul.f32 v11, v23;
	v13 =	vadd.f32 $1.000000000e+00, v61  }
0x37c: {  	[tilespmem:s16+$0x70] =	vst v9;
	v9 =	vmul.f32 v11, v24  }
0x37d: {  	[tilespmem:s12+$0xFFFFFFB0] =	vst v10;
	v10 =	vmul.f32 v11, v27;
	(erf) = vrcp.f32 v13  }
0x37e: {  	[tilespmem:s12+$0xFFFFFFA0] =	vst v9;
	v9 =	vmul.f32 v11, v26  }
0x37f: {  	[tilespmem:s12+$0xFFFFFFE0] =	vst v10;
	v10 =	vmul.f32 v60, v43  }
0x380: {  	[tilespmem:s12+$0xFFFFFFD0] =	vst v9;
	v9 =	vmul.f32 v60, v42  }
0x381: {  	[tilespmem:s16+$0x10] =	vst v10;
	v10 =	vmul.f32 v60, v39  }
0x382: {  	v11 =	vmul.f32 v11, v28;
	[tilespmem:s16+$0x0] =	vst v9;
	v9 =	vmul.f32 v60, v41  }
0x383: {  	[tilespmem:s16+$0x30] =	vst v10  }
0x384: {  	[tilespmem:s16+$0x20] =	vst v9;
	v9 =	vmul.f32 v60, v40  }
0x385: {  	v10 =	vmul.f32 v60, v37;
	[tilespmem:s12+$0xFFFFFFF0] =	vst v11  }
0x386: {  	[tilespmem:s16+$0x40] =	vst v9;
	v9 =	vmul.f32 v60, v34;
	v11 =	vpop (erf)  }
0x387: {  	[tilespmem:s16+$0x50] =	vst v10;
	v10 =	vmul.f32 v11, v35  }
0x388: {  	[tilespmem:s16+$0x60] =	vst v9;
	v9 =	vmul.f32 v11, v29  }
0x389: {  	v63 =	vmul.f32 v11, v45;
	[tilespmem:s16+$0xFFFFFF80] =	vst v10  }
0x38a: {  	v10 =	vmul.f32 v11, v36;
	[tilespmem:s16+$0xFFFFFF90] =	vst v9  }
0x38b: {  	v9 =	vmul.f32 v11, v38;
	[tilespmem:s16+$0xFFFFFFC0] =	vst v63  }
0x38c: {  	[tilespmem:s16+$0xFFFFFFA0] =	vst v10;
	v10 =	vmul.f32 v11, v47  }
0x38d: {  	s29 =	sadd.s32 $0x1, s29;
	[tilespmem:s16+$0xFFFFFFB0] =	vst v9;
	v9 =	vmul.f32 v11, v46  }
0x38e: {  	p1 =	sne.s32 s29, s30;
	v11 =	vmul.f32 v11, v48;
	[tilespmem:s16+$0xFFFFFFD0] =	vst v10  }
.Ltmp2:
0x38f: {  	[tilespmem:s16+$0xFFFFFFE0] =	vst v9;
	(pc) =	sbr.rel @p1 .LBB2_2-.Ltmp2, $4  }
0x390: {  	[tilespmem:s16+$0xFFFFFFF0] =	vst v11  }
0x391: {  	[spmem:s2] =	stream.indirect.scatter.add.f32 [tilespmem:s23], [sflag:$0x7], $0x80, s22, s10, $0xb8;
	[tilespmem:$0x1FE00] =	vst v63  }
0x392: {  	_ = 	snop  }
0x393: {  	[spmem:s3] =	stream.indirect.scatter.add.f32 [tilespmem:s23], [sflag:$0x8], $0x80, s24, s10, $0xb8;
	[tilespmem:$0x1FE00] =	vst v63  }
0x394: {  	s1 =	simm.s32 $0x5  }
0x395: {  	_ =	swait.ge [sflag:s1], $0x2000  }
0x396: {  	[sflag:s1] =	ssyncset.done $0x0  }
0x397: {  	s12 =	simm.s32 $0x6;
	[sflag:s1] =	ssyncadd.s32 $0xFFFFE000  }
0x398: {  	_ =	swait.ge [sflag:s12], $0x2000  }
0x399: {  	[sflag:s12] =	ssyncset.done $0x0  }
0x39a: {  	s16 =	simm.s32 $0x7;
	[sflag:s12] =	ssyncadd.s32 $0xFFFFE000  }
0x39b: {  	_ =	swait.ge [sflag:s16], $0x2000  }
0x39c: {  	[sflag:s16] =	ssyncset.done $0x0  }
0x39d: {  	s20 =	simm.s32 $0x8;
	[sflag:s16] =	ssyncadd.s32 $0xFFFFE000  }
0x39e: {  	_ =	swait.ge [sflag:s20], $0x2000  }
0x39f: {  	[sflag:s20] =	ssyncset.done $0x0  }
0x3a0: {  	[sflag:s20] =	ssyncadd.s32 $0xFFFFE000  }
0x3a1: {  	[bflag:$0x0] =	sbarrier.arrive $0xFFFF  }
0x3a2: {  	s25 =	rddreg [dreg:$0xd]  }
0x3a3: {  	s4 =	rddreg [dreg:$0x18]  }
0x3a4: {  	[hbm:s25], [sflag:s13] =	dma.local [spmem:s4], $0x1380  }
0x3a5: {  	_ =	swait.ge [sflag:s0], $0x1380  }
0x3a6: {  	[sflag:s0] =	ssyncset.done $0x0;
	s26 =	rddreg [dreg:$0x16]  }
0x3a7: {  	s28 =	rddreg [dreg:$0x19];
	[sflag:s0] =	ssyncadd.s32 $0xFFFFEC80  }
0x3a8: {  	[hbm:s26], [sflag:s13] =	dma.local [spmem:s28], $0x1380  }
0x3a9: {  	_ =	swait.ge [sflag:s0], $0x1380  }
0x3aa: {  	[sflag:s0] =	ssyncset.done $0x0;
	s1 =	rddreg [dreg:$0x11]  }
0x3ab: {  	s4 =	rddreg [dreg:$0x1a];
	[sflag:s0] =	ssyncadd.s32 $0xFFFFEC80  }
0x3ac: {  	[hbm:s1], [sflag:s13] =	dma.local @!p0 [spmem:s4], $0x80  }
0x3ad: {  	s1 =	simm.s32 @!p0 $0x9  }
0x3ae: {  	_ =	swait.ge @!p0 [sflag:s1], $0x80  }
0x3af: {  	[sflag:s1] =	ssyncset.done @!p0 $0x0;
	s4 =	rddreg [dreg:$0x12]  }
0x3b0: {  	s12 =	rddreg [dreg:$0x1b];
	[sflag:s1] =	ssyncadd.s32 @!p0 $0xFFFFFF80  }
0x3b1: {  	[hbm:s4], [sflag:s13] =	dma.local @!p0 [spmem:s12], $0x80  }
0x3b2: {  	_ =	swait.ge @!p0 [sflag:s1], $0x80  }
0x3b3: {  	s29 =	rddreg [dreg:$0x17]  }
0x3b4: {  	s31 =	rddreg [dreg:$0x13];
	s12 =	sadd.s32 $0x1, s29  }
0x3b5: {  	p1 =	sne.s32 s12, s31  }
.Ltmp3:
0x3b6: {  	_ = 	snop;
	(pc) =	sbr.rel @p1 .LBB2_1-.Ltmp3, $3  }
0x3b7: {  	_ =	sdelay $0x1  }
0x3b8: {  	[sflag:s1] =	ssyncset.done @!p0 $0x0  }
0x3b9: {  	[sflag:s1] =	ssyncadd.s32 @!p0 $0xFFFFFF80  }
0x3ba: {  	_ =	sfence.sel $0x180000  }
0x3bb: {  	[bflag:$0x0] =	sbarrier.arrive $0xFFFF  }
0x3bc: {  	_ =	strace $0x90000047  }
0x3bd: {  	[bflag:$0x2] =	sbarrier.arrive $0xFFFF  }
0x3be: {  	s0 =	rddreg [dreg:$0x5]  }
0x3bf: {  	s0 =	sadd.s32 @!p0 $0x100000, s0  }
0x3c0: {  	[sflag:s0] =	ssyncadd.tile.s32 @!p0 $0x1;
	_ =	shalt  }
.Lfunc_end2:
_tile_overlayer_lowered:
.L_overlay_start_2:
0x3c1: {  	(tag) =	ssettag $0x2  }
0x3c2: {  	s0 =	rddreg [dreg:$0x0];
	s2 =	stileid.u32  }
0x3c3: {  	s1 =	rddreg [dreg:$0x1];
	p0 =	sne.s32 s2, $0x0  }
0x3c4: {  	s3 =	rddreg [dreg:$0x2];
	[bflag:$0x3] =	sbarrier.arrive $0xFFFF;
	s2 =	simm.s32 @!p0 $0x1C09  }
0x3c5: {  	[timem:s3], [sflag:s2] =	dma.local @!p0 [hbm:s0], s1  }
0x3c6: {  	s0 =	simm.s32 @!p0 $0x9  }
0x3c7: {  	_ =	swait.ge @!p0 [sflag:s0], s1  }
0x3c8: {  	s1 =	ssub.s32 @!p0 $0x0, s1;
	[sflag:s0] =	ssyncset.done @!p0 $0x0  }
0x3c9: {  	[sflag:s0] =	ssyncadd.s32 @!p0 s1  }
0x3ca: {  	[bflag:$0x3] =	sbarrier.arrive $0xFFFF  }
0x3cb: {  	_ =	shalt  }

</sc_bundles>
